<compile_context>
chip_gen: v7x
topology: tpu7x:2x2x1
jax: 0.10.2.dev20260603
libtpu: 0.0.44.dev20260713+nightly
codegen_flags: <defaults>
</compile_context>

<pallas_src>
import functools

import jax
import jax.numpy as jnp
from jax import lax
from jax.experimental import pallas as pl
from jax.experimental.pallas import tpu as pltpu
from jax.experimental.pallas import tpu_sc as plsc

_NC = 2
_NS = 16
_NW = _NC * _NS
_LANES = 16

_B = 32


def _matmul_tables(features, w3, b_row, k, c_in, c_out, interpret):
    n = features.shape[0]
    rows = 512
    grid = (n + rows - 1) // rows
    half = c_out // 2

    def body(x_ref, w_ref, b_ref, y_ref):
        x = x_ref[...]
        for j in range(k):
            y = jnp.dot(x, w_ref[j], preferred_element_type=jnp.float32)
            if j == 0:
                y = y + b_ref[...]
            lo = lax.bitcast_convert_type(y[:, :half].astype(jnp.bfloat16), jnp.uint16)
            hi = lax.bitcast_convert_type(y[:, half:].astype(jnp.bfloat16), jnp.uint16)
            packed = lo.astype(jnp.uint32) | (hi.astype(jnp.uint32) << 16)
            y_ref[j] = lax.bitcast_convert_type(packed, jnp.int32)

    return pl.pallas_call(
        body,
        grid=(grid,),
        in_specs=[
            pl.BlockSpec((rows, c_in), lambda i: (i, 0)),
            pl.BlockSpec((k, c_in, c_out), lambda i: (0, 0, 0)),
            pl.BlockSpec((1, c_out), lambda i: (0, 0)),
        ],
        out_specs=pl.BlockSpec((k, rows, half), lambda i: (0, i, 0)),
        out_shape=jax.ShapeDtypeStruct((k, n, half), jnp.int32),
        interpret=interpret,
    )(features, w3, b_row)


def _sc_gather_sum(y_flat, gidx, k, c_out, n_pad, interpret):
    half = c_out // 2
    total_chunks = n_pad // _B
    pair_chunks = total_chunks // _NS
    c0_chunks = 2 * max(1, min(pair_chunks // 2 - 1, round(pair_chunks * 0.45)))
    c1_chunks = pair_chunks - c0_chunks
    assert c0_chunks % 2 == 0 and c1_chunks % 2 == 0 and c1_chunks >= 2
    mesh = plsc.VectorSubcoreMesh(
        core_axis_name="c", subcore_axis_name="s", num_cores=_NC, num_subcores=_NS
    )

    @functools.partial(
        pl.kernel,
        out_type=jax.ShapeDtypeStruct((n_pad, c_out), jnp.float32),
        mesh=mesh,
        scratch_types=[
            pltpu.VMEM((2 * k * _B,), jnp.int32),
            pltpu.VMEM((2, k, _B, half), jnp.int32),
            pltpu.VMEM((2, _B, c_out), jnp.float32),
            pltpu.SemaphoreType.DMA((2,)),
            pltpu.SemaphoreType.DMA((2,)),
            pltpu.SemaphoreType.DMA((2,)),
        ],
        compiler_params=pltpu.CompilerParams(use_tc_tiling_on_sc=False),
        interpret=interpret,
    )
    def sc_kernel(y_hbm, gidx_hbm, out_hbm, idx_v, gbuf_v, obuf_v, isem, gsem, osem):
        cid = lax.axis_index("c")
        sid = lax.axis_index("s")
        cstart = jnp.where(
            cid == 0,
            sid * c0_chunks,
            _NS * c0_chunks + sid * c1_chunks,
        )
        chunks = jnp.where(cid == 0, c0_chunks, c1_chunks)
        base = cstart * _B

        def idx_copy(ci, s):
            return pltpu.make_async_copy(
                gidx_hbm.at[pl.ds((cstart + ci) * (k * _B), k * _B)],
                idx_v.at[pl.ds(s * k * _B, k * _B)],
                isem.at[s],
            )

        def gather_copy(s, j):
            return pltpu.make_async_copy(
                y_hbm.at[idx_v.at[pl.ds(s * k * _B + j * _B, _B)]],
                gbuf_v.at[s, j],
                gsem.at[s],
            )

        def fire_gathers(s):
            for j in range(k):
                gather_copy(s, j).start()

        def wait_gathers(s):
            for j in range(k):
                gather_copy(s, j).wait()

        def out_copy(ci, s):
            return pltpu.make_async_copy(
                obuf_v.at[s],
                out_hbm.at[pl.ds((base + ci * _B), _B)],
                osem.at[s],
            )

        himask = jnp.int32(-65536)

        def reduce_chunk(s):
            def row_body(r, carry2):
                for g in range(half // _LANES):
                    sl = pl.ds(g * _LANES, _LANES)
                    w = gbuf_v[s, 0, r, sl]
                    acc_lo = lax.bitcast_convert_type(w << 16, jnp.float32)
                    acc_hi = lax.bitcast_convert_type(w & himask, jnp.float32)
                    for j in range(1, k):
                        w = gbuf_v[s, j, r, sl]
                        acc_lo = acc_lo + lax.bitcast_convert_type(w << 16, jnp.float32)
                        acc_hi = acc_hi + lax.bitcast_convert_type(w & himask, jnp.float32)
                    obuf_v[s, r, pl.ds(g * _LANES, _LANES)] = acc_lo
                    obuf_v[s, r, pl.ds(half + g * _LANES, _LANES)] = acc_hi
                return carry2

            lax.fori_loop(0, _B, row_body, 0)

        idx_copy(0, 0).start()
        idx_copy(0, 0).wait()
        fire_gathers(0)
        idx_copy(1, 1).start()

        def pair_body(it, carry):
            a = it * 2
            bch = a + 1
            not_first = it > 0
            not_last = it < (chunks // 2 - 1)

            @pl.when(not_first)
            def _():
                out_copy(0, 0).wait()

            wait_gathers(0)

            @pl.when(not_last)
            def _():
                idx_copy(a + 2, 0).start()

            idx_copy(bch, 1).wait()
            fire_gathers(1)
            reduce_chunk(0)
            out_copy(a, 0).start()

            @pl.when(not_first)
            def _():
                out_copy(0, 1).wait()

            wait_gathers(1)

            @pl.when(not_last)
            def _():
                idx_copy(bch + 2, 1).start()
                idx_copy(a + 2, 0).wait()
                fire_gathers(0)

            reduce_chunk(1)
            out_copy(bch, 1).start()
            return carry

        lax.fori_loop(0, chunks // 2, pair_body, 0)
        out_copy(0, 0).wait()
        out_copy(0, 1).wait()

    return sc_kernel(y_flat, gidx)


def kernel(features, neigh_idx, W, b):
    n, c_in = features.shape
    k = neigh_idx.shape[1]
    c_out = W.shape[0]

    unit = _NW * _B * 2
    n_pad = ((n + unit - 1) // unit) * unit

    w3 = W.reshape(c_out, k, c_in).transpose(1, 2, 0)
    b_row = b.reshape(1, c_out)
    gidx = neigh_idx.T.astype(jnp.int32) + (jnp.arange(k, dtype=jnp.int32) * n)[:, None]
    gidx = jnp.pad(gidx, ((0, 0), (0, n_pad - n)))
    gidx = gidx.reshape(k, n_pad // _B, _B).transpose(1, 0, 2).reshape(-1)

    y3 = _matmul_tables(features, w3, b_row, k, c_in, c_out, False)
    y_flat = y3.reshape(k * n, c_out // 2)
    out = _sc_gather_sum(y_flat, gidx, k, c_out, n_pad, False)
    return out[:n]

# --- scband reference (transcript-rebuilt; emitter-appended) ---
"""Pipeline reference for scband-tree-decoder-teacher-forced-16458314678345 (READ-ONLY COPY).

The authoritative reference and input builder live on the scoring server;
editing this copy changes nothing except your own understanding.
"""

import jax, jax.numpy as jnp
import numpy as np

N = 50000
C_IN = 128
C_OUT = 128
K = 9  # 3x3 quadtree neighborhood stencil


def setup_inputs(seed: int = 0) -> dict:
    key = jax.random.key(seed)
    k1, k2, k3 = jax.random.split(key, 3)
    features = jax.random.normal(k1, (N, C_IN), dtype=jnp.float32)
    # neighbor index table for one quadtree depth; -1 would mean 'missing neighbor'
    # (harness fills with valid indices in [0, N); reference still handles -1 safely)
    neigh_idx = jax.random.randint(k2, (N, K), 0, N, dtype=jnp.int32)
    # learned params of QuadConv: Linear(9*C_IN -> C_OUT)
    W = jax.random.normal(k3, (C_OUT, K * C_IN), dtype=jnp.float32) * 0.02
    b = jnp.zeros((C_OUT,), dtype=jnp.float32)
    return {"features": features, "neigh_idx": neigh_idx, "W": W, "b": b}


def reference(features, neigh_idx, W, b):
    # Faithful jax translation of QuadConv.forward (the message-passing core of
    # TreeDecoderTeacherForced): pad-row gather of K neighbors + linear mix.
    n = features.shape[0]
    pad_vec = jnp.zeros((1, features.shape[1]), dtype=features.dtype)
    feat_padded = jnp.concatenate([features, pad_vec], axis=0)
    gather_idx = jnp.where(neigh_idx < 0, n, neigh_idx)  # -1 -> padding row
    col = jnp.take(feat_padded, gather_idx, axis=0)       # [N, K, C_IN] gather
    col_flat = col.reshape(n, -1)                          # [N, K*C_IN]
    out = col_flat @ W.T + b                               # Linear(9*C_IN, C_OUT)
    return out

if __name__ == "__main__":
    import jax
    _d = setup_inputs()
    print(jax.jit(kernel)(*tuple(_d.values())))

</pallas_src>

<mosaic_0001>
#map = affine_map<(d0, d1) -> (0, 0)>
#map1 = affine_map<(d0, d1) -> (0)>
module attributes {stable_mosaic.version = 14 : i64} {
  func.func @sc_kernel(%arg0: i32, %arg1: i32, %arg2: memref<450000x64xi32, #tpu.memory_space<hbm>>, %arg3: memref<460800xi32, #tpu.memory_space<hbm>>, %arg4: memref<51200x128xf32, #tpu.memory_space<hbm>>, %arg5: memref<576xi32, #tpu.memory_space<vmem>>, %arg6: memref<2x9x32x64xi32, #tpu.memory_space<vmem>>, %arg7: memref<2x32x128xf32, #tpu.memory_space<vmem>>, %arg8: memref<2x!tpu.dma_semaphore, #tpu.memory_space<semaphore_mem>>, %arg9: memref<2x!tpu.dma_semaphore, #tpu.memory_space<semaphore_mem>>, %arg10: memref<2x!tpu.dma_semaphore, #tpu.memory_space<semaphore_mem>>) attributes {dimension_semantics = [#tpu.dimension_semantics<core_parallel>, #tpu.dimension_semantics<subcore_parallel>], iteration_bounds = array<i64: 2, 16>, scalar_prefetch = 0 : i64, scratch_operands = 6 : i64, tpu.core_type = #tpu.core_type<sc_vector_subcore>, window_params = [{transform_indices = #map}, {transform_indices = #map1}, {transform_indices = #map}]} {
    %eq3A = arith.constant 0 : i32
    %eq3A_0 = arith.cmpi eq, %arg0, %eq3A : i32
    %mul3A = arith.constant 90 : i32
    %mul3A_1 = arith.muli %arg1, %mul3A : i32
    %mul3A_2 = arith.constant 10 : i32
    %mul3A_3 = arith.muli %arg1, %mul3A_2 : i32
    %add3A = arith.constant 1440 : i32
    %add3A_4 = arith.addi %add3A, %mul3A_3 : i32
    %select_n3A = arith.select %eq3A_0, %mul3A_1, %add3A_4 : i32
    %eq3A_5 = arith.constant 0 : i32
    %eq3A_6 = arith.cmpi eq, %arg0, %eq3A_5 : i32
    %jit3A = arith.constant 90 : i32
    %jit3A_7 = arith.constant 10 : i32
    %select_n3A_8 = arith.select %eq3A_6, %jit3A, %jit3A_7 : i32
    %mul3A_9 = arith.constant 32 : i32
    %mul3A_10 = arith.muli %select_n3A, %mul3A_9 : i32
    %add3A_11 = arith.constant 0 : i32
    %add3A_12 = arith.addi %select_n3A, %add3A_11 : i32
    %mul3A_13 = arith.constant 288 : i32
    %mul3A_14 = arith.muli %add3A_12, %mul3A_13 : i32
    %dma_start3A = arith.constant 0 : i32
    %dma_start3A_15 = arith.constant 0 : i32
    %dma_start3A_16 = tpu.memref_slice %arg5[%dma_start3A_15] : memref<576xi32, #tpu.memory_space<vmem>> -> memref<288xi32, #tpu.memory_space<vmem>>
    %dma_start3A_17 = tpu.memref_slice %arg3[%mul3A_14] : memref<460800xi32, #tpu.memory_space<hbm>> -> memref<288xi32, #tpu.memory_space<hbm>>
    %dma_start3A_18 = tpu.memref_slice %arg8[%dma_start3A] : memref<2x!tpu.dma_semaphore, #tpu.memory_space<semaphore_mem>> -> memref<1x!tpu.dma_semaphore, #tpu.memory_space<semaphore_mem>>
    %dma_start3A_19 = tpu.memref_squeeze %dma_start3A_18 : memref<1x!tpu.dma_semaphore, #tpu.memory_space<semaphore_mem>> -> memref<!tpu.dma_semaphore, #tpu.memory_space<semaphore_mem>>
    %dma_start3A_20 = arith.constant 0 : i32
    %dma_start3A_21 = tpu.memref_slice %arg5[%dma_start3A_20] : memref<576xi32, #tpu.memory_space<vmem>> -> memref<288xi32, #tpu.memory_space<vmem>>
    %dma_start3A_22 = tpu.memref_slice %arg3[%mul3A_14] : memref<460800xi32, #tpu.memory_space<hbm>> -> memref<288xi32, #tpu.memory_space<hbm>>
    tpu.enqueue_dma source(%dma_start3A_22 : memref<288xi32, #tpu.memory_space<hbm>>) target(%dma_start3A_21 : memref<288xi32, #tpu.memory_space<vmem>>) target_semaphore(%dma_start3A_19 : memref<!tpu.dma_semaphore, #tpu.memory_space<semaphore_mem>>)
    %add3A_23 = arith.constant 0 : i32
    %add3A_24 = arith.addi %select_n3A, %add3A_23 : i32
    %mul3A_25 = arith.constant 288 : i32
    %mul3A_26 = arith.muli %add3A_24, %mul3A_25 : i32
    %dma_wait3A = arith.constant 0 : i32
    %dma_wait3A_27 = arith.constant 0 : i32
    %dma_wait3A_28 = tpu.memref_slice %arg5[%dma_wait3A_27] : memref<576xi32, #tpu.memory_space<vmem>> -> memref<288xi32, #tpu.memory_space<vmem>>
    %dma_wait3A_29 = tpu.memref_slice %arg3[%mul3A_26] : memref<460800xi32, #tpu.memory_space<hbm>> -> memref<288xi32, #tpu.memory_space<hbm>>
    %dma_wait3A_30 = tpu.memref_slice %arg8[%dma_wait3A] : memref<2x!tpu.dma_semaphore, #tpu.memory_space<semaphore_mem>> -> memref<1x!tpu.dma_semaphore, #tpu.memory_space<semaphore_mem>>
    %dma_wait3A_31 = tpu.memref_squeeze %dma_wait3A_30 : memref<1x!tpu.dma_semaphore, #tpu.memory_space<semaphore_mem>> -> memref<!tpu.dma_semaphore, #tpu.memory_space<semaphore_mem>>
    %dma_wait3A_32 = arith.constant 0 : i32
    %dma_wait3A_33 = tpu.memref_slice %arg5[%dma_wait3A_32] : memref<576xi32, #tpu.memory_space<vmem>> -> memref<288xi32, #tpu.memory_space<vmem>>
    %dma_wait3A_34 = tpu.memref_slice %arg3[%mul3A_26] : memref<460800xi32, #tpu.memory_space<hbm>> -> memref<288xi32, #tpu.memory_space<hbm>>
    tpu.wait_dma2 semaphore(%dma_wait3A_31 : memref<!tpu.dma_semaphore, #tpu.memory_space<semaphore_mem>>) src(%dma_wait3A_34 : memref<288xi32, #tpu.memory_space<hbm>>) dst(%dma_wait3A_33 : memref<288xi32, #tpu.memory_space<vmem>>)
    %dma_start3A_35 = arith.constant 0 : i32
    %dma_start3A_36 = arith.constant 0 : i32
    %dma_start3A_37 = arith.constant 0 : i32
    %dma_start3A_38 = arith.constant 0 : i32
    %dma_start3A_39 = arith.constant 0 : i32
    %dma_start3A_40 = tpu.memref_slice %arg6[%dma_start3A_35, %dma_start3A_36, %dma_start3A_38, %dma_start3A_39] : memref<2x9x32x64xi32, #tpu.memory_space<vmem>> -> memref<1x1x32x64xi32, #tpu.memory_space<vmem>>
    %dma_start3A_41 = tpu.memref_squeeze %dma_start3A_40 : memref<1x1x32x64xi32, #tpu.memory_space<vmem>> -> memref<32x64xi32, #tpu.memory_space<vmem>>
    %dma_start3A_42 = arith.constant 0 : i32
    %dma_start3A_43 = tpu.memref_slice %arg5[%dma_start3A_42] : memref<576xi32, #tpu.memory_space<vmem>> -> memref<32xi32, #tpu.memory_space<vmem>>
    %dma_start3A_44 = arith.constant 0 : i32
    %dma_start3A_45 = arith.constant 0 : i32
    %dma_start3A_46 = tpu.memref_slice %arg2[%dma_start3A_44, %dma_start3A_45] : memref<450000x64xi32, #tpu.memory_space<hbm>> -> memref<450000x64xi32, #tpu.memory_space<hbm>>
    %dma_start3A_47 = tpu.memref_slice %arg9[%dma_start3A_37] : memref<2x!tpu.dma_semaphore, #tpu.memory_space<semaphore_mem>> -> memref<1x!tpu.dma_semaphore, #tpu.memory_space<semaphore_mem>>
    %dma_start3A_48 = tpu.memref_squeeze %dma_start3A_47 : memref<1x!tpu.dma_semaphore, #tpu.memory_space<semaphore_mem>> -> memref<!tpu.dma_semaphore, #tpu.memory_space<semaphore_mem>>
    tpu.enqueue_indirect_dma source(%dma_start3A_46 : memref<450000x64xi32, #tpu.memory_space<hbm>>) target(%dma_start3A_41 : memref<32x64xi32, #tpu.memory_space<vmem>>) offsets(%dma_start3A_43 : memref<32xi32, #tpu.memory_space<vmem>>) semaphore(%dma_start3A_48 : memref<!tpu.dma_semaphore, #tpu.memory_space<semaphore_mem>>)
    %dma_start3A_49 = arith.constant 0 : i32
    %dma_start3A_50 = arith.constant 1 : i32
    %dma_start3A_51 = arith.constant 0 : i32
    %dma_start3A_52 = arith.constant 0 : i32
    %dma_start3A_53 = arith.constant 0 : i32
    %dma_start3A_54 = tpu.memref_slice %arg6[%dma_start3A_49, %dma_start3A_50, %dma_start3A_52, %dma_start3A_53] : memref<2x9x32x64xi32, #tpu.memory_space<vmem>> -> memref<1x1x32x64xi32, #tpu.memory_space<vmem>>
    %dma_start3A_55 = tpu.memref_squeeze %dma_start3A_54 : memref<1x1x32x64xi32, #tpu.memory_space<vmem>> -> memref<32x64xi32, #tpu.memory_space<vmem>>
    %dma_start3A_56 = arith.constant 32 : i32
    %dma_start3A_57 = tpu.memref_slice %arg5[%dma_start3A_56] : memref<576xi32, #tpu.memory_space<vmem>> -> memref<32xi32, #tpu.memory_space<vmem>>
    %dma_start3A_58 = arith.constant 0 : i32
    %dma_start3A_59 = arith.constant 0 : i32
    %dma_start3A_60 = tpu.memref_slice %arg2[%dma_start3A_58, %dma_start3A_59] : memref<450000x64xi32, #tpu.memory_space<hbm>> -> memref<450000x64xi32, #tpu.memory_space<hbm>>
    %dma_start3A_61 = tpu.memref_slice %arg9[%dma_start3A_51] : memref<2x!tpu.dma_semaphore, #tpu.memory_space<semaphore_mem>> -> memref<1x!tpu.dma_semaphore, #tpu.memory_space<semaphore_mem>>
    %dma_start3A_62 = tpu.memref_squeeze %dma_start3A_61 : memref<1x!tpu.dma_semaphore, #tpu.memory_space<semaphore_mem>> -> memref<!tpu.dma_semaphore, #tpu.memory_space<semaphore_mem>>
    tpu.enqueue_indirect_dma source(%dma_start3A_60 : memref<450000x64xi32, #tpu.memory_space<hbm>>) target(%dma_start3A_55 : memref<32x64xi32, #tpu.memory_space<vmem>>) offsets(%dma_start3A_57 : memref<32xi32, #tpu.memory_space<vmem>>) semaphore(%dma_start3A_62 : memref<!tpu.dma_semaphore, #tpu.memory_space<semaphore_mem>>)
    %dma_start3A_63 = arith.constant 0 : i32
    %dma_start3A_64 = arith.constant 2 : i32
    %dma_start3A_65 = arith.constant 0 : i32
    %dma_start3A_66 = arith.constant 0 : i32
    %dma_start3A_67 = arith.constant 0 : i32
    %dma_start3A_68 = tpu.memref_slice %arg6[%dma_start3A_63, %dma_start3A_64, %dma_start3A_66, %dma_start3A_67] : memref<2x9x32x64xi32, #tpu.memory_space<vmem>> -> memref<1x1x32x64xi32, #tpu.memory_space<vmem>>
    %dma_start3A_69 = tpu.memref_squeeze %dma_start3A_68 : memref<1x1x32x64xi32, #tpu.memory_space<vmem>> -> memref<32x64xi32, #tpu.memory_space<vmem>>
    %dma_start3A_70 = arith.constant 64 : i32
    %dma_start3A_71 = tpu.memref_slice %arg5[%dma_start3A_70] : memref<576xi32, #tpu.memory_space<vmem>> -> memref<32xi32, #tpu.memory_space<vmem>>
    %dma_start3A_72 = arith.constant 0 : i32
    %dma_start3A_73 = arith.constant 0 : i32
    %dma_start3A_74 = tpu.memref_slice %arg2[%dma_start3A_72, %dma_start3A_73] : memref<450000x64xi32, #tpu.memory_space<hbm>> -> memref<450000x64xi32, #tpu.memory_space<hbm>>
    %dma_start3A_75 = tpu.memref_slice %arg9[%dma_start3A_65] : memref<2x!tpu.dma_semaphore, #tpu.memory_space<semaphore_mem>> -> memref<1x!tpu.dma_semaphore, #tpu.memory_space<semaphore_mem>>
    %dma_start3A_76 = tpu.memref_squeeze %dma_start3A_75 : memref<1x!tpu.dma_semaphore, #tpu.memory_space<semaphore_mem>> -> memref<!tpu.dma_semaphore, #tpu.memory_space<semaphore_mem>>
    tpu.enqueue_indirect_dma source(%dma_start3A_74 : memref<450000x64xi32, #tpu.memory_space<hbm>>) target(%dma_start3A_69 : memref<32x64xi32, #tpu.memory_space<vmem>>) offsets(%dma_start3A_71 : memref<32xi32, #tpu.memory_space<vmem>>) semaphore(%dma_start3A_76 : memref<!tpu.dma_semaphore, #tpu.memory_space<semaphore_mem>>)
    %dma_start3A_77 = arith.constant 0 : i32
    %dma_start3A_78 = arith.constant 3 : i32
    %dma_start3A_79 = arith.constant 0 : i32
    %dma_start3A_80 = arith.constant 0 : i32
    %dma_start3A_81 = arith.constant 0 : i32
    %dma_start3A_82 = tpu.memref_slice %arg6[%dma_start3A_77, %dma_start3A_78, %dma_start3A_80, %dma_start3A_81] : memref<2x9x32x64xi32, #tpu.memory_space<vmem>> -> memref<1x1x32x64xi32, #tpu.memory_space<vmem>>
    %dma_start3A_83 = tpu.memref_squeeze %dma_start3A_82 : memref<1x1x32x64xi32, #tpu.memory_space<vmem>> -> memref<32x64xi32, #tpu.memory_space<vmem>>
    %dma_start3A_84 = arith.constant 96 : i32
    %dma_start3A_85 = tpu.memref_slice %arg5[%dma_start3A_84] : memref<576xi32, #tpu.memory_space<vmem>> -> memref<32xi32, #tpu.memory_space<vmem>>
    %dma_start3A_86 = arith.constant 0 : i32
    %dma_start3A_87 = arith.constant 0 : i32
    %dma_start3A_88 = tpu.memref_slice %arg2[%dma_start3A_86, %dma_start3A_87] : memref<450000x64xi32, #tpu.memory_space<hbm>> -> memref<450000x64xi32, #tpu.memory_space<hbm>>
    %dma_start3A_89 = tpu.memref_slice %arg9[%dma_start3A_79] : memref<2x!tpu.dma_semaphore, #tpu.memory_space<semaphore_mem>> -> memref<1x!tpu.dma_semaphore, #tpu.memory_space<semaphore_mem>>
    %dma_start3A_90 = tpu.memref_squeeze %dma_start3A_89 : memref<1x!tpu.dma_semaphore, #tpu.memory_space<semaphore_mem>> -> memref<!tpu.dma_semaphore, #tpu.memory_space<semaphore_mem>>
    tpu.enqueue_indirect_dma source(%dma_start3A_88 : memref<450000x64xi32, #tpu.memory_space<hbm>>) target(%dma_start3A_83 : memref<32x64xi32, #tpu.memory_space<vmem>>) offsets(%dma_start3A_85 : memref<32xi32, #tpu.memory_space<vmem>>) semaphore(%dma_start3A_90 : memref<!tpu.dma_semaphore, #tpu.memory_space<semaphore_mem>>)
    %dma_start3A_91 = arith.constant 0 : i32
    %dma_start3A_92 = arith.constant 4 : i32
    %dma_start3A_93 = arith.constant 0 : i32
    %dma_start3A_94 = arith.constant 0 : i32
    %dma_start3A_95 = arith.constant 0 : i32
    %dma_start3A_96 = tpu.memref_slice %arg6[%dma_start3A_91, %dma_start3A_92, %dma_start3A_94, %dma_start3A_95] : memref<2x9x32x64xi32, #tpu.memory_space<vmem>> -> memref<1x1x32x64xi32, #tpu.memory_space<vmem>>
    %dma_start3A_97 = tpu.memref_squeeze %dma_start3A_96 : memref<1x1x32x64xi32, #tpu.memory_space<vmem>> -> memref<32x64xi32, #tpu.memory_space<vmem>>
    %dma_start3A_98 = arith.constant 128 : i32
    %dma_start3A_99 = tpu.memref_slice %arg5[%dma_start3A_98] : memref<576xi32, #tpu.memory_space<vmem>> -> memref<32xi32, #tpu.memory_space<vmem>>
    %dma_start3A_100 = arith.constant 0 : i32
    %dma_start3A_101 = arith.constant 0 : i32
    %dma_start3A_102 = tpu.memref_slice %arg2[%dma_start3A_100, %dma_start3A_101] : memref<450000x64xi32, #tpu.memory_space<hbm>> -> memref<450000x64xi32, #tpu.memory_space<hbm>>
    %dma_start3A_103 = tpu.memref_slice %arg9[%dma_start3A_93] : memref<2x!tpu.dma_semaphore, #tpu.memory_space<semaphore_mem>> -> memref<1x!tpu.dma_semaphore, #tpu.memory_space<semaphore_mem>>
    %dma_start3A_104 = tpu.memref_squeeze %dma_start3A_103 : memref<1x!tpu.dma_semaphore, #tpu.memory_space<semaphore_mem>> -> memref<!tpu.dma_semaphore, #tpu.memory_space<semaphore_mem>>
    tpu.enqueue_indirect_dma source(%dma_start3A_102 : memref<450000x64xi32, #tpu.memory_space<hbm>>) target(%dma_start3A_97 : memref<32x64xi32, #tpu.memory_space<vmem>>) offsets(%dma_start3A_99 : memref<32xi32, #tpu.memory_space<vmem>>) semaphore(%dma_start3A_104 : memref<!tpu.dma_semaphore, #tpu.memory_space<semaphore_mem>>)
    %dma_start3A_105 = arith.constant 0 : i32
    %dma_start3A_106 = arith.constant 5 : i32
    %dma_start3A_107 = arith.constant 0 : i32
    %dma_start3A_108 = arith.constant 0 : i32
    %dma_start3A_109 = arith.constant 0 : i32
    %dma_start3A_110 = tpu.memref_slice %arg6[%dma_start3A_105, %dma_start3A_106, %dma_start3A_108, %dma_start3A_109] : memref<2x9x32x64xi32, #tpu.memory_space<vmem>> -> memref<1x1x32x64xi32, #tpu.memory_space<vmem>>
    %dma_start3A_111 = tpu.memref_squeeze %dma_start3A_110 : memref<1x1x32x64xi32, #tpu.memory_space<vmem>> -> memref<32x64xi32, #tpu.memory_space<vmem>>
    %dma_start3A_112 = arith.constant 160 : i32
    %dma_start3A_113 = tpu.memref_slice %arg5[%dma_start3A_112] : memref<576xi32, #tpu.memory_space<vmem>> -> memref<32xi32, #tpu.memory_space<vmem>>
    %dma_start3A_114 = arith.constant 0 : i32
    %dma_start3A_115 = arith.constant 0 : i32
    %dma_start3A_116 = tpu.memref_slice %arg2[%dma_start3A_114, %dma_start3A_115] : memref<450000x64xi32, #tpu.memory_space<hbm>> -> memref<450000x64xi32, #tpu.memory_space<hbm>>
    %dma_start3A_117 = tpu.memref_slice %arg9[%dma_start3A_107] : memref<2x!tpu.dma_semaphore, #tpu.memory_space<semaphore_mem>> -> memref<1x!tpu.dma_semaphore, #tpu.memory_space<semaphore_mem>>
    %dma_start3A_118 = tpu.memref_squeeze %dma_start3A_117 : memref<1x!tpu.dma_semaphore, #tpu.memory_space<semaphore_mem>> -> memref<!tpu.dma_semaphore, #tpu.memory_space<semaphore_mem>>
    tpu.enqueue_indirect_dma source(%dma_start3A_116 : memref<450000x64xi32, #tpu.memory_space<hbm>>) target(%dma_start3A_111 : memref<32x64xi32, #tpu.memory_space<vmem>>) offsets(%dma_start3A_113 : memref<32xi32, #tpu.memory_space<vmem>>) semaphore(%dma_start3A_118 : memref<!tpu.dma_semaphore, #tpu.memory_space<semaphore_mem>>)
    %dma_start3A_119 = arith.constant 0 : i32
    %dma_start3A_120 = arith.constant 6 : i32
    %dma_start3A_121 = arith.constant 0 : i32
    %dma_start3A_122 = arith.constant 0 : i32
    %dma_start3A_123 = arith.constant 0 : i32
    %dma_start3A_124 = tpu.memref_slice %arg6[%dma_start3A_119, %dma_start3A_120, %dma_start3A_122, %dma_start3A_123] : memref<2x9x32x64xi32, #tpu.memory_space<vmem>> -> memref<1x1x32x64xi32, #tpu.memory_space<vmem>>
    %dma_start3A_125 = tpu.memref_squeeze %dma_start3A_124 : memref<1x1x32x64xi32, #tpu.memory_space<vmem>> -> memref<32x64xi32, #tpu.memory_space<vmem>>
    %dma_start3A_126 = arith.constant 192 : i32
    %dma_start3A_127 = tpu.memref_slice %arg5[%dma_start3A_126] : memref<576xi32, #tpu.memory_space<vmem>> -> memref<32xi32, #tpu.memory_space<vmem>>
    %dma_start3A_128 = arith.constant 0 : i32
    %dma_start3A_129 = arith.constant 0 : i32
    %dma_start3A_130 = tpu.memref_slice %arg2[%dma_start3A_128, %dma_start3A_129] : memref<450000x64xi32, #tpu.memory_space<hbm>> -> memref<450000x64xi32, #tpu.memory_space<hbm>>
    %dma_start3A_131 = tpu.memref_slice %arg9[%dma_start3A_121] : memref<2x!tpu.dma_semaphore, #tpu.memory_space<semaphore_mem>> -> memref<1x!tpu.dma_semaphore, #tpu.memory_space<semaphore_mem>>
    %dma_start3A_132 = tpu.memref_squeeze %dma_start3A_131 : memref<1x!tpu.dma_semaphore, #tpu.memory_space<semaphore_mem>> -> memref<!tpu.dma_semaphore, #tpu.memory_space<semaphore_mem>>
    tpu.enqueue_indirect_dma source(%dma_start3A_130 : memref<450000x64xi32, #tpu.memory_space<hbm>>) target(%dma_start3A_125 : memref<32x64xi32, #tpu.memory_space<vmem>>) offsets(%dma_start3A_127 : memref<32xi32, #tpu.memory_space<vmem>>) semaphore(%dma_start3A_132 : memref<!tpu.dma_semaphore, #tpu.memory_space<semaphore_mem>>)
    %dma_start3A_133 = arith.constant 0 : i32
    %dma_start3A_134 = arith.constant 7 : i32
    %dma_start3A_135 = arith.constant 0 : i32
    %dma_start3A_136 = arith.constant 0 : i32
    %dma_start3A_137 = arith.constant 0 : i32
    %dma_start3A_138 = tpu.memref_slice %arg6[%dma_start3A_133, %dma_start3A_134, %dma_start3A_136, %dma_start3A_137] : memref<2x9x32x64xi32, #tpu.memory_space<vmem>> -> memref<1x1x32x64xi32, #tpu.memory_space<vmem>>
    %dma_start3A_139 = tpu.memref_squeeze %dma_start3A_138 : memref<1x1x32x64xi32, #tpu.memory_space<vmem>> -> memref<32x64xi32, #tpu.memory_space<vmem>>
    %dma_start3A_140 = arith.constant 224 : i32
    %dma_start3A_141 = tpu.memref_slice %arg5[%dma_start3A_140] : memref<576xi32, #tpu.memory_space<vmem>> -> memref<32xi32, #tpu.memory_space<vmem>>
    %dma_start3A_142 = arith.constant 0 : i32
    %dma_start3A_143 = arith.constant 0 : i32
    %dma_start3A_144 = tpu.memref_slice %arg2[%dma_start3A_142, %dma_start3A_143] : memref<450000x64xi32, #tpu.memory_space<hbm>> -> memref<450000x64xi32, #tpu.memory_space<hbm>>
    %dma_start3A_145 = tpu.memref_slice %arg9[%dma_start3A_135] : memref<2x!tpu.dma_semaphore, #tpu.memory_space<semaphore_mem>> -> memref<1x!tpu.dma_semaphore, #tpu.memory_space<semaphore_mem>>
    %dma_start3A_146 = tpu.memref_squeeze %dma_start3A_145 : memref<1x!tpu.dma_semaphore, #tpu.memory_space<semaphore_mem>> -> memref<!tpu.dma_semaphore, #tpu.memory_space<semaphore_mem>>
    tpu.enqueue_indirect_dma source(%dma_start3A_144 : memref<450000x64xi32, #tpu.memory_space<hbm>>) target(%dma_start3A_139 : memref<32x64xi32, #tpu.memory_space<vmem>>) offsets(%dma_start3A_141 : memref<32xi32, #tpu.memory_space<vmem>>) semaphore(%dma_start3A_146 : memref<!tpu.dma_semaphore, #tpu.memory_space<semaphore_mem>>)
    %dma_start3A_147 = arith.constant 0 : i32
    %dma_start3A_148 = arith.constant 8 : i32
    %dma_start3A_149 = arith.constant 0 : i32
    %dma_start3A_150 = arith.constant 0 : i32
    %dma_start3A_151 = arith.constant 0 : i32
    %dma_start3A_152 = tpu.memref_slice %arg6[%dma_start3A_147, %dma_start3A_148, %dma_start3A_150, %dma_start3A_151] : memref<2x9x32x64xi32, #tpu.memory_space<vmem>> -> memref<1x1x32x64xi32, #tpu.memory_space<vmem>>
    %dma_start3A_153 = tpu.memref_squeeze %dma_start3A_152 : memref<1x1x32x64xi32, #tpu.memory_space<vmem>> -> memref<32x64xi32, #tpu.memory_space<vmem>>
    %dma_start3A_154 = arith.constant 256 : i32
    %dma_start3A_155 = tpu.memref_slice %arg5[%dma_start3A_154] : memref<576xi32, #tpu.memory_space<vmem>> -> memref<32xi32, #tpu.memory_space<vmem>>
    %dma_start3A_156 = arith.constant 0 : i32
    %dma_start3A_157 = arith.constant 0 : i32
    %dma_start3A_158 = tpu.memref_slice %arg2[%dma_start3A_156, %dma_start3A_157] : memref<450000x64xi32, #tpu.memory_space<hbm>> -> memref<450000x64xi32, #tpu.memory_space<hbm>>
    %dma_start3A_159 = tpu.memref_slice %arg9[%dma_start3A_149] : memref<2x!tpu.dma_semaphore, #tpu.memory_space<semaphore_mem>> -> memref<1x!tpu.dma_semaphore, #tpu.memory_space<semaphore_mem>>
    %dma_start3A_160 = tpu.memref_squeeze %dma_start3A_159 : memref<1x!tpu.dma_semaphore, #tpu.memory_space<semaphore_mem>> -> memref<!tpu.dma_semaphore, #tpu.memory_space<semaphore_mem>>
    tpu.enqueue_indirect_dma source(%dma_start3A_158 : memref<450000x64xi32, #tpu.memory_space<hbm>>) target(%dma_start3A_153 : memref<32x64xi32, #tpu.memory_space<vmem>>) offsets(%dma_start3A_155 : memref<32xi32, #tpu.memory_space<vmem>>) semaphore(%dma_start3A_160 : memref<!tpu.dma_semaphore, #tpu.memory_space<semaphore_mem>>)
    %add3A_161 = arith.constant 1 : i32
    %add3A_162 = arith.addi %select_n3A, %add3A_161 : i32
    %mul3A_163 = arith.constant 288 : i32
    %mul3A_164 = arith.muli %add3A_162, %mul3A_163 : i32
    %dma_start3A_165 = arith.constant 1 : i32
    %dma_start3A_166 = arith.constant 288 : i32
    %dma_start3A_167 = tpu.memref_slice %arg5[%dma_start3A_166] : memref<576xi32, #tpu.memory_space<vmem>> -> memref<288xi32, #tpu.memory_space<vmem>>
    %dma_start3A_168 = tpu.memref_slice %arg3[%mul3A_164] : memref<460800xi32, #tpu.memory_space<hbm>> -> memref<288xi32, #tpu.memory_space<hbm>>
    %dma_start3A_169 = tpu.memref_slice %arg8[%dma_start3A_165] : memref<2x!tpu.dma_semaphore, #tpu.memory_space<semaphore_mem>> -> memref<1x!tpu.dma_semaphore, #tpu.memory_space<semaphore_mem>>
    %dma_start3A_170 = tpu.memref_squeeze %dma_start3A_169 : memref<1x!tpu.dma_semaphore, #tpu.memory_space<semaphore_mem>> -> memref<!tpu.dma_semaphore, #tpu.memory_space<semaphore_mem>>
    %dma_start3A_171 = arith.constant 288 : i32
    %dma_start3A_172 = tpu.memref_slice %arg5[%dma_start3A_171] : memref<576xi32, #tpu.memory_space<vmem>> -> memref<288xi32, #tpu.memory_space<vmem>>
    %dma_start3A_173 = tpu.memref_slice %arg3[%mul3A_164] : memref<460800xi32, #tpu.memory_space<hbm>> -> memref<288xi32, #tpu.memory_space<hbm>>
    tpu.enqueue_dma source(%dma_start3A_173 : memref<288xi32, #tpu.memory_space<hbm>>) target(%dma_start3A_172 : memref<288xi32, #tpu.memory_space<vmem>>) target_semaphore(%dma_start3A_170 : memref<!tpu.dma_semaphore, #tpu.memory_space<semaphore_mem>>)
    %jit3A_174 = arith.constant 2 : i32
    %div3A = arith.divsi %select_n3A_8, %jit3A_174 : i32
    %sign3A = arith.constant 0 : i32
    %sign3A_175 = arith.cmpi sgt, %select_n3A_8, %sign3A : i32
    %sign3A_176 = arith.extui %sign3A_175 : i1 to i32
    %sign3A_177 = arith.constant 0 : i32
    %sign3A_178 = arith.cmpi slt, %select_n3A_8, %sign3A_177 : i32
    %sign3A_179 = arith.extui %sign3A_178 : i1 to i32
    %sign3A_180 = arith.subi %sign3A_176, %sign3A_179 : i32
    %sign3A_181 = arith.constant 0 : i32
    %sign3A_182 = arith.cmpi sgt, %jit3A_174, %sign3A_181 : i32
    %sign3A_183 = arith.extui %sign3A_182 : i1 to i32
    %sign3A_184 = arith.constant 0 : i32
    %sign3A_185 = arith.cmpi slt, %jit3A_174, %sign3A_184 : i32
    %sign3A_186 = arith.extui %sign3A_185 : i1 to i32
    %sign3A_187 = arith.subi %sign3A_183, %sign3A_186 : i32
    %ne3A = arith.cmpi ne, %sign3A_180, %sign3A_187 : i32
    %rem3A = arith.remsi %select_n3A_8, %jit3A_174 : i32
    %ne3A_188 = arith.constant 0 : i32
    %ne3A_189 = arith.cmpi ne, %rem3A, %ne3A_188 : i32
    %and3A = arith.andi %ne3A, %ne3A_189 : i1
    %sub3A = arith.constant 1 : i32
    %sub3A_190 = arith.subi %div3A, %sub3A : i32
    %select_n3A_191 = arith.select %and3A, %sub3A_190, %div3A : i32
    %while3A = arith.constant 0 : i32
    %while3A_192 = arith.constant -65536 : i32
    %while3A_193 = arith.constant 0 : i32
    %while3A_194 = arith.subi %select_n3A_191, %while3A_193 : i32
    %while3A_195 = arith.addi %while3A_193, %while3A_194 : i32
    %while3A_196 = arith.constant 1 : i32
    %while3A_197 = arith.divsi %while3A_194, %while3A_196 : i32
    %while3A_198 = arith.muli %while3A_197, %while3A_196 : i32
    %while3A_199 = arith.addi %while3A_193, %while3A_198 : i32
    %while3A_200 = arith.constant 1 : i32
    scf.for %while3A_238 = %while3A_193 to %while3A_199 step %while3A_200  : i32 {
      %mul3A_239 = arith.constant 2 : i32
      %mul3A_240 = arith.muli %while3A_238, %mul3A_239 : i32
      %add3A_241 = arith.constant 1 : i32
      %add3A_242 = arith.addi %mul3A_240, %add3A_241 : i32
      %gt3A = arith.constant 0 : i32
      %gt3A_243 = arith.cmpi sgt, %while3A_238, %gt3A : i32
      %jit3A_244 = arith.constant 2 : i32
      %div3A_245 = arith.divsi %select_n3A_8, %jit3A_244 : i32
      %sign3A_246 = arith.constant 0 : i32
      %sign3A_247 = arith.cmpi sgt, %select_n3A_8, %sign3A_246 : i32
      %sign3A_248 = arith.extui %sign3A_247 : i1 to i32
      %sign3A_249 = arith.constant 0 : i32
      %sign3A_250 = arith.cmpi slt, %select_n3A_8, %sign3A_249 : i32
      %sign3A_251 = arith.extui %sign3A_250 : i1 to i32
      %sign3A_252 = arith.subi %sign3A_248, %sign3A_251 : i32
      %sign3A_253 = arith.constant 0 : i32
      %sign3A_254 = arith.cmpi sgt, %jit3A_244, %sign3A_253 : i32
      %sign3A_255 = arith.extui %sign3A_254 : i1 to i32
      %sign3A_256 = arith.constant 0 : i32
      %sign3A_257 = arith.cmpi slt, %jit3A_244, %sign3A_256 : i32
      %sign3A_258 = arith.extui %sign3A_257 : i1 to i32
      %sign3A_259 = arith.subi %sign3A_255, %sign3A_258 : i32
      %ne3A_260 = arith.cmpi ne, %sign3A_252, %sign3A_259 : i32
      %rem3A_261 = arith.remsi %select_n3A_8, %jit3A_244 : i32
      %ne3A_262 = arith.constant 0 : i32
      %ne3A_263 = arith.cmpi ne, %rem3A_261, %ne3A_262 : i32
      %and3A_264 = arith.andi %ne3A_260, %ne3A_263 : i1
      %sub3A_265 = arith.constant 1 : i32
      %sub3A_266 = arith.subi %div3A_245, %sub3A_265 : i32
      %select_n3A_267 = arith.select %and3A_264, %sub3A_266, %div3A_245 : i32
      %sub3A_268 = arith.constant 1 : i32
      %sub3A_269 = arith.subi %select_n3A_267, %sub3A_268 : i32
      %lt3A = arith.cmpi slt, %while3A_238, %sub3A_269 : i32
      %convert_element_type3A = arith.extui %gt3A_243 : i1 to i32
      %cond3A = arith.constant 0 : i32
      %cond3A_270 = arith.cmpi ne, %convert_element_type3A, %cond3A : i32
      scf.if %cond3A_270 {
        %add3A_719 = arith.constant 0 : i32
        %add3A_720 = arith.addi %mul3A_10, %add3A_719 : i32
        %dma_wait3A_721 = arith.constant 0 : i32
        %dma_wait3A_722 = arith.constant 0 : i32
        %dma_wait3A_723 = arith.constant 0 : i32
        %dma_wait3A_724 = arith.constant 0 : i32
        %dma_wait3A_725 = tpu.memref_slice %arg7[%dma_wait3A_721, %dma_wait3A_723, %dma_wait3A_724] : memref<2x32x128xf32, #tpu.memory_space<vmem>> -> memref<1x32x128xf32, #tpu.memory_space<vmem>>
        %dma_wait3A_726 = tpu.memref_squeeze %dma_wait3A_725 : memref<1x32x128xf32, #tpu.memory_space<vmem>> -> memref<32x128xf32, #tpu.memory_space<vmem>>
        %dma_wait3A_727 = arith.constant 0 : i32
        %dma_wait3A_728 = tpu.memref_slice %arg4[%add3A_720, %dma_wait3A_727] : memref<51200x128xf32, #tpu.memory_space<hbm>> -> memref<32x128xf32, #tpu.memory_space<hbm>>
        %dma_wait3A_729 = tpu.memref_slice %arg10[%dma_wait3A_722] : memref<2x!tpu.dma_semaphore, #tpu.memory_space<semaphore_mem>> -> memref<1x!tpu.dma_semaphore, #tpu.memory_space<semaphore_mem>>
        %dma_wait3A_730 = tpu.memref_squeeze %dma_wait3A_729 : memref<1x!tpu.dma_semaphore, #tpu.memory_space<semaphore_mem>> -> memref<!tpu.dma_semaphore, #tpu.memory_space<semaphore_mem>>
        %dma_wait3A_731 = arith.constant 0 : i32
        %dma_wait3A_732 = tpu.memref_slice %arg4[%add3A_720, %dma_wait3A_731] : memref<51200x128xf32, #tpu.memory_space<hbm>> -> memref<32x128xf32, #tpu.memory_space<hbm>>
        %dma_wait3A_733 = arith.constant 0 : i32
        %dma_wait3A_734 = arith.constant 0 : i32
        %dma_wait3A_735 = tpu.memref_slice %arg7[%dma_wait3A_721, %dma_wait3A_733, %dma_wait3A_734] : memref<2x32x128xf32, #tpu.memory_space<vmem>> -> memref<1x32x128xf32, #tpu.memory_space<vmem>>
        %dma_wait3A_736 = tpu.memref_squeeze %dma_wait3A_735 : memref<1x32x128xf32, #tpu.memory_space<vmem>> -> memref<32x128xf32, #tpu.memory_space<vmem>>
        tpu.wait_dma2 semaphore(%dma_wait3A_730 : memref<!tpu.dma_semaphore, #tpu.memory_space<semaphore_mem>>) src(%dma_wait3A_736 : memref<32x128xf32, #tpu.memory_space<vmem>>) dst(%dma_wait3A_732 : memref<32x128xf32, #tpu.memory_space<hbm>>)
      } else {
      }
      %dma_wait3A_271 = arith.constant 0 : i32
      %dma_wait3A_272 = arith.constant 0 : i32
      %dma_wait3A_273 = arith.constant 0 : i32
      %dma_wait3A_274 = arith.constant 0 : i32
      %dma_wait3A_275 = arith.constant 0 : i32
      %dma_wait3A_276 = tpu.memref_slice %arg6[%dma_wait3A_271, %dma_wait3A_272, %dma_wait3A_274, %dma_wait3A_275] : memref<2x9x32x64xi32, #tpu.memory_space<vmem>> -> memref<1x1x32x64xi32, #tpu.memory_space<vmem>>
      %dma_wait3A_277 = tpu.memref_squeeze %dma_wait3A_276 : memref<1x1x32x64xi32, #tpu.memory_space<vmem>> -> memref<32x64xi32, #tpu.memory_space<vmem>>
      %dma_wait3A_278 = arith.constant 0 : i32
      %dma_wait3A_279 = tpu.memref_slice %arg5[%dma_wait3A_278] : memref<576xi32, #tpu.memory_space<vmem>> -> memref<32xi32, #tpu.memory_space<vmem>>
      %dma_wait3A_280 = arith.constant 0 : i32
      %dma_wait3A_281 = arith.constant 0 : i32
      %dma_wait3A_282 = tpu.memref_slice %arg2[%dma_wait3A_280, %dma_wait3A_281] : memref<450000x64xi32, #tpu.memory_space<hbm>> -> memref<450000x64xi32, #tpu.memory_space<hbm>>
      %dma_wait3A_283 = tpu.memref_slice %arg9[%dma_wait3A_273] : memref<2x!tpu.dma_semaphore, #tpu.memory_space<semaphore_mem>> -> memref<1x!tpu.dma_semaphore, #tpu.memory_space<semaphore_mem>>
      %dma_wait3A_284 = tpu.memref_squeeze %dma_wait3A_283 : memref<1x!tpu.dma_semaphore, #tpu.memory_space<semaphore_mem>> -> memref<!tpu.dma_semaphore, #tpu.memory_space<semaphore_mem>>
      tpu.wait_indirect_dma semaphore(%dma_wait3A_284 : memref<!tpu.dma_semaphore, #tpu.memory_space<semaphore_mem>>) src(%dma_wait3A_282 : memref<450000x64xi32, #tpu.memory_space<hbm>>) dst(%dma_wait3A_277 : memref<32x64xi32, #tpu.memory_space<vmem>>)
      %dma_wait3A_285 = arith.constant 0 : i32
      %dma_wait3A_286 = arith.constant 1 : i32
      %dma_wait3A_287 = arith.constant 0 : i32
      %dma_wait3A_288 = arith.constant 0 : i32
      %dma_wait3A_289 = arith.constant 0 : i32
      %dma_wait3A_290 = tpu.memref_slice %arg6[%dma_wait3A_285, %dma_wait3A_286, %dma_wait3A_288, %dma_wait3A_289] : memref<2x9x32x64xi32, #tpu.memory_space<vmem>> -> memref<1x1x32x64xi32, #tpu.memory_space<vmem>>
      %dma_wait3A_291 = tpu.memref_squeeze %dma_wait3A_290 : memref<1x1x32x64xi32, #tpu.memory_space<vmem>> -> memref<32x64xi32, #tpu.memory_space<vmem>>
      %dma_wait3A_292 = arith.constant 32 : i32
      %dma_wait3A_293 = tpu.memref_slice %arg5[%dma_wait3A_292] : memref<576xi32, #tpu.memory_space<vmem>> -> memref<32xi32, #tpu.memory_space<vmem>>
      %dma_wait3A_294 = arith.constant 0 : i32
      %dma_wait3A_295 = arith.constant 0 : i32
      %dma_wait3A_296 = tpu.memref_slice %arg2[%dma_wait3A_294, %dma_wait3A_295] : memref<450000x64xi32, #tpu.memory_space<hbm>> -> memref<450000x64xi32, #tpu.memory_space<hbm>>
      %dma_wait3A_297 = tpu.memref_slice %arg9[%dma_wait3A_287] : memref<2x!tpu.dma_semaphore, #tpu.memory_space<semaphore_mem>> -> memref<1x!tpu.dma_semaphore, #tpu.memory_space<semaphore_mem>>
      %dma_wait3A_298 = tpu.memref_squeeze %dma_wait3A_297 : memref<1x!tpu.dma_semaphore, #tpu.memory_space<semaphore_mem>> -> memref<!tpu.dma_semaphore, #tpu.memory_space<semaphore_mem>>
      tpu.wait_indirect_dma semaphore(%dma_wait3A_298 : memref<!tpu.dma_semaphore, #tpu.memory_space<semaphore_mem>>) src(%dma_wait3A_296 : memref<450000x64xi32, #tpu.memory_space<hbm>>) dst(%dma_wait3A_291 : memref<32x64xi32, #tpu.memory_space<vmem>>)
      %dma_wait3A_299 = arith.constant 0 : i32
      %dma_wait3A_300 = arith.constant 2 : i32
      %dma_wait3A_301 = arith.constant 0 : i32
      %dma_wait3A_302 = arith.constant 0 : i32
      %dma_wait3A_303 = arith.constant 0 : i32
      %dma_wait3A_304 = tpu.memref_slice %arg6[%dma_wait3A_299, %dma_wait3A_300, %dma_wait3A_302, %dma_wait3A_303] : memref<2x9x32x64xi32, #tpu.memory_space<vmem>> -> memref<1x1x32x64xi32, #tpu.memory_space<vmem>>
      %dma_wait3A_305 = tpu.memref_squeeze %dma_wait3A_304 : memref<1x1x32x64xi32, #tpu.memory_space<vmem>> -> memref<32x64xi32, #tpu.memory_space<vmem>>
      %dma_wait3A_306 = arith.constant 64 : i32
      %dma_wait3A_307 = tpu.memref_slice %arg5[%dma_wait3A_306] : memref<576xi32, #tpu.memory_space<vmem>> -> memref<32xi32, #tpu.memory_space<vmem>>
      %dma_wait3A_308 = arith.constant 0 : i32
      %dma_wait3A_309 = arith.constant 0 : i32
      %dma_wait3A_310 = tpu.memref_slice %arg2[%dma_wait3A_308, %dma_wait3A_309] : memref<450000x64xi32, #tpu.memory_space<hbm>> -> memref<450000x64xi32, #tpu.memory_space<hbm>>
      %dma_wait3A_311 = tpu.memref_slice %arg9[%dma_wait3A_301] : memref<2x!tpu.dma_semaphore, #tpu.memory_space<semaphore_mem>> -> memref<1x!tpu.dma_semaphore, #tpu.memory_space<semaphore_mem>>
      %dma_wait3A_312 = tpu.memref_squeeze %dma_wait3A_311 : memref<1x!tpu.dma_semaphore, #tpu.memory_space<semaphore_mem>> -> memref<!tpu.dma_semaphore, #tpu.memory_space<semaphore_mem>>
      tpu.wait_indirect_dma semaphore(%dma_wait3A_312 : memref<!tpu.dma_semaphore, #tpu.memory_space<semaphore_mem>>) src(%dma_wait3A_310 : memref<450000x64xi32, #tpu.memory_space<hbm>>) dst(%dma_wait3A_305 : memref<32x64xi32, #tpu.memory_space<vmem>>)
      %dma_wait3A_313 = arith.constant 0 : i32
      %dma_wait3A_314 = arith.constant 3 : i32
      %dma_wait3A_315 = arith.constant 0 : i32
      %dma_wait3A_316 = arith.constant 0 : i32
      %dma_wait3A_317 = arith.constant 0 : i32
      %dma_wait3A_318 = tpu.memref_slice %arg6[%dma_wait3A_313, %dma_wait3A_314, %dma_wait3A_316, %dma_wait3A_317] : memref<2x9x32x64xi32, #tpu.memory_space<vmem>> -> memref<1x1x32x64xi32, #tpu.memory_space<vmem>>
      %dma_wait3A_319 = tpu.memref_squeeze %dma_wait3A_318 : memref<1x1x32x64xi32, #tpu.memory_space<vmem>> -> memref<32x64xi32, #tpu.memory_space<vmem>>
      %dma_wait3A_320 = arith.constant 96 : i32
      %dma_wait3A_321 = tpu.memref_slice %arg5[%dma_wait3A_320] : memref<576xi32, #tpu.memory_space<vmem>> -> memref<32xi32, #tpu.memory_space<vmem>>
      %dma_wait3A_322 = arith.constant 0 : i32
      %dma_wait3A_323 = arith.constant 0 : i32
      %dma_wait3A_324 = tpu.memref_slice %arg2[%dma_wait3A_322, %dma_wait3A_323] : memref<450000x64xi32, #tpu.memory_space<hbm>> -> memref<450000x64xi32, #tpu.memory_space<hbm>>
      %dma_wait3A_325 = tpu.memref_slice %arg9[%dma_wait3A_315] : memref<2x!tpu.dma_semaphore, #tpu.memory_space<semaphore_mem>> -> memref<1x!tpu.dma_semaphore, #tpu.memory_space<semaphore_mem>>
      %dma_wait3A_326 = tpu.memref_squeeze %dma_wait3A_325 : memref<1x!tpu.dma_semaphore, #tpu.memory_space<semaphore_mem>> -> memref<!tpu.dma_semaphore, #tpu.memory_space<semaphore_mem>>
      tpu.wait_indirect_dma semaphore(%dma_wait3A_326 : memref<!tpu.dma_semaphore, #tpu.memory_space<semaphore_mem>>) src(%dma_wait3A_324 : memref<450000x64xi32, #tpu.memory_space<hbm>>) dst(%dma_wait3A_319 : memref<32x64xi32, #tpu.memory_space<vmem>>)
      %dma_wait3A_327 = arith.constant 0 : i32
      %dma_wait3A_328 = arith.constant 4 : i32
      %dma_wait3A_329 = arith.constant 0 : i32
      %dma_wait3A_330 = arith.constant 0 : i32
      %dma_wait3A_331 = arith.constant 0 : i32
      %dma_wait3A_332 = tpu.memref_slice %arg6[%dma_wait3A_327, %dma_wait3A_328, %dma_wait3A_330, %dma_wait3A_331] : memref<2x9x32x64xi32, #tpu.memory_space<vmem>> -> memref<1x1x32x64xi32, #tpu.memory_space<vmem>>
      %dma_wait3A_333 = tpu.memref_squeeze %dma_wait3A_332 : memref<1x1x32x64xi32, #tpu.memory_space<vmem>> -> memref<32x64xi32, #tpu.memory_space<vmem>>
      %dma_wait3A_334 = arith.constant 128 : i32
      %dma_wait3A_335 = tpu.memref_slice %arg5[%dma_wait3A_334] : memref<576xi32, #tpu.memory_space<vmem>> -> memref<32xi32, #tpu.memory_space<vmem>>
      %dma_wait3A_336 = arith.constant 0 : i32
      %dma_wait3A_337 = arith.constant 0 : i32
      %dma_wait3A_338 = tpu.memref_slice %arg2[%dma_wait3A_336, %dma_wait3A_337] : memref<450000x64xi32, #tpu.memory_space<hbm>> -> memref<450000x64xi32, #tpu.memory_space<hbm>>
      %dma_wait3A_339 = tpu.memref_slice %arg9[%dma_wait3A_329] : memref<2x!tpu.dma_semaphore, #tpu.memory_space<semaphore_mem>> -> memref<1x!tpu.dma_semaphore, #tpu.memory_space<semaphore_mem>>
      %dma_wait3A_340 = tpu.memref_squeeze %dma_wait3A_339 : memref<1x!tpu.dma_semaphore, #tpu.memory_space<semaphore_mem>> -> memref<!tpu.dma_semaphore, #tpu.memory_space<semaphore_mem>>
      tpu.wait_indirect_dma semaphore(%dma_wait3A_340 : memref<!tpu.dma_semaphore, #tpu.memory_space<semaphore_mem>>) src(%dma_wait3A_338 : memref<450000x64xi32, #tpu.memory_space<hbm>>) dst(%dma_wait3A_333 : memref<32x64xi32, #tpu.memory_space<vmem>>)
      %dma_wait3A_341 = arith.constant 0 : i32
      %dma_wait3A_342 = arith.constant 5 : i32
      %dma_wait3A_343 = arith.constant 0 : i32
      %dma_wait3A_344 = arith.constant 0 : i32
      %dma_wait3A_345 = arith.constant 0 : i32
      %dma_wait3A_346 = tpu.memref_slice %arg6[%dma_wait3A_341, %dma_wait3A_342, %dma_wait3A_344, %dma_wait3A_345] : memref<2x9x32x64xi32, #tpu.memory_space<vmem>> -> memref<1x1x32x64xi32, #tpu.memory_space<vmem>>
      %dma_wait3A_347 = tpu.memref_squeeze %dma_wait3A_346 : memref<1x1x32x64xi32, #tpu.memory_space<vmem>> -> memref<32x64xi32, #tpu.memory_space<vmem>>
      %dma_wait3A_348 = arith.constant 160 : i32
      %dma_wait3A_349 = tpu.memref_slice %arg5[%dma_wait3A_348] : memref<576xi32, #tpu.memory_space<vmem>> -> memref<32xi32, #tpu.memory_space<vmem>>
      %dma_wait3A_350 = arith.constant 0 : i32
      %dma_wait3A_351 = arith.constant 0 : i32
      %dma_wait3A_352 = tpu.memref_slice %arg2[%dma_wait3A_350, %dma_wait3A_351] : memref<450000x64xi32, #tpu.memory_space<hbm>> -> memref<450000x64xi32, #tpu.memory_space<hbm>>
      %dma_wait3A_353 = tpu.memref_slice %arg9[%dma_wait3A_343] : memref<2x!tpu.dma_semaphore, #tpu.memory_space<semaphore_mem>> -> memref<1x!tpu.dma_semaphore, #tpu.memory_space<semaphore_mem>>
      %dma_wait3A_354 = tpu.memref_squeeze %dma_wait3A_353 : memref<1x!tpu.dma_semaphore, #tpu.memory_space<semaphore_mem>> -> memref<!tpu.dma_semaphore, #tpu.memory_space<semaphore_mem>>
      tpu.wait_indirect_dma semaphore(%dma_wait3A_354 : memref<!tpu.dma_semaphore, #tpu.memory_space<semaphore_mem>>) src(%dma_wait3A_352 : memref<450000x64xi32, #tpu.memory_space<hbm>>) dst(%dma_wait3A_347 : memref<32x64xi32, #tpu.memory_space<vmem>>)
      %dma_wait3A_355 = arith.constant 0 : i32
      %dma_wait3A_356 = arith.constant 6 : i32
      %dma_wait3A_357 = arith.constant 0 : i32
      %dma_wait3A_358 = arith.constant 0 : i32
      %dma_wait3A_359 = arith.constant 0 : i32
      %dma_wait3A_360 = tpu.memref_slice %arg6[%dma_wait3A_355, %dma_wait3A_356, %dma_wait3A_358, %dma_wait3A_359] : memref<2x9x32x64xi32, #tpu.memory_space<vmem>> -> memref<1x1x32x64xi32, #tpu.memory_space<vmem>>
      %dma_wait3A_361 = tpu.memref_squeeze %dma_wait3A_360 : memref<1x1x32x64xi32, #tpu.memory_space<vmem>> -> memref<32x64xi32, #tpu.memory_space<vmem>>
      %dma_wait3A_362 = arith.constant 192 : i32
      %dma_wait3A_363 = tpu.memref_slice %arg5[%dma_wait3A_362] : memref<576xi32, #tpu.memory_space<vmem>> -> memref<32xi32, #tpu.memory_space<vmem>>
      %dma_wait3A_364 = arith.constant 0 : i32
      %dma_wait3A_365 = arith.constant 0 : i32
      %dma_wait3A_366 = tpu.memref_slice %arg2[%dma_wait3A_364, %dma_wait3A_365] : memref<450000x64xi32, #tpu.memory_space<hbm>> -> memref<450000x64xi32, #tpu.memory_space<hbm>>
      %dma_wait3A_367 = tpu.memref_slice %arg9[%dma_wait3A_357] : memref<2x!tpu.dma_semaphore, #tpu.memory_space<semaphore_mem>> -> memref<1x!tpu.dma_semaphore, #tpu.memory_space<semaphore_mem>>
      %dma_wait3A_368 = tpu.memref_squeeze %dma_wait3A_367 : memref<1x!tpu.dma_semaphore, #tpu.memory_space<semaphore_mem>> -> memref<!tpu.dma_semaphore, #tpu.memory_space<semaphore_mem>>
      tpu.wait_indirect_dma semaphore(%dma_wait3A_368 : memref<!tpu.dma_semaphore, #tpu.memory_space<semaphore_mem>>) src(%dma_wait3A_366 : memref<450000x64xi32, #tpu.memory_space<hbm>>) dst(%dma_wait3A_361 : memref<32x64xi32, #tpu.memory_space<vmem>>)
      %dma_wait3A_369 = arith.constant 0 : i32
      %dma_wait3A_370 = arith.constant 7 : i32
      %dma_wait3A_371 = arith.constant 0 : i32
      %dma_wait3A_372 = arith.constant 0 : i32
      %dma_wait3A_373 = arith.constant 0 : i32
      %dma_wait3A_374 = tpu.memref_slice %arg6[%dma_wait3A_369, %dma_wait3A_370, %dma_wait3A_372, %dma_wait3A_373] : memref<2x9x32x64xi32, #tpu.memory_space<vmem>> -> memref<1x1x32x64xi32, #tpu.memory_space<vmem>>
      %dma_wait3A_375 = tpu.memref_squeeze %dma_wait3A_374 : memref<1x1x32x64xi32, #tpu.memory_space<vmem>> -> memref<32x64xi32, #tpu.memory_space<vmem>>
      %dma_wait3A_376 = arith.constant 224 : i32
      %dma_wait3A_377 = tpu.memref_slice %arg5[%dma_wait3A_376] : memref<576xi32, #tpu.memory_space<vmem>> -> memref<32xi32, #tpu.memory_space<vmem>>
      %dma_wait3A_378 = arith.constant 0 : i32
      %dma_wait3A_379 = arith.constant 0 : i32
      %dma_wait3A_380 = tpu.memref_slice %arg2[%dma_wait3A_378, %dma_wait3A_379] : memref<450000x64xi32, #tpu.memory_space<hbm>> -> memref<450000x64xi32, #tpu.memory_space<hbm>>
      %dma_wait3A_381 = tpu.memref_slice %arg9[%dma_wait3A_371] : memref<2x!tpu.dma_semaphore, #tpu.memory_space<semaphore_mem>> -> memref<1x!tpu.dma_semaphore, #tpu.memory_space<semaphore_mem>>
      %dma_wait3A_382 = tpu.memref_squeeze %dma_wait3A_381 : memref<1x!tpu.dma_semaphore, #tpu.memory_space<semaphore_mem>> -> memref<!tpu.dma_semaphore, #tpu.memory_space<semaphore_mem>>
      tpu.wait_indirect_dma semaphore(%dma_wait3A_382 : memref<!tpu.dma_semaphore, #tpu.memory_space<semaphore_mem>>) src(%dma_wait3A_380 : memref<450000x64xi32, #tpu.memory_space<hbm>>) dst(%dma_wait3A_375 : memref<32x64xi32, #tpu.memory_space<vmem>>)
      %dma_wait3A_383 = arith.constant 0 : i32
      %dma_wait3A_384 = arith.constant 8 : i32
      %dma_wait3A_385 = arith.constant 0 : i32
      %dma_wait3A_386 = arith.constant 0 : i32
      %dma_wait3A_387 = arith.constant 0 : i32
      %dma_wait3A_388 = tpu.memref_slice %arg6[%dma_wait3A_383, %dma_wait3A_384, %dma_wait3A_386, %dma_wait3A_387] : memref<2x9x32x64xi32, #tpu.memory_space<vmem>> -> memref<1x1x32x64xi32, #tpu.memory_space<vmem>>
      %dma_wait3A_389 = tpu.memref_squeeze %dma_wait3A_388 : memref<1x1x32x64xi32, #tpu.memory_space<vmem>> -> memref<32x64xi32, #tpu.memory_space<vmem>>
      %dma_wait3A_390 = arith.constant 256 : i32
      %dma_wait3A_391 = tpu.memref_slice %arg5[%dma_wait3A_390] : memref<576xi32, #tpu.memory_space<vmem>> -> memref<32xi32, #tpu.memory_space<vmem>>
      %dma_wait3A_392 = arith.constant 0 : i32
      %dma_wait3A_393 = arith.constant 0 : i32
      %dma_wait3A_394 = tpu.memref_slice %arg2[%dma_wait3A_392, %dma_wait3A_393] : memref<450000x64xi32, #tpu.memory_space<hbm>> -> memref<450000x64xi32, #tpu.memory_space<hbm>>
      %dma_wait3A_395 = tpu.memref_slice %arg9[%dma_wait3A_385] : memref<2x!tpu.dma_semaphore, #tpu.memory_space<semaphore_mem>> -> memref<1x!tpu.dma_semaphore, #tpu.memory_space<semaphore_mem>>
      %dma_wait3A_396 = tpu.memref_squeeze %dma_wait3A_395 : memref<1x!tpu.dma_semaphore, #tpu.memory_space<semaphore_mem>> -> memref<!tpu.dma_semaphore, #tpu.memory_space<semaphore_mem>>
      tpu.wait_indirect_dma semaphore(%dma_wait3A_396 : memref<!tpu.dma_semaphore, #tpu.memory_space<semaphore_mem>>) src(%dma_wait3A_394 : memref<450000x64xi32, #tpu.memory_space<hbm>>) dst(%dma_wait3A_389 : memref<32x64xi32, #tpu.memory_space<vmem>>)
      %convert_element_type3A_397 = arith.extui %lt3A : i1 to i32
      %cond3A_398 = arith.constant 0 : i32
      %cond3A_399 = arith.cmpi ne, %convert_element_type3A_397, %cond3A_398 : i32
      scf.if %cond3A_399 {
        %add3A_719 = arith.constant 2 : i32
        %add3A_720 = arith.addi %mul3A_240, %add3A_719 : i32
        %add3A_721 = arith.addi %select_n3A, %add3A_720 : i32
        %mul3A_722 = arith.constant 288 : i32
        %mul3A_723 = arith.muli %add3A_721, %mul3A_722 : i32
        %dma_start3A_724 = arith.constant 0 : i32
        %dma_start3A_725 = arith.constant 0 : i32
        %dma_start3A_726 = tpu.memref_slice %arg5[%dma_start3A_725] : memref<576xi32, #tpu.memory_space<vmem>> -> memref<288xi32, #tpu.memory_space<vmem>>
        %dma_start3A_727 = tpu.memref_slice %arg3[%mul3A_723] : memref<460800xi32, #tpu.memory_space<hbm>> -> memref<288xi32, #tpu.memory_space<hbm>>
        %dma_start3A_728 = tpu.memref_slice %arg8[%dma_start3A_724] : memref<2x!tpu.dma_semaphore, #tpu.memory_space<semaphore_mem>> -> memref<1x!tpu.dma_semaphore, #tpu.memory_space<semaphore_mem>>
        %dma_start3A_729 = tpu.memref_squeeze %dma_start3A_728 : memref<1x!tpu.dma_semaphore, #tpu.memory_space<semaphore_mem>> -> memref<!tpu.dma_semaphore, #tpu.memory_space<semaphore_mem>>
        %dma_start3A_730 = arith.constant 0 : i32
        %dma_start3A_731 = tpu.memref_slice %arg5[%dma_start3A_730] : memref<576xi32, #tpu.memory_space<vmem>> -> memref<288xi32, #tpu.memory_space<vmem>>
        %dma_start3A_732 = tpu.memref_slice %arg3[%mul3A_723] : memref<460800xi32, #tpu.memory_space<hbm>> -> memref<288xi32, #tpu.memory_space<hbm>>
        tpu.enqueue_dma source(%dma_start3A_732 : memref<288xi32, #tpu.memory_space<hbm>>) target(%dma_start3A_731 : memref<288xi32, #tpu.memory_space<vmem>>) target_semaphore(%dma_start3A_729 : memref<!tpu.dma_semaphore, #tpu.memory_space<semaphore_mem>>)
      } else {
      }
      %add3A_400 = arith.addi %select_n3A, %add3A_242 : i32
      %mul3A_401 = arith.constant 288 : i32
      %mul3A_402 = arith.muli %add3A_400, %mul3A_401 : i32
      %dma_wait3A_403 = arith.constant 1 : i32
      %dma_wait3A_404 = arith.constant 288 : i32
      %dma_wait3A_405 = tpu.memref_slice %arg5[%dma_wait3A_404] : memref<576xi32, #tpu.memory_space<vmem>> -> memref<288xi32, #tpu.memory_space<vmem>>
      %dma_wait3A_406 = tpu.memref_slice %arg3[%mul3A_402] : memref<460800xi32, #tpu.memory_space<hbm>> -> memref<288xi32, #tpu.memory_space<hbm>>
      %dma_wait3A_407 = tpu.memref_slice %arg8[%dma_wait3A_403] : memref<2x!tpu.dma_semaphore, #tpu.memory_space<semaphore_mem>> -> memref<1x!tpu.dma_semaphore, #tpu.memory_space<semaphore_mem>>
      %dma_wait3A_408 = tpu.memref_squeeze %dma_wait3A_407 : memref<1x!tpu.dma_semaphore, #tpu.memory_space<semaphore_mem>> -> memref<!tpu.dma_semaphore, #tpu.memory_space<semaphore_mem>>
      %dma_wait3A_409 = arith.constant 288 : i32
      %dma_wait3A_410 = tpu.memref_slice %arg5[%dma_wait3A_409] : memref<576xi32, #tpu.memory_space<vmem>> -> memref<288xi32, #tpu.memory_space<vmem>>
      %dma_wait3A_411 = tpu.memref_slice %arg3[%mul3A_402] : memref<460800xi32, #tpu.memory_space<hbm>> -> memref<288xi32, #tpu.memory_space<hbm>>
      tpu.wait_dma2 semaphore(%dma_wait3A_408 : memref<!tpu.dma_semaphore, #tpu.memory_space<semaphore_mem>>) src(%dma_wait3A_411 : memref<288xi32, #tpu.memory_space<hbm>>) dst(%dma_wait3A_410 : memref<288xi32, #tpu.memory_space<vmem>>)
      %dma_start3A_412 = arith.constant 1 : i32
      %dma_start3A_413 = arith.constant 0 : i32
      %dma_start3A_414 = arith.constant 1 : i32
      %dma_start3A_415 = arith.constant 0 : i32
      %dma_start3A_416 = arith.constant 0 : i32
      %dma_start3A_417 = tpu.memref_slice %arg6[%dma_start3A_412, %dma_start3A_413, %dma_start3A_415, %dma_start3A_416] : memref<2x9x32x64xi32, #tpu.memory_space<vmem>> -> memref<1x1x32x64xi32, #tpu.memory_space<vmem>>
      %dma_start3A_418 = tpu.memref_squeeze %dma_start3A_417 : memref<1x1x32x64xi32, #tpu.memory_space<vmem>> -> memref<32x64xi32, #tpu.memory_space<vmem>>
      %dma_start3A_419 = arith.constant 288 : i32
      %dma_start3A_420 = tpu.memref_slice %arg5[%dma_start3A_419] : memref<576xi32, #tpu.memory_space<vmem>> -> memref<32xi32, #tpu.memory_space<vmem>>
      %dma_start3A_421 = arith.constant 0 : i32
      %dma_start3A_422 = arith.constant 0 : i32
      %dma_start3A_423 = tpu.memref_slice %arg2[%dma_start3A_421, %dma_start3A_422] : memref<450000x64xi32, #tpu.memory_space<hbm>> -> memref<450000x64xi32, #tpu.memory_space<hbm>>
      %dma_start3A_424 = tpu.memref_slice %arg9[%dma_start3A_414] : memref<2x!tpu.dma_semaphore, #tpu.memory_space<semaphore_mem>> -> memref<1x!tpu.dma_semaphore, #tpu.memory_space<semaphore_mem>>
      %dma_start3A_425 = tpu.memref_squeeze %dma_start3A_424 : memref<1x!tpu.dma_semaphore, #tpu.memory_space<semaphore_mem>> -> memref<!tpu.dma_semaphore, #tpu.memory_space<semaphore_mem>>
      tpu.enqueue_indirect_dma source(%dma_start3A_423 : memref<450000x64xi32, #tpu.memory_space<hbm>>) target(%dma_start3A_418 : memref<32x64xi32, #tpu.memory_space<vmem>>) offsets(%dma_start3A_420 : memref<32xi32, #tpu.memory_space<vmem>>) semaphore(%dma_start3A_425 : memref<!tpu.dma_semaphore, #tpu.memory_space<semaphore_mem>>)
      %dma_start3A_426 = arith.constant 1 : i32
      %dma_start3A_427 = arith.constant 1 : i32
      %dma_start3A_428 = arith.constant 1 : i32
      %dma_start3A_429 = arith.constant 0 : i32
      %dma_start3A_430 = arith.constant 0 : i32
      %dma_start3A_431 = tpu.memref_slice %arg6[%dma_start3A_426, %dma_start3A_427, %dma_start3A_429, %dma_start3A_430] : memref<2x9x32x64xi32, #tpu.memory_space<vmem>> -> memref<1x1x32x64xi32, #tpu.memory_space<vmem>>
      %dma_start3A_432 = tpu.memref_squeeze %dma_start3A_431 : memref<1x1x32x64xi32, #tpu.memory_space<vmem>> -> memref<32x64xi32, #tpu.memory_space<vmem>>
      %dma_start3A_433 = arith.constant 320 : i32
      %dma_start3A_434 = tpu.memref_slice %arg5[%dma_start3A_433] : memref<576xi32, #tpu.memory_space<vmem>> -> memref<32xi32, #tpu.memory_space<vmem>>
      %dma_start3A_435 = arith.constant 0 : i32
      %dma_start3A_436 = arith.constant 0 : i32
      %dma_start3A_437 = tpu.memref_slice %arg2[%dma_start3A_435, %dma_start3A_436] : memref<450000x64xi32, #tpu.memory_space<hbm>> -> memref<450000x64xi32, #tpu.memory_space<hbm>>
      %dma_start3A_438 = tpu.memref_slice %arg9[%dma_start3A_428] : memref<2x!tpu.dma_semaphore, #tpu.memory_space<semaphore_mem>> -> memref<1x!tpu.dma_semaphore, #tpu.memory_space<semaphore_mem>>
      %dma_start3A_439 = tpu.memref_squeeze %dma_start3A_438 : memref<1x!tpu.dma_semaphore, #tpu.memory_space<semaphore_mem>> -> memref<!tpu.dma_semaphore, #tpu.memory_space<semaphore_mem>>
      tpu.enqueue_indirect_dma source(%dma_start3A_437 : memref<450000x64xi32, #tpu.memory_space<hbm>>) target(%dma_start3A_432 : memref<32x64xi32, #tpu.memory_space<vmem>>) offsets(%dma_start3A_434 : memref<32xi32, #tpu.memory_space<vmem>>) semaphore(%dma_start3A_439 : memref<!tpu.dma_semaphore, #tpu.memory_space<semaphore_mem>>)
      %dma_start3A_440 = arith.constant 1 : i32
      %dma_start3A_441 = arith.constant 2 : i32
      %dma_start3A_442 = arith.constant 1 : i32
      %dma_start3A_443 = arith.constant 0 : i32
      %dma_start3A_444 = arith.constant 0 : i32
      %dma_start3A_445 = tpu.memref_slice %arg6[%dma_start3A_440, %dma_start3A_441, %dma_start3A_443, %dma_start3A_444] : memref<2x9x32x64xi32, #tpu.memory_space<vmem>> -> memref<1x1x32x64xi32, #tpu.memory_space<vmem>>
      %dma_start3A_446 = tpu.memref_squeeze %dma_start3A_445 : memref<1x1x32x64xi32, #tpu.memory_space<vmem>> -> memref<32x64xi32, #tpu.memory_space<vmem>>
      %dma_start3A_447 = arith.constant 352 : i32
      %dma_start3A_448 = tpu.memref_slice %arg5[%dma_start3A_447] : memref<576xi32, #tpu.memory_space<vmem>> -> memref<32xi32, #tpu.memory_space<vmem>>
      %dma_start3A_449 = arith.constant 0 : i32
      %dma_start3A_450 = arith.constant 0 : i32
      %dma_start3A_451 = tpu.memref_slice %arg2[%dma_start3A_449, %dma_start3A_450] : memref<450000x64xi32, #tpu.memory_space<hbm>> -> memref<450000x64xi32, #tpu.memory_space<hbm>>
      %dma_start3A_452 = tpu.memref_slice %arg9[%dma_start3A_442] : memref<2x!tpu.dma_semaphore, #tpu.memory_space<semaphore_mem>> -> memref<1x!tpu.dma_semaphore, #tpu.memory_space<semaphore_mem>>
      %dma_start3A_453 = tpu.memref_squeeze %dma_start3A_452 : memref<1x!tpu.dma_semaphore, #tpu.memory_space<semaphore_mem>> -> memref<!tpu.dma_semaphore, #tpu.memory_space<semaphore_mem>>
      tpu.enqueue_indirect_dma source(%dma_start3A_451 : memref<450000x64xi32, #tpu.memory_space<hbm>>) target(%dma_start3A_446 : memref<32x64xi32, #tpu.memory_space<vmem>>) offsets(%dma_start3A_448 : memref<32xi32, #tpu.memory_space<vmem>>) semaphore(%dma_start3A_453 : memref<!tpu.dma_semaphore, #tpu.memory_space<semaphore_mem>>)
      %dma_start3A_454 = arith.constant 1 : i32
      %dma_start3A_455 = arith.constant 3 : i32
      %dma_start3A_456 = arith.constant 1 : i32
      %dma_start3A_457 = arith.constant 0 : i32
      %dma_start3A_458 = arith.constant 0 : i32
      %dma_start3A_459 = tpu.memref_slice %arg6[%dma_start3A_454, %dma_start3A_455, %dma_start3A_457, %dma_start3A_458] : memref<2x9x32x64xi32, #tpu.memory_space<vmem>> -> memref<1x1x32x64xi32, #tpu.memory_space<vmem>>
      %dma_start3A_460 = tpu.memref_squeeze %dma_start3A_459 : memref<1x1x32x64xi32, #tpu.memory_space<vmem>> -> memref<32x64xi32, #tpu.memory_space<vmem>>
      %dma_start3A_461 = arith.constant 384 : i32
      %dma_start3A_462 = tpu.memref_slice %arg5[%dma_start3A_461] : memref<576xi32, #tpu.memory_space<vmem>> -> memref<32xi32, #tpu.memory_space<vmem>>
      %dma_start3A_463 = arith.constant 0 : i32
      %dma_start3A_464 = arith.constant 0 : i32
      %dma_start3A_465 = tpu.memref_slice %arg2[%dma_start3A_463, %dma_start3A_464] : memref<450000x64xi32, #tpu.memory_space<hbm>> -> memref<450000x64xi32, #tpu.memory_space<hbm>>
      %dma_start3A_466 = tpu.memref_slice %arg9[%dma_start3A_456] : memref<2x!tpu.dma_semaphore, #tpu.memory_space<semaphore_mem>> -> memref<1x!tpu.dma_semaphore, #tpu.memory_space<semaphore_mem>>
      %dma_start3A_467 = tpu.memref_squeeze %dma_start3A_466 : memref<1x!tpu.dma_semaphore, #tpu.memory_space<semaphore_mem>> -> memref<!tpu.dma_semaphore, #tpu.memory_space<semaphore_mem>>
      tpu.enqueue_indirect_dma source(%dma_start3A_465 : memref<450000x64xi32, #tpu.memory_space<hbm>>) target(%dma_start3A_460 : memref<32x64xi32, #tpu.memory_space<vmem>>) offsets(%dma_start3A_462 : memref<32xi32, #tpu.memory_space<vmem>>) semaphore(%dma_start3A_467 : memref<!tpu.dma_semaphore, #tpu.memory_space<semaphore_mem>>)
      %dma_start3A_468 = arith.constant 1 : i32
      %dma_start3A_469 = arith.constant 4 : i32
      %dma_start3A_470 = arith.constant 1 : i32
      %dma_start3A_471 = arith.constant 0 : i32
      %dma_start3A_472 = arith.constant 0 : i32
      %dma_start3A_473 = tpu.memref_slice %arg6[%dma_start3A_468, %dma_start3A_469, %dma_start3A_471, %dma_start3A_472] : memref<2x9x32x64xi32, #tpu.memory_space<vmem>> -> memref<1x1x32x64xi32, #tpu.memory_space<vmem>>
      %dma_start3A_474 = tpu.memref_squeeze %dma_start3A_473 : memref<1x1x32x64xi32, #tpu.memory_space<vmem>> -> memref<32x64xi32, #tpu.memory_space<vmem>>
      %dma_start3A_475 = arith.constant 416 : i32
      %dma_start3A_476 = tpu.memref_slice %arg5[%dma_start3A_475] : memref<576xi32, #tpu.memory_space<vmem>> -> memref<32xi32, #tpu.memory_space<vmem>>
      %dma_start3A_477 = arith.constant 0 : i32
      %dma_start3A_478 = arith.constant 0 : i32
      %dma_start3A_479 = tpu.memref_slice %arg2[%dma_start3A_477, %dma_start3A_478] : memref<450000x64xi32, #tpu.memory_space<hbm>> -> memref<450000x64xi32, #tpu.memory_space<hbm>>
      %dma_start3A_480 = tpu.memref_slice %arg9[%dma_start3A_470] : memref<2x!tpu.dma_semaphore, #tpu.memory_space<semaphore_mem>> -> memref<1x!tpu.dma_semaphore, #tpu.memory_space<semaphore_mem>>
      %dma_start3A_481 = tpu.memref_squeeze %dma_start3A_480 : memref<1x!tpu.dma_semaphore, #tpu.memory_space<semaphore_mem>> -> memref<!tpu.dma_semaphore, #tpu.memory_space<semaphore_mem>>
      tpu.enqueue_indirect_dma source(%dma_start3A_479 : memref<450000x64xi32, #tpu.memory_space<hbm>>) target(%dma_start3A_474 : memref<32x64xi32, #tpu.memory_space<vmem>>) offsets(%dma_start3A_476 : memref<32xi32, #tpu.memory_space<vmem>>) semaphore(%dma_start3A_481 : memref<!tpu.dma_semaphore, #tpu.memory_space<semaphore_mem>>)
      %dma_start3A_482 = arith.constant 1 : i32
      %dma_start3A_483 = arith.constant 5 : i32
      %dma_start3A_484 = arith.constant 1 : i32
      %dma_start3A_485 = arith.constant 0 : i32
      %dma_start3A_486 = arith.constant 0 : i32
      %dma_start3A_487 = tpu.memref_slice %arg6[%dma_start3A_482, %dma_start3A_483, %dma_start3A_485, %dma_start3A_486] : memref<2x9x32x64xi32, #tpu.memory_space<vmem>> -> memref<1x1x32x64xi32, #tpu.memory_space<vmem>>
      %dma_start3A_488 = tpu.memref_squeeze %dma_start3A_487 : memref<1x1x32x64xi32, #tpu.memory_space<vmem>> -> memref<32x64xi32, #tpu.memory_space<vmem>>
      %dma_start3A_489 = arith.constant 448 : i32
      %dma_start3A_490 = tpu.memref_slice %arg5[%dma_start3A_489] : memref<576xi32, #tpu.memory_space<vmem>> -> memref<32xi32, #tpu.memory_space<vmem>>
      %dma_start3A_491 = arith.constant 0 : i32
      %dma_start3A_492 = arith.constant 0 : i32
      %dma_start3A_493 = tpu.memref_slice %arg2[%dma_start3A_491, %dma_start3A_492] : memref<450000x64xi32, #tpu.memory_space<hbm>> -> memref<450000x64xi32, #tpu.memory_space<hbm>>
      %dma_start3A_494 = tpu.memref_slice %arg9[%dma_start3A_484] : memref<2x!tpu.dma_semaphore, #tpu.memory_space<semaphore_mem>> -> memref<1x!tpu.dma_semaphore, #tpu.memory_space<semaphore_mem>>
      %dma_start3A_495 = tpu.memref_squeeze %dma_start3A_494 : memref<1x!tpu.dma_semaphore, #tpu.memory_space<semaphore_mem>> -> memref<!tpu.dma_semaphore, #tpu.memory_space<semaphore_mem>>
      tpu.enqueue_indirect_dma source(%dma_start3A_493 : memref<450000x64xi32, #tpu.memory_space<hbm>>) target(%dma_start3A_488 : memref<32x64xi32, #tpu.memory_space<vmem>>) offsets(%dma_start3A_490 : memref<32xi32, #tpu.memory_space<vmem>>) semaphore(%dma_start3A_495 : memref<!tpu.dma_semaphore, #tpu.memory_space<semaphore_mem>>)
      %dma_start3A_496 = arith.constant 1 : i32
      %dma_start3A_497 = arith.constant 6 : i32
      %dma_start3A_498 = arith.constant 1 : i32
      %dma_start3A_499 = arith.constant 0 : i32
      %dma_start3A_500 = arith.constant 0 : i32
      %dma_start3A_501 = tpu.memref_slice %arg6[%dma_start3A_496, %dma_start3A_497, %dma_start3A_499, %dma_start3A_500] : memref<2x9x32x64xi32, #tpu.memory_space<vmem>> -> memref<1x1x32x64xi32, #tpu.memory_space<vmem>>
      %dma_start3A_502 = tpu.memref_squeeze %dma_start3A_501 : memref<1x1x32x64xi32, #tpu.memory_space<vmem>> -> memref<32x64xi32, #tpu.memory_space<vmem>>
      %dma_start3A_503 = arith.constant 480 : i32
      %dma_start3A_504 = tpu.memref_slice %arg5[%dma_start3A_503] : memref<576xi32, #tpu.memory_space<vmem>> -> memref<32xi32, #tpu.memory_space<vmem>>
      %dma_start3A_505 = arith.constant 0 : i32
      %dma_start3A_506 = arith.constant 0 : i32
      %dma_start3A_507 = tpu.memref_slice %arg2[%dma_start3A_505, %dma_start3A_506] : memref<450000x64xi32, #tpu.memory_space<hbm>> -> memref<450000x64xi32, #tpu.memory_space<hbm>>
      %dma_start3A_508 = tpu.memref_slice %arg9[%dma_start3A_498] : memref<2x!tpu.dma_semaphore, #tpu.memory_space<semaphore_mem>> -> memref<1x!tpu.dma_semaphore, #tpu.memory_space<semaphore_mem>>
      %dma_start3A_509 = tpu.memref_squeeze %dma_start3A_508 : memref<1x!tpu.dma_semaphore, #tpu.memory_space<semaphore_mem>> -> memref<!tpu.dma_semaphore, #tpu.memory_space<semaphore_mem>>
      tpu.enqueue_indirect_dma source(%dma_start3A_507 : memref<450000x64xi32, #tpu.memory_space<hbm>>) target(%dma_start3A_502 : memref<32x64xi32, #tpu.memory_space<vmem>>) offsets(%dma_start3A_504 : memref<32xi32, #tpu.memory_space<vmem>>) semaphore(%dma_start3A_509 : memref<!tpu.dma_semaphore, #tpu.memory_space<semaphore_mem>>)
      %dma_start3A_510 = arith.constant 1 : i32
      %dma_start3A_511 = arith.constant 7 : i32
      %dma_start3A_512 = arith.constant 1 : i32
      %dma_start3A_513 = arith.constant 0 : i32
      %dma_start3A_514 = arith.constant 0 : i32
      %dma_start3A_515 = tpu.memref_slice %arg6[%dma_start3A_510, %dma_start3A_511, %dma_start3A_513, %dma_start3A_514] : memref<2x9x32x64xi32, #tpu.memory_space<vmem>> -> memref<1x1x32x64xi32, #tpu.memory_space<vmem>>
      %dma_start3A_516 = tpu.memref_squeeze %dma_start3A_515 : memref<1x1x32x64xi32, #tpu.memory_space<vmem>> -> memref<32x64xi32, #tpu.memory_space<vmem>>
      %dma_start3A_517 = arith.constant 512 : i32
      %dma_start3A_518 = tpu.memref_slice %arg5[%dma_start3A_517] : memref<576xi32, #tpu.memory_space<vmem>> -> memref<32xi32, #tpu.memory_space<vmem>>
      %dma_start3A_519 = arith.constant 0 : i32
      %dma_start3A_520 = arith.constant 0 : i32
      %dma_start3A_521 = tpu.memref_slice %arg2[%dma_start3A_519, %dma_start3A_520] : memref<450000x64xi32, #tpu.memory_space<hbm>> -> memref<450000x64xi32, #tpu.memory_space<hbm>>
      %dma_start3A_522 = tpu.memref_slice %arg9[%dma_start3A_512] : memref<2x!tpu.dma_semaphore, #tpu.memory_space<semaphore_mem>> -> memref<1x!tpu.dma_semaphore, #tpu.memory_space<semaphore_mem>>
      %dma_start3A_523 = tpu.memref_squeeze %dma_start3A_522 : memref<1x!tpu.dma_semaphore, #tpu.memory_space<semaphore_mem>> -> memref<!tpu.dma_semaphore, #tpu.memory_space<semaphore_mem>>
      tpu.enqueue_indirect_dma source(%dma_start3A_521 : memref<450000x64xi32, #tpu.memory_space<hbm>>) target(%dma_start3A_516 : memref<32x64xi32, #tpu.memory_space<vmem>>) offsets(%dma_start3A_518 : memref<32xi32, #tpu.memory_space<vmem>>) semaphore(%dma_start3A_523 : memref<!tpu.dma_semaphore, #tpu.memory_space<semaphore_mem>>)
      %dma_start3A_524 = arith.constant 1 : i32
      %dma_start3A_525 = arith.constant 8 : i32
      %dma_start3A_526 = arith.constant 1 : i32
      %dma_start3A_527 = arith.constant 0 : i32
      %dma_start3A_528 = arith.constant 0 : i32
      %dma_start3A_529 = tpu.memref_slice %arg6[%dma_start3A_524, %dma_start3A_525, %dma_start3A_527, %dma_start3A_528] : memref<2x9x32x64xi32, #tpu.memory_space<vmem>> -> memref<1x1x32x64xi32, #tpu.memory_space<vmem>>
      %dma_start3A_530 = tpu.memref_squeeze %dma_start3A_529 : memref<1x1x32x64xi32, #tpu.memory_space<vmem>> -> memref<32x64xi32, #tpu.memory_space<vmem>>
      %dma_start3A_531 = arith.constant 544 : i32
      %dma_start3A_532 = tpu.memref_slice %arg5[%dma_start3A_531] : memref<576xi32, #tpu.memory_space<vmem>> -> memref<32xi32, #tpu.memory_space<vmem>>
      %dma_start3A_533 = arith.constant 0 : i32
      %dma_start3A_534 = arith.constant 0 : i32
      %dma_start3A_535 = tpu.memref_slice %arg2[%dma_start3A_533, %dma_start3A_534] : memref<450000x64xi32, #tpu.memory_space<hbm>> -> memref<450000x64xi32, #tpu.memory_space<hbm>>
      %dma_start3A_536 = tpu.memref_slice %arg9[%dma_start3A_526] : memref<2x!tpu.dma_semaphore, #tpu.memory_space<semaphore_mem>> -> memref<1x!tpu.dma_semaphore, #tpu.memory_space<semaphore_mem>>
      %dma_start3A_537 = tpu.memref_squeeze %dma_start3A_536 : memref<1x!tpu.dma_semaphore, #tpu.memory_space<semaphore_mem>> -> memref<!tpu.dma_semaphore, #tpu.memory_space<semaphore_mem>>
      tpu.enqueue_indirect_dma source(%dma_start3A_535 : memref<450000x64xi32, #tpu.memory_space<hbm>>) target(%dma_start3A_530 : memref<32x64xi32, #tpu.memory_space<vmem>>) offsets(%dma_start3A_532 : memref<32xi32, #tpu.memory_space<vmem>>) semaphore(%dma_start3A_537 : memref<!tpu.dma_semaphore, #tpu.memory_space<semaphore_mem>>)
      %scan3A = arith.constant 0 : i32
      %scan3A_538 = arith.constant 0 : i32
      %scan3A_539 = arith.constant 32 : i32
      %scan3A_540 = arith.addi %scan3A_538, %scan3A_539 : i32
      %scan3A_541 = arith.constant 1 : i32
      scf.for %scan3A_719 = %scan3A_538 to %scan3A_540 step %scan3A_541  : i32 {
        %get3A = arith.constant 0 : i32
        %get3A_720 = arith.constant 0 : i32
        %get3A_721 = arith.index_cast %get3A : i32 to index
        %get3A_722 = arith.index_cast %get3A_720 : i32 to index
        %get3A_723 = arith.index_cast %scan3A_719 : i32 to index
        %get3A_724 = arith.constant 0 : index
        %get3A_725 = tpu.vector_load %arg6[%get3A_721, %get3A_722, %get3A_723, %get3A_724] {strides = array<i32>} : memref<2x9x32x64xi32, #tpu.memory_space<vmem>>, vector<1x1x1x16xi32>,
        %get3A_726 = vector.shape_cast %get3A_725 : vector<1x1x1x16xi32> to vector<16xi32>
        %shift_left3A = arith.constant 16 : i32
        %shift_left3A_727 = vector.broadcast %shift_left3A : i32 to vector<16xi32>
        %shift_left3A_728 = arith.shli %get3A_726, %shift_left3A_727 : vector<16xi32>
        %bitcast_convert_type3A = tpu.bitcast %shift_left3A_728 : vector<16xi32> -> vector<16xf32>
        %and3A_729 = vector.broadcast %while3A_192 : i32 to vector<16xi32>
        %and3A_730 = arith.andi %get3A_726, %and3A_729 : vector<16xi32>
        %bitcast_convert_type3A_731 = tpu.bitcast %and3A_730 : vector<16xi32> -> vector<16xf32>
        %get3A_732 = arith.constant 0 : i32
        %get3A_733 = arith.constant 1 : i32
        %get3A_734 = arith.index_cast %get3A_732 : i32 to index
        %get3A_735 = arith.index_cast %get3A_733 : i32 to index
        %get3A_736 = arith.index_cast %scan3A_719 : i32 to index
        %get3A_737 = arith.constant 0 : index
        %get3A_738 = tpu.vector_load %arg6[%get3A_734, %get3A_735, %get3A_736, %get3A_737] {strides = array<i32>} : memref<2x9x32x64xi32, #tpu.memory_space<vmem>>, vector<1x1x1x16xi32>,
        %get3A_739 = vector.shape_cast %get3A_738 : vector<1x1x1x16xi32> to vector<16xi32>
        %shift_left3A_740 = arith.constant 16 : i32
        %shift_left3A_741 = vector.broadcast %shift_left3A_740 : i32 to vector<16xi32>
        %shift_left3A_742 = arith.shli %get3A_739, %shift_left3A_741 : vector<16xi32>
        %bitcast_convert_type3A_743 = tpu.bitcast %shift_left3A_742 : vector<16xi32> -> vector<16xf32>
        %add3A_744 = arith.addf %bitcast_convert_type3A, %bitcast_convert_type3A_743 : vector<16xf32>
        %and3A_745 = vector.broadcast %while3A_192 : i32 to vector<16xi32>
        %and3A_746 = arith.andi %get3A_739, %and3A_745 : vector<16xi32>
        %bitcast_convert_type3A_747 = tpu.bitcast %and3A_746 : vector<16xi32> -> vector<16xf32>
        %add3A_748 = arith.addf %bitcast_convert_type3A_731, %bitcast_convert_type3A_747 : vector<16xf32>
        %get3A_749 = arith.constant 0 : i32
        %get3A_750 = arith.constant 2 : i32
        %get3A_751 = arith.index_cast %get3A_749 : i32 to index
        %get3A_752 = arith.index_cast %get3A_750 : i32 to index
        %get3A_753 = arith.index_cast %scan3A_719 : i32 to index
        %get3A_754 = arith.constant 0 : index
        %get3A_755 = tpu.vector_load %arg6[%get3A_751, %get3A_752, %get3A_753, %get3A_754] {strides = array<i32>} : memref<2x9x32x64xi32, #tpu.memory_space<vmem>>, vector<1x1x1x16xi32>,
        %get3A_756 = vector.shape_cast %get3A_755 : vector<1x1x1x16xi32> to vector<16xi32>
        %shift_left3A_757 = arith.constant 16 : i32
        %shift_left3A_758 = vector.broadcast %shift_left3A_757 : i32 to vector<16xi32>
        %shift_left3A_759 = arith.shli %get3A_756, %shift_left3A_758 : vector<16xi32>
        %bitcast_convert_type3A_760 = tpu.bitcast %shift_left3A_759 : vector<16xi32> -> vector<16xf32>
        %add3A_761 = arith.addf %add3A_744, %bitcast_convert_type3A_760 : vector<16xf32>
        %and3A_762 = vector.broadcast %while3A_192 : i32 to vector<16xi32>
        %and3A_763 = arith.andi %get3A_756, %and3A_762 : vector<16xi32>
        %bitcast_convert_type3A_764 = tpu.bitcast %and3A_763 : vector<16xi32> -> vector<16xf32>
        %add3A_765 = arith.addf %add3A_748, %bitcast_convert_type3A_764 : vector<16xf32>
        %get3A_766 = arith.constant 0 : i32
        %get3A_767 = arith.constant 3 : i32
        %get3A_768 = arith.index_cast %get3A_766 : i32 to index
        %get3A_769 = arith.index_cast %get3A_767 : i32 to index
        %get3A_770 = arith.index_cast %scan3A_719 : i32 to index
        %get3A_771 = arith.constant 0 : index
        %get3A_772 = tpu.vector_load %arg6[%get3A_768, %get3A_769, %get3A_770, %get3A_771] {strides = array<i32>} : memref<2x9x32x64xi32, #tpu.memory_space<vmem>>, vector<1x1x1x16xi32>,
        %get3A_773 = vector.shape_cast %get3A_772 : vector<1x1x1x16xi32> to vector<16xi32>
        %shift_left3A_774 = arith.constant 16 : i32
        %shift_left3A_775 = vector.broadcast %shift_left3A_774 : i32 to vector<16xi32>
        %shift_left3A_776 = arith.shli %get3A_773, %shift_left3A_775 : vector<16xi32>
        %bitcast_convert_type3A_777 = tpu.bitcast %shift_left3A_776 : vector<16xi32> -> vector<16xf32>
        %add3A_778 = arith.addf %add3A_761, %bitcast_convert_type3A_777 : vector<16xf32>
        %and3A_779 = vector.broadcast %while3A_192 : i32 to vector<16xi32>
        %and3A_780 = arith.andi %get3A_773, %and3A_779 : vector<16xi32>
        %bitcast_convert_type3A_781 = tpu.bitcast %and3A_780 : vector<16xi32> -> vector<16xf32>
        %add3A_782 = arith.addf %add3A_765, %bitcast_convert_type3A_781 : vector<16xf32>
        %get3A_783 = arith.constant 0 : i32
        %get3A_784 = arith.constant 4 : i32
        %get3A_785 = arith.index_cast %get3A_783 : i32 to index
        %get3A_786 = arith.index_cast %get3A_784 : i32 to index
        %get3A_787 = arith.index_cast %scan3A_719 : i32 to index
        %get3A_788 = arith.constant 0 : index
        %get3A_789 = tpu.vector_load %arg6[%get3A_785, %get3A_786, %get3A_787, %get3A_788] {strides = array<i32>} : memref<2x9x32x64xi32, #tpu.memory_space<vmem>>, vector<1x1x1x16xi32>,
        %get3A_790 = vector.shape_cast %get3A_789 : vector<1x1x1x16xi32> to vector<16xi32>
        %shift_left3A_791 = arith.constant 16 : i32
        %shift_left3A_792 = vector.broadcast %shift_left3A_791 : i32 to vector<16xi32>
        %shift_left3A_793 = arith.shli %get3A_790, %shift_left3A_792 : vector<16xi32>
        %bitcast_convert_type3A_794 = tpu.bitcast %shift_left3A_793 : vector<16xi32> -> vector<16xf32>
        %add3A_795 = arith.addf %add3A_778, %bitcast_convert_type3A_794 : vector<16xf32>
        %and3A_796 = vector.broadcast %while3A_192 : i32 to vector<16xi32>
        %and3A_797 = arith.andi %get3A_790, %and3A_796 : vector<16xi32>
        %bitcast_convert_type3A_798 = tpu.bitcast %and3A_797 : vector<16xi32> -> vector<16xf32>
        %add3A_799 = arith.addf %add3A_782, %bitcast_convert_type3A_798 : vector<16xf32>
        %get3A_800 = arith.constant 0 : i32
        %get3A_801 = arith.constant 5 : i32
        %get3A_802 = arith.index_cast %get3A_800 : i32 to index
        %get3A_803 = arith.index_cast %get3A_801 : i32 to index
        %get3A_804 = arith.index_cast %scan3A_719 : i32 to index
        %get3A_805 = arith.constant 0 : index
        %get3A_806 = tpu.vector_load %arg6[%get3A_802, %get3A_803, %get3A_804, %get3A_805] {strides = array<i32>} : memref<2x9x32x64xi32, #tpu.memory_space<vmem>>, vector<1x1x1x16xi32>,
        %get3A_807 = vector.shape_cast %get3A_806 : vector<1x1x1x16xi32> to vector<16xi32>
        %shift_left3A_808 = arith.constant 16 : i32
        %shift_left3A_809 = vector.broadcast %shift_left3A_808 : i32 to vector<16xi32>
        %shift_left3A_810 = arith.shli %get3A_807, %shift_left3A_809 : vector<16xi32>
        %bitcast_convert_type3A_811 = tpu.bitcast %shift_left3A_810 : vector<16xi32> -> vector<16xf32>
        %add3A_812 = arith.addf %add3A_795, %bitcast_convert_type3A_811 : vector<16xf32>
        %and3A_813 = vector.broadcast %while3A_192 : i32 to vector<16xi32>
        %and3A_814 = arith.andi %get3A_807, %and3A_813 : vector<16xi32>
        %bitcast_convert_type3A_815 = tpu.bitcast %and3A_814 : vector<16xi32> -> vector<16xf32>
        %add3A_816 = arith.addf %add3A_799, %bitcast_convert_type3A_815 : vector<16xf32>
        %get3A_817 = arith.constant 0 : i32
        %get3A_818 = arith.constant 6 : i32
        %get3A_819 = arith.index_cast %get3A_817 : i32 to index
        %get3A_820 = arith.index_cast %get3A_818 : i32 to index
        %get3A_821 = arith.index_cast %scan3A_719 : i32 to index
        %get3A_822 = arith.constant 0 : index
        %get3A_823 = tpu.vector_load %arg6[%get3A_819, %get3A_820, %get3A_821, %get3A_822] {strides = array<i32>} : memref<2x9x32x64xi32, #tpu.memory_space<vmem>>, vector<1x1x1x16xi32>,
        %get3A_824 = vector.shape_cast %get3A_823 : vector<1x1x1x16xi32> to vector<16xi32>
        %shift_left3A_825 = arith.constant 16 : i32
        %shift_left3A_826 = vector.broadcast %shift_left3A_825 : i32 to vector<16xi32>
        %shift_left3A_827 = arith.shli %get3A_824, %shift_left3A_826 : vector<16xi32>
        %bitcast_convert_type3A_828 = tpu.bitcast %shift_left3A_827 : vector<16xi32> -> vector<16xf32>
        %add3A_829 = arith.addf %add3A_812, %bitcast_convert_type3A_828 : vector<16xf32>
        %and3A_830 = vector.broadcast %while3A_192 : i32 to vector<16xi32>
        %and3A_831 = arith.andi %get3A_824, %and3A_830 : vector<16xi32>
        %bitcast_convert_type3A_832 = tpu.bitcast %and3A_831 : vector<16xi32> -> vector<16xf32>
        %add3A_833 = arith.addf %add3A_816, %bitcast_convert_type3A_832 : vector<16xf32>
        %get3A_834 = arith.constant 0 : i32
        %get3A_835 = arith.constant 7 : i32
        %get3A_836 = arith.index_cast %get3A_834 : i32 to index
        %get3A_837 = arith.index_cast %get3A_835 : i32 to index
        %get3A_838 = arith.index_cast %scan3A_719 : i32 to index
        %get3A_839 = arith.constant 0 : index
        %get3A_840 = tpu.vector_load %arg6[%get3A_836, %get3A_837, %get3A_838, %get3A_839] {strides = array<i32>} : memref<2x9x32x64xi32, #tpu.memory_space<vmem>>, vector<1x1x1x16xi32>,
        %get3A_841 = vector.shape_cast %get3A_840 : vector<1x1x1x16xi32> to vector<16xi32>
        %shift_left3A_842 = arith.constant 16 : i32
        %shift_left3A_843 = vector.broadcast %shift_left3A_842 : i32 to vector<16xi32>
        %shift_left3A_844 = arith.shli %get3A_841, %shift_left3A_843 : vector<16xi32>
        %bitcast_convert_type3A_845 = tpu.bitcast %shift_left3A_844 : vector<16xi32> -> vector<16xf32>
        %add3A_846 = arith.addf %add3A_829, %bitcast_convert_type3A_845 : vector<16xf32>
        %and3A_847 = vector.broadcast %while3A_192 : i32 to vector<16xi32>
        %and3A_848 = arith.andi %get3A_841, %and3A_847 : vector<16xi32>
        %bitcast_convert_type3A_849 = tpu.bitcast %and3A_848 : vector<16xi32> -> vector<16xf32>
        %add3A_850 = arith.addf %add3A_833, %bitcast_convert_type3A_849 : vector<16xf32>
        %get3A_851 = arith.constant 0 : i32
        %get3A_852 = arith.constant 8 : i32
        %get3A_853 = arith.index_cast %get3A_851 : i32 to index
        %get3A_854 = arith.index_cast %get3A_852 : i32 to index
        %get3A_855 = arith.index_cast %scan3A_719 : i32 to index
        %get3A_856 = arith.constant 0 : index
        %get3A_857 = tpu.vector_load %arg6[%get3A_853, %get3A_854, %get3A_855, %get3A_856] {strides = array<i32>} : memref<2x9x32x64xi32, #tpu.memory_space<vmem>>, vector<1x1x1x16xi32>,
        %get3A_858 = vector.shape_cast %get3A_857 : vector<1x1x1x16xi32> to vector<16xi32>
        %shift_left3A_859 = arith.constant 16 : i32
        %shift_left3A_860 = vector.broadcast %shift_left3A_859 : i32 to vector<16xi32>
        %shift_left3A_861 = arith.shli %get3A_858, %shift_left3A_860 : vector<16xi32>
        %bitcast_convert_type3A_862 = tpu.bitcast %shift_left3A_861 : vector<16xi32> -> vector<16xf32>
        %add3A_863 = arith.addf %add3A_846, %bitcast_convert_type3A_862 : vector<16xf32>
        %and3A_864 = vector.broadcast %while3A_192 : i32 to vector<16xi32>
        %and3A_865 = arith.andi %get3A_858, %and3A_864 : vector<16xi32>
        %bitcast_convert_type3A_866 = tpu.bitcast %and3A_865 : vector<16xi32> -> vector<16xf32>
        %add3A_867 = arith.addf %add3A_850, %bitcast_convert_type3A_866 : vector<16xf32>
        %swap3A = arith.constant 0 : i32
        %swap3A_868 = arith.index_cast %swap3A : i32 to index
        %swap3A_869 = arith.index_cast %scan3A_719 : i32 to index
        %swap3A_870 = arith.constant 0 : index
        %swap3A_871 = tpu.vector_load %arg7[%swap3A_868, %swap3A_869, %swap3A_870] {strides = array<i32>} : memref<2x32x128xf32, #tpu.memory_space<vmem>>, vector<1x1x16xf32>,
        %swap3A_872 = vector.shape_cast %swap3A_871 : vector<1x1x16xf32> to vector<16xf32>
        %swap3A_873 = vector.shape_cast %add3A_863 : vector<16xf32> to vector<1x1x16xf32>
        tpu.vector_store %arg7[%swap3A_868, %swap3A_869, %swap3A_870], %swap3A_873 {strides = array<i32>} : memref<2x32x128xf32, #tpu.memory_space<vmem>>, vector<1x1x16xf32>,
        %swap3A_874 = arith.constant 0 : i32
        %swap3A_875 = arith.index_cast %swap3A_874 : i32 to index
        %swap3A_876 = arith.index_cast %scan3A_719 : i32 to index
        %swap3A_877 = arith.constant 64 : index
        %swap3A_878 = tpu.vector_load %arg7[%swap3A_875, %swap3A_876, %swap3A_877] {strides = array<i32>} : memref<2x32x128xf32, #tpu.memory_space<vmem>>, vector<1x1x16xf32>,
        %swap3A_879 = vector.shape_cast %swap3A_878 : vector<1x1x16xf32> to vector<16xf32>
        %swap3A_880 = vector.shape_cast %add3A_867 : vector<16xf32> to vector<1x1x16xf32>
        tpu.vector_store %arg7[%swap3A_875, %swap3A_876, %swap3A_877], %swap3A_880 {strides = array<i32>} : memref<2x32x128xf32, #tpu.memory_space<vmem>>, vector<1x1x16xf32>,
        %get3A_881 = arith.constant 0 : i32
        %get3A_882 = arith.constant 0 : i32
        %get3A_883 = arith.index_cast %get3A_881 : i32 to index
        %get3A_884 = arith.index_cast %get3A_882 : i32 to index
        %get3A_885 = arith.index_cast %scan3A_719 : i32 to index
        %get3A_886 = arith.constant 16 : index
        %get3A_887 = tpu.vector_load %arg6[%get3A_883, %get3A_884, %get3A_885, %get3A_886] {strides = array<i32>} : memref<2x9x32x64xi32, #tpu.memory_space<vmem>>, vector<1x1x1x16xi32>,
        %get3A_888 = vector.shape_cast %get3A_887 : vector<1x1x1x16xi32> to vector<16xi32>
        %shift_left3A_889 = arith.constant 16 : i32
        %shift_left3A_890 = vector.broadcast %shift_left3A_889 : i32 to vector<16xi32>
        %shift_left3A_891 = arith.shli %get3A_888, %shift_left3A_890 : vector<16xi32>
        %bitcast_convert_type3A_892 = tpu.bitcast %shift_left3A_891 : vector<16xi32> -> vector<16xf32>
        %and3A_893 = vector.broadcast %while3A_192 : i32 to vector<16xi32>
        %and3A_894 = arith.andi %get3A_888, %and3A_893 : vector<16xi32>
        %bitcast_convert_type3A_895 = tpu.bitcast %and3A_894 : vector<16xi32> -> vector<16xf32>
        %get3A_896 = arith.constant 0 : i32
        %get3A_897 = arith.constant 1 : i32
        %get3A_898 = arith.index_cast %get3A_896 : i32 to index
        %get3A_899 = arith.index_cast %get3A_897 : i32 to index
        %get3A_900 = arith.index_cast %scan3A_719 : i32 to index
        %get3A_901 = arith.constant 16 : index
        %get3A_902 = tpu.vector_load %arg6[%get3A_898, %get3A_899, %get3A_900, %get3A_901] {strides = array<i32>} : memref<2x9x32x64xi32, #tpu.memory_space<vmem>>, vector<1x1x1x16xi32>,
        %get3A_903 = vector.shape_cast %get3A_902 : vector<1x1x1x16xi32> to vector<16xi32>
        %shift_left3A_904 = arith.constant 16 : i32
        %shift_left3A_905 = vector.broadcast %shift_left3A_904 : i32 to vector<16xi32>
        %shift_left3A_906 = arith.shli %get3A_903, %shift_left3A_905 : vector<16xi32>
        %bitcast_convert_type3A_907 = tpu.bitcast %shift_left3A_906 : vector<16xi32> -> vector<16xf32>
        %add3A_908 = arith.addf %bitcast_convert_type3A_892, %bitcast_convert_type3A_907 : vector<16xf32>
        %and3A_909 = vector.broadcast %while3A_192 : i32 to vector<16xi32>
        %and3A_910 = arith.andi %get3A_903, %and3A_909 : vector<16xi32>
        %bitcast_convert_type3A_911 = tpu.bitcast %and3A_910 : vector<16xi32> -> vector<16xf32>
        %add3A_912 = arith.addf %bitcast_convert_type3A_895, %bitcast_convert_type3A_911 : vector<16xf32>
        %get3A_913 = arith.constant 0 : i32
        %get3A_914 = arith.constant 2 : i32
        %get3A_915 = arith.index_cast %get3A_913 : i32 to index
        %get3A_916 = arith.index_cast %get3A_914 : i32 to index
        %get3A_917 = arith.index_cast %scan3A_719 : i32 to index
        %get3A_918 = arith.constant 16 : index
        %get3A_919 = tpu.vector_load %arg6[%get3A_915, %get3A_916, %get3A_917, %get3A_918] {strides = array<i32>} : memref<2x9x32x64xi32, #tpu.memory_space<vmem>>, vector<1x1x1x16xi32>,
        %get3A_920 = vector.shape_cast %get3A_919 : vector<1x1x1x16xi32> to vector<16xi32>
        %shift_left3A_921 = arith.constant 16 : i32
        %shift_left3A_922 = vector.broadcast %shift_left3A_921 : i32 to vector<16xi32>
        %shift_left3A_923 = arith.shli %get3A_920, %shift_left3A_922 : vector<16xi32>
        %bitcast_convert_type3A_924 = tpu.bitcast %shift_left3A_923 : vector<16xi32> -> vector<16xf32>
        %add3A_925 = arith.addf %add3A_908, %bitcast_convert_type3A_924 : vector<16xf32>
        %and3A_926 = vector.broadcast %while3A_192 : i32 to vector<16xi32>
        %and3A_927 = arith.andi %get3A_920, %and3A_926 : vector<16xi32>
        %bitcast_convert_type3A_928 = tpu.bitcast %and3A_927 : vector<16xi32> -> vector<16xf32>
        %add3A_929 = arith.addf %add3A_912, %bitcast_convert_type3A_928 : vector<16xf32>
        %get3A_930 = arith.constant 0 : i32
        %get3A_931 = arith.constant 3 : i32
        %get3A_932 = arith.index_cast %get3A_930 : i32 to index
        %get3A_933 = arith.index_cast %get3A_931 : i32 to index
        %get3A_934 = arith.index_cast %scan3A_719 : i32 to index
        %get3A_935 = arith.constant 16 : index
        %get3A_936 = tpu.vector_load %arg6[%get3A_932, %get3A_933, %get3A_934, %get3A_935] {strides = array<i32>} : memref<2x9x32x64xi32, #tpu.memory_space<vmem>>, vector<1x1x1x16xi32>,
        %get3A_937 = vector.shape_cast %get3A_936 : vector<1x1x1x16xi32> to vector<16xi32>
        %shift_left3A_938 = arith.constant 16 : i32
        %shift_left3A_939 = vector.broadcast %shift_left3A_938 : i32 to vector<16xi32>
        %shift_left3A_940 = arith.shli %get3A_937, %shift_left3A_939 : vector<16xi32>
        %bitcast_convert_type3A_941 = tpu.bitcast %shift_left3A_940 : vector<16xi32> -> vector<16xf32>
        %add3A_942 = arith.addf %add3A_925, %bitcast_convert_type3A_941 : vector<16xf32>
        %and3A_943 = vector.broadcast %while3A_192 : i32 to vector<16xi32>
        %and3A_944 = arith.andi %get3A_937, %and3A_943 : vector<16xi32>
        %bitcast_convert_type3A_945 = tpu.bitcast %and3A_944 : vector<16xi32> -> vector<16xf32>
        %add3A_946 = arith.addf %add3A_929, %bitcast_convert_type3A_945 : vector<16xf32>
        %get3A_947 = arith.constant 0 : i32
        %get3A_948 = arith.constant 4 : i32
        %get3A_949 = arith.index_cast %get3A_947 : i32 to index
        %get3A_950 = arith.index_cast %get3A_948 : i32 to index
        %get3A_951 = arith.index_cast %scan3A_719 : i32 to index
        %get3A_952 = arith.constant 16 : index
        %get3A_953 = tpu.vector_load %arg6[%get3A_949, %get3A_950, %get3A_951, %get3A_952] {strides = array<i32>} : memref<2x9x32x64xi32, #tpu.memory_space<vmem>>, vector<1x1x1x16xi32>,
        %get3A_954 = vector.shape_cast %get3A_953 : vector<1x1x1x16xi32> to vector<16xi32>
        %shift_left3A_955 = arith.constant 16 : i32
        %shift_left3A_956 = vector.broadcast %shift_left3A_955 : i32 to vector<16xi32>
        %shift_left3A_957 = arith.shli %get3A_954, %shift_left3A_956 : vector<16xi32>
        %bitcast_convert_type3A_958 = tpu.bitcast %shift_left3A_957 : vector<16xi32> -> vector<16xf32>
        %add3A_959 = arith.addf %add3A_942, %bitcast_convert_type3A_958 : vector<16xf32>
        %and3A_960 = vector.broadcast %while3A_192 : i32 to vector<16xi32>
        %and3A_961 = arith.andi %get3A_954, %and3A_960 : vector<16xi32>
        %bitcast_convert_type3A_962 = tpu.bitcast %and3A_961 : vector<16xi32> -> vector<16xf32>
        %add3A_963 = arith.addf %add3A_946, %bitcast_convert_type3A_962 : vector<16xf32>
        %get3A_964 = arith.constant 0 : i32
        %get3A_965 = arith.constant 5 : i32
        %get3A_966 = arith.index_cast %get3A_964 : i32 to index
        %get3A_967 = arith.index_cast %get3A_965 : i32 to index
        %get3A_968 = arith.index_cast %scan3A_719 : i32 to index
        %get3A_969 = arith.constant 16 : index
        %get3A_970 = tpu.vector_load %arg6[%get3A_966, %get3A_967, %get3A_968, %get3A_969] {strides = array<i32>} : memref<2x9x32x64xi32, #tpu.memory_space<vmem>>, vector<1x1x1x16xi32>,
        %get3A_971 = vector.shape_cast %get3A_970 : vector<1x1x1x16xi32> to vector<16xi32>
        %shift_left3A_972 = arith.constant 16 : i32
        %shift_left3A_973 = vector.broadcast %shift_left3A_972 : i32 to vector<16xi32>
        %shift_left3A_974 = arith.shli %get3A_971, %shift_left3A_973 : vector<16xi32>
        %bitcast_convert_type3A_975 = tpu.bitcast %shift_left3A_974 : vector<16xi32> -> vector<16xf32>
        %add3A_976 = arith.addf %add3A_959, %bitcast_convert_type3A_975 : vector<16xf32>
        %and3A_977 = vector.broadcast %while3A_192 : i32 to vector<16xi32>
        %and3A_978 = arith.andi %get3A_971, %and3A_977 : vector<16xi32>
        %bitcast_convert_type3A_979 = tpu.bitcast %and3A_978 : vector<16xi32> -> vector<16xf32>
        %add3A_980 = arith.addf %add3A_963, %bitcast_convert_type3A_979 : vector<16xf32>
        %get3A_981 = arith.constant 0 : i32
        %get3A_982 = arith.constant 6 : i32
        %get3A_983 = arith.index_cast %get3A_981 : i32 to index
        %get3A_984 = arith.index_cast %get3A_982 : i32 to index
        %get3A_985 = arith.index_cast %scan3A_719 : i32 to index
        %get3A_986 = arith.constant 16 : index
        %get3A_987 = tpu.vector_load %arg6[%get3A_983, %get3A_984, %get3A_985, %get3A_986] {strides = array<i32>} : memref<2x9x32x64xi32, #tpu.memory_space<vmem>>, vector<1x1x1x16xi32>,
        %get3A_988 = vector.shape_cast %get3A_987 : vector<1x1x1x16xi32> to vector<16xi32>
        %shift_left3A_989 = arith.constant 16 : i32
        %shift_left3A_990 = vector.broadcast %shift_left3A_989 : i32 to vector<16xi32>
        %shift_left3A_991 = arith.shli %get3A_988, %shift_left3A_990 : vector<16xi32>
        %bitcast_convert_type3A_992 = tpu.bitcast %shift_left3A_991 : vector<16xi32> -> vector<16xf32>
        %add3A_993 = arith.addf %add3A_976, %bitcast_convert_type3A_992 : vector<16xf32>
        %and3A_994 = vector.broadcast %while3A_192 : i32 to vector<16xi32>
        %and3A_995 = arith.andi %get3A_988, %and3A_994 : vector<16xi32>
        %bitcast_convert_type3A_996 = tpu.bitcast %and3A_995 : vector<16xi32> -> vector<16xf32>
        %add3A_997 = arith.addf %add3A_980, %bitcast_convert_type3A_996 : vector<16xf32>
        %get3A_998 = arith.constant 0 : i32
        %get3A_999 = arith.constant 7 : i32
        %get3A_1000 = arith.index_cast %get3A_998 : i32 to index
        %get3A_1001 = arith.index_cast %get3A_999 : i32 to index
        %get3A_1002 = arith.index_cast %scan3A_719 : i32 to index
        %get3A_1003 = arith.constant 16 : index
        %get3A_1004 = tpu.vector_load %arg6[%get3A_1000, %get3A_1001, %get3A_1002, %get3A_1003] {strides = array<i32>} : memref<2x9x32x64xi32, #tpu.memory_space<vmem>>, vector<1x1x1x16xi32>,
        %get3A_1005 = vector.shape_cast %get3A_1004 : vector<1x1x1x16xi32> to vector<16xi32>
        %shift_left3A_1006 = arith.constant 16 : i32
        %shift_left3A_1007 = vector.broadcast %shift_left3A_1006 : i32 to vector<16xi32>
        %shift_left3A_1008 = arith.shli %get3A_1005, %shift_left3A_1007 : vector<16xi32>
        %bitcast_convert_type3A_1009 = tpu.bitcast %shift_left3A_1008 : vector<16xi32> -> vector<16xf32>
        %add3A_1010 = arith.addf %add3A_993, %bitcast_convert_type3A_1009 : vector<16xf32>
        %and3A_1011 = vector.broadcast %while3A_192 : i32 to vector<16xi32>
        %and3A_1012 = arith.andi %get3A_1005, %and3A_1011 : vector<16xi32>
        %bitcast_convert_type3A_1013 = tpu.bitcast %and3A_1012 : vector<16xi32> -> vector<16xf32>
        %add3A_1014 = arith.addf %add3A_997, %bitcast_convert_type3A_1013 : vector<16xf32>
        %get3A_1015 = arith.constant 0 : i32
        %get3A_1016 = arith.constant 8 : i32
        %get3A_1017 = arith.index_cast %get3A_1015 : i32 to index
        %get3A_1018 = arith.index_cast %get3A_1016 : i32 to index
        %get3A_1019 = arith.index_cast %scan3A_719 : i32 to index
        %get3A_1020 = arith.constant 16 : index
        %get3A_1021 = tpu.vector_load %arg6[%get3A_1017, %get3A_1018, %get3A_1019, %get3A_1020] {strides = array<i32>} : memref<2x9x32x64xi32, #tpu.memory_space<vmem>>, vector<1x1x1x16xi32>,
        %get3A_1022 = vector.shape_cast %get3A_1021 : vector<1x1x1x16xi32> to vector<16xi32>
        %shift_left3A_1023 = arith.constant 16 : i32
        %shift_left3A_1024 = vector.broadcast %shift_left3A_1023 : i32 to vector<16xi32>
        %shift_left3A_1025 = arith.shli %get3A_1022, %shift_left3A_1024 : vector<16xi32>
        %bitcast_convert_type3A_1026 = tpu.bitcast %shift_left3A_1025 : vector<16xi32> -> vector<16xf32>
        %add3A_1027 = arith.addf %add3A_1010, %bitcast_convert_type3A_1026 : vector<16xf32>
        %and3A_1028 = vector.broadcast %while3A_192 : i32 to vector<16xi32>
        %and3A_1029 = arith.andi %get3A_1022, %and3A_1028 : vector<16xi32>
        %bitcast_convert_type3A_1030 = tpu.bitcast %and3A_1029 : vector<16xi32> -> vector<16xf32>
        %add3A_1031 = arith.addf %add3A_1014, %bitcast_convert_type3A_1030 : vector<16xf32>
        %swap3A_1032 = arith.constant 0 : i32
        %swap3A_1033 = arith.index_cast %swap3A_1032 : i32 to index
        %swap3A_1034 = arith.index_cast %scan3A_719 : i32 to index
        %swap3A_1035 = arith.constant 16 : index
        %swap3A_1036 = tpu.vector_load %arg7[%swap3A_1033, %swap3A_1034, %swap3A_1035] {strides = array<i32>} : memref<2x32x128xf32, #tpu.memory_space<vmem>>, vector<1x1x16xf32>,
        %swap3A_1037 = vector.shape_cast %swap3A_1036 : vector<1x1x16xf32> to vector<16xf32>
        %swap3A_1038 = vector.shape_cast %add3A_1027 : vector<16xf32> to vector<1x1x16xf32>
        tpu.vector_store %arg7[%swap3A_1033, %swap3A_1034, %swap3A_1035], %swap3A_1038 {strides = array<i32>} : memref<2x32x128xf32, #tpu.memory_space<vmem>>, vector<1x1x16xf32>,
        %swap3A_1039 = arith.constant 0 : i32
        %swap3A_1040 = arith.index_cast %swap3A_1039 : i32 to index
        %swap3A_1041 = arith.index_cast %scan3A_719 : i32 to index
        %swap3A_1042 = arith.constant 80 : index
        %swap3A_1043 = tpu.vector_load %arg7[%swap3A_1040, %swap3A_1041, %swap3A_1042] {strides = array<i32>} : memref<2x32x128xf32, #tpu.memory_space<vmem>>, vector<1x1x16xf32>,
        %swap3A_1044 = vector.shape_cast %swap3A_1043 : vector<1x1x16xf32> to vector<16xf32>
        %swap3A_1045 = vector.shape_cast %add3A_1031 : vector<16xf32> to vector<1x1x16xf32>
        tpu.vector_store %arg7[%swap3A_1040, %swap3A_1041, %swap3A_1042], %swap3A_1045 {strides = array<i32>} : memref<2x32x128xf32, #tpu.memory_space<vmem>>, vector<1x1x16xf32>,
        %get3A_1046 = arith.constant 0 : i32
        %get3A_1047 = arith.constant 0 : i32
        %get3A_1048 = arith.index_cast %get3A_1046 : i32 to index
        %get3A_1049 = arith.index_cast %get3A_1047 : i32 to index
        %get3A_1050 = arith.index_cast %scan3A_719 : i32 to index
        %get3A_1051 = arith.constant 32 : index
        %get3A_1052 = tpu.vector_load %arg6[%get3A_1048, %get3A_1049, %get3A_1050, %get3A_1051] {strides = array<i32>} : memref<2x9x32x64xi32, #tpu.memory_space<vmem>>, vector<1x1x1x16xi32>,
        %get3A_1053 = vector.shape_cast %get3A_1052 : vector<1x1x1x16xi32> to vector<16xi32>
        %shift_left3A_1054 = arith.constant 16 : i32
        %shift_left3A_1055 = vector.broadcast %shift_left3A_1054 : i32 to vector<16xi32>
        %shift_left3A_1056 = arith.shli %get3A_1053, %shift_left3A_1055 : vector<16xi32>
        %bitcast_convert_type3A_1057 = tpu.bitcast %shift_left3A_1056 : vector<16xi32> -> vector<16xf32>
        %and3A_1058 = vector.broadcast %while3A_192 : i32 to vector<16xi32>
        %and3A_1059 = arith.andi %get3A_1053, %and3A_1058 : vector<16xi32>
        %bitcast_convert_type3A_1060 = tpu.bitcast %and3A_1059 : vector<16xi32> -> vector<16xf32>
        %get3A_1061 = arith.constant 0 : i32
        %get3A_1062 = arith.constant 1 : i32
        %get3A_1063 = arith.index_cast %get3A_1061 : i32 to index
        %get3A_1064 = arith.index_cast %get3A_1062 : i32 to index
        %get3A_1065 = arith.index_cast %scan3A_719 : i32 to index
        %get3A_1066 = arith.constant 32 : index
        %get3A_1067 = tpu.vector_load %arg6[%get3A_1063, %get3A_1064, %get3A_1065, %get3A_1066] {strides = array<i32>} : memref<2x9x32x64xi32, #tpu.memory_space<vmem>>, vector<1x1x1x16xi32>,
        %get3A_1068 = vector.shape_cast %get3A_1067 : vector<1x1x1x16xi32> to vector<16xi32>
        %shift_left3A_1069 = arith.constant 16 : i32
        %shift_left3A_1070 = vector.broadcast %shift_left3A_1069 : i32 to vector<16xi32>
        %shift_left3A_1071 = arith.shli %get3A_1068, %shift_left3A_1070 : vector<16xi32>
        %bitcast_convert_type3A_1072 = tpu.bitcast %shift_left3A_1071 : vector<16xi32> -> vector<16xf32>
        %add3A_1073 = arith.addf %bitcast_convert_type3A_1057, %bitcast_convert_type3A_1072 : vector<16xf32>
        %and3A_1074 = vector.broadcast %while3A_192 : i32 to vector<16xi32>
        %and3A_1075 = arith.andi %get3A_1068, %and3A_1074 : vector<16xi32>
        %bitcast_convert_type3A_1076 = tpu.bitcast %and3A_1075 : vector<16xi32> -> vector<16xf32>
        %add3A_1077 = arith.addf %bitcast_convert_type3A_1060, %bitcast_convert_type3A_1076 : vector<16xf32>
        %get3A_1078 = arith.constant 0 : i32
        %get3A_1079 = arith.constant 2 : i32
        %get3A_1080 = arith.index_cast %get3A_1078 : i32 to index
        %get3A_1081 = arith.index_cast %get3A_1079 : i32 to index
        %get3A_1082 = arith.index_cast %scan3A_719 : i32 to index
        %get3A_1083 = arith.constant 32 : index
        %get3A_1084 = tpu.vector_load %arg6[%get3A_1080, %get3A_1081, %get3A_1082, %get3A_1083] {strides = array<i32>} : memref<2x9x32x64xi32, #tpu.memory_space<vmem>>, vector<1x1x1x16xi32>,
        %get3A_1085 = vector.shape_cast %get3A_1084 : vector<1x1x1x16xi32> to vector<16xi32>
        %shift_left3A_1086 = arith.constant 16 : i32
        %shift_left3A_1087 = vector.broadcast %shift_left3A_1086 : i32 to vector<16xi32>
        %shift_left3A_1088 = arith.shli %get3A_1085, %shift_left3A_1087 : vector<16xi32>
        %bitcast_convert_type3A_1089 = tpu.bitcast %shift_left3A_1088 : vector<16xi32> -> vector<16xf32>
        %add3A_1090 = arith.addf %add3A_1073, %bitcast_convert_type3A_1089 : vector<16xf32>
        %and3A_1091 = vector.broadcast %while3A_192 : i32 to vector<16xi32>
        %and3A_1092 = arith.andi %get3A_1085, %and3A_1091 : vector<16xi32>
        %bitcast_convert_type3A_1093 = tpu.bitcast %and3A_1092 : vector<16xi32> -> vector<16xf32>
        %add3A_1094 = arith.addf %add3A_1077, %bitcast_convert_type3A_1093 : vector<16xf32>
        %get3A_1095 = arith.constant 0 : i32
        %get3A_1096 = arith.constant 3 : i32
        %get3A_1097 = arith.index_cast %get3A_1095 : i32 to index
        %get3A_1098 = arith.index_cast %get3A_1096 : i32 to index
        %get3A_1099 = arith.index_cast %scan3A_719 : i32 to index
        %get3A_1100 = arith.constant 32 : index
        %get3A_1101 = tpu.vector_load %arg6[%get3A_1097, %get3A_1098, %get3A_1099, %get3A_1100] {strides = array<i32>} : memref<2x9x32x64xi32, #tpu.memory_space<vmem>>, vector<1x1x1x16xi32>,
        %get3A_1102 = vector.shape_cast %get3A_1101 : vector<1x1x1x16xi32> to vector<16xi32>
        %shift_left3A_1103 = arith.constant 16 : i32
        %shift_left3A_1104 = vector.broadcast %shift_left3A_1103 : i32 to vector<16xi32>
        %shift_left3A_1105 = arith.shli %get3A_1102, %shift_left3A_1104 : vector<16xi32>
        %bitcast_convert_type3A_1106 = tpu.bitcast %shift_left3A_1105 : vector<16xi32> -> vector<16xf32>
        %add3A_1107 = arith.addf %add3A_1090, %bitcast_convert_type3A_1106 : vector<16xf32>
        %and3A_1108 = vector.broadcast %while3A_192 : i32 to vector<16xi32>
        %and3A_1109 = arith.andi %get3A_1102, %and3A_1108 : vector<16xi32>
        %bitcast_convert_type3A_1110 = tpu.bitcast %and3A_1109 : vector<16xi32> -> vector<16xf32>
        %add3A_1111 = arith.addf %add3A_1094, %bitcast_convert_type3A_1110 : vector<16xf32>
        %get3A_1112 = arith.constant 0 : i32
        %get3A_1113 = arith.constant 4 : i32
        %get3A_1114 = arith.index_cast %get3A_1112 : i32 to index
        %get3A_1115 = arith.index_cast %get3A_1113 : i32 to index
        %get3A_1116 = arith.index_cast %scan3A_719 : i32 to index
        %get3A_1117 = arith.constant 32 : index
        %get3A_1118 = tpu.vector_load %arg6[%get3A_1114, %get3A_1115, %get3A_1116, %get3A_1117] {strides = array<i32>} : memref<2x9x32x64xi32, #tpu.memory_space<vmem>>, vector<1x1x1x16xi32>,
        %get3A_1119 = vector.shape_cast %get3A_1118 : vector<1x1x1x16xi32> to vector<16xi32>
        %shift_left3A_1120 = arith.constant 16 : i32
        %shift_left3A_1121 = vector.broadcast %shift_left3A_1120 : i32 to vector<16xi32>
        %shift_left3A_1122 = arith.shli %get3A_1119, %shift_left3A_1121 : vector<16xi32>
        %bitcast_convert_type3A_1123 = tpu.bitcast %shift_left3A_1122 : vector<16xi32> -> vector<16xf32>
        %add3A_1124 = arith.addf %add3A_1107, %bitcast_convert_type3A_1123 : vector<16xf32>
        %and3A_1125 = vector.broadcast %while3A_192 : i32 to vector<16xi32>
        %and3A_1126 = arith.andi %get3A_1119, %and3A_1125 : vector<16xi32>
        %bitcast_convert_type3A_1127 = tpu.bitcast %and3A_1126 : vector<16xi32> -> vector<16xf32>
        %add3A_1128 = arith.addf %add3A_1111, %bitcast_convert_type3A_1127 : vector<16xf32>
        %get3A_1129 = arith.constant 0 : i32
        %get3A_1130 = arith.constant 5 : i32
        %get3A_1131 = arith.index_cast %get3A_1129 : i32 to index
        %get3A_1132 = arith.index_cast %get3A_1130 : i32 to index
        %get3A_1133 = arith.index_cast %scan3A_719 : i32 to index
        %get3A_1134 = arith.constant 32 : index
        %get3A_1135 = tpu.vector_load %arg6[%get3A_1131, %get3A_1132, %get3A_1133, %get3A_1134] {strides = array<i32>} : memref<2x9x32x64xi32, #tpu.memory_space<vmem>>, vector<1x1x1x16xi32>,
        %get3A_1136 = vector.shape_cast %get3A_1135 : vector<1x1x1x16xi32> to vector<16xi32>
        %shift_left3A_1137 = arith.constant 16 : i32
        %shift_left3A_1138 = vector.broadcast %shift_left3A_1137 : i32 to vector<16xi32>
        %shift_left3A_1139 = arith.shli %get3A_1136, %shift_left3A_1138 : vector<16xi32>
        %bitcast_convert_type3A_1140 = tpu.bitcast %shift_left3A_1139 : vector<16xi32> -> vector<16xf32>
        %add3A_1141 = arith.addf %add3A_1124, %bitcast_convert_type3A_1140 : vector<16xf32>
        %and3A_1142 = vector.broadcast %while3A_192 : i32 to vector<16xi32>
        %and3A_1143 = arith.andi %get3A_1136, %and3A_1142 : vector<16xi32>
        %bitcast_convert_type3A_1144 = tpu.bitcast %and3A_1143 : vector<16xi32> -> vector<16xf32>
        %add3A_1145 = arith.addf %add3A_1128, %bitcast_convert_type3A_1144 : vector<16xf32>
        %get3A_1146 = arith.constant 0 : i32
        %get3A_1147 = arith.constant 6 : i32
        %get3A_1148 = arith.index_cast %get3A_1146 : i32 to index
        %get3A_1149 = arith.index_cast %get3A_1147 : i32 to index
        %get3A_1150 = arith.index_cast %scan3A_719 : i32 to index
        %get3A_1151 = arith.constant 32 : index
        %get3A_1152 = tpu.vector_load %arg6[%get3A_1148, %get3A_1149, %get3A_1150, %get3A_1151] {strides = array<i32>} : memref<2x9x32x64xi32, #tpu.memory_space<vmem>>, vector<1x1x1x16xi32>,
        %get3A_1153 = vector.shape_cast %get3A_1152 : vector<1x1x1x16xi32> to vector<16xi32>
        %shift_left3A_1154 = arith.constant 16 : i32
        %shift_left3A_1155 = vector.broadcast %shift_left3A_1154 : i32 to vector<16xi32>
        %shift_left3A_1156 = arith.shli %get3A_1153, %shift_left3A_1155 : vector<16xi32>
        %bitcast_convert_type3A_1157 = tpu.bitcast %shift_left3A_1156 : vector<16xi32> -> vector<16xf32>
        %add3A_1158 = arith.addf %add3A_1141, %bitcast_convert_type3A_1157 : vector<16xf32>
        %and3A_1159 = vector.broadcast %while3A_192 : i32 to vector<16xi32>
        %and3A_1160 = arith.andi %get3A_1153, %and3A_1159 : vector<16xi32>
        %bitcast_convert_type3A_1161 = tpu.bitcast %and3A_1160 : vector<16xi32> -> vector<16xf32>
        %add3A_1162 = arith.addf %add3A_1145, %bitcast_convert_type3A_1161 : vector<16xf32>
        %get3A_1163 = arith.constant 0 : i32
        %get3A_1164 = arith.constant 7 : i32
        %get3A_1165 = arith.index_cast %get3A_1163 : i32 to index
        %get3A_1166 = arith.index_cast %get3A_1164 : i32 to index
        %get3A_1167 = arith.index_cast %scan3A_719 : i32 to index
        %get3A_1168 = arith.constant 32 : index
        %get3A_1169 = tpu.vector_load %arg6[%get3A_1165, %get3A_1166, %get3A_1167, %get3A_1168] {strides = array<i32>} : memref<2x9x32x64xi32, #tpu.memory_space<vmem>>, vector<1x1x1x16xi32>,
        %get3A_1170 = vector.shape_cast %get3A_1169 : vector<1x1x1x16xi32> to vector<16xi32>
        %shift_left3A_1171 = arith.constant 16 : i32
        %shift_left3A_1172 = vector.broadcast %shift_left3A_1171 : i32 to vector<16xi32>
        %shift_left3A_1173 = arith.shli %get3A_1170, %shift_left3A_1172 : vector<16xi32>
        %bitcast_convert_type3A_1174 = tpu.bitcast %shift_left3A_1173 : vector<16xi32> -> vector<16xf32>
        %add3A_1175 = arith.addf %add3A_1158, %bitcast_convert_type3A_1174 : vector<16xf32>
        %and3A_1176 = vector.broadcast %while3A_192 : i32 to vector<16xi32>
        %and3A_1177 = arith.andi %get3A_1170, %and3A_1176 : vector<16xi32>
        %bitcast_convert_type3A_1178 = tpu.bitcast %and3A_1177 : vector<16xi32> -> vector<16xf32>
        %add3A_1179 = arith.addf %add3A_1162, %bitcast_convert_type3A_1178 : vector<16xf32>
        %get3A_1180 = arith.constant 0 : i32
        %get3A_1181 = arith.constant 8 : i32
        %get3A_1182 = arith.index_cast %get3A_1180 : i32 to index
        %get3A_1183 = arith.index_cast %get3A_1181 : i32 to index
        %get3A_1184 = arith.index_cast %scan3A_719 : i32 to index
        %get3A_1185 = arith.constant 32 : index
        %get3A_1186 = tpu.vector_load %arg6[%get3A_1182, %get3A_1183, %get3A_1184, %get3A_1185] {strides = array<i32>} : memref<2x9x32x64xi32, #tpu.memory_space<vmem>>, vector<1x1x1x16xi32>,
        %get3A_1187 = vector.shape_cast %get3A_1186 : vector<1x1x1x16xi32> to vector<16xi32>
        %shift_left3A_1188 = arith.constant 16 : i32
        %shift_left3A_1189 = vector.broadcast %shift_left3A_1188 : i32 to vector<16xi32>
        %shift_left3A_1190 = arith.shli %get3A_1187, %shift_left3A_1189 : vector<16xi32>
        %bitcast_convert_type3A_1191 = tpu.bitcast %shift_left3A_1190 : vector<16xi32> -> vector<16xf32>
        %add3A_1192 = arith.addf %add3A_1175, %bitcast_convert_type3A_1191 : vector<16xf32>
        %and3A_1193 = vector.broadcast %while3A_192 : i32 to vector<16xi32>
        %and3A_1194 = arith.andi %get3A_1187, %and3A_1193 : vector<16xi32>
        %bitcast_convert_type3A_1195 = tpu.bitcast %and3A_1194 : vector<16xi32> -> vector<16xf32>
        %add3A_1196 = arith.addf %add3A_1179, %bitcast_convert_type3A_1195 : vector<16xf32>
        %swap3A_1197 = arith.constant 0 : i32
        %swap3A_1198 = arith.index_cast %swap3A_1197 : i32 to index
        %swap3A_1199 = arith.index_cast %scan3A_719 : i32 to index
        %swap3A_1200 = arith.constant 32 : index
        %swap3A_1201 = tpu.vector_load %arg7[%swap3A_1198, %swap3A_1199, %swap3A_1200] {strides = array<i32>} : memref<2x32x128xf32, #tpu.memory_space<vmem>>, vector<1x1x16xf32>,
        %swap3A_1202 = vector.shape_cast %swap3A_1201 : vector<1x1x16xf32> to vector<16xf32>
        %swap3A_1203 = vector.shape_cast %add3A_1192 : vector<16xf32> to vector<1x1x16xf32>
        tpu.vector_store %arg7[%swap3A_1198, %swap3A_1199, %swap3A_1200], %swap3A_1203 {strides = array<i32>} : memref<2x32x128xf32, #tpu.memory_space<vmem>>, vector<1x1x16xf32>,
        %swap3A_1204 = arith.constant 0 : i32
        %swap3A_1205 = arith.index_cast %swap3A_1204 : i32 to index
        %swap3A_1206 = arith.index_cast %scan3A_719 : i32 to index
        %swap3A_1207 = arith.constant 96 : index
        %swap3A_1208 = tpu.vector_load %arg7[%swap3A_1205, %swap3A_1206, %swap3A_1207] {strides = array<i32>} : memref<2x32x128xf32, #tpu.memory_space<vmem>>, vector<1x1x16xf32>,
        %swap3A_1209 = vector.shape_cast %swap3A_1208 : vector<1x1x16xf32> to vector<16xf32>
        %swap3A_1210 = vector.shape_cast %add3A_1196 : vector<16xf32> to vector<1x1x16xf32>
        tpu.vector_store %arg7[%swap3A_1205, %swap3A_1206, %swap3A_1207], %swap3A_1210 {strides = array<i32>} : memref<2x32x128xf32, #tpu.memory_space<vmem>>, vector<1x1x16xf32>,
        %get3A_1211 = arith.constant 0 : i32
        %get3A_1212 = arith.constant 0 : i32
        %get3A_1213 = arith.index_cast %get3A_1211 : i32 to index
        %get3A_1214 = arith.index_cast %get3A_1212 : i32 to index
        %get3A_1215 = arith.index_cast %scan3A_719 : i32 to index
        %get3A_1216 = arith.constant 48 : index
        %get3A_1217 = tpu.vector_load %arg6[%get3A_1213, %get3A_1214, %get3A_1215, %get3A_1216] {strides = array<i32>} : memref<2x9x32x64xi32, #tpu.memory_space<vmem>>, vector<1x1x1x16xi32>,
        %get3A_1218 = vector.shape_cast %get3A_1217 : vector<1x1x1x16xi32> to vector<16xi32>
        %shift_left3A_1219 = arith.constant 16 : i32
        %shift_left3A_1220 = vector.broadcast %shift_left3A_1219 : i32 to vector<16xi32>
        %shift_left3A_1221 = arith.shli %get3A_1218, %shift_left3A_1220 : vector<16xi32>
        %bitcast_convert_type3A_1222 = tpu.bitcast %shift_left3A_1221 : vector<16xi32> -> vector<16xf32>
        %and3A_1223 = vector.broadcast %while3A_192 : i32 to vector<16xi32>
        %and3A_1224 = arith.andi %get3A_1218, %and3A_1223 : vector<16xi32>
        %bitcast_convert_type3A_1225 = tpu.bitcast %and3A_1224 : vector<16xi32> -> vector<16xf32>
        %get3A_1226 = arith.constant 0 : i32
        %get3A_1227 = arith.constant 1 : i32
        %get3A_1228 = arith.index_cast %get3A_1226 : i32 to index
        %get3A_1229 = arith.index_cast %get3A_1227 : i32 to index
        %get3A_1230 = arith.index_cast %scan3A_719 : i32 to index
        %get3A_1231 = arith.constant 48 : index
        %get3A_1232 = tpu.vector_load %arg6[%get3A_1228, %get3A_1229, %get3A_1230, %get3A_1231] {strides = array<i32>} : memref<2x9x32x64xi32, #tpu.memory_space<vmem>>, vector<1x1x1x16xi32>,
        %get3A_1233 = vector.shape_cast %get3A_1232 : vector<1x1x1x16xi32> to vector<16xi32>
        %shift_left3A_1234 = arith.constant 16 : i32
        %shift_left3A_1235 = vector.broadcast %shift_left3A_1234 : i32 to vector<16xi32>
        %shift_left3A_1236 = arith.shli %get3A_1233, %shift_left3A_1235 : vector<16xi32>
        %bitcast_convert_type3A_1237 = tpu.bitcast %shift_left3A_1236 : vector<16xi32> -> vector<16xf32>
        %add3A_1238 = arith.addf %bitcast_convert_type3A_1222, %bitcast_convert_type3A_1237 : vector<16xf32>
        %and3A_1239 = vector.broadcast %while3A_192 : i32 to vector<16xi32>
        %and3A_1240 = arith.andi %get3A_1233, %and3A_1239 : vector<16xi32>
        %bitcast_convert_type3A_1241 = tpu.bitcast %and3A_1240 : vector<16xi32> -> vector<16xf32>
        %add3A_1242 = arith.addf %bitcast_convert_type3A_1225, %bitcast_convert_type3A_1241 : vector<16xf32>
        %get3A_1243 = arith.constant 0 : i32
        %get3A_1244 = arith.constant 2 : i32
        %get3A_1245 = arith.index_cast %get3A_1243 : i32 to index
        %get3A_1246 = arith.index_cast %get3A_1244 : i32 to index
        %get3A_1247 = arith.index_cast %scan3A_719 : i32 to index
        %get3A_1248 = arith.constant 48 : index
        %get3A_1249 = tpu.vector_load %arg6[%get3A_1245, %get3A_1246, %get3A_1247, %get3A_1248] {strides = array<i32>} : memref<2x9x32x64xi32, #tpu.memory_space<vmem>>, vector<1x1x1x16xi32>,
        %get3A_1250 = vector.shape_cast %get3A_1249 : vector<1x1x1x16xi32> to vector<16xi32>
        %shift_left3A_1251 = arith.constant 16 : i32
        %shift_left3A_1252 = vector.broadcast %shift_left3A_1251 : i32 to vector<16xi32>
        %shift_left3A_1253 = arith.shli %get3A_1250, %shift_left3A_1252 : vector<16xi32>
        %bitcast_convert_type3A_1254 = tpu.bitcast %shift_left3A_1253 : vector<16xi32> -> vector<16xf32>
        %add3A_1255 = arith.addf %add3A_1238, %bitcast_convert_type3A_1254 : vector<16xf32>
        %and3A_1256 = vector.broadcast %while3A_192 : i32 to vector<16xi32>
        %and3A_1257 = arith.andi %get3A_1250, %and3A_1256 : vector<16xi32>
        %bitcast_convert_type3A_1258 = tpu.bitcast %and3A_1257 : vector<16xi32> -> vector<16xf32>
        %add3A_1259 = arith.addf %add3A_1242, %bitcast_convert_type3A_1258 : vector<16xf32>
        %get3A_1260 = arith.constant 0 : i32
        %get3A_1261 = arith.constant 3 : i32
        %get3A_1262 = arith.index_cast %get3A_1260 : i32 to index
        %get3A_1263 = arith.index_cast %get3A_1261 : i32 to index
        %get3A_1264 = arith.index_cast %scan3A_719 : i32 to index
        %get3A_1265 = arith.constant 48 : index
        %get3A_1266 = tpu.vector_load %arg6[%get3A_1262, %get3A_1263, %get3A_1264, %get3A_1265] {strides = array<i32>} : memref<2x9x32x64xi32, #tpu.memory_space<vmem>>, vector<1x1x1x16xi32>,
        %get3A_1267 = vector.shape_cast %get3A_1266 : vector<1x1x1x16xi32> to vector<16xi32>
        %shift_left3A_1268 = arith.constant 16 : i32
        %shift_left3A_1269 = vector.broadcast %shift_left3A_1268 : i32 to vector<16xi32>
        %shift_left3A_1270 = arith.shli %get3A_1267, %shift_left3A_1269 : vector<16xi32>
        %bitcast_convert_type3A_1271 = tpu.bitcast %shift_left3A_1270 : vector<16xi32> -> vector<16xf32>
        %add3A_1272 = arith.addf %add3A_1255, %bitcast_convert_type3A_1271 : vector<16xf32>
        %and3A_1273 = vector.broadcast %while3A_192 : i32 to vector<16xi32>
        %and3A_1274 = arith.andi %get3A_1267, %and3A_1273 : vector<16xi32>
        %bitcast_convert_type3A_1275 = tpu.bitcast %and3A_1274 : vector<16xi32> -> vector<16xf32>
        %add3A_1276 = arith.addf %add3A_1259, %bitcast_convert_type3A_1275 : vector<16xf32>
        %get3A_1277 = arith.constant 0 : i32
        %get3A_1278 = arith.constant 4 : i32
        %get3A_1279 = arith.index_cast %get3A_1277 : i32 to index
        %get3A_1280 = arith.index_cast %get3A_1278 : i32 to index
        %get3A_1281 = arith.index_cast %scan3A_719 : i32 to index
        %get3A_1282 = arith.constant 48 : index
        %get3A_1283 = tpu.vector_load %arg6[%get3A_1279, %get3A_1280, %get3A_1281, %get3A_1282] {strides = array<i32>} : memref<2x9x32x64xi32, #tpu.memory_space<vmem>>, vector<1x1x1x16xi32>,
        %get3A_1284 = vector.shape_cast %get3A_1283 : vector<1x1x1x16xi32> to vector<16xi32>
        %shift_left3A_1285 = arith.constant 16 : i32
        %shift_left3A_1286 = vector.broadcast %shift_left3A_1285 : i32 to vector<16xi32>
        %shift_left3A_1287 = arith.shli %get3A_1284, %shift_left3A_1286 : vector<16xi32>
        %bitcast_convert_type3A_1288 = tpu.bitcast %shift_left3A_1287 : vector<16xi32> -> vector<16xf32>
        %add3A_1289 = arith.addf %add3A_1272, %bitcast_convert_type3A_1288 : vector<16xf32>
        %and3A_1290 = vector.broadcast %while3A_192 : i32 to vector<16xi32>
        %and3A_1291 = arith.andi %get3A_1284, %and3A_1290 : vector<16xi32>
        %bitcast_convert_type3A_1292 = tpu.bitcast %and3A_1291 : vector<16xi32> -> vector<16xf32>
        %add3A_1293 = arith.addf %add3A_1276, %bitcast_convert_type3A_1292 : vector<16xf32>
        %get3A_1294 = arith.constant 0 : i32
        %get3A_1295 = arith.constant 5 : i32
        %get3A_1296 = arith.index_cast %get3A_1294 : i32 to index
        %get3A_1297 = arith.index_cast %get3A_1295 : i32 to index
        %get3A_1298 = arith.index_cast %scan3A_719 : i32 to index
        %get3A_1299 = arith.constant 48 : index
        %get3A_1300 = tpu.vector_load %arg6[%get3A_1296, %get3A_1297, %get3A_1298, %get3A_1299] {strides = array<i32>} : memref<2x9x32x64xi32, #tpu.memory_space<vmem>>, vector<1x1x1x16xi32>,
        %get3A_1301 = vector.shape_cast %get3A_1300 : vector<1x1x1x16xi32> to vector<16xi32>
        %shift_left3A_1302 = arith.constant 16 : i32
        %shift_left3A_1303 = vector.broadcast %shift_left3A_1302 : i32 to vector<16xi32>
        %shift_left3A_1304 = arith.shli %get3A_1301, %shift_left3A_1303 : vector<16xi32>
        %bitcast_convert_type3A_1305 = tpu.bitcast %shift_left3A_1304 : vector<16xi32> -> vector<16xf32>
        %add3A_1306 = arith.addf %add3A_1289, %bitcast_convert_type3A_1305 : vector<16xf32>
        %and3A_1307 = vector.broadcast %while3A_192 : i32 to vector<16xi32>
        %and3A_1308 = arith.andi %get3A_1301, %and3A_1307 : vector<16xi32>
        %bitcast_convert_type3A_1309 = tpu.bitcast %and3A_1308 : vector<16xi32> -> vector<16xf32>
        %add3A_1310 = arith.addf %add3A_1293, %bitcast_convert_type3A_1309 : vector<16xf32>
        %get3A_1311 = arith.constant 0 : i32
        %get3A_1312 = arith.constant 6 : i32
        %get3A_1313 = arith.index_cast %get3A_1311 : i32 to index
        %get3A_1314 = arith.index_cast %get3A_1312 : i32 to index
        %get3A_1315 = arith.index_cast %scan3A_719 : i32 to index
        %get3A_1316 = arith.constant 48 : index
        %get3A_1317 = tpu.vector_load %arg6[%get3A_1313, %get3A_1314, %get3A_1315, %get3A_1316] {strides = array<i32>} : memref<2x9x32x64xi32, #tpu.memory_space<vmem>>, vector<1x1x1x16xi32>,
        %get3A_1318 = vector.shape_cast %get3A_1317 : vector<1x1x1x16xi32> to vector<16xi32>
        %shift_left3A_1319 = arith.constant 16 : i32
        %shift_left3A_1320 = vector.broadcast %shift_left3A_1319 : i32 to vector<16xi32>
        %shift_left3A_1321 = arith.shli %get3A_1318, %shift_left3A_1320 : vector<16xi32>
        %bitcast_convert_type3A_1322 = tpu.bitcast %shift_left3A_1321 : vector<16xi32> -> vector<16xf32>
        %add3A_1323 = arith.addf %add3A_1306, %bitcast_convert_type3A_1322 : vector<16xf32>
        %and3A_1324 = vector.broadcast %while3A_192 : i32 to vector<16xi32>
        %and3A_1325 = arith.andi %get3A_1318, %and3A_1324 : vector<16xi32>
        %bitcast_convert_type3A_1326 = tpu.bitcast %and3A_1325 : vector<16xi32> -> vector<16xf32>
        %add3A_1327 = arith.addf %add3A_1310, %bitcast_convert_type3A_1326 : vector<16xf32>
        %get3A_1328 = arith.constant 0 : i32
        %get3A_1329 = arith.constant 7 : i32
        %get3A_1330 = arith.index_cast %get3A_1328 : i32 to index
        %get3A_1331 = arith.index_cast %get3A_1329 : i32 to index
        %get3A_1332 = arith.index_cast %scan3A_719 : i32 to index
        %get3A_1333 = arith.constant 48 : index
        %get3A_1334 = tpu.vector_load %arg6[%get3A_1330, %get3A_1331, %get3A_1332, %get3A_1333] {strides = array<i32>} : memref<2x9x32x64xi32, #tpu.memory_space<vmem>>, vector<1x1x1x16xi32>,
        %get3A_1335 = vector.shape_cast %get3A_1334 : vector<1x1x1x16xi32> to vector<16xi32>
        %shift_left3A_1336 = arith.constant 16 : i32
        %shift_left3A_1337 = vector.broadcast %shift_left3A_1336 : i32 to vector<16xi32>
        %shift_left3A_1338 = arith.shli %get3A_1335, %shift_left3A_1337 : vector<16xi32>
        %bitcast_convert_type3A_1339 = tpu.bitcast %shift_left3A_1338 : vector<16xi32> -> vector<16xf32>
        %add3A_1340 = arith.addf %add3A_1323, %bitcast_convert_type3A_1339 : vector<16xf32>
        %and3A_1341 = vector.broadcast %while3A_192 : i32 to vector<16xi32>
        %and3A_1342 = arith.andi %get3A_1335, %and3A_1341 : vector<16xi32>
        %bitcast_convert_type3A_1343 = tpu.bitcast %and3A_1342 : vector<16xi32> -> vector<16xf32>
        %add3A_1344 = arith.addf %add3A_1327, %bitcast_convert_type3A_1343 : vector<16xf32>
        %get3A_1345 = arith.constant 0 : i32
        %get3A_1346 = arith.constant 8 : i32
        %get3A_1347 = arith.index_cast %get3A_1345 : i32 to index
        %get3A_1348 = arith.index_cast %get3A_1346 : i32 to index
        %get3A_1349 = arith.index_cast %scan3A_719 : i32 to index
        %get3A_1350 = arith.constant 48 : index
        %get3A_1351 = tpu.vector_load %arg6[%get3A_1347, %get3A_1348, %get3A_1349, %get3A_1350] {strides = array<i32>} : memref<2x9x32x64xi32, #tpu.memory_space<vmem>>, vector<1x1x1x16xi32>,
        %get3A_1352 = vector.shape_cast %get3A_1351 : vector<1x1x1x16xi32> to vector<16xi32>
        %shift_left3A_1353 = arith.constant 16 : i32
        %shift_left3A_1354 = vector.broadcast %shift_left3A_1353 : i32 to vector<16xi32>
        %shift_left3A_1355 = arith.shli %get3A_1352, %shift_left3A_1354 : vector<16xi32>
        %bitcast_convert_type3A_1356 = tpu.bitcast %shift_left3A_1355 : vector<16xi32> -> vector<16xf32>
        %add3A_1357 = arith.addf %add3A_1340, %bitcast_convert_type3A_1356 : vector<16xf32>
        %and3A_1358 = vector.broadcast %while3A_192 : i32 to vector<16xi32>
        %and3A_1359 = arith.andi %get3A_1352, %and3A_1358 : vector<16xi32>
        %bitcast_convert_type3A_1360 = tpu.bitcast %and3A_1359 : vector<16xi32> -> vector<16xf32>
        %add3A_1361 = arith.addf %add3A_1344, %bitcast_convert_type3A_1360 : vector<16xf32>
        %swap3A_1362 = arith.constant 0 : i32
        %swap3A_1363 = arith.index_cast %swap3A_1362 : i32 to index
        %swap3A_1364 = arith.index_cast %scan3A_719 : i32 to index
        %swap3A_1365 = arith.constant 48 : index
        %swap3A_1366 = tpu.vector_load %arg7[%swap3A_1363, %swap3A_1364, %swap3A_1365] {strides = array<i32>} : memref<2x32x128xf32, #tpu.memory_space<vmem>>, vector<1x1x16xf32>,
        %swap3A_1367 = vector.shape_cast %swap3A_1366 : vector<1x1x16xf32> to vector<16xf32>
        %swap3A_1368 = vector.shape_cast %add3A_1357 : vector<16xf32> to vector<1x1x16xf32>
        tpu.vector_store %arg7[%swap3A_1363, %swap3A_1364, %swap3A_1365], %swap3A_1368 {strides = array<i32>} : memref<2x32x128xf32, #tpu.memory_space<vmem>>, vector<1x1x16xf32>,
        %swap3A_1369 = arith.constant 0 : i32
        %swap3A_1370 = arith.index_cast %swap3A_1369 : i32 to index
        %swap3A_1371 = arith.index_cast %scan3A_719 : i32 to index
        %swap3A_1372 = arith.constant 112 : index
        %swap3A_1373 = tpu.vector_load %arg7[%swap3A_1370, %swap3A_1371, %swap3A_1372] {strides = array<i32>} : memref<2x32x128xf32, #tpu.memory_space<vmem>>, vector<1x1x16xf32>,
        %swap3A_1374 = vector.shape_cast %swap3A_1373 : vector<1x1x16xf32> to vector<16xf32>
        %swap3A_1375 = vector.shape_cast %add3A_1361 : vector<16xf32> to vector<1x1x16xf32>
        tpu.vector_store %arg7[%swap3A_1370, %swap3A_1371, %swap3A_1372], %swap3A_1375 {strides = array<i32>} : memref<2x32x128xf32, #tpu.memory_space<vmem>>, vector<1x1x16xf32>,
      }
      %scan3A_542 = arith.constant 32 : i32
      %mul3A_543 = arith.constant 32 : i32
      %mul3A_544 = arith.muli %mul3A_240, %mul3A_543 : i32
      %add3A_545 = arith.addi %mul3A_10, %mul3A_544 : i32
      %dma_start3A_546 = arith.constant 0 : i32
      %dma_start3A_547 = arith.constant 0 : i32
      %dma_start3A_548 = arith.constant 0 : i32
      %dma_start3A_549 = arith.constant 0 : i32
      %dma_start3A_550 = tpu.memref_slice %arg7[%dma_start3A_546, %dma_start3A_548, %dma_start3A_549] : memref<2x32x128xf32, #tpu.memory_space<vmem>> -> memref<1x32x128xf32, #tpu.memory_space<vmem>>
      %dma_start3A_551 = tpu.memref_squeeze %dma_start3A_550 : memref<1x32x128xf32, #tpu.memory_space<vmem>> -> memref<32x128xf32, #tpu.memory_space<vmem>>
      %dma_start3A_552 = arith.constant 0 : i32
      %dma_start3A_553 = tpu.memref_slice %arg4[%add3A_545, %dma_start3A_552] : memref<51200x128xf32, #tpu.memory_space<hbm>> -> memref<32x128xf32, #tpu.memory_space<hbm>>
      %dma_start3A_554 = tpu.memref_slice %arg10[%dma_start3A_547] : memref<2x!tpu.dma_semaphore, #tpu.memory_space<semaphore_mem>> -> memref<1x!tpu.dma_semaphore, #tpu.memory_space<semaphore_mem>>
      %dma_start3A_555 = tpu.memref_squeeze %dma_start3A_554 : memref<1x!tpu.dma_semaphore, #tpu.memory_space<semaphore_mem>> -> memref<!tpu.dma_semaphore, #tpu.memory_space<semaphore_mem>>
      %dma_start3A_556 = arith.constant 0 : i32
      %dma_start3A_557 = tpu.memref_slice %arg4[%add3A_545, %dma_start3A_556] : memref<51200x128xf32, #tpu.memory_space<hbm>> -> memref<32x128xf32, #tpu.memory_space<hbm>>
      %dma_start3A_558 = arith.constant 0 : i32
      %dma_start3A_559 = arith.constant 0 : i32
      %dma_start3A_560 = tpu.memref_slice %arg7[%dma_start3A_546, %dma_start3A_558, %dma_start3A_559] : memref<2x32x128xf32, #tpu.memory_space<vmem>> -> memref<1x32x128xf32, #tpu.memory_space<vmem>>
      %dma_start3A_561 = tpu.memref_squeeze %dma_start3A_560 : memref<1x32x128xf32, #tpu.memory_space<vmem>> -> memref<32x128xf32, #tpu.memory_space<vmem>>
      tpu.enqueue_dma source(%dma_start3A_561 : memref<32x128xf32, #tpu.memory_space<vmem>>) target(%dma_start3A_557 : memref<32x128xf32, #tpu.memory_space<hbm>>) target_semaphore(%dma_start3A_555 : memref<!tpu.dma_semaphore, #tpu.memory_space<semaphore_mem>>)
      %convert_element_type3A_562 = arith.extui %gt3A_243 : i1 to i32
      %cond3A_563 = arith.constant 0 : i32
      %cond3A_564 = arith.cmpi ne, %convert_element_type3A_562, %cond3A_563 : i32
      scf.if %cond3A_564 {
        %add3A_719 = arith.constant 0 : i32
        %add3A_720 = arith.addi %mul3A_10, %add3A_719 : i32
        %dma_wait3A_721 = arith.constant 1 : i32
        %dma_wait3A_722 = arith.constant 1 : i32
        %dma_wait3A_723 = arith.constant 0 : i32
        %dma_wait3A_724 = arith.constant 0 : i32
        %dma_wait3A_725 = tpu.memref_slice %arg7[%dma_wait3A_721, %dma_wait3A_723, %dma_wait3A_724] : memref<2x32x128xf32, #tpu.memory_space<vmem>> -> memref<1x32x128xf32, #tpu.memory_space<vmem>>
        %dma_wait3A_726 = tpu.memref_squeeze %dma_wait3A_725 : memref<1x32x128xf32, #tpu.memory_space<vmem>> -> memref<32x128xf32, #tpu.memory_space<vmem>>
        %dma_wait3A_727 = arith.constant 0 : i32
        %dma_wait3A_728 = tpu.memref_slice %arg4[%add3A_720, %dma_wait3A_727] : memref<51200x128xf32, #tpu.memory_space<hbm>> -> memref<32x128xf32, #tpu.memory_space<hbm>>
        %dma_wait3A_729 = tpu.memref_slice %arg10[%dma_wait3A_722] : memref<2x!tpu.dma_semaphore, #tpu.memory_space<semaphore_mem>> -> memref<1x!tpu.dma_semaphore, #tpu.memory_space<semaphore_mem>>
        %dma_wait3A_730 = tpu.memref_squeeze %dma_wait3A_729 : memref<1x!tpu.dma_semaphore, #tpu.memory_space<semaphore_mem>> -> memref<!tpu.dma_semaphore, #tpu.memory_space<semaphore_mem>>
        %dma_wait3A_731 = arith.constant 0 : i32
        %dma_wait3A_732 = tpu.memref_slice %arg4[%add3A_720, %dma_wait3A_731] : memref<51200x128xf32, #tpu.memory_space<hbm>> -> memref<32x128xf32, #tpu.memory_space<hbm>>
        %dma_wait3A_733 = arith.constant 0 : i32
        %dma_wait3A_734 = arith.constant 0 : i32
        %dma_wait3A_735 = tpu.memref_slice %arg7[%dma_wait3A_721, %dma_wait3A_733, %dma_wait3A_734] : memref<2x32x128xf32, #tpu.memory_space<vmem>> -> memref<1x32x128xf32, #tpu.memory_space<vmem>>
        %dma_wait3A_736 = tpu.memref_squeeze %dma_wait3A_735 : memref<1x32x128xf32, #tpu.memory_space<vmem>> -> memref<32x128xf32, #tpu.memory_space<vmem>>
        tpu.wait_dma2 semaphore(%dma_wait3A_730 : memref<!tpu.dma_semaphore, #tpu.memory_space<semaphore_mem>>) src(%dma_wait3A_736 : memref<32x128xf32, #tpu.memory_space<vmem>>) dst(%dma_wait3A_732 : memref<32x128xf32, #tpu.memory_space<hbm>>)
      } else {
      }
      %dma_wait3A_565 = arith.constant 1 : i32
      %dma_wait3A_566 = arith.constant 0 : i32
      %dma_wait3A_567 = arith.constant 1 : i32
      %dma_wait3A_568 = arith.constant 0 : i32
      %dma_wait3A_569 = arith.constant 0 : i32
      %dma_wait3A_570 = tpu.memref_slice %arg6[%dma_wait3A_565, %dma_wait3A_566, %dma_wait3A_568, %dma_wait3A_569] : memref<2x9x32x64xi32, #tpu.memory_space<vmem>> -> memref<1x1x32x64xi32, #tpu.memory_space<vmem>>
      %dma_wait3A_571 = tpu.memref_squeeze %dma_wait3A_570 : memref<1x1x32x64xi32, #tpu.memory_space<vmem>> -> memref<32x64xi32, #tpu.memory_space<vmem>>
      %dma_wait3A_572 = arith.constant 288 : i32
      %dma_wait3A_573 = tpu.memref_slice %arg5[%dma_wait3A_572] : memref<576xi32, #tpu.memory_space<vmem>> -> memref<32xi32, #tpu.memory_space<vmem>>
      %dma_wait3A_574 = arith.constant 0 : i32
      %dma_wait3A_575 = arith.constant 0 : i32
      %dma_wait3A_576 = tpu.memref_slice %arg2[%dma_wait3A_574, %dma_wait3A_575] : memref<450000x64xi32, #tpu.memory_space<hbm>> -> memref<450000x64xi32, #tpu.memory_space<hbm>>
      %dma_wait3A_577 = tpu.memref_slice %arg9[%dma_wait3A_567] : memref<2x!tpu.dma_semaphore, #tpu.memory_space<semaphore_mem>> -> memref<1x!tpu.dma_semaphore, #tpu.memory_space<semaphore_mem>>
      %dma_wait3A_578 = tpu.memref_squeeze %dma_wait3A_577 : memref<1x!tpu.dma_semaphore, #tpu.memory_space<semaphore_mem>> -> memref<!tpu.dma_semaphore, #tpu.memory_space<semaphore_mem>>
      tpu.wait_indirect_dma semaphore(%dma_wait3A_578 : memref<!tpu.dma_semaphore, #tpu.memory_space<semaphore_mem>>) src(%dma_wait3A_576 : memref<450000x64xi32, #tpu.memory_space<hbm>>) dst(%dma_wait3A_571 : memref<32x64xi32, #tpu.memory_space<vmem>>)
      %dma_wait3A_579 = arith.constant 1 : i32
      %dma_wait3A_580 = arith.constant 1 : i32
      %dma_wait3A_581 = arith.constant 1 : i32
      %dma_wait3A_582 = arith.constant 0 : i32
      %dma_wait3A_583 = arith.constant 0 : i32
      %dma_wait3A_584 = tpu.memref_slice %arg6[%dma_wait3A_579, %dma_wait3A_580, %dma_wait3A_582, %dma_wait3A_583] : memref<2x9x32x64xi32, #tpu.memory_space<vmem>> -> memref<1x1x32x64xi32, #tpu.memory_space<vmem>>
      %dma_wait3A_585 = tpu.memref_squeeze %dma_wait3A_584 : memref<1x1x32x64xi32, #tpu.memory_space<vmem>> -> memref<32x64xi32, #tpu.memory_space<vmem>>
      %dma_wait3A_586 = arith.constant 320 : i32
      %dma_wait3A_587 = tpu.memref_slice %arg5[%dma_wait3A_586] : memref<576xi32, #tpu.memory_space<vmem>> -> memref<32xi32, #tpu.memory_space<vmem>>
      %dma_wait3A_588 = arith.constant 0 : i32
      %dma_wait3A_589 = arith.constant 0 : i32
      %dma_wait3A_590 = tpu.memref_slice %arg2[%dma_wait3A_588, %dma_wait3A_589] : memref<450000x64xi32, #tpu.memory_space<hbm>> -> memref<450000x64xi32, #tpu.memory_space<hbm>>
      %dma_wait3A_591 = tpu.memref_slice %arg9[%dma_wait3A_581] : memref<2x!tpu.dma_semaphore, #tpu.memory_space<semaphore_mem>> -> memref<1x!tpu.dma_semaphore, #tpu.memory_space<semaphore_mem>>
      %dma_wait3A_592 = tpu.memref_squeeze %dma_wait3A_591 : memref<1x!tpu.dma_semaphore, #tpu.memory_space<semaphore_mem>> -> memref<!tpu.dma_semaphore, #tpu.memory_space<semaphore_mem>>
      tpu.wait_indirect_dma semaphore(%dma_wait3A_592 : memref<!tpu.dma_semaphore, #tpu.memory_space<semaphore_mem>>) src(%dma_wait3A_590 : memref<450000x64xi32, #tpu.memory_space<hbm>>) dst(%dma_wait3A_585 : memref<32x64xi32, #tpu.memory_space<vmem>>)
      %dma_wait3A_593 = arith.constant 1 : i32
      %dma_wait3A_594 = arith.constant 2 : i32
      %dma_wait3A_595 = arith.constant 1 : i32
      %dma_wait3A_596 = arith.constant 0 : i32
      %dma_wait3A_597 = arith.constant 0 : i32
      %dma_wait3A_598 = tpu.memref_slice %arg6[%dma_wait3A_593, %dma_wait3A_594, %dma_wait3A_596, %dma_wait3A_597] : memref<2x9x32x64xi32, #tpu.memory_space<vmem>> -> memref<1x1x32x64xi32, #tpu.memory_space<vmem>>
      %dma_wait3A_599 = tpu.memref_squeeze %dma_wait3A_598 : memref<1x1x32x64xi32, #tpu.memory_space<vmem>> -> memref<32x64xi32, #tpu.memory_space<vmem>>
      %dma_wait3A_600 = arith.constant 352 : i32
      %dma_wait3A_601 = tpu.memref_slice %arg5[%dma_wait3A_600] : memref<576xi32, #tpu.memory_space<vmem>> -> memref<32xi32, #tpu.memory_space<vmem>>
      %dma_wait3A_602 = arith.constant 0 : i32
      %dma_wait3A_603 = arith.constant 0 : i32
      %dma_wait3A_604 = tpu.memref_slice %arg2[%dma_wait3A_602, %dma_wait3A_603] : memref<450000x64xi32, #tpu.memory_space<hbm>> -> memref<450000x64xi32, #tpu.memory_space<hbm>>
      %dma_wait3A_605 = tpu.memref_slice %arg9[%dma_wait3A_595] : memref<2x!tpu.dma_semaphore, #tpu.memory_space<semaphore_mem>> -> memref<1x!tpu.dma_semaphore, #tpu.memory_space<semaphore_mem>>
      %dma_wait3A_606 = tpu.memref_squeeze %dma_wait3A_605 : memref<1x!tpu.dma_semaphore, #tpu.memory_space<semaphore_mem>> -> memref<!tpu.dma_semaphore, #tpu.memory_space<semaphore_mem>>
      tpu.wait_indirect_dma semaphore(%dma_wait3A_606 : memref<!tpu.dma_semaphore, #tpu.memory_space<semaphore_mem>>) src(%dma_wait3A_604 : memref<450000x64xi32, #tpu.memory_space<hbm>>) dst(%dma_wait3A_599 : memref<32x64xi32, #tpu.memory_space<vmem>>)
      %dma_wait3A_607 = arith.constant 1 : i32
      %dma_wait3A_608 = arith.constant 3 : i32
      %dma_wait3A_609 = arith.constant 1 : i32
      %dma_wait3A_610 = arith.constant 0 : i32
      %dma_wait3A_611 = arith.constant 0 : i32
      %dma_wait3A_612 = tpu.memref_slice %arg6[%dma_wait3A_607, %dma_wait3A_608, %dma_wait3A_610, %dma_wait3A_611] : memref<2x9x32x64xi32, #tpu.memory_space<vmem>> -> memref<1x1x32x64xi32, #tpu.memory_space<vmem>>
      %dma_wait3A_613 = tpu.memref_squeeze %dma_wait3A_612 : memref<1x1x32x64xi32, #tpu.memory_space<vmem>> -> memref<32x64xi32, #tpu.memory_space<vmem>>
      %dma_wait3A_614 = arith.constant 384 : i32
      %dma_wait3A_615 = tpu.memref_slice %arg5[%dma_wait3A_614] : memref<576xi32, #tpu.memory_space<vmem>> -> memref<32xi32, #tpu.memory_space<vmem>>
      %dma_wait3A_616 = arith.constant 0 : i32
      %dma_wait3A_617 = arith.constant 0 : i32
      %dma_wait3A_618 = tpu.memref_slice %arg2[%dma_wait3A_616, %dma_wait3A_617] : memref<450000x64xi32, #tpu.memory_space<hbm>> -> memref<450000x64xi32, #tpu.memory_space<hbm>>
      %dma_wait3A_619 = tpu.memref_slice %arg9[%dma_wait3A_609] : memref<2x!tpu.dma_semaphore, #tpu.memory_space<semaphore_mem>> -> memref<1x!tpu.dma_semaphore, #tpu.memory_space<semaphore_mem>>
      %dma_wait3A_620 = tpu.memref_squeeze %dma_wait3A_619 : memref<1x!tpu.dma_semaphore, #tpu.memory_space<semaphore_mem>> -> memref<!tpu.dma_semaphore, #tpu.memory_space<semaphore_mem>>
      tpu.wait_indirect_dma semaphore(%dma_wait3A_620 : memref<!tpu.dma_semaphore, #tpu.memory_space<semaphore_mem>>) src(%dma_wait3A_618 : memref<450000x64xi32, #tpu.memory_space<hbm>>) dst(%dma_wait3A_613 : memref<32x64xi32, #tpu.memory_space<vmem>>)
      %dma_wait3A_621 = arith.constant 1 : i32
      %dma_wait3A_622 = arith.constant 4 : i32
      %dma_wait3A_623 = arith.constant 1 : i32
      %dma_wait3A_624 = arith.constant 0 : i32
      %dma_wait3A_625 = arith.constant 0 : i32
      %dma_wait3A_626 = tpu.memref_slice %arg6[%dma_wait3A_621, %dma_wait3A_622, %dma_wait3A_624, %dma_wait3A_625] : memref<2x9x32x64xi32, #tpu.memory_space<vmem>> -> memref<1x1x32x64xi32, #tpu.memory_space<vmem>>
      %dma_wait3A_627 = tpu.memref_squeeze %dma_wait3A_626 : memref<1x1x32x64xi32, #tpu.memory_space<vmem>> -> memref<32x64xi32, #tpu.memory_space<vmem>>
      %dma_wait3A_628 = arith.constant 416 : i32
      %dma_wait3A_629 = tpu.memref_slice %arg5[%dma_wait3A_628] : memref<576xi32, #tpu.memory_space<vmem>> -> memref<32xi32, #tpu.memory_space<vmem>>
      %dma_wait3A_630 = arith.constant 0 : i32
      %dma_wait3A_631 = arith.constant 0 : i32
      %dma_wait3A_632 = tpu.memref_slice %arg2[%dma_wait3A_630, %dma_wait3A_631] : memref<450000x64xi32, #tpu.memory_space<hbm>> -> memref<450000x64xi32, #tpu.memory_space<hbm>>
      %dma_wait3A_633 = tpu.memref_slice %arg9[%dma_wait3A_623] : memref<2x!tpu.dma_semaphore, #tpu.memory_space<semaphore_mem>> -> memref<1x!tpu.dma_semaphore, #tpu.memory_space<semaphore_mem>>
      %dma_wait3A_634 = tpu.memref_squeeze %dma_wait3A_633 : memref<1x!tpu.dma_semaphore, #tpu.memory_space<semaphore_mem>> -> memref<!tpu.dma_semaphore, #tpu.memory_space<semaphore_mem>>
      tpu.wait_indirect_dma semaphore(%dma_wait3A_634 : memref<!tpu.dma_semaphore, #tpu.memory_space<semaphore_mem>>) src(%dma_wait3A_632 : memref<450000x64xi32, #tpu.memory_space<hbm>>) dst(%dma_wait3A_627 : memref<32x64xi32, #tpu.memory_space<vmem>>)
      %dma_wait3A_635 = arith.constant 1 : i32
      %dma_wait3A_636 = arith.constant 5 : i32
      %dma_wait3A_637 = arith.constant 1 : i32
      %dma_wait3A_638 = arith.constant 0 : i32
      %dma_wait3A_639 = arith.constant 0 : i32
      %dma_wait3A_640 = tpu.memref_slice %arg6[%dma_wait3A_635, %dma_wait3A_636, %dma_wait3A_638, %dma_wait3A_639] : memref<2x9x32x64xi32, #tpu.memory_space<vmem>> -> memref<1x1x32x64xi32, #tpu.memory_space<vmem>>
      %dma_wait3A_641 = tpu.memref_squeeze %dma_wait3A_640 : memref<1x1x32x64xi32, #tpu.memory_space<vmem>> -> memref<32x64xi32, #tpu.memory_space<vmem>>
      %dma_wait3A_642 = arith.constant 448 : i32
      %dma_wait3A_643 = tpu.memref_slice %arg5[%dma_wait3A_642] : memref<576xi32, #tpu.memory_space<vmem>> -> memref<32xi32, #tpu.memory_space<vmem>>
      %dma_wait3A_644 = arith.constant 0 : i32
      %dma_wait3A_645 = arith.constant 0 : i32
      %dma_wait3A_646 = tpu.memref_slice %arg2[%dma_wait3A_644, %dma_wait3A_645] : memref<450000x64xi32, #tpu.memory_space<hbm>> -> memref<450000x64xi32, #tpu.memory_space<hbm>>
      %dma_wait3A_647 = tpu.memref_slice %arg9[%dma_wait3A_637] : memref<2x!tpu.dma_semaphore, #tpu.memory_space<semaphore_mem>> -> memref<1x!tpu.dma_semaphore, #tpu.memory_space<semaphore_mem>>
      %dma_wait3A_648 = tpu.memref_squeeze %dma_wait3A_647 : memref<1x!tpu.dma_semaphore, #tpu.memory_space<semaphore_mem>> -> memref<!tpu.dma_semaphore, #tpu.memory_space<semaphore_mem>>
      tpu.wait_indirect_dma semaphore(%dma_wait3A_648 : memref<!tpu.dma_semaphore, #tpu.memory_space<semaphore_mem>>) src(%dma_wait3A_646 : memref<450000x64xi32, #tpu.memory_space<hbm>>) dst(%dma_wait3A_641 : memref<32x64xi32, #tpu.memory_space<vmem>>)
      %dma_wait3A_649 = arith.constant 1 : i32
      %dma_wait3A_650 = arith.constant 6 : i32
      %dma_wait3A_651 = arith.constant 1 : i32
      %dma_wait3A_652 = arith.constant 0 : i32
      %dma_wait3A_653 = arith.constant 0 : i32
      %dma_wait3A_654 = tpu.memref_slice %arg6[%dma_wait3A_649, %dma_wait3A_650, %dma_wait3A_652, %dma_wait3A_653] : memref<2x9x32x64xi32, #tpu.memory_space<vmem>> -> memref<1x1x32x64xi32, #tpu.memory_space<vmem>>
      %dma_wait3A_655 = tpu.memref_squeeze %dma_wait3A_654 : memref<1x1x32x64xi32, #tpu.memory_space<vmem>> -> memref<32x64xi32, #tpu.memory_space<vmem>>
      %dma_wait3A_656 = arith.constant 480 : i32
      %dma_wait3A_657 = tpu.memref_slice %arg5[%dma_wait3A_656] : memref<576xi32, #tpu.memory_space<vmem>> -> memref<32xi32, #tpu.memory_space<vmem>>
      %dma_wait3A_658 = arith.constant 0 : i32
      %dma_wait3A_659 = arith.constant 0 : i32
      %dma_wait3A_660 = tpu.memref_slice %arg2[%dma_wait3A_658, %dma_wait3A_659] : memref<450000x64xi32, #tpu.memory_space<hbm>> -> memref<450000x64xi32, #tpu.memory_space<hbm>>
      %dma_wait3A_661 = tpu.memref_slice %arg9[%dma_wait3A_651] : memref<2x!tpu.dma_semaphore, #tpu.memory_space<semaphore_mem>> -> memref<1x!tpu.dma_semaphore, #tpu.memory_space<semaphore_mem>>
      %dma_wait3A_662 = tpu.memref_squeeze %dma_wait3A_661 : memref<1x!tpu.dma_semaphore, #tpu.memory_space<semaphore_mem>> -> memref<!tpu.dma_semaphore, #tpu.memory_space<semaphore_mem>>
      tpu.wait_indirect_dma semaphore(%dma_wait3A_662 : memref<!tpu.dma_semaphore, #tpu.memory_space<semaphore_mem>>) src(%dma_wait3A_660 : memref<450000x64xi32, #tpu.memory_space<hbm>>) dst(%dma_wait3A_655 : memref<32x64xi32, #tpu.memory_space<vmem>>)
      %dma_wait3A_663 = arith.constant 1 : i32
      %dma_wait3A_664 = arith.constant 7 : i32
      %dma_wait3A_665 = arith.constant 1 : i32
      %dma_wait3A_666 = arith.constant 0 : i32
      %dma_wait3A_667 = arith.constant 0 : i32
      %dma_wait3A_668 = tpu.memref_slice %arg6[%dma_wait3A_663, %dma_wait3A_664, %dma_wait3A_666, %dma_wait3A_667] : memref<2x9x32x64xi32, #tpu.memory_space<vmem>> -> memref<1x1x32x64xi32, #tpu.memory_space<vmem>>
      %dma_wait3A_669 = tpu.memref_squeeze %dma_wait3A_668 : memref<1x1x32x64xi32, #tpu.memory_space<vmem>> -> memref<32x64xi32, #tpu.memory_space<vmem>>
      %dma_wait3A_670 = arith.constant 512 : i32
      %dma_wait3A_671 = tpu.memref_slice %arg5[%dma_wait3A_670] : memref<576xi32, #tpu.memory_space<vmem>> -> memref<32xi32, #tpu.memory_space<vmem>>
      %dma_wait3A_672 = arith.constant 0 : i32
      %dma_wait3A_673 = arith.constant 0 : i32
      %dma_wait3A_674 = tpu.memref_slice %arg2[%dma_wait3A_672, %dma_wait3A_673] : memref<450000x64xi32, #tpu.memory_space<hbm>> -> memref<450000x64xi32, #tpu.memory_space<hbm>>
      %dma_wait3A_675 = tpu.memref_slice %arg9[%dma_wait3A_665] : memref<2x!tpu.dma_semaphore, #tpu.memory_space<semaphore_mem>> -> memref<1x!tpu.dma_semaphore, #tpu.memory_space<semaphore_mem>>
      %dma_wait3A_676 = tpu.memref_squeeze %dma_wait3A_675 : memref<1x!tpu.dma_semaphore, #tpu.memory_space<semaphore_mem>> -> memref<!tpu.dma_semaphore, #tpu.memory_space<semaphore_mem>>
      tpu.wait_indirect_dma semaphore(%dma_wait3A_676 : memref<!tpu.dma_semaphore, #tpu.memory_space<semaphore_mem>>) src(%dma_wait3A_674 : memref<450000x64xi32, #tpu.memory_space<hbm>>) dst(%dma_wait3A_669 : memref<32x64xi32, #tpu.memory_space<vmem>>)
      %dma_wait3A_677 = arith.constant 1 : i32
      %dma_wait3A_678 = arith.constant 8 : i32
      %dma_wait3A_679 = arith.constant 1 : i32
      %dma_wait3A_680 = arith.constant 0 : i32
      %dma_wait3A_681 = arith.constant 0 : i32
      %dma_wait3A_682 = tpu.memref_slice %arg6[%dma_wait3A_677, %dma_wait3A_678, %dma_wait3A_680, %dma_wait3A_681] : memref<2x9x32x64xi32, #tpu.memory_space<vmem>> -> memref<1x1x32x64xi32, #tpu.memory_space<vmem>>
      %dma_wait3A_683 = tpu.memref_squeeze %dma_wait3A_682 : memref<1x1x32x64xi32, #tpu.memory_space<vmem>> -> memref<32x64xi32, #tpu.memory_space<vmem>>
      %dma_wait3A_684 = arith.constant 544 : i32
      %dma_wait3A_685 = tpu.memref_slice %arg5[%dma_wait3A_684] : memref<576xi32, #tpu.memory_space<vmem>> -> memref<32xi32, #tpu.memory_space<vmem>>
      %dma_wait3A_686 = arith.constant 0 : i32
      %dma_wait3A_687 = arith.constant 0 : i32
      %dma_wait3A_688 = tpu.memref_slice %arg2[%dma_wait3A_686, %dma_wait3A_687] : memref<450000x64xi32, #tpu.memory_space<hbm>> -> memref<450000x64xi32, #tpu.memory_space<hbm>>
      %dma_wait3A_689 = tpu.memref_slice %arg9[%dma_wait3A_679] : memref<2x!tpu.dma_semaphore, #tpu.memory_space<semaphore_mem>> -> memref<1x!tpu.dma_semaphore, #tpu.memory_space<semaphore_mem>>
      %dma_wait3A_690 = tpu.memref_squeeze %dma_wait3A_689 : memref<1x!tpu.dma_semaphore, #tpu.memory_space<semaphore_mem>> -> memref<!tpu.dma_semaphore, #tpu.memory_space<semaphore_mem>>
      tpu.wait_indirect_dma semaphore(%dma_wait3A_690 : memref<!tpu.dma_semaphore, #tpu.memory_space<semaphore_mem>>) src(%dma_wait3A_688 : memref<450000x64xi32, #tpu.memory_space<hbm>>) dst(%dma_wait3A_683 : memref<32x64xi32, #tpu.memory_space<vmem>>)
      %convert_element_type3A_691 = arith.extui %lt3A : i1 to i32
      %cond3A_692 = arith.constant 0 : i32
      %cond3A_693 = arith.cmpi ne, %convert_element_type3A_691, %cond3A_692 : i32
      scf.if %cond3A_693 {
        %add3A_719 = arith.constant 2 : i32
        %add3A_720 = arith.addi %add3A_242, %add3A_719 : i32
        %add3A_721 = arith.addi %select_n3A, %add3A_720 : i32
        %mul3A_722 = arith.constant 288 : i32
        %mul3A_723 = arith.muli %add3A_721, %mul3A_722 : i32
        %dma_start3A_724 = arith.constant 1 : i32
        %dma_start3A_725 = arith.constant 288 : i32
        %dma_start3A_726 = tpu.memref_slice %arg5[%dma_start3A_725] : memref<576xi32, #tpu.memory_space<vmem>> -> memref<288xi32, #tpu.memory_space<vmem>>
        %dma_start3A_727 = tpu.memref_slice %arg3[%mul3A_723] : memref<460800xi32, #tpu.memory_space<hbm>> -> memref<288xi32, #tpu.memory_space<hbm>>
        %dma_start3A_728 = tpu.memref_slice %arg8[%dma_start3A_724] : memref<2x!tpu.dma_semaphore, #tpu.memory_space<semaphore_mem>> -> memref<1x!tpu.dma_semaphore, #tpu.memory_space<semaphore_mem>>
        %dma_start3A_729 = tpu.memref_squeeze %dma_start3A_728 : memref<1x!tpu.dma_semaphore, #tpu.memory_space<semaphore_mem>> -> memref<!tpu.dma_semaphore, #tpu.memory_space<semaphore_mem>>
        %dma_start3A_730 = arith.constant 288 : i32
        %dma_start3A_731 = tpu.memref_slice %arg5[%dma_start3A_730] : memref<576xi32, #tpu.memory_space<vmem>> -> memref<288xi32, #tpu.memory_space<vmem>>
        %dma_start3A_732 = tpu.memref_slice %arg3[%mul3A_723] : memref<460800xi32, #tpu.memory_space<hbm>> -> memref<288xi32, #tpu.memory_space<hbm>>
        tpu.enqueue_dma source(%dma_start3A_732 : memref<288xi32, #tpu.memory_space<hbm>>) target(%dma_start3A_731 : memref<288xi32, #tpu.memory_space<vmem>>) target_semaphore(%dma_start3A_729 : memref<!tpu.dma_semaphore, #tpu.memory_space<semaphore_mem>>)
        %add3A_733 = arith.constant 2 : i32
        %add3A_734 = arith.addi %mul3A_240, %add3A_733 : i32
        %add3A_735 = arith.addi %select_n3A, %add3A_734 : i32
        %mul3A_736 = arith.constant 288 : i32
        %mul3A_737 = arith.muli %add3A_735, %mul3A_736 : i32
        %dma_wait3A_738 = arith.constant 0 : i32
        %dma_wait3A_739 = arith.constant 0 : i32
        %dma_wait3A_740 = tpu.memref_slice %arg5[%dma_wait3A_739] : memref<576xi32, #tpu.memory_space<vmem>> -> memref<288xi32, #tpu.memory_space<vmem>>
        %dma_wait3A_741 = tpu.memref_slice %arg3[%mul3A_737] : memref<460800xi32, #tpu.memory_space<hbm>> -> memref<288xi32, #tpu.memory_space<hbm>>
        %dma_wait3A_742 = tpu.memref_slice %arg8[%dma_wait3A_738] : memref<2x!tpu.dma_semaphore, #tpu.memory_space<semaphore_mem>> -> memref<1x!tpu.dma_semaphore, #tpu.memory_space<semaphore_mem>>
        %dma_wait3A_743 = tpu.memref_squeeze %dma_wait3A_742 : memref<1x!tpu.dma_semaphore, #tpu.memory_space<semaphore_mem>> -> memref<!tpu.dma_semaphore, #tpu.memory_space<semaphore_mem>>
        %dma_wait3A_744 = arith.constant 0 : i32
        %dma_wait3A_745 = tpu.memref_slice %arg5[%dma_wait3A_744] : memref<576xi32, #tpu.memory_space<vmem>> -> memref<288xi32, #tpu.memory_space<vmem>>
        %dma_wait3A_746 = tpu.memref_slice %arg3[%mul3A_737] : memref<460800xi32, #tpu.memory_space<hbm>> -> memref<288xi32, #tpu.memory_space<hbm>>
        tpu.wait_dma2 semaphore(%dma_wait3A_743 : memref<!tpu.dma_semaphore, #tpu.memory_space<semaphore_mem>>) src(%dma_wait3A_746 : memref<288xi32, #tpu.memory_space<hbm>>) dst(%dma_wait3A_745 : memref<288xi32, #tpu.memory_space<vmem>>)
        %dma_start3A_747 = arith.constant 0 : i32
        %dma_start3A_748 = arith.constant 0 : i32
        %dma_start3A_749 = arith.constant 0 : i32
        %dma_start3A_750 = arith.constant 0 : i32
        %dma_start3A_751 = arith.constant 0 : i32
        %dma_start3A_752 = tpu.memref_slice %arg6[%dma_start3A_747, %dma_start3A_748, %dma_start3A_750, %dma_start3A_751] : memref<2x9x32x64xi32, #tpu.memory_space<vmem>> -> memref<1x1x32x64xi32, #tpu.memory_space<vmem>>
        %dma_start3A_753 = tpu.memref_squeeze %dma_start3A_752 : memref<1x1x32x64xi32, #tpu.memory_space<vmem>> -> memref<32x64xi32, #tpu.memory_space<vmem>>
        %dma_start3A_754 = arith.constant 0 : i32
        %dma_start3A_755 = tpu.memref_slice %arg5[%dma_start3A_754] : memref<576xi32, #tpu.memory_space<vmem>> -> memref<32xi32, #tpu.memory_space<vmem>>
        %dma_start3A_756 = arith.constant 0 : i32
        %dma_start3A_757 = arith.constant 0 : i32
        %dma_start3A_758 = tpu.memref_slice %arg2[%dma_start3A_756, %dma_start3A_757] : memref<450000x64xi32, #tpu.memory_space<hbm>> -> memref<450000x64xi32, #tpu.memory_space<hbm>>
        %dma_start3A_759 = tpu.memref_slice %arg9[%dma_start3A_749] : memref<2x!tpu.dma_semaphore, #tpu.memory_space<semaphore_mem>> -> memref<1x!tpu.dma_semaphore, #tpu.memory_space<semaphore_mem>>
        %dma_start3A_760 = tpu.memref_squeeze %dma_start3A_759 : memref<1x!tpu.dma_semaphore, #tpu.memory_space<semaphore_mem>> -> memref<!tpu.dma_semaphore, #tpu.memory_space<semaphore_mem>>
        tpu.enqueue_indirect_dma source(%dma_start3A_758 : memref<450000x64xi32, #tpu.memory_space<hbm>>) target(%dma_start3A_753 : memref<32x64xi32, #tpu.memory_space<vmem>>) offsets(%dma_start3A_755 : memref<32xi32, #tpu.memory_space<vmem>>) semaphore(%dma_start3A_760 : memref<!tpu.dma_semaphore, #tpu.memory_space<semaphore_mem>>)
        %dma_start3A_761 = arith.constant 0 : i32
        %dma_start3A_762 = arith.constant 1 : i32
        %dma_start3A_763 = arith.constant 0 : i32
        %dma_start3A_764 = arith.constant 0 : i32
        %dma_start3A_765 = arith.constant 0 : i32
        %dma_start3A_766 = tpu.memref_slice %arg6[%dma_start3A_761, %dma_start3A_762, %dma_start3A_764, %dma_start3A_765] : memref<2x9x32x64xi32, #tpu.memory_space<vmem>> -> memref<1x1x32x64xi32, #tpu.memory_space<vmem>>
        %dma_start3A_767 = tpu.memref_squeeze %dma_start3A_766 : memref<1x1x32x64xi32, #tpu.memory_space<vmem>> -> memref<32x64xi32, #tpu.memory_space<vmem>>
        %dma_start3A_768 = arith.constant 32 : i32
        %dma_start3A_769 = tpu.memref_slice %arg5[%dma_start3A_768] : memref<576xi32, #tpu.memory_space<vmem>> -> memref<32xi32, #tpu.memory_space<vmem>>
        %dma_start3A_770 = arith.constant 0 : i32
        %dma_start3A_771 = arith.constant 0 : i32
        %dma_start3A_772 = tpu.memref_slice %arg2[%dma_start3A_770, %dma_start3A_771] : memref<450000x64xi32, #tpu.memory_space<hbm>> -> memref<450000x64xi32, #tpu.memory_space<hbm>>
        %dma_start3A_773 = tpu.memref_slice %arg9[%dma_start3A_763] : memref<2x!tpu.dma_semaphore, #tpu.memory_space<semaphore_mem>> -> memref<1x!tpu.dma_semaphore, #tpu.memory_space<semaphore_mem>>
        %dma_start3A_774 = tpu.memref_squeeze %dma_start3A_773 : memref<1x!tpu.dma_semaphore, #tpu.memory_space<semaphore_mem>> -> memref<!tpu.dma_semaphore, #tpu.memory_space<semaphore_mem>>
        tpu.enqueue_indirect_dma source(%dma_start3A_772 : memref<450000x64xi32, #tpu.memory_space<hbm>>) target(%dma_start3A_767 : memref<32x64xi32, #tpu.memory_space<vmem>>) offsets(%dma_start3A_769 : memref<32xi32, #tpu.memory_space<vmem>>) semaphore(%dma_start3A_774 : memref<!tpu.dma_semaphore, #tpu.memory_space<semaphore_mem>>)
        %dma_start3A_775 = arith.constant 0 : i32
        %dma_start3A_776 = arith.constant 2 : i32
        %dma_start3A_777 = arith.constant 0 : i32
        %dma_start3A_778 = arith.constant 0 : i32
        %dma_start3A_779 = arith.constant 0 : i32
        %dma_start3A_780 = tpu.memref_slice %arg6[%dma_start3A_775, %dma_start3A_776, %dma_start3A_778, %dma_start3A_779] : memref<2x9x32x64xi32, #tpu.memory_space<vmem>> -> memref<1x1x32x64xi32, #tpu.memory_space<vmem>>
        %dma_start3A_781 = tpu.memref_squeeze %dma_start3A_780 : memref<1x1x32x64xi32, #tpu.memory_space<vmem>> -> memref<32x64xi32, #tpu.memory_space<vmem>>
        %dma_start3A_782 = arith.constant 64 : i32
        %dma_start3A_783 = tpu.memref_slice %arg5[%dma_start3A_782] : memref<576xi32, #tpu.memory_space<vmem>> -> memref<32xi32, #tpu.memory_space<vmem>>
        %dma_start3A_784 = arith.constant 0 : i32
        %dma_start3A_785 = arith.constant 0 : i32
        %dma_start3A_786 = tpu.memref_slice %arg2[%dma_start3A_784, %dma_start3A_785] : memref<450000x64xi32, #tpu.memory_space<hbm>> -> memref<450000x64xi32, #tpu.memory_space<hbm>>
        %dma_start3A_787 = tpu.memref_slice %arg9[%dma_start3A_777] : memref<2x!tpu.dma_semaphore, #tpu.memory_space<semaphore_mem>> -> memref<1x!tpu.dma_semaphore, #tpu.memory_space<semaphore_mem>>
        %dma_start3A_788 = tpu.memref_squeeze %dma_start3A_787 : memref<1x!tpu.dma_semaphore, #tpu.memory_space<semaphore_mem>> -> memref<!tpu.dma_semaphore, #tpu.memory_space<semaphore_mem>>
        tpu.enqueue_indirect_dma source(%dma_start3A_786 : memref<450000x64xi32, #tpu.memory_space<hbm>>) target(%dma_start3A_781 : memref<32x64xi32, #tpu.memory_space<vmem>>) offsets(%dma_start3A_783 : memref<32xi32, #tpu.memory_space<vmem>>) semaphore(%dma_start3A_788 : memref<!tpu.dma_semaphore, #tpu.memory_space<semaphore_mem>>)
        %dma_start3A_789 = arith.constant 0 : i32
        %dma_start3A_790 = arith.constant 3 : i32
        %dma_start3A_791 = arith.constant 0 : i32
        %dma_start3A_792 = arith.constant 0 : i32
        %dma_start3A_793 = arith.constant 0 : i32
        %dma_start3A_794 = tpu.memref_slice %arg6[%dma_start3A_789, %dma_start3A_790, %dma_start3A_792, %dma_start3A_793] : memref<2x9x32x64xi32, #tpu.memory_space<vmem>> -> memref<1x1x32x64xi32, #tpu.memory_space<vmem>>
        %dma_start3A_795 = tpu.memref_squeeze %dma_start3A_794 : memref<1x1x32x64xi32, #tpu.memory_space<vmem>> -> memref<32x64xi32, #tpu.memory_space<vmem>>
        %dma_start3A_796 = arith.constant 96 : i32
        %dma_start3A_797 = tpu.memref_slice %arg5[%dma_start3A_796] : memref<576xi32, #tpu.memory_space<vmem>> -> memref<32xi32, #tpu.memory_space<vmem>>
        %dma_start3A_798 = arith.constant 0 : i32
        %dma_start3A_799 = arith.constant 0 : i32
        %dma_start3A_800 = tpu.memref_slice %arg2[%dma_start3A_798, %dma_start3A_799] : memref<450000x64xi32, #tpu.memory_space<hbm>> -> memref<450000x64xi32, #tpu.memory_space<hbm>>
        %dma_start3A_801 = tpu.memref_slice %arg9[%dma_start3A_791] : memref<2x!tpu.dma_semaphore, #tpu.memory_space<semaphore_mem>> -> memref<1x!tpu.dma_semaphore, #tpu.memory_space<semaphore_mem>>
        %dma_start3A_802 = tpu.memref_squeeze %dma_start3A_801 : memref<1x!tpu.dma_semaphore, #tpu.memory_space<semaphore_mem>> -> memref<!tpu.dma_semaphore, #tpu.memory_space<semaphore_mem>>
        tpu.enqueue_indirect_dma source(%dma_start3A_800 : memref<450000x64xi32, #tpu.memory_space<hbm>>) target(%dma_start3A_795 : memref<32x64xi32, #tpu.memory_space<vmem>>) offsets(%dma_start3A_797 : memref<32xi32, #tpu.memory_space<vmem>>) semaphore(%dma_start3A_802 : memref<!tpu.dma_semaphore, #tpu.memory_space<semaphore_mem>>)
        %dma_start3A_803 = arith.constant 0 : i32
        %dma_start3A_804 = arith.constant 4 : i32
        %dma_start3A_805 = arith.constant 0 : i32
        %dma_start3A_806 = arith.constant 0 : i32
        %dma_start3A_807 = arith.constant 0 : i32
        %dma_start3A_808 = tpu.memref_slice %arg6[%dma_start3A_803, %dma_start3A_804, %dma_start3A_806, %dma_start3A_807] : memref<2x9x32x64xi32, #tpu.memory_space<vmem>> -> memref<1x1x32x64xi32, #tpu.memory_space<vmem>>
        %dma_start3A_809 = tpu.memref_squeeze %dma_start3A_808 : memref<1x1x32x64xi32, #tpu.memory_space<vmem>> -> memref<32x64xi32, #tpu.memory_space<vmem>>
        %dma_start3A_810 = arith.constant 128 : i32
        %dma_start3A_811 = tpu.memref_slice %arg5[%dma_start3A_810] : memref<576xi32, #tpu.memory_space<vmem>> -> memref<32xi32, #tpu.memory_space<vmem>>
        %dma_start3A_812 = arith.constant 0 : i32
        %dma_start3A_813 = arith.constant 0 : i32
        %dma_start3A_814 = tpu.memref_slice %arg2[%dma_start3A_812, %dma_start3A_813] : memref<450000x64xi32, #tpu.memory_space<hbm>> -> memref<450000x64xi32, #tpu.memory_space<hbm>>
        %dma_start3A_815 = tpu.memref_slice %arg9[%dma_start3A_805] : memref<2x!tpu.dma_semaphore, #tpu.memory_space<semaphore_mem>> -> memref<1x!tpu.dma_semaphore, #tpu.memory_space<semaphore_mem>>
        %dma_start3A_816 = tpu.memref_squeeze %dma_start3A_815 : memref<1x!tpu.dma_semaphore, #tpu.memory_space<semaphore_mem>> -> memref<!tpu.dma_semaphore, #tpu.memory_space<semaphore_mem>>
        tpu.enqueue_indirect_dma source(%dma_start3A_814 : memref<450000x64xi32, #tpu.memory_space<hbm>>) target(%dma_start3A_809 : memref<32x64xi32, #tpu.memory_space<vmem>>) offsets(%dma_start3A_811 : memref<32xi32, #tpu.memory_space<vmem>>) semaphore(%dma_start3A_816 : memref<!tpu.dma_semaphore, #tpu.memory_space<semaphore_mem>>)
        %dma_start3A_817 = arith.constant 0 : i32
        %dma_start3A_818 = arith.constant 5 : i32
        %dma_start3A_819 = arith.constant 0 : i32
        %dma_start3A_820 = arith.constant 0 : i32
        %dma_start3A_821 = arith.constant 0 : i32
        %dma_start3A_822 = tpu.memref_slice %arg6[%dma_start3A_817, %dma_start3A_818, %dma_start3A_820, %dma_start3A_821] : memref<2x9x32x64xi32, #tpu.memory_space<vmem>> -> memref<1x1x32x64xi32, #tpu.memory_space<vmem>>
        %dma_start3A_823 = tpu.memref_squeeze %dma_start3A_822 : memref<1x1x32x64xi32, #tpu.memory_space<vmem>> -> memref<32x64xi32, #tpu.memory_space<vmem>>
        %dma_start3A_824 = arith.constant 160 : i32
        %dma_start3A_825 = tpu.memref_slice %arg5[%dma_start3A_824] : memref<576xi32, #tpu.memory_space<vmem>> -> memref<32xi32, #tpu.memory_space<vmem>>
        %dma_start3A_826 = arith.constant 0 : i32
        %dma_start3A_827 = arith.constant 0 : i32
        %dma_start3A_828 = tpu.memref_slice %arg2[%dma_start3A_826, %dma_start3A_827] : memref<450000x64xi32, #tpu.memory_space<hbm>> -> memref<450000x64xi32, #tpu.memory_space<hbm>>
        %dma_start3A_829 = tpu.memref_slice %arg9[%dma_start3A_819] : memref<2x!tpu.dma_semaphore, #tpu.memory_space<semaphore_mem>> -> memref<1x!tpu.dma_semaphore, #tpu.memory_space<semaphore_mem>>
        %dma_start3A_830 = tpu.memref_squeeze %dma_start3A_829 : memref<1x!tpu.dma_semaphore, #tpu.memory_space<semaphore_mem>> -> memref<!tpu.dma_semaphore, #tpu.memory_space<semaphore_mem>>
        tpu.enqueue_indirect_dma source(%dma_start3A_828 : memref<450000x64xi32, #tpu.memory_space<hbm>>) target(%dma_start3A_823 : memref<32x64xi32, #tpu.memory_space<vmem>>) offsets(%dma_start3A_825 : memref<32xi32, #tpu.memory_space<vmem>>) semaphore(%dma_start3A_830 : memref<!tpu.dma_semaphore, #tpu.memory_space<semaphore_mem>>)
        %dma_start3A_831 = arith.constant 0 : i32
        %dma_start3A_832 = arith.constant 6 : i32
        %dma_start3A_833 = arith.constant 0 : i32
        %dma_start3A_834 = arith.constant 0 : i32
        %dma_start3A_835 = arith.constant 0 : i32
        %dma_start3A_836 = tpu.memref_slice %arg6[%dma_start3A_831, %dma_start3A_832, %dma_start3A_834, %dma_start3A_835] : memref<2x9x32x64xi32, #tpu.memory_space<vmem>> -> memref<1x1x32x64xi32, #tpu.memory_space<vmem>>
        %dma_start3A_837 = tpu.memref_squeeze %dma_start3A_836 : memref<1x1x32x64xi32, #tpu.memory_space<vmem>> -> memref<32x64xi32, #tpu.memory_space<vmem>>
        %dma_start3A_838 = arith.constant 192 : i32
        %dma_start3A_839 = tpu.memref_slice %arg5[%dma_start3A_838] : memref<576xi32, #tpu.memory_space<vmem>> -> memref<32xi32, #tpu.memory_space<vmem>>
        %dma_start3A_840 = arith.constant 0 : i32
        %dma_start3A_841 = arith.constant 0 : i32
        %dma_start3A_842 = tpu.memref_slice %arg2[%dma_start3A_840, %dma_start3A_841] : memref<450000x64xi32, #tpu.memory_space<hbm>> -> memref<450000x64xi32, #tpu.memory_space<hbm>>
        %dma_start3A_843 = tpu.memref_slice %arg9[%dma_start3A_833] : memref<2x!tpu.dma_semaphore, #tpu.memory_space<semaphore_mem>> -> memref<1x!tpu.dma_semaphore, #tpu.memory_space<semaphore_mem>>
        %dma_start3A_844 = tpu.memref_squeeze %dma_start3A_843 : memref<1x!tpu.dma_semaphore, #tpu.memory_space<semaphore_mem>> -> memref<!tpu.dma_semaphore, #tpu.memory_space<semaphore_mem>>
        tpu.enqueue_indirect_dma source(%dma_start3A_842 : memref<450000x64xi32, #tpu.memory_space<hbm>>) target(%dma_start3A_837 : memref<32x64xi32, #tpu.memory_space<vmem>>) offsets(%dma_start3A_839 : memref<32xi32, #tpu.memory_space<vmem>>) semaphore(%dma_start3A_844 : memref<!tpu.dma_semaphore, #tpu.memory_space<semaphore_mem>>)
        %dma_start3A_845 = arith.constant 0 : i32
        %dma_start3A_846 = arith.constant 7 : i32
        %dma_start3A_847 = arith.constant 0 : i32
        %dma_start3A_848 = arith.constant 0 : i32
        %dma_start3A_849 = arith.constant 0 : i32
        %dma_start3A_850 = tpu.memref_slice %arg6[%dma_start3A_845, %dma_start3A_846, %dma_start3A_848, %dma_start3A_849] : memref<2x9x32x64xi32, #tpu.memory_space<vmem>> -> memref<1x1x32x64xi32, #tpu.memory_space<vmem>>
        %dma_start3A_851 = tpu.memref_squeeze %dma_start3A_850 : memref<1x1x32x64xi32, #tpu.memory_space<vmem>> -> memref<32x64xi32, #tpu.memory_space<vmem>>
        %dma_start3A_852 = arith.constant 224 : i32
        %dma_start3A_853 = tpu.memref_slice %arg5[%dma_start3A_852] : memref<576xi32, #tpu.memory_space<vmem>> -> memref<32xi32, #tpu.memory_space<vmem>>
        %dma_start3A_854 = arith.constant 0 : i32
        %dma_start3A_855 = arith.constant 0 : i32
        %dma_start3A_856 = tpu.memref_slice %arg2[%dma_start3A_854, %dma_start3A_855] : memref<450000x64xi32, #tpu.memory_space<hbm>> -> memref<450000x64xi32, #tpu.memory_space<hbm>>
        %dma_start3A_857 = tpu.memref_slice %arg9[%dma_start3A_847] : memref<2x!tpu.dma_semaphore, #tpu.memory_space<semaphore_mem>> -> memref<1x!tpu.dma_semaphore, #tpu.memory_space<semaphore_mem>>
        %dma_start3A_858 = tpu.memref_squeeze %dma_start3A_857 : memref<1x!tpu.dma_semaphore, #tpu.memory_space<semaphore_mem>> -> memref<!tpu.dma_semaphore, #tpu.memory_space<semaphore_mem>>
        tpu.enqueue_indirect_dma source(%dma_start3A_856 : memref<450000x64xi32, #tpu.memory_space<hbm>>) target(%dma_start3A_851 : memref<32x64xi32, #tpu.memory_space<vmem>>) offsets(%dma_start3A_853 : memref<32xi32, #tpu.memory_space<vmem>>) semaphore(%dma_start3A_858 : memref<!tpu.dma_semaphore, #tpu.memory_space<semaphore_mem>>)
        %dma_start3A_859 = arith.constant 0 : i32
        %dma_start3A_860 = arith.constant 8 : i32
        %dma_start3A_861 = arith.constant 0 : i32
        %dma_start3A_862 = arith.constant 0 : i32
        %dma_start3A_863 = arith.constant 0 : i32
        %dma_start3A_864 = tpu.memref_slice %arg6[%dma_start3A_859, %dma_start3A_860, %dma_start3A_862, %dma_start3A_863] : memref<2x9x32x64xi32, #tpu.memory_space<vmem>> -> memref<1x1x32x64xi32, #tpu.memory_space<vmem>>
        %dma_start3A_865 = tpu.memref_squeeze %dma_start3A_864 : memref<1x1x32x64xi32, #tpu.memory_space<vmem>> -> memref<32x64xi32, #tpu.memory_space<vmem>>
        %dma_start3A_866 = arith.constant 256 : i32
        %dma_start3A_867 = tpu.memref_slice %arg5[%dma_start3A_866] : memref<576xi32, #tpu.memory_space<vmem>> -> memref<32xi32, #tpu.memory_space<vmem>>
        %dma_start3A_868 = arith.constant 0 : i32
        %dma_start3A_869 = arith.constant 0 : i32
        %dma_start3A_870 = tpu.memref_slice %arg2[%dma_start3A_868, %dma_start3A_869] : memref<450000x64xi32, #tpu.memory_space<hbm>> -> memref<450000x64xi32, #tpu.memory_space<hbm>>
        %dma_start3A_871 = tpu.memref_slice %arg9[%dma_start3A_861] : memref<2x!tpu.dma_semaphore, #tpu.memory_space<semaphore_mem>> -> memref<1x!tpu.dma_semaphore, #tpu.memory_space<semaphore_mem>>
        %dma_start3A_872 = tpu.memref_squeeze %dma_start3A_871 : memref<1x!tpu.dma_semaphore, #tpu.memory_space<semaphore_mem>> -> memref<!tpu.dma_semaphore, #tpu.memory_space<semaphore_mem>>
        tpu.enqueue_indirect_dma source(%dma_start3A_870 : memref<450000x64xi32, #tpu.memory_space<hbm>>) target(%dma_start3A_865 : memref<32x64xi32, #tpu.memory_space<vmem>>) offsets(%dma_start3A_867 : memref<32xi32, #tpu.memory_space<vmem>>) semaphore(%dma_start3A_872 : memref<!tpu.dma_semaphore, #tpu.memory_space<semaphore_mem>>)
      } else {
      }
      %scan3A_694 = arith.constant 0 : i32
      %scan3A_695 = arith.constant 0 : i32
      %scan3A_696 = arith.constant 32 : i32
      %scan3A_697 = arith.addi %scan3A_695, %scan3A_696 : i32
      %scan3A_698 = arith.constant 1 : i32
      scf.for %scan3A_719 = %scan3A_695 to %scan3A_697 step %scan3A_698  : i32 {
        %get3A = arith.constant 1 : i32
        %get3A_720 = arith.constant 0 : i32
        %get3A_721 = arith.index_cast %get3A : i32 to index
        %get3A_722 = arith.index_cast %get3A_720 : i32 to index
        %get3A_723 = arith.index_cast %scan3A_719 : i32 to index
        %get3A_724 = arith.constant 0 : index
        %get3A_725 = tpu.vector_load %arg6[%get3A_721, %get3A_722, %get3A_723, %get3A_724] {strides = array<i32>} : memref<2x9x32x64xi32, #tpu.memory_space<vmem>>, vector<1x1x1x16xi32>,
        %get3A_726 = vector.shape_cast %get3A_725 : vector<1x1x1x16xi32> to vector<16xi32>
        %shift_left3A = arith.constant 16 : i32
        %shift_left3A_727 = vector.broadcast %shift_left3A : i32 to vector<16xi32>
        %shift_left3A_728 = arith.shli %get3A_726, %shift_left3A_727 : vector<16xi32>
        %bitcast_convert_type3A = tpu.bitcast %shift_left3A_728 : vector<16xi32> -> vector<16xf32>
        %and3A_729 = vector.broadcast %while3A_192 : i32 to vector<16xi32>
        %and3A_730 = arith.andi %get3A_726, %and3A_729 : vector<16xi32>
        %bitcast_convert_type3A_731 = tpu.bitcast %and3A_730 : vector<16xi32> -> vector<16xf32>
        %get3A_732 = arith.constant 1 : i32
        %get3A_733 = arith.constant 1 : i32
        %get3A_734 = arith.index_cast %get3A_732 : i32 to index
        %get3A_735 = arith.index_cast %get3A_733 : i32 to index
        %get3A_736 = arith.index_cast %scan3A_719 : i32 to index
        %get3A_737 = arith.constant 0 : index
        %get3A_738 = tpu.vector_load %arg6[%get3A_734, %get3A_735, %get3A_736, %get3A_737] {strides = array<i32>} : memref<2x9x32x64xi32, #tpu.memory_space<vmem>>, vector<1x1x1x16xi32>,
        %get3A_739 = vector.shape_cast %get3A_738 : vector<1x1x1x16xi32> to vector<16xi32>
        %shift_left3A_740 = arith.constant 16 : i32
        %shift_left3A_741 = vector.broadcast %shift_left3A_740 : i32 to vector<16xi32>
        %shift_left3A_742 = arith.shli %get3A_739, %shift_left3A_741 : vector<16xi32>
        %bitcast_convert_type3A_743 = tpu.bitcast %shift_left3A_742 : vector<16xi32> -> vector<16xf32>
        %add3A_744 = arith.addf %bitcast_convert_type3A, %bitcast_convert_type3A_743 : vector<16xf32>
        %and3A_745 = vector.broadcast %while3A_192 : i32 to vector<16xi32>
        %and3A_746 = arith.andi %get3A_739, %and3A_745 : vector<16xi32>
        %bitcast_convert_type3A_747 = tpu.bitcast %and3A_746 : vector<16xi32> -> vector<16xf32>
        %add3A_748 = arith.addf %bitcast_convert_type3A_731, %bitcast_convert_type3A_747 : vector<16xf32>
        %get3A_749 = arith.constant 1 : i32
        %get3A_750 = arith.constant 2 : i32
        %get3A_751 = arith.index_cast %get3A_749 : i32 to index
        %get3A_752 = arith.index_cast %get3A_750 : i32 to index
        %get3A_753 = arith.index_cast %scan3A_719 : i32 to index
        %get3A_754 = arith.constant 0 : index
        %get3A_755 = tpu.vector_load %arg6[%get3A_751, %get3A_752, %get3A_753, %get3A_754] {strides = array<i32>} : memref<2x9x32x64xi32, #tpu.memory_space<vmem>>, vector<1x1x1x16xi32>,
        %get3A_756 = vector.shape_cast %get3A_755 : vector<1x1x1x16xi32> to vector<16xi32>
        %shift_left3A_757 = arith.constant 16 : i32
        %shift_left3A_758 = vector.broadcast %shift_left3A_757 : i32 to vector<16xi32>
        %shift_left3A_759 = arith.shli %get3A_756, %shift_left3A_758 : vector<16xi32>
        %bitcast_convert_type3A_760 = tpu.bitcast %shift_left3A_759 : vector<16xi32> -> vector<16xf32>
        %add3A_761 = arith.addf %add3A_744, %bitcast_convert_type3A_760 : vector<16xf32>
        %and3A_762 = vector.broadcast %while3A_192 : i32 to vector<16xi32>
        %and3A_763 = arith.andi %get3A_756, %and3A_762 : vector<16xi32>
        %bitcast_convert_type3A_764 = tpu.bitcast %and3A_763 : vector<16xi32> -> vector<16xf32>
        %add3A_765 = arith.addf %add3A_748, %bitcast_convert_type3A_764 : vector<16xf32>
        %get3A_766 = arith.constant 1 : i32
        %get3A_767 = arith.constant 3 : i32
        %get3A_768 = arith.index_cast %get3A_766 : i32 to index
        %get3A_769 = arith.index_cast %get3A_767 : i32 to index
        %get3A_770 = arith.index_cast %scan3A_719 : i32 to index
        %get3A_771 = arith.constant 0 : index
        %get3A_772 = tpu.vector_load %arg6[%get3A_768, %get3A_769, %get3A_770, %get3A_771] {strides = array<i32>} : memref<2x9x32x64xi32, #tpu.memory_space<vmem>>, vector<1x1x1x16xi32>,
        %get3A_773 = vector.shape_cast %get3A_772 : vector<1x1x1x16xi32> to vector<16xi32>
        %shift_left3A_774 = arith.constant 16 : i32
        %shift_left3A_775 = vector.broadcast %shift_left3A_774 : i32 to vector<16xi32>
        %shift_left3A_776 = arith.shli %get3A_773, %shift_left3A_775 : vector<16xi32>
        %bitcast_convert_type3A_777 = tpu.bitcast %shift_left3A_776 : vector<16xi32> -> vector<16xf32>
        %add3A_778 = arith.addf %add3A_761, %bitcast_convert_type3A_777 : vector<16xf32>
        %and3A_779 = vector.broadcast %while3A_192 : i32 to vector<16xi32>
        %and3A_780 = arith.andi %get3A_773, %and3A_779 : vector<16xi32>
        %bitcast_convert_type3A_781 = tpu.bitcast %and3A_780 : vector<16xi32> -> vector<16xf32>
        %add3A_782 = arith.addf %add3A_765, %bitcast_convert_type3A_781 : vector<16xf32>
        %get3A_783 = arith.constant 1 : i32
        %get3A_784 = arith.constant 4 : i32
        %get3A_785 = arith.index_cast %get3A_783 : i32 to index
        %get3A_786 = arith.index_cast %get3A_784 : i32 to index
        %get3A_787 = arith.index_cast %scan3A_719 : i32 to index
        %get3A_788 = arith.constant 0 : index
        %get3A_789 = tpu.vector_load %arg6[%get3A_785, %get3A_786, %get3A_787, %get3A_788] {strides = array<i32>} : memref<2x9x32x64xi32, #tpu.memory_space<vmem>>, vector<1x1x1x16xi32>,
        %get3A_790 = vector.shape_cast %get3A_789 : vector<1x1x1x16xi32> to vector<16xi32>
        %shift_left3A_791 = arith.constant 16 : i32
        %shift_left3A_792 = vector.broadcast %shift_left3A_791 : i32 to vector<16xi32>
        %shift_left3A_793 = arith.shli %get3A_790, %shift_left3A_792 : vector<16xi32>
        %bitcast_convert_type3A_794 = tpu.bitcast %shift_left3A_793 : vector<16xi32> -> vector<16xf32>
        %add3A_795 = arith.addf %add3A_778, %bitcast_convert_type3A_794 : vector<16xf32>
        %and3A_796 = vector.broadcast %while3A_192 : i32 to vector<16xi32>
        %and3A_797 = arith.andi %get3A_790, %and3A_796 : vector<16xi32>
        %bitcast_convert_type3A_798 = tpu.bitcast %and3A_797 : vector<16xi32> -> vector<16xf32>
        %add3A_799 = arith.addf %add3A_782, %bitcast_convert_type3A_798 : vector<16xf32>
        %get3A_800 = arith.constant 1 : i32
        %get3A_801 = arith.constant 5 : i32
        %get3A_802 = arith.index_cast %get3A_800 : i32 to index
        %get3A_803 = arith.index_cast %get3A_801 : i32 to index
        %get3A_804 = arith.index_cast %scan3A_719 : i32 to index
        %get3A_805 = arith.constant 0 : index
        %get3A_806 = tpu.vector_load %arg6[%get3A_802, %get3A_803, %get3A_804, %get3A_805] {strides = array<i32>} : memref<2x9x32x64xi32, #tpu.memory_space<vmem>>, vector<1x1x1x16xi32>,
        %get3A_807 = vector.shape_cast %get3A_806 : vector<1x1x1x16xi32> to vector<16xi32>
        %shift_left3A_808 = arith.constant 16 : i32
        %shift_left3A_809 = vector.broadcast %shift_left3A_808 : i32 to vector<16xi32>
        %shift_left3A_810 = arith.shli %get3A_807, %shift_left3A_809 : vector<16xi32>
        %bitcast_convert_type3A_811 = tpu.bitcast %shift_left3A_810 : vector<16xi32> -> vector<16xf32>
        %add3A_812 = arith.addf %add3A_795, %bitcast_convert_type3A_811 : vector<16xf32>
        %and3A_813 = vector.broadcast %while3A_192 : i32 to vector<16xi32>
        %and3A_814 = arith.andi %get3A_807, %and3A_813 : vector<16xi32>
        %bitcast_convert_type3A_815 = tpu.bitcast %and3A_814 : vector<16xi32> -> vector<16xf32>
        %add3A_816 = arith.addf %add3A_799, %bitcast_convert_type3A_815 : vector<16xf32>
        %get3A_817 = arith.constant 1 : i32
        %get3A_818 = arith.constant 6 : i32
        %get3A_819 = arith.index_cast %get3A_817 : i32 to index
        %get3A_820 = arith.index_cast %get3A_818 : i32 to index
        %get3A_821 = arith.index_cast %scan3A_719 : i32 to index
        %get3A_822 = arith.constant 0 : index
        %get3A_823 = tpu.vector_load %arg6[%get3A_819, %get3A_820, %get3A_821, %get3A_822] {strides = array<i32>} : memref<2x9x32x64xi32, #tpu.memory_space<vmem>>, vector<1x1x1x16xi32>,
        %get3A_824 = vector.shape_cast %get3A_823 : vector<1x1x1x16xi32> to vector<16xi32>
        %shift_left3A_825 = arith.constant 16 : i32
        %shift_left3A_826 = vector.broadcast %shift_left3A_825 : i32 to vector<16xi32>
        %shift_left3A_827 = arith.shli %get3A_824, %shift_left3A_826 : vector<16xi32>
        %bitcast_convert_type3A_828 = tpu.bitcast %shift_left3A_827 : vector<16xi32> -> vector<16xf32>
        %add3A_829 = arith.addf %add3A_812, %bitcast_convert_type3A_828 : vector<16xf32>
        %and3A_830 = vector.broadcast %while3A_192 : i32 to vector<16xi32>
        %and3A_831 = arith.andi %get3A_824, %and3A_830 : vector<16xi32>
        %bitcast_convert_type3A_832 = tpu.bitcast %and3A_831 : vector<16xi32> -> vector<16xf32>
        %add3A_833 = arith.addf %add3A_816, %bitcast_convert_type3A_832 : vector<16xf32>
        %get3A_834 = arith.constant 1 : i32
        %get3A_835 = arith.constant 7 : i32
        %get3A_836 = arith.index_cast %get3A_834 : i32 to index
        %get3A_837 = arith.index_cast %get3A_835 : i32 to index
        %get3A_838 = arith.index_cast %scan3A_719 : i32 to index
        %get3A_839 = arith.constant 0 : index
        %get3A_840 = tpu.vector_load %arg6[%get3A_836, %get3A_837, %get3A_838, %get3A_839] {strides = array<i32>} : memref<2x9x32x64xi32, #tpu.memory_space<vmem>>, vector<1x1x1x16xi32>,
        %get3A_841 = vector.shape_cast %get3A_840 : vector<1x1x1x16xi32> to vector<16xi32>
        %shift_left3A_842 = arith.constant 16 : i32
        %shift_left3A_843 = vector.broadcast %shift_left3A_842 : i32 to vector<16xi32>
        %shift_left3A_844 = arith.shli %get3A_841, %shift_left3A_843 : vector<16xi32>
        %bitcast_convert_type3A_845 = tpu.bitcast %shift_left3A_844 : vector<16xi32> -> vector<16xf32>
        %add3A_846 = arith.addf %add3A_829, %bitcast_convert_type3A_845 : vector<16xf32>
        %and3A_847 = vector.broadcast %while3A_192 : i32 to vector<16xi32>
        %and3A_848 = arith.andi %get3A_841, %and3A_847 : vector<16xi32>
        %bitcast_convert_type3A_849 = tpu.bitcast %and3A_848 : vector<16xi32> -> vector<16xf32>
        %add3A_850 = arith.addf %add3A_833, %bitcast_convert_type3A_849 : vector<16xf32>
        %get3A_851 = arith.constant 1 : i32
        %get3A_852 = arith.constant 8 : i32
        %get3A_853 = arith.index_cast %get3A_851 : i32 to index
        %get3A_854 = arith.index_cast %get3A_852 : i32 to index
        %get3A_855 = arith.index_cast %scan3A_719 : i32 to index
        %get3A_856 = arith.constant 0 : index
        %get3A_857 = tpu.vector_load %arg6[%get3A_853, %get3A_854, %get3A_855, %get3A_856] {strides = array<i32>} : memref<2x9x32x64xi32, #tpu.memory_space<vmem>>, vector<1x1x1x16xi32>,
        %get3A_858 = vector.shape_cast %get3A_857 : vector<1x1x1x16xi32> to vector<16xi32>
        %shift_left3A_859 = arith.constant 16 : i32
        %shift_left3A_860 = vector.broadcast %shift_left3A_859 : i32 to vector<16xi32>
        %shift_left3A_861 = arith.shli %get3A_858, %shift_left3A_860 : vector<16xi32>
        %bitcast_convert_type3A_862 = tpu.bitcast %shift_left3A_861 : vector<16xi32> -> vector<16xf32>
        %add3A_863 = arith.addf %add3A_846, %bitcast_convert_type3A_862 : vector<16xf32>
        %and3A_864 = vector.broadcast %while3A_192 : i32 to vector<16xi32>
        %and3A_865 = arith.andi %get3A_858, %and3A_864 : vector<16xi32>
        %bitcast_convert_type3A_866 = tpu.bitcast %and3A_865 : vector<16xi32> -> vector<16xf32>
        %add3A_867 = arith.addf %add3A_850, %bitcast_convert_type3A_866 : vector<16xf32>
        %swap3A = arith.constant 1 : i32
        %swap3A_868 = arith.index_cast %swap3A : i32 to index
        %swap3A_869 = arith.index_cast %scan3A_719 : i32 to index
        %swap3A_870 = arith.constant 0 : index
        %swap3A_871 = tpu.vector_load %arg7[%swap3A_868, %swap3A_869, %swap3A_870] {strides = array<i32>} : memref<2x32x128xf32, #tpu.memory_space<vmem>>, vector<1x1x16xf32>,
        %swap3A_872 = vector.shape_cast %swap3A_871 : vector<1x1x16xf32> to vector<16xf32>
        %swap3A_873 = vector.shape_cast %add3A_863 : vector<16xf32> to vector<1x1x16xf32>
        tpu.vector_store %arg7[%swap3A_868, %swap3A_869, %swap3A_870], %swap3A_873 {strides = array<i32>} : memref<2x32x128xf32, #tpu.memory_space<vmem>>, vector<1x1x16xf32>,
        %swap3A_874 = arith.constant 1 : i32
        %swap3A_875 = arith.index_cast %swap3A_874 : i32 to index
        %swap3A_876 = arith.index_cast %scan3A_719 : i32 to index
        %swap3A_877 = arith.constant 64 : index
        %swap3A_878 = tpu.vector_load %arg7[%swap3A_875, %swap3A_876, %swap3A_877] {strides = array<i32>} : memref<2x32x128xf32, #tpu.memory_space<vmem>>, vector<1x1x16xf32>,
        %swap3A_879 = vector.shape_cast %swap3A_878 : vector<1x1x16xf32> to vector<16xf32>
        %swap3A_880 = vector.shape_cast %add3A_867 : vector<16xf32> to vector<1x1x16xf32>
        tpu.vector_store %arg7[%swap3A_875, %swap3A_876, %swap3A_877], %swap3A_880 {strides = array<i32>} : memref<2x32x128xf32, #tpu.memory_space<vmem>>, vector<1x1x16xf32>,
        %get3A_881 = arith.constant 1 : i32
        %get3A_882 = arith.constant 0 : i32
        %get3A_883 = arith.index_cast %get3A_881 : i32 to index
        %get3A_884 = arith.index_cast %get3A_882 : i32 to index
        %get3A_885 = arith.index_cast %scan3A_719 : i32 to index
        %get3A_886 = arith.constant 16 : index
        %get3A_887 = tpu.vector_load %arg6[%get3A_883, %get3A_884, %get3A_885, %get3A_886] {strides = array<i32>} : memref<2x9x32x64xi32, #tpu.memory_space<vmem>>, vector<1x1x1x16xi32>,
        %get3A_888 = vector.shape_cast %get3A_887 : vector<1x1x1x16xi32> to vector<16xi32>
        %shift_left3A_889 = arith.constant 16 : i32
        %shift_left3A_890 = vector.broadcast %shift_left3A_889 : i32 to vector<16xi32>
        %shift_left3A_891 = arith.shli %get3A_888, %shift_left3A_890 : vector<16xi32>
        %bitcast_convert_type3A_892 = tpu.bitcast %shift_left3A_891 : vector<16xi32> -> vector<16xf32>
        %and3A_893 = vector.broadcast %while3A_192 : i32 to vector<16xi32>
        %and3A_894 = arith.andi %get3A_888, %and3A_893 : vector<16xi32>
        %bitcast_convert_type3A_895 = tpu.bitcast %and3A_894 : vector<16xi32> -> vector<16xf32>
        %get3A_896 = arith.constant 1 : i32
        %get3A_897 = arith.constant 1 : i32
        %get3A_898 = arith.index_cast %get3A_896 : i32 to index
        %get3A_899 = arith.index_cast %get3A_897 : i32 to index
        %get3A_900 = arith.index_cast %scan3A_719 : i32 to index
        %get3A_901 = arith.constant 16 : index
        %get3A_902 = tpu.vector_load %arg6[%get3A_898, %get3A_899, %get3A_900, %get3A_901] {strides = array<i32>} : memref<2x9x32x64xi32, #tpu.memory_space<vmem>>, vector<1x1x1x16xi32>,
        %get3A_903 = vector.shape_cast %get3A_902 : vector<1x1x1x16xi32> to vector<16xi32>
        %shift_left3A_904 = arith.constant 16 : i32
        %shift_left3A_905 = vector.broadcast %shift_left3A_904 : i32 to vector<16xi32>
        %shift_left3A_906 = arith.shli %get3A_903, %shift_left3A_905 : vector<16xi32>
        %bitcast_convert_type3A_907 = tpu.bitcast %shift_left3A_906 : vector<16xi32> -> vector<16xf32>
        %add3A_908 = arith.addf %bitcast_convert_type3A_892, %bitcast_convert_type3A_907 : vector<16xf32>
        %and3A_909 = vector.broadcast %while3A_192 : i32 to vector<16xi32>
        %and3A_910 = arith.andi %get3A_903, %and3A_909 : vector<16xi32>
        %bitcast_convert_type3A_911 = tpu.bitcast %and3A_910 : vector<16xi32> -> vector<16xf32>
        %add3A_912 = arith.addf %bitcast_convert_type3A_895, %bitcast_convert_type3A_911 : vector<16xf32>
        %get3A_913 = arith.constant 1 : i32
        %get3A_914 = arith.constant 2 : i32
        %get3A_915 = arith.index_cast %get3A_913 : i32 to index
        %get3A_916 = arith.index_cast %get3A_914 : i32 to index
        %get3A_917 = arith.index_cast %scan3A_719 : i32 to index
        %get3A_918 = arith.constant 16 : index
        %get3A_919 = tpu.vector_load %arg6[%get3A_915, %get3A_916, %get3A_917, %get3A_918] {strides = array<i32>} : memref<2x9x32x64xi32, #tpu.memory_space<vmem>>, vector<1x1x1x16xi32>,
        %get3A_920 = vector.shape_cast %get3A_919 : vector<1x1x1x16xi32> to vector<16xi32>
        %shift_left3A_921 = arith.constant 16 : i32
        %shift_left3A_922 = vector.broadcast %shift_left3A_921 : i32 to vector<16xi32>
        %shift_left3A_923 = arith.shli %get3A_920, %shift_left3A_922 : vector<16xi32>
        %bitcast_convert_type3A_924 = tpu.bitcast %shift_left3A_923 : vector<16xi32> -> vector<16xf32>
        %add3A_925 = arith.addf %add3A_908, %bitcast_convert_type3A_924 : vector<16xf32>
        %and3A_926 = vector.broadcast %while3A_192 : i32 to vector<16xi32>
        %and3A_927 = arith.andi %get3A_920, %and3A_926 : vector<16xi32>
        %bitcast_convert_type3A_928 = tpu.bitcast %and3A_927 : vector<16xi32> -> vector<16xf32>
        %add3A_929 = arith.addf %add3A_912, %bitcast_convert_type3A_928 : vector<16xf32>
        %get3A_930 = arith.constant 1 : i32
        %get3A_931 = arith.constant 3 : i32
        %get3A_932 = arith.index_cast %get3A_930 : i32 to index
        %get3A_933 = arith.index_cast %get3A_931 : i32 to index
        %get3A_934 = arith.index_cast %scan3A_719 : i32 to index
        %get3A_935 = arith.constant 16 : index
        %get3A_936 = tpu.vector_load %arg6[%get3A_932, %get3A_933, %get3A_934, %get3A_935] {strides = array<i32>} : memref<2x9x32x64xi32, #tpu.memory_space<vmem>>, vector<1x1x1x16xi32>,
        %get3A_937 = vector.shape_cast %get3A_936 : vector<1x1x1x16xi32> to vector<16xi32>
        %shift_left3A_938 = arith.constant 16 : i32
        %shift_left3A_939 = vector.broadcast %shift_left3A_938 : i32 to vector<16xi32>
        %shift_left3A_940 = arith.shli %get3A_937, %shift_left3A_939 : vector<16xi32>
        %bitcast_convert_type3A_941 = tpu.bitcast %shift_left3A_940 : vector<16xi32> -> vector<16xf32>
        %add3A_942 = arith.addf %add3A_925, %bitcast_convert_type3A_941 : vector<16xf32>
        %and3A_943 = vector.broadcast %while3A_192 : i32 to vector<16xi32>
        %and3A_944 = arith.andi %get3A_937, %and3A_943 : vector<16xi32>
        %bitcast_convert_type3A_945 = tpu.bitcast %and3A_944 : vector<16xi32> -> vector<16xf32>
        %add3A_946 = arith.addf %add3A_929, %bitcast_convert_type3A_945 : vector<16xf32>
        %get3A_947 = arith.constant 1 : i32
        %get3A_948 = arith.constant 4 : i32
        %get3A_949 = arith.index_cast %get3A_947 : i32 to index
        %get3A_950 = arith.index_cast %get3A_948 : i32 to index
        %get3A_951 = arith.index_cast %scan3A_719 : i32 to index
        %get3A_952 = arith.constant 16 : index
        %get3A_953 = tpu.vector_load %arg6[%get3A_949, %get3A_950, %get3A_951, %get3A_952] {strides = array<i32>} : memref<2x9x32x64xi32, #tpu.memory_space<vmem>>, vector<1x1x1x16xi32>,
        %get3A_954 = vector.shape_cast %get3A_953 : vector<1x1x1x16xi32> to vector<16xi32>
        %shift_left3A_955 = arith.constant 16 : i32
        %shift_left3A_956 = vector.broadcast %shift_left3A_955 : i32 to vector<16xi32>
        %shift_left3A_957 = arith.shli %get3A_954, %shift_left3A_956 : vector<16xi32>
        %bitcast_convert_type3A_958 = tpu.bitcast %shift_left3A_957 : vector<16xi32> -> vector<16xf32>
        %add3A_959 = arith.addf %add3A_942, %bitcast_convert_type3A_958 : vector<16xf32>
        %and3A_960 = vector.broadcast %while3A_192 : i32 to vector<16xi32>
        %and3A_961 = arith.andi %get3A_954, %and3A_960 : vector<16xi32>
        %bitcast_convert_type3A_962 = tpu.bitcast %and3A_961 : vector<16xi32> -> vector<16xf32>
        %add3A_963 = arith.addf %add3A_946, %bitcast_convert_type3A_962 : vector<16xf32>
        %get3A_964 = arith.constant 1 : i32
        %get3A_965 = arith.constant 5 : i32
        %get3A_966 = arith.index_cast %get3A_964 : i32 to index
        %get3A_967 = arith.index_cast %get3A_965 : i32 to index
        %get3A_968 = arith.index_cast %scan3A_719 : i32 to index
        %get3A_969 = arith.constant 16 : index
        %get3A_970 = tpu.vector_load %arg6[%get3A_966, %get3A_967, %get3A_968, %get3A_969] {strides = array<i32>} : memref<2x9x32x64xi32, #tpu.memory_space<vmem>>, vector<1x1x1x16xi32>,
        %get3A_971 = vector.shape_cast %get3A_970 : vector<1x1x1x16xi32> to vector<16xi32>
        %shift_left3A_972 = arith.constant 16 : i32
        %shift_left3A_973 = vector.broadcast %shift_left3A_972 : i32 to vector<16xi32>
        %shift_left3A_974 = arith.shli %get3A_971, %shift_left3A_973 : vector<16xi32>
        %bitcast_convert_type3A_975 = tpu.bitcast %shift_left3A_974 : vector<16xi32> -> vector<16xf32>
        %add3A_976 = arith.addf %add3A_959, %bitcast_convert_type3A_975 : vector<16xf32>
        %and3A_977 = vector.broadcast %while3A_192 : i32 to vector<16xi32>
        %and3A_978 = arith.andi %get3A_971, %and3A_977 : vector<16xi32>
        %bitcast_convert_type3A_979 = tpu.bitcast %and3A_978 : vector<16xi32> -> vector<16xf32>
        %add3A_980 = arith.addf %add3A_963, %bitcast_convert_type3A_979 : vector<16xf32>
        %get3A_981 = arith.constant 1 : i32
        %get3A_982 = arith.constant 6 : i32
        %get3A_983 = arith.index_cast %get3A_981 : i32 to index
        %get3A_984 = arith.index_cast %get3A_982 : i32 to index
        %get3A_985 = arith.index_cast %scan3A_719 : i32 to index
        %get3A_986 = arith.constant 16 : index
        %get3A_987 = tpu.vector_load %arg6[%get3A_983, %get3A_984, %get3A_985, %get3A_986] {strides = array<i32>} : memref<2x9x32x64xi32, #tpu.memory_space<vmem>>, vector<1x1x1x16xi32>,
        %get3A_988 = vector.shape_cast %get3A_987 : vector<1x1x1x16xi32> to vector<16xi32>
        %shift_left3A_989 = arith.constant 16 : i32
        %shift_left3A_990 = vector.broadcast %shift_left3A_989 : i32 to vector<16xi32>
        %shift_left3A_991 = arith.shli %get3A_988, %shift_left3A_990 : vector<16xi32>
        %bitcast_convert_type3A_992 = tpu.bitcast %shift_left3A_991 : vector<16xi32> -> vector<16xf32>
        %add3A_993 = arith.addf %add3A_976, %bitcast_convert_type3A_992 : vector<16xf32>
        %and3A_994 = vector.broadcast %while3A_192 : i32 to vector<16xi32>
        %and3A_995 = arith.andi %get3A_988, %and3A_994 : vector<16xi32>
        %bitcast_convert_type3A_996 = tpu.bitcast %and3A_995 : vector<16xi32> -> vector<16xf32>
        %add3A_997 = arith.addf %add3A_980, %bitcast_convert_type3A_996 : vector<16xf32>
        %get3A_998 = arith.constant 1 : i32
        %get3A_999 = arith.constant 7 : i32
        %get3A_1000 = arith.index_cast %get3A_998 : i32 to index
        %get3A_1001 = arith.index_cast %get3A_999 : i32 to index
        %get3A_1002 = arith.index_cast %scan3A_719 : i32 to index
        %get3A_1003 = arith.constant 16 : index
        %get3A_1004 = tpu.vector_load %arg6[%get3A_1000, %get3A_1001, %get3A_1002, %get3A_1003] {strides = array<i32>} : memref<2x9x32x64xi32, #tpu.memory_space<vmem>>, vector<1x1x1x16xi32>,
        %get3A_1005 = vector.shape_cast %get3A_1004 : vector<1x1x1x16xi32> to vector<16xi32>
        %shift_left3A_1006 = arith.constant 16 : i32
        %shift_left3A_1007 = vector.broadcast %shift_left3A_1006 : i32 to vector<16xi32>
        %shift_left3A_1008 = arith.shli %get3A_1005, %shift_left3A_1007 : vector<16xi32>
        %bitcast_convert_type3A_1009 = tpu.bitcast %shift_left3A_1008 : vector<16xi32> -> vector<16xf32>
        %add3A_1010 = arith.addf %add3A_993, %bitcast_convert_type3A_1009 : vector<16xf32>
        %and3A_1011 = vector.broadcast %while3A_192 : i32 to vector<16xi32>
        %and3A_1012 = arith.andi %get3A_1005, %and3A_1011 : vector<16xi32>
        %bitcast_convert_type3A_1013 = tpu.bitcast %and3A_1012 : vector<16xi32> -> vector<16xf32>
        %add3A_1014 = arith.addf %add3A_997, %bitcast_convert_type3A_1013 : vector<16xf32>
        %get3A_1015 = arith.constant 1 : i32
        %get3A_1016 = arith.constant 8 : i32
        %get3A_1017 = arith.index_cast %get3A_1015 : i32 to index
        %get3A_1018 = arith.index_cast %get3A_1016 : i32 to index
        %get3A_1019 = arith.index_cast %scan3A_719 : i32 to index
        %get3A_1020 = arith.constant 16 : index
        %get3A_1021 = tpu.vector_load %arg6[%get3A_1017, %get3A_1018, %get3A_1019, %get3A_1020] {strides = array<i32>} : memref<2x9x32x64xi32, #tpu.memory_space<vmem>>, vector<1x1x1x16xi32>,
        %get3A_1022 = vector.shape_cast %get3A_1021 : vector<1x1x1x16xi32> to vector<16xi32>
        %shift_left3A_1023 = arith.constant 16 : i32
        %shift_left3A_1024 = vector.broadcast %shift_left3A_1023 : i32 to vector<16xi32>
        %shift_left3A_1025 = arith.shli %get3A_1022, %shift_left3A_1024 : vector<16xi32>
        %bitcast_convert_type3A_1026 = tpu.bitcast %shift_left3A_1025 : vector<16xi32> -> vector<16xf32>
        %add3A_1027 = arith.addf %add3A_1010, %bitcast_convert_type3A_1026 : vector<16xf32>
        %and3A_1028 = vector.broadcast %while3A_192 : i32 to vector<16xi32>
        %and3A_1029 = arith.andi %get3A_1022, %and3A_1028 : vector<16xi32>
        %bitcast_convert_type3A_1030 = tpu.bitcast %and3A_1029 : vector<16xi32> -> vector<16xf32>
        %add3A_1031 = arith.addf %add3A_1014, %bitcast_convert_type3A_1030 : vector<16xf32>
        %swap3A_1032 = arith.constant 1 : i32
        %swap3A_1033 = arith.index_cast %swap3A_1032 : i32 to index
        %swap3A_1034 = arith.index_cast %scan3A_719 : i32 to index
        %swap3A_1035 = arith.constant 16 : index
        %swap3A_1036 = tpu.vector_load %arg7[%swap3A_1033, %swap3A_1034, %swap3A_1035] {strides = array<i32>} : memref<2x32x128xf32, #tpu.memory_space<vmem>>, vector<1x1x16xf32>,
        %swap3A_1037 = vector.shape_cast %swap3A_1036 : vector<1x1x16xf32> to vector<16xf32>
        %swap3A_1038 = vector.shape_cast %add3A_1027 : vector<16xf32> to vector<1x1x16xf32>
        tpu.vector_store %arg7[%swap3A_1033, %swap3A_1034, %swap3A_1035], %swap3A_1038 {strides = array<i32>} : memref<2x32x128xf32, #tpu.memory_space<vmem>>, vector<1x1x16xf32>,
        %swap3A_1039 = arith.constant 1 : i32
        %swap3A_1040 = arith.index_cast %swap3A_1039 : i32 to index
        %swap3A_1041 = arith.index_cast %scan3A_719 : i32 to index
        %swap3A_1042 = arith.constant 80 : index
        %swap3A_1043 = tpu.vector_load %arg7[%swap3A_1040, %swap3A_1041, %swap3A_1042] {strides = array<i32>} : memref<2x32x128xf32, #tpu.memory_space<vmem>>, vector<1x1x16xf32>,
        %swap3A_1044 = vector.shape_cast %swap3A_1043 : vector<1x1x16xf32> to vector<16xf32>
        %swap3A_1045 = vector.shape_cast %add3A_1031 : vector<16xf32> to vector<1x1x16xf32>
        tpu.vector_store %arg7[%swap3A_1040, %swap3A_1041, %swap3A_1042], %swap3A_1045 {strides = array<i32>} : memref<2x32x128xf32, #tpu.memory_space<vmem>>, vector<1x1x16xf32>,
        %get3A_1046 = arith.constant 1 : i32
        %get3A_1047 = arith.constant 0 : i32
        %get3A_1048 = arith.index_cast %get3A_1046 : i32 to index
        %get3A_1049 = arith.index_cast %get3A_1047 : i32 to index
        %get3A_1050 = arith.index_cast %scan3A_719 : i32 to index
        %get3A_1051 = arith.constant 32 : index
        %get3A_1052 = tpu.vector_load %arg6[%get3A_1048, %get3A_1049, %get3A_1050, %get3A_1051] {strides = array<i32>} : memref<2x9x32x64xi32, #tpu.memory_space<vmem>>, vector<1x1x1x16xi32>,
        %get3A_1053 = vector.shape_cast %get3A_1052 : vector<1x1x1x16xi32> to vector<16xi32>
        %shift_left3A_1054 = arith.constant 16 : i32
        %shift_left3A_1055 = vector.broadcast %shift_left3A_1054 : i32 to vector<16xi32>
        %shift_left3A_1056 = arith.shli %get3A_1053, %shift_left3A_1055 : vector<16xi32>
        %bitcast_convert_type3A_1057 = tpu.bitcast %shift_left3A_1056 : vector<16xi32> -> vector<16xf32>
        %and3A_1058 = vector.broadcast %while3A_192 : i32 to vector<16xi32>
        %and3A_1059 = arith.andi %get3A_1053, %and3A_1058 : vector<16xi32>
        %bitcast_convert_type3A_1060 = tpu.bitcast %and3A_1059 : vector<16xi32> -> vector<16xf32>
        %get3A_1061 = arith.constant 1 : i32
        %get3A_1062 = arith.constant 1 : i32
        %get3A_1063 = arith.index_cast %get3A_1061 : i32 to index
        %get3A_1064 = arith.index_cast %get3A_1062 : i32 to index
        %get3A_1065 = arith.index_cast %scan3A_719 : i32 to index
        %get3A_1066 = arith.constant 32 : index
        %get3A_1067 = tpu.vector_load %arg6[%get3A_1063, %get3A_1064, %get3A_1065, %get3A_1066] {strides = array<i32>} : memref<2x9x32x64xi32, #tpu.memory_space<vmem>>, vector<1x1x1x16xi32>,
        %get3A_1068 = vector.shape_cast %get3A_1067 : vector<1x1x1x16xi32> to vector<16xi32>
        %shift_left3A_1069 = arith.constant 16 : i32
        %shift_left3A_1070 = vector.broadcast %shift_left3A_1069 : i32 to vector<16xi32>
        %shift_left3A_1071 = arith.shli %get3A_1068, %shift_left3A_1070 : vector<16xi32>
        %bitcast_convert_type3A_1072 = tpu.bitcast %shift_left3A_1071 : vector<16xi32> -> vector<16xf32>
        %add3A_1073 = arith.addf %bitcast_convert_type3A_1057, %bitcast_convert_type3A_1072 : vector<16xf32>
        %and3A_1074 = vector.broadcast %while3A_192 : i32 to vector<16xi32>
        %and3A_1075 = arith.andi %get3A_1068, %and3A_1074 : vector<16xi32>
        %bitcast_convert_type3A_1076 = tpu.bitcast %and3A_1075 : vector<16xi32> -> vector<16xf32>
        %add3A_1077 = arith.addf %bitcast_convert_type3A_1060, %bitcast_convert_type3A_1076 : vector<16xf32>
        %get3A_1078 = arith.constant 1 : i32
        %get3A_1079 = arith.constant 2 : i32
        %get3A_1080 = arith.index_cast %get3A_1078 : i32 to index
        %get3A_1081 = arith.index_cast %get3A_1079 : i32 to index
        %get3A_1082 = arith.index_cast %scan3A_719 : i32 to index
        %get3A_1083 = arith.constant 32 : index
        %get3A_1084 = tpu.vector_load %arg6[%get3A_1080, %get3A_1081, %get3A_1082, %get3A_1083] {strides = array<i32>} : memref<2x9x32x64xi32, #tpu.memory_space<vmem>>, vector<1x1x1x16xi32>,
        %get3A_1085 = vector.shape_cast %get3A_1084 : vector<1x1x1x16xi32> to vector<16xi32>
        %shift_left3A_1086 = arith.constant 16 : i32
        %shift_left3A_1087 = vector.broadcast %shift_left3A_1086 : i32 to vector<16xi32>
        %shift_left3A_1088 = arith.shli %get3A_1085, %shift_left3A_1087 : vector<16xi32>
        %bitcast_convert_type3A_1089 = tpu.bitcast %shift_left3A_1088 : vector<16xi32> -> vector<16xf32>
        %add3A_1090 = arith.addf %add3A_1073, %bitcast_convert_type3A_1089 : vector<16xf32>
        %and3A_1091 = vector.broadcast %while3A_192 : i32 to vector<16xi32>
        %and3A_1092 = arith.andi %get3A_1085, %and3A_1091 : vector<16xi32>
        %bitcast_convert_type3A_1093 = tpu.bitcast %and3A_1092 : vector<16xi32> -> vector<16xf32>
        %add3A_1094 = arith.addf %add3A_1077, %bitcast_convert_type3A_1093 : vector<16xf32>
        %get3A_1095 = arith.constant 1 : i32
        %get3A_1096 = arith.constant 3 : i32
        %get3A_1097 = arith.index_cast %get3A_1095 : i32 to index
        %get3A_1098 = arith.index_cast %get3A_1096 : i32 to index
        %get3A_1099 = arith.index_cast %scan3A_719 : i32 to index
        %get3A_1100 = arith.constant 32 : index
        %get3A_1101 = tpu.vector_load %arg6[%get3A_1097, %get3A_1098, %get3A_1099, %get3A_1100] {strides = array<i32>} : memref<2x9x32x64xi32, #tpu.memory_space<vmem>>, vector<1x1x1x16xi32>,
        %get3A_1102 = vector.shape_cast %get3A_1101 : vector<1x1x1x16xi32> to vector<16xi32>
        %shift_left3A_1103 = arith.constant 16 : i32
        %shift_left3A_1104 = vector.broadcast %shift_left3A_1103 : i32 to vector<16xi32>
        %shift_left3A_1105 = arith.shli %get3A_1102, %shift_left3A_1104 : vector<16xi32>
        %bitcast_convert_type3A_1106 = tpu.bitcast %shift_left3A_1105 : vector<16xi32> -> vector<16xf32>
        %add3A_1107 = arith.addf %add3A_1090, %bitcast_convert_type3A_1106 : vector<16xf32>
        %and3A_1108 = vector.broadcast %while3A_192 : i32 to vector<16xi32>
        %and3A_1109 = arith.andi %get3A_1102, %and3A_1108 : vector<16xi32>
        %bitcast_convert_type3A_1110 = tpu.bitcast %and3A_1109 : vector<16xi32> -> vector<16xf32>
        %add3A_1111 = arith.addf %add3A_1094, %bitcast_convert_type3A_1110 : vector<16xf32>
        %get3A_1112 = arith.constant 1 : i32
        %get3A_1113 = arith.constant 4 : i32
        %get3A_1114 = arith.index_cast %get3A_1112 : i32 to index
        %get3A_1115 = arith.index_cast %get3A_1113 : i32 to index
        %get3A_1116 = arith.index_cast %scan3A_719 : i32 to index
        %get3A_1117 = arith.constant 32 : index
        %get3A_1118 = tpu.vector_load %arg6[%get3A_1114, %get3A_1115, %get3A_1116, %get3A_1117] {strides = array<i32>} : memref<2x9x32x64xi32, #tpu.memory_space<vmem>>, vector<1x1x1x16xi32>,
        %get3A_1119 = vector.shape_cast %get3A_1118 : vector<1x1x1x16xi32> to vector<16xi32>
        %shift_left3A_1120 = arith.constant 16 : i32
        %shift_left3A_1121 = vector.broadcast %shift_left3A_1120 : i32 to vector<16xi32>
        %shift_left3A_1122 = arith.shli %get3A_1119, %shift_left3A_1121 : vector<16xi32>
        %bitcast_convert_type3A_1123 = tpu.bitcast %shift_left3A_1122 : vector<16xi32> -> vector<16xf32>
        %add3A_1124 = arith.addf %add3A_1107, %bitcast_convert_type3A_1123 : vector<16xf32>
        %and3A_1125 = vector.broadcast %while3A_192 : i32 to vector<16xi32>
        %and3A_1126 = arith.andi %get3A_1119, %and3A_1125 : vector<16xi32>
        %bitcast_convert_type3A_1127 = tpu.bitcast %and3A_1126 : vector<16xi32> -> vector<16xf32>
        %add3A_1128 = arith.addf %add3A_1111, %bitcast_convert_type3A_1127 : vector<16xf32>
        %get3A_1129 = arith.constant 1 : i32
        %get3A_1130 = arith.constant 5 : i32
        %get3A_1131 = arith.index_cast %get3A_1129 : i32 to index
        %get3A_1132 = arith.index_cast %get3A_1130 : i32 to index
        %get3A_1133 = arith.index_cast %scan3A_719 : i32 to index
        %get3A_1134 = arith.constant 32 : index
        %get3A_1135 = tpu.vector_load %arg6[%get3A_1131, %get3A_1132, %get3A_1133, %get3A_1134] {strides = array<i32>} : memref<2x9x32x64xi32, #tpu.memory_space<vmem>>, vector<1x1x1x16xi32>,
        %get3A_1136 = vector.shape_cast %get3A_1135 : vector<1x1x1x16xi32> to vector<16xi32>
        %shift_left3A_1137 = arith.constant 16 : i32
        %shift_left3A_1138 = vector.broadcast %shift_left3A_1137 : i32 to vector<16xi32>
        %shift_left3A_1139 = arith.shli %get3A_1136, %shift_left3A_1138 : vector<16xi32>
        %bitcast_convert_type3A_1140 = tpu.bitcast %shift_left3A_1139 : vector<16xi32> -> vector<16xf32>
        %add3A_1141 = arith.addf %add3A_1124, %bitcast_convert_type3A_1140 : vector<16xf32>
        %and3A_1142 = vector.broadcast %while3A_192 : i32 to vector<16xi32>
        %and3A_1143 = arith.andi %get3A_1136, %and3A_1142 : vector<16xi32>
        %bitcast_convert_type3A_1144 = tpu.bitcast %and3A_1143 : vector<16xi32> -> vector<16xf32>
        %add3A_1145 = arith.addf %add3A_1128, %bitcast_convert_type3A_1144 : vector<16xf32>
        %get3A_1146 = arith.constant 1 : i32
        %get3A_1147 = arith.constant 6 : i32
        %get3A_1148 = arith.index_cast %get3A_1146 : i32 to index
        %get3A_1149 = arith.index_cast %get3A_1147 : i32 to index
        %get3A_1150 = arith.index_cast %scan3A_719 : i32 to index
        %get3A_1151 = arith.constant 32 : index
        %get3A_1152 = tpu.vector_load %arg6[%get3A_1148, %get3A_1149, %get3A_1150, %get3A_1151] {strides = array<i32>} : memref<2x9x32x64xi32, #tpu.memory_space<vmem>>, vector<1x1x1x16xi32>,
        %get3A_1153 = vector.shape_cast %get3A_1152 : vector<1x1x1x16xi32> to vector<16xi32>
        %shift_left3A_1154 = arith.constant 16 : i32
        %shift_left3A_1155 = vector.broadcast %shift_left3A_1154 : i32 to vector<16xi32>
        %shift_left3A_1156 = arith.shli %get3A_1153, %shift_left3A_1155 : vector<16xi32>
        %bitcast_convert_type3A_1157 = tpu.bitcast %shift_left3A_1156 : vector<16xi32> -> vector<16xf32>
        %add3A_1158 = arith.addf %add3A_1141, %bitcast_convert_type3A_1157 : vector<16xf32>
        %and3A_1159 = vector.broadcast %while3A_192 : i32 to vector<16xi32>
        %and3A_1160 = arith.andi %get3A_1153, %and3A_1159 : vector<16xi32>
        %bitcast_convert_type3A_1161 = tpu.bitcast %and3A_1160 : vector<16xi32> -> vector<16xf32>
        %add3A_1162 = arith.addf %add3A_1145, %bitcast_convert_type3A_1161 : vector<16xf32>
        %get3A_1163 = arith.constant 1 : i32
        %get3A_1164 = arith.constant 7 : i32
        %get3A_1165 = arith.index_cast %get3A_1163 : i32 to index
        %get3A_1166 = arith.index_cast %get3A_1164 : i32 to index
        %get3A_1167 = arith.index_cast %scan3A_719 : i32 to index
        %get3A_1168 = arith.constant 32 : index
        %get3A_1169 = tpu.vector_load %arg6[%get3A_1165, %get3A_1166, %get3A_1167, %get3A_1168] {strides = array<i32>} : memref<2x9x32x64xi32, #tpu.memory_space<vmem>>, vector<1x1x1x16xi32>,
        %get3A_1170 = vector.shape_cast %get3A_1169 : vector<1x1x1x16xi32> to vector<16xi32>
        %shift_left3A_1171 = arith.constant 16 : i32
        %shift_left3A_1172 = vector.broadcast %shift_left3A_1171 : i32 to vector<16xi32>
        %shift_left3A_1173 = arith.shli %get3A_1170, %shift_left3A_1172 : vector<16xi32>
        %bitcast_convert_type3A_1174 = tpu.bitcast %shift_left3A_1173 : vector<16xi32> -> vector<16xf32>
        %add3A_1175 = arith.addf %add3A_1158, %bitcast_convert_type3A_1174 : vector<16xf32>
        %and3A_1176 = vector.broadcast %while3A_192 : i32 to vector<16xi32>
        %and3A_1177 = arith.andi %get3A_1170, %and3A_1176 : vector<16xi32>
        %bitcast_convert_type3A_1178 = tpu.bitcast %and3A_1177 : vector<16xi32> -> vector<16xf32>
        %add3A_1179 = arith.addf %add3A_1162, %bitcast_convert_type3A_1178 : vector<16xf32>
        %get3A_1180 = arith.constant 1 : i32
        %get3A_1181 = arith.constant 8 : i32
        %get3A_1182 = arith.index_cast %get3A_1180 : i32 to index
        %get3A_1183 = arith.index_cast %get3A_1181 : i32 to index
        %get3A_1184 = arith.index_cast %scan3A_719 : i32 to index
        %get3A_1185 = arith.constant 32 : index
        %get3A_1186 = tpu.vector_load %arg6[%get3A_1182, %get3A_1183, %get3A_1184, %get3A_1185] {strides = array<i32>} : memref<2x9x32x64xi32, #tpu.memory_space<vmem>>, vector<1x1x1x16xi32>,
        %get3A_1187 = vector.shape_cast %get3A_1186 : vector<1x1x1x16xi32> to vector<16xi32>
        %shift_left3A_1188 = arith.constant 16 : i32
        %shift_left3A_1189 = vector.broadcast %shift_left3A_1188 : i32 to vector<16xi32>
        %shift_left3A_1190 = arith.shli %get3A_1187, %shift_left3A_1189 : vector<16xi32>
        %bitcast_convert_type3A_1191 = tpu.bitcast %shift_left3A_1190 : vector<16xi32> -> vector<16xf32>
        %add3A_1192 = arith.addf %add3A_1175, %bitcast_convert_type3A_1191 : vector<16xf32>
        %and3A_1193 = vector.broadcast %while3A_192 : i32 to vector<16xi32>
        %and3A_1194 = arith.andi %get3A_1187, %and3A_1193 : vector<16xi32>
        %bitcast_convert_type3A_1195 = tpu.bitcast %and3A_1194 : vector<16xi32> -> vector<16xf32>
        %add3A_1196 = arith.addf %add3A_1179, %bitcast_convert_type3A_1195 : vector<16xf32>
        %swap3A_1197 = arith.constant 1 : i32
        %swap3A_1198 = arith.index_cast %swap3A_1197 : i32 to index
        %swap3A_1199 = arith.index_cast %scan3A_719 : i32 to index
        %swap3A_1200 = arith.constant 32 : index
        %swap3A_1201 = tpu.vector_load %arg7[%swap3A_1198, %swap3A_1199, %swap3A_1200] {strides = array<i32>} : memref<2x32x128xf32, #tpu.memory_space<vmem>>, vector<1x1x16xf32>,
        %swap3A_1202 = vector.shape_cast %swap3A_1201 : vector<1x1x16xf32> to vector<16xf32>
        %swap3A_1203 = vector.shape_cast %add3A_1192 : vector<16xf32> to vector<1x1x16xf32>
        tpu.vector_store %arg7[%swap3A_1198, %swap3A_1199, %swap3A_1200], %swap3A_1203 {strides = array<i32>} : memref<2x32x128xf32, #tpu.memory_space<vmem>>, vector<1x1x16xf32>,
        %swap3A_1204 = arith.constant 1 : i32
        %swap3A_1205 = arith.index_cast %swap3A_1204 : i32 to index
        %swap3A_1206 = arith.index_cast %scan3A_719 : i32 to index
        %swap3A_1207 = arith.constant 96 : index
        %swap3A_1208 = tpu.vector_load %arg7[%swap3A_1205, %swap3A_1206, %swap3A_1207] {strides = array<i32>} : memref<2x32x128xf32, #tpu.memory_space<vmem>>, vector<1x1x16xf32>,
        %swap3A_1209 = vector.shape_cast %swap3A_1208 : vector<1x1x16xf32> to vector<16xf32>
        %swap3A_1210 = vector.shape_cast %add3A_1196 : vector<16xf32> to vector<1x1x16xf32>
        tpu.vector_store %arg7[%swap3A_1205, %swap3A_1206, %swap3A_1207], %swap3A_1210 {strides = array<i32>} : memref<2x32x128xf32, #tpu.memory_space<vmem>>, vector<1x1x16xf32>,
        %get3A_1211 = arith.constant 1 : i32
        %get3A_1212 = arith.constant 0 : i32
        %get3A_1213 = arith.index_cast %get3A_1211 : i32 to index
        %get3A_1214 = arith.index_cast %get3A_1212 : i32 to index
        %get3A_1215 = arith.index_cast %scan3A_719 : i32 to index
        %get3A_1216 = arith.constant 48 : index
        %get3A_1217 = tpu.vector_load %arg6[%get3A_1213, %get3A_1214, %get3A_1215, %get3A_1216] {strides = array<i32>} : memref<2x9x32x64xi32, #tpu.memory_space<vmem>>, vector<1x1x1x16xi32>,
        %get3A_1218 = vector.shape_cast %get3A_1217 : vector<1x1x1x16xi32> to vector<16xi32>
        %shift_left3A_1219 = arith.constant 16 : i32
        %shift_left3A_1220 = vector.broadcast %shift_left3A_1219 : i32 to vector<16xi32>
        %shift_left3A_1221 = arith.shli %get3A_1218, %shift_left3A_1220 : vector<16xi32>
        %bitcast_convert_type3A_1222 = tpu.bitcast %shift_left3A_1221 : vector<16xi32> -> vector<16xf32>
        %and3A_1223 = vector.broadcast %while3A_192 : i32 to vector<16xi32>
        %and3A_1224 = arith.andi %get3A_1218, %and3A_1223 : vector<16xi32>
        %bitcast_convert_type3A_1225 = tpu.bitcast %and3A_1224 : vector<16xi32> -> vector<16xf32>
        %get3A_1226 = arith.constant 1 : i32
        %get3A_1227 = arith.constant 1 : i32
        %get3A_1228 = arith.index_cast %get3A_1226 : i32 to index
        %get3A_1229 = arith.index_cast %get3A_1227 : i32 to index
        %get3A_1230 = arith.index_cast %scan3A_719 : i32 to index
        %get3A_1231 = arith.constant 48 : index
        %get3A_1232 = tpu.vector_load %arg6[%get3A_1228, %get3A_1229, %get3A_1230, %get3A_1231] {strides = array<i32>} : memref<2x9x32x64xi32, #tpu.memory_space<vmem>>, vector<1x1x1x16xi32>,
        %get3A_1233 = vector.shape_cast %get3A_1232 : vector<1x1x1x16xi32> to vector<16xi32>
        %shift_left3A_1234 = arith.constant 16 : i32
        %shift_left3A_1235 = vector.broadcast %shift_left3A_1234 : i32 to vector<16xi32>
        %shift_left3A_1236 = arith.shli %get3A_1233, %shift_left3A_1235 : vector<16xi32>
        %bitcast_convert_type3A_1237 = tpu.bitcast %shift_left3A_1236 : vector<16xi32> -> vector<16xf32>
        %add3A_1238 = arith.addf %bitcast_convert_type3A_1222, %bitcast_convert_type3A_1237 : vector<16xf32>
        %and3A_1239 = vector.broadcast %while3A_192 : i32 to vector<16xi32>
        %and3A_1240 = arith.andi %get3A_1233, %and3A_1239 : vector<16xi32>
        %bitcast_convert_type3A_1241 = tpu.bitcast %and3A_1240 : vector<16xi32> -> vector<16xf32>
        %add3A_1242 = arith.addf %bitcast_convert_type3A_1225, %bitcast_convert_type3A_1241 : vector<16xf32>
        %get3A_1243 = arith.constant 1 : i32
        %get3A_1244 = arith.constant 2 : i32
        %get3A_1245 = arith.index_cast %get3A_1243 : i32 to index
        %get3A_1246 = arith.index_cast %get3A_1244 : i32 to index
        %get3A_1247 = arith.index_cast %scan3A_719 : i32 to index
        %get3A_1248 = arith.constant 48 : index
        %get3A_1249 = tpu.vector_load %arg6[%get3A_1245, %get3A_1246, %get3A_1247, %get3A_1248] {strides = array<i32>} : memref<2x9x32x64xi32, #tpu.memory_space<vmem>>, vector<1x1x1x16xi32>,
        %get3A_1250 = vector.shape_cast %get3A_1249 : vector<1x1x1x16xi32> to vector<16xi32>
        %shift_left3A_1251 = arith.constant 16 : i32
        %shift_left3A_1252 = vector.broadcast %shift_left3A_1251 : i32 to vector<16xi32>
        %shift_left3A_1253 = arith.shli %get3A_1250, %shift_left3A_1252 : vector<16xi32>
        %bitcast_convert_type3A_1254 = tpu.bitcast %shift_left3A_1253 : vector<16xi32> -> vector<16xf32>
        %add3A_1255 = arith.addf %add3A_1238, %bitcast_convert_type3A_1254 : vector<16xf32>
        %and3A_1256 = vector.broadcast %while3A_192 : i32 to vector<16xi32>
        %and3A_1257 = arith.andi %get3A_1250, %and3A_1256 : vector<16xi32>
        %bitcast_convert_type3A_1258 = tpu.bitcast %and3A_1257 : vector<16xi32> -> vector<16xf32>
        %add3A_1259 = arith.addf %add3A_1242, %bitcast_convert_type3A_1258 : vector<16xf32>
        %get3A_1260 = arith.constant 1 : i32
        %get3A_1261 = arith.constant 3 : i32
        %get3A_1262 = arith.index_cast %get3A_1260 : i32 to index
        %get3A_1263 = arith.index_cast %get3A_1261 : i32 to index
        %get3A_1264 = arith.index_cast %scan3A_719 : i32 to index
        %get3A_1265 = arith.constant 48 : index
        %get3A_1266 = tpu.vector_load %arg6[%get3A_1262, %get3A_1263, %get3A_1264, %get3A_1265] {strides = array<i32>} : memref<2x9x32x64xi32, #tpu.memory_space<vmem>>, vector<1x1x1x16xi32>,
        %get3A_1267 = vector.shape_cast %get3A_1266 : vector<1x1x1x16xi32> to vector<16xi32>
        %shift_left3A_1268 = arith.constant 16 : i32
        %shift_left3A_1269 = vector.broadcast %shift_left3A_1268 : i32 to vector<16xi32>
        %shift_left3A_1270 = arith.shli %get3A_1267, %shift_left3A_1269 : vector<16xi32>
        %bitcast_convert_type3A_1271 = tpu.bitcast %shift_left3A_1270 : vector<16xi32> -> vector<16xf32>
        %add3A_1272 = arith.addf %add3A_1255, %bitcast_convert_type3A_1271 : vector<16xf32>
        %and3A_1273 = vector.broadcast %while3A_192 : i32 to vector<16xi32>
        %and3A_1274 = arith.andi %get3A_1267, %and3A_1273 : vector<16xi32>
        %bitcast_convert_type3A_1275 = tpu.bitcast %and3A_1274 : vector<16xi32> -> vector<16xf32>
        %add3A_1276 = arith.addf %add3A_1259, %bitcast_convert_type3A_1275 : vector<16xf32>
        %get3A_1277 = arith.constant 1 : i32
        %get3A_1278 = arith.constant 4 : i32
        %get3A_1279 = arith.index_cast %get3A_1277 : i32 to index
        %get3A_1280 = arith.index_cast %get3A_1278 : i32 to index
        %get3A_1281 = arith.index_cast %scan3A_719 : i32 to index
        %get3A_1282 = arith.constant 48 : index
        %get3A_1283 = tpu.vector_load %arg6[%get3A_1279, %get3A_1280, %get3A_1281, %get3A_1282] {strides = array<i32>} : memref<2x9x32x64xi32, #tpu.memory_space<vmem>>, vector<1x1x1x16xi32>,
        %get3A_1284 = vector.shape_cast %get3A_1283 : vector<1x1x1x16xi32> to vector<16xi32>
        %shift_left3A_1285 = arith.constant 16 : i32
        %shift_left3A_1286 = vector.broadcast %shift_left3A_1285 : i32 to vector<16xi32>
        %shift_left3A_1287 = arith.shli %get3A_1284, %shift_left3A_1286 : vector<16xi32>
        %bitcast_convert_type3A_1288 = tpu.bitcast %shift_left3A_1287 : vector<16xi32> -> vector<16xf32>
        %add3A_1289 = arith.addf %add3A_1272, %bitcast_convert_type3A_1288 : vector<16xf32>
        %and3A_1290 = vector.broadcast %while3A_192 : i32 to vector<16xi32>
        %and3A_1291 = arith.andi %get3A_1284, %and3A_1290 : vector<16xi32>
        %bitcast_convert_type3A_1292 = tpu.bitcast %and3A_1291 : vector<16xi32> -> vector<16xf32>
        %add3A_1293 = arith.addf %add3A_1276, %bitcast_convert_type3A_1292 : vector<16xf32>
        %get3A_1294 = arith.constant 1 : i32
        %get3A_1295 = arith.constant 5 : i32
        %get3A_1296 = arith.index_cast %get3A_1294 : i32 to index
        %get3A_1297 = arith.index_cast %get3A_1295 : i32 to index
        %get3A_1298 = arith.index_cast %scan3A_719 : i32 to index
        %get3A_1299 = arith.constant 48 : index
        %get3A_1300 = tpu.vector_load %arg6[%get3A_1296, %get3A_1297, %get3A_1298, %get3A_1299] {strides = array<i32>} : memref<2x9x32x64xi32, #tpu.memory_space<vmem>>, vector<1x1x1x16xi32>,
        %get3A_1301 = vector.shape_cast %get3A_1300 : vector<1x1x1x16xi32> to vector<16xi32>
        %shift_left3A_1302 = arith.constant 16 : i32
        %shift_left3A_1303 = vector.broadcast %shift_left3A_1302 : i32 to vector<16xi32>
        %shift_left3A_1304 = arith.shli %get3A_1301, %shift_left3A_1303 : vector<16xi32>
        %bitcast_convert_type3A_1305 = tpu.bitcast %shift_left3A_1304 : vector<16xi32> -> vector<16xf32>
        %add3A_1306 = arith.addf %add3A_1289, %bitcast_convert_type3A_1305 : vector<16xf32>
        %and3A_1307 = vector.broadcast %while3A_192 : i32 to vector<16xi32>
        %and3A_1308 = arith.andi %get3A_1301, %and3A_1307 : vector<16xi32>
        %bitcast_convert_type3A_1309 = tpu.bitcast %and3A_1308 : vector<16xi32> -> vector<16xf32>
        %add3A_1310 = arith.addf %add3A_1293, %bitcast_convert_type3A_1309 : vector<16xf32>
        %get3A_1311 = arith.constant 1 : i32
        %get3A_1312 = arith.constant 6 : i32
        %get3A_1313 = arith.index_cast %get3A_1311 : i32 to index
        %get3A_1314 = arith.index_cast %get3A_1312 : i32 to index
        %get3A_1315 = arith.index_cast %scan3A_719 : i32 to index
        %get3A_1316 = arith.constant 48 : index
        %get3A_1317 = tpu.vector_load %arg6[%get3A_1313, %get3A_1314, %get3A_1315, %get3A_1316] {strides = array<i32>} : memref<2x9x32x64xi32, #tpu.memory_space<vmem>>, vector<1x1x1x16xi32>,
        %get3A_1318 = vector.shape_cast %get3A_1317 : vector<1x1x1x16xi32> to vector<16xi32>
        %shift_left3A_1319 = arith.constant 16 : i32
        %shift_left3A_1320 = vector.broadcast %shift_left3A_1319 : i32 to vector<16xi32>
        %shift_left3A_1321 = arith.shli %get3A_1318, %shift_left3A_1320 : vector<16xi32>
        %bitcast_convert_type3A_1322 = tpu.bitcast %shift_left3A_1321 : vector<16xi32> -> vector<16xf32>
        %add3A_1323 = arith.addf %add3A_1306, %bitcast_convert_type3A_1322 : vector<16xf32>
        %and3A_1324 = vector.broadcast %while3A_192 : i32 to vector<16xi32>
        %and3A_1325 = arith.andi %get3A_1318, %and3A_1324 : vector<16xi32>
        %bitcast_convert_type3A_1326 = tpu.bitcast %and3A_1325 : vector<16xi32> -> vector<16xf32>
        %add3A_1327 = arith.addf %add3A_1310, %bitcast_convert_type3A_1326 : vector<16xf32>
        %get3A_1328 = arith.constant 1 : i32
        %get3A_1329 = arith.constant 7 : i32
        %get3A_1330 = arith.index_cast %get3A_1328 : i32 to index
        %get3A_1331 = arith.index_cast %get3A_1329 : i32 to index
        %get3A_1332 = arith.index_cast %scan3A_719 : i32 to index
        %get3A_1333 = arith.constant 48 : index
        %get3A_1334 = tpu.vector_load %arg6[%get3A_1330, %get3A_1331, %get3A_1332, %get3A_1333] {strides = array<i32>} : memref<2x9x32x64xi32, #tpu.memory_space<vmem>>, vector<1x1x1x16xi32>,
        %get3A_1335 = vector.shape_cast %get3A_1334 : vector<1x1x1x16xi32> to vector<16xi32>
        %shift_left3A_1336 = arith.constant 16 : i32
        %shift_left3A_1337 = vector.broadcast %shift_left3A_1336 : i32 to vector<16xi32>
        %shift_left3A_1338 = arith.shli %get3A_1335, %shift_left3A_1337 : vector<16xi32>
        %bitcast_convert_type3A_1339 = tpu.bitcast %shift_left3A_1338 : vector<16xi32> -> vector<16xf32>
        %add3A_1340 = arith.addf %add3A_1323, %bitcast_convert_type3A_1339 : vector<16xf32>
        %and3A_1341 = vector.broadcast %while3A_192 : i32 to vector<16xi32>
        %and3A_1342 = arith.andi %get3A_1335, %and3A_1341 : vector<16xi32>
        %bitcast_convert_type3A_1343 = tpu.bitcast %and3A_1342 : vector<16xi32> -> vector<16xf32>
        %add3A_1344 = arith.addf %add3A_1327, %bitcast_convert_type3A_1343 : vector<16xf32>
        %get3A_1345 = arith.constant 1 : i32
        %get3A_1346 = arith.constant 8 : i32
        %get3A_1347 = arith.index_cast %get3A_1345 : i32 to index
        %get3A_1348 = arith.index_cast %get3A_1346 : i32 to index
        %get3A_1349 = arith.index_cast %scan3A_719 : i32 to index
        %get3A_1350 = arith.constant 48 : index
        %get3A_1351 = tpu.vector_load %arg6[%get3A_1347, %get3A_1348, %get3A_1349, %get3A_1350] {strides = array<i32>} : memref<2x9x32x64xi32, #tpu.memory_space<vmem>>, vector<1x1x1x16xi32>,
        %get3A_1352 = vector.shape_cast %get3A_1351 : vector<1x1x1x16xi32> to vector<16xi32>
        %shift_left3A_1353 = arith.constant 16 : i32
        %shift_left3A_1354 = vector.broadcast %shift_left3A_1353 : i32 to vector<16xi32>
        %shift_left3A_1355 = arith.shli %get3A_1352, %shift_left3A_1354 : vector<16xi32>
        %bitcast_convert_type3A_1356 = tpu.bitcast %shift_left3A_1355 : vector<16xi32> -> vector<16xf32>
        %add3A_1357 = arith.addf %add3A_1340, %bitcast_convert_type3A_1356 : vector<16xf32>
        %and3A_1358 = vector.broadcast %while3A_192 : i32 to vector<16xi32>
        %and3A_1359 = arith.andi %get3A_1352, %and3A_1358 : vector<16xi32>
        %bitcast_convert_type3A_1360 = tpu.bitcast %and3A_1359 : vector<16xi32> -> vector<16xf32>
        %add3A_1361 = arith.addf %add3A_1344, %bitcast_convert_type3A_1360 : vector<16xf32>
        %swap3A_1362 = arith.constant 1 : i32
        %swap3A_1363 = arith.index_cast %swap3A_1362 : i32 to index
        %swap3A_1364 = arith.index_cast %scan3A_719 : i32 to index
        %swap3A_1365 = arith.constant 48 : index
        %swap3A_1366 = tpu.vector_load %arg7[%swap3A_1363, %swap3A_1364, %swap3A_1365] {strides = array<i32>} : memref<2x32x128xf32, #tpu.memory_space<vmem>>, vector<1x1x16xf32>,
        %swap3A_1367 = vector.shape_cast %swap3A_1366 : vector<1x1x16xf32> to vector<16xf32>
        %swap3A_1368 = vector.shape_cast %add3A_1357 : vector<16xf32> to vector<1x1x16xf32>
        tpu.vector_store %arg7[%swap3A_1363, %swap3A_1364, %swap3A_1365], %swap3A_1368 {strides = array<i32>} : memref<2x32x128xf32, #tpu.memory_space<vmem>>, vector<1x1x16xf32>,
        %swap3A_1369 = arith.constant 1 : i32
        %swap3A_1370 = arith.index_cast %swap3A_1369 : i32 to index
        %swap3A_1371 = arith.index_cast %scan3A_719 : i32 to index
        %swap3A_1372 = arith.constant 112 : index
        %swap3A_1373 = tpu.vector_load %arg7[%swap3A_1370, %swap3A_1371, %swap3A_1372] {strides = array<i32>} : memref<2x32x128xf32, #tpu.memory_space<vmem>>, vector<1x1x16xf32>,
        %swap3A_1374 = vector.shape_cast %swap3A_1373 : vector<1x1x16xf32> to vector<16xf32>
        %swap3A_1375 = vector.shape_cast %add3A_1361 : vector<16xf32> to vector<1x1x16xf32>
        tpu.vector_store %arg7[%swap3A_1370, %swap3A_1371, %swap3A_1372], %swap3A_1375 {strides = array<i32>} : memref<2x32x128xf32, #tpu.memory_space<vmem>>, vector<1x1x16xf32>,
      }
      %scan3A_699 = arith.constant 32 : i32
      %mul3A_700 = arith.constant 32 : i32
      %mul3A_701 = arith.muli %add3A_242, %mul3A_700 : i32
      %add3A_702 = arith.addi %mul3A_10, %mul3A_701 : i32
      %dma_start3A_703 = arith.constant 1 : i32
      %dma_start3A_704 = arith.constant 1 : i32
      %dma_start3A_705 = arith.constant 0 : i32
      %dma_start3A_706 = arith.constant 0 : i32
      %dma_start3A_707 = tpu.memref_slice %arg7[%dma_start3A_703, %dma_start3A_705, %dma_start3A_706] : memref<2x32x128xf32, #tpu.memory_space<vmem>> -> memref<1x32x128xf32, #tpu.memory_space<vmem>>
      %dma_start3A_708 = tpu.memref_squeeze %dma_start3A_707 : memref<1x32x128xf32, #tpu.memory_space<vmem>> -> memref<32x128xf32, #tpu.memory_space<vmem>>
      %dma_start3A_709 = arith.constant 0 : i32
      %dma_start3A_710 = tpu.memref_slice %arg4[%add3A_702, %dma_start3A_709] : memref<51200x128xf32, #tpu.memory_space<hbm>> -> memref<32x128xf32, #tpu.memory_space<hbm>>
      %dma_start3A_711 = tpu.memref_slice %arg10[%dma_start3A_704] : memref<2x!tpu.dma_semaphore, #tpu.memory_space<semaphore_mem>> -> memref<1x!tpu.dma_semaphore, #tpu.memory_space<semaphore_mem>>
      %dma_start3A_712 = tpu.memref_squeeze %dma_start3A_711 : memref<1x!tpu.dma_semaphore, #tpu.memory_space<semaphore_mem>> -> memref<!tpu.dma_semaphore, #tpu.memory_space<semaphore_mem>>
      %dma_start3A_713 = arith.constant 0 : i32
      %dma_start3A_714 = tpu.memref_slice %arg4[%add3A_702, %dma_start3A_713] : memref<51200x128xf32, #tpu.memory_space<hbm>> -> memref<32x128xf32, #tpu.memory_space<hbm>>
      %dma_start3A_715 = arith.constant 0 : i32
      %dma_start3A_716 = arith.constant 0 : i32
      %dma_start3A_717 = tpu.memref_slice %arg7[%dma_start3A_703, %dma_start3A_715, %dma_start3A_716] : memref<2x32x128xf32, #tpu.memory_space<vmem>> -> memref<1x32x128xf32, #tpu.memory_space<vmem>>
      %dma_start3A_718 = tpu.memref_squeeze %dma_start3A_717 : memref<1x32x128xf32, #tpu.memory_space<vmem>> -> memref<32x128xf32, #tpu.memory_space<vmem>>
      tpu.enqueue_dma source(%dma_start3A_718 : memref<32x128xf32, #tpu.memory_space<vmem>>) target(%dma_start3A_714 : memref<32x128xf32, #tpu.memory_space<hbm>>) target_semaphore(%dma_start3A_712 : memref<!tpu.dma_semaphore, #tpu.memory_space<semaphore_mem>>)
    }
    %while3A_201 = arith.constant 1 : i32
    scf.for %while3A_238 = %while3A_199 to %while3A_195 step %while3A_201  : i32 {
      %mul3A_239 = arith.constant 2 : i32
      %mul3A_240 = arith.muli %while3A_238, %mul3A_239 : i32
      %add3A_241 = arith.constant 1 : i32
      %add3A_242 = arith.addi %mul3A_240, %add3A_241 : i32
      %gt3A = arith.constant 0 : i32
      %gt3A_243 = arith.cmpi sgt, %while3A_238, %gt3A : i32
      %jit3A_244 = arith.constant 2 : i32
      %div3A_245 = arith.divsi %select_n3A_8, %jit3A_244 : i32
      %sign3A_246 = arith.constant 0 : i32
      %sign3A_247 = arith.cmpi sgt, %select_n3A_8, %sign3A_246 : i32
      %sign3A_248 = arith.extui %sign3A_247 : i1 to i32
      %sign3A_249 = arith.constant 0 : i32
      %sign3A_250 = arith.cmpi slt, %select_n3A_8, %sign3A_249 : i32
      %sign3A_251 = arith.extui %sign3A_250 : i1 to i32
      %sign3A_252 = arith.subi %sign3A_248, %sign3A_251 : i32
      %sign3A_253 = arith.constant 0 : i32
      %sign3A_254 = arith.cmpi sgt, %jit3A_244, %sign3A_253 : i32
      %sign3A_255 = arith.extui %sign3A_254 : i1 to i32
      %sign3A_256 = arith.constant 0 : i32
      %sign3A_257 = arith.cmpi slt, %jit3A_244, %sign3A_256 : i32
      %sign3A_258 = arith.extui %sign3A_257 : i1 to i32
      %sign3A_259 = arith.subi %sign3A_255, %sign3A_258 : i32
      %ne3A_260 = arith.cmpi ne, %sign3A_252, %sign3A_259 : i32
      %rem3A_261 = arith.remsi %select_n3A_8, %jit3A_244 : i32
      %ne3A_262 = arith.constant 0 : i32
      %ne3A_263 = arith.cmpi ne, %rem3A_261, %ne3A_262 : i32
      %and3A_264 = arith.andi %ne3A_260, %ne3A_263 : i1
      %sub3A_265 = arith.constant 1 : i32
      %sub3A_266 = arith.subi %div3A_245, %sub3A_265 : i32
      %select_n3A_267 = arith.select %and3A_264, %sub3A_266, %div3A_245 : i32
      %sub3A_268 = arith.constant 1 : i32
      %sub3A_269 = arith.subi %select_n3A_267, %sub3A_268 : i32
      %lt3A = arith.cmpi slt, %while3A_238, %sub3A_269 : i32
      %convert_element_type3A = arith.extui %gt3A_243 : i1 to i32
      %cond3A = arith.constant 0 : i32
      %cond3A_270 = arith.cmpi ne, %convert_element_type3A, %cond3A : i32
      scf.if %cond3A_270 {
        %add3A_719 = arith.constant 0 : i32
        %add3A_720 = arith.addi %mul3A_10, %add3A_719 : i32
        %dma_wait3A_721 = arith.constant 0 : i32
        %dma_wait3A_722 = arith.constant 0 : i32
        %dma_wait3A_723 = arith.constant 0 : i32
        %dma_wait3A_724 = arith.constant 0 : i32
        %dma_wait3A_725 = tpu.memref_slice %arg7[%dma_wait3A_721, %dma_wait3A_723, %dma_wait3A_724] : memref<2x32x128xf32, #tpu.memory_space<vmem>> -> memref<1x32x128xf32, #tpu.memory_space<vmem>>
        %dma_wait3A_726 = tpu.memref_squeeze %dma_wait3A_725 : memref<1x32x128xf32, #tpu.memory_space<vmem>> -> memref<32x128xf32, #tpu.memory_space<vmem>>
        %dma_wait3A_727 = arith.constant 0 : i32
        %dma_wait3A_728 = tpu.memref_slice %arg4[%add3A_720, %dma_wait3A_727] : memref<51200x128xf32, #tpu.memory_space<hbm>> -> memref<32x128xf32, #tpu.memory_space<hbm>>
        %dma_wait3A_729 = tpu.memref_slice %arg10[%dma_wait3A_722] : memref<2x!tpu.dma_semaphore, #tpu.memory_space<semaphore_mem>> -> memref<1x!tpu.dma_semaphore, #tpu.memory_space<semaphore_mem>>
        %dma_wait3A_730 = tpu.memref_squeeze %dma_wait3A_729 : memref<1x!tpu.dma_semaphore, #tpu.memory_space<semaphore_mem>> -> memref<!tpu.dma_semaphore, #tpu.memory_space<semaphore_mem>>
        %dma_wait3A_731 = arith.constant 0 : i32
        %dma_wait3A_732 = tpu.memref_slice %arg4[%add3A_720, %dma_wait3A_731] : memref<51200x128xf32, #tpu.memory_space<hbm>> -> memref<32x128xf32, #tpu.memory_space<hbm>>
        %dma_wait3A_733 = arith.constant 0 : i32
        %dma_wait3A_734 = arith.constant 0 : i32
        %dma_wait3A_735 = tpu.memref_slice %arg7[%dma_wait3A_721, %dma_wait3A_733, %dma_wait3A_734] : memref<2x32x128xf32, #tpu.memory_space<vmem>> -> memref<1x32x128xf32, #tpu.memory_space<vmem>>
        %dma_wait3A_736 = tpu.memref_squeeze %dma_wait3A_735 : memref<1x32x128xf32, #tpu.memory_space<vmem>> -> memref<32x128xf32, #tpu.memory_space<vmem>>
        tpu.wait_dma2 semaphore(%dma_wait3A_730 : memref<!tpu.dma_semaphore, #tpu.memory_space<semaphore_mem>>) src(%dma_wait3A_736 : memref<32x128xf32, #tpu.memory_space<vmem>>) dst(%dma_wait3A_732 : memref<32x128xf32, #tpu.memory_space<hbm>>)
      } else {
      }
      %dma_wait3A_271 = arith.constant 0 : i32
      %dma_wait3A_272 = arith.constant 0 : i32
      %dma_wait3A_273 = arith.constant 0 : i32
      %dma_wait3A_274 = arith.constant 0 : i32
      %dma_wait3A_275 = arith.constant 0 : i32
      %dma_wait3A_276 = tpu.memref_slice %arg6[%dma_wait3A_271, %dma_wait3A_272, %dma_wait3A_274, %dma_wait3A_275] : memref<2x9x32x64xi32, #tpu.memory_space<vmem>> -> memref<1x1x32x64xi32, #tpu.memory_space<vmem>>
      %dma_wait3A_277 = tpu.memref_squeeze %dma_wait3A_276 : memref<1x1x32x64xi32, #tpu.memory_space<vmem>> -> memref<32x64xi32, #tpu.memory_space<vmem>>
      %dma_wait3A_278 = arith.constant 0 : i32
      %dma_wait3A_279 = tpu.memref_slice %arg5[%dma_wait3A_278] : memref<576xi32, #tpu.memory_space<vmem>> -> memref<32xi32, #tpu.memory_space<vmem>>
      %dma_wait3A_280 = arith.constant 0 : i32
      %dma_wait3A_281 = arith.constant 0 : i32
      %dma_wait3A_282 = tpu.memref_slice %arg2[%dma_wait3A_280, %dma_wait3A_281] : memref<450000x64xi32, #tpu.memory_space<hbm>> -> memref<450000x64xi32, #tpu.memory_space<hbm>>
      %dma_wait3A_283 = tpu.memref_slice %arg9[%dma_wait3A_273] : memref<2x!tpu.dma_semaphore, #tpu.memory_space<semaphore_mem>> -> memref<1x!tpu.dma_semaphore, #tpu.memory_space<semaphore_mem>>
      %dma_wait3A_284 = tpu.memref_squeeze %dma_wait3A_283 : memref<1x!tpu.dma_semaphore, #tpu.memory_space<semaphore_mem>> -> memref<!tpu.dma_semaphore, #tpu.memory_space<semaphore_mem>>
      tpu.wait_indirect_dma semaphore(%dma_wait3A_284 : memref<!tpu.dma_semaphore, #tpu.memory_space<semaphore_mem>>) src(%dma_wait3A_282 : memref<450000x64xi32, #tpu.memory_space<hbm>>) dst(%dma_wait3A_277 : memref<32x64xi32, #tpu.memory_space<vmem>>)
      %dma_wait3A_285 = arith.constant 0 : i32
      %dma_wait3A_286 = arith.constant 1 : i32
      %dma_wait3A_287 = arith.constant 0 : i32
      %dma_wait3A_288 = arith.constant 0 : i32
      %dma_wait3A_289 = arith.constant 0 : i32
      %dma_wait3A_290 = tpu.memref_slice %arg6[%dma_wait3A_285, %dma_wait3A_286, %dma_wait3A_288, %dma_wait3A_289] : memref<2x9x32x64xi32, #tpu.memory_space<vmem>> -> memref<1x1x32x64xi32, #tpu.memory_space<vmem>>
      %dma_wait3A_291 = tpu.memref_squeeze %dma_wait3A_290 : memref<1x1x32x64xi32, #tpu.memory_space<vmem>> -> memref<32x64xi32, #tpu.memory_space<vmem>>
      %dma_wait3A_292 = arith.constant 32 : i32
      %dma_wait3A_293 = tpu.memref_slice %arg5[%dma_wait3A_292] : memref<576xi32, #tpu.memory_space<vmem>> -> memref<32xi32, #tpu.memory_space<vmem>>
      %dma_wait3A_294 = arith.constant 0 : i32
      %dma_wait3A_295 = arith.constant 0 : i32
      %dma_wait3A_296 = tpu.memref_slice %arg2[%dma_wait3A_294, %dma_wait3A_295] : memref<450000x64xi32, #tpu.memory_space<hbm>> -> memref<450000x64xi32, #tpu.memory_space<hbm>>
      %dma_wait3A_297 = tpu.memref_slice %arg9[%dma_wait3A_287] : memref<2x!tpu.dma_semaphore, #tpu.memory_space<semaphore_mem>> -> memref<1x!tpu.dma_semaphore, #tpu.memory_space<semaphore_mem>>
      %dma_wait3A_298 = tpu.memref_squeeze %dma_wait3A_297 : memref<1x!tpu.dma_semaphore, #tpu.memory_space<semaphore_mem>> -> memref<!tpu.dma_semaphore, #tpu.memory_space<semaphore_mem>>
      tpu.wait_indirect_dma semaphore(%dma_wait3A_298 : memref<!tpu.dma_semaphore, #tpu.memory_space<semaphore_mem>>) src(%dma_wait3A_296 : memref<450000x64xi32, #tpu.memory_space<hbm>>) dst(%dma_wait3A_291 : memref<32x64xi32, #tpu.memory_space<vmem>>)
      %dma_wait3A_299 = arith.constant 0 : i32
      %dma_wait3A_300 = arith.constant 2 : i32
      %dma_wait3A_301 = arith.constant 0 : i32
      %dma_wait3A_302 = arith.constant 0 : i32
      %dma_wait3A_303 = arith.constant 0 : i32
      %dma_wait3A_304 = tpu.memref_slice %arg6[%dma_wait3A_299, %dma_wait3A_300, %dma_wait3A_302, %dma_wait3A_303] : memref<2x9x32x64xi32, #tpu.memory_space<vmem>> -> memref<1x1x32x64xi32, #tpu.memory_space<vmem>>
      %dma_wait3A_305 = tpu.memref_squeeze %dma_wait3A_304 : memref<1x1x32x64xi32, #tpu.memory_space<vmem>> -> memref<32x64xi32, #tpu.memory_space<vmem>>
      %dma_wait3A_306 = arith.constant 64 : i32
      %dma_wait3A_307 = tpu.memref_slice %arg5[%dma_wait3A_306] : memref<576xi32, #tpu.memory_space<vmem>> -> memref<32xi32, #tpu.memory_space<vmem>>
      %dma_wait3A_308 = arith.constant 0 : i32
      %dma_wait3A_309 = arith.constant 0 : i32
      %dma_wait3A_310 = tpu.memref_slice %arg2[%dma_wait3A_308, %dma_wait3A_309] : memref<450000x64xi32, #tpu.memory_space<hbm>> -> memref<450000x64xi32, #tpu.memory_space<hbm>>
      %dma_wait3A_311 = tpu.memref_slice %arg9[%dma_wait3A_301] : memref<2x!tpu.dma_semaphore, #tpu.memory_space<semaphore_mem>> -> memref<1x!tpu.dma_semaphore, #tpu.memory_space<semaphore_mem>>
      %dma_wait3A_312 = tpu.memref_squeeze %dma_wait3A_311 : memref<1x!tpu.dma_semaphore, #tpu.memory_space<semaphore_mem>> -> memref<!tpu.dma_semaphore, #tpu.memory_space<semaphore_mem>>
      tpu.wait_indirect_dma semaphore(%dma_wait3A_312 : memref<!tpu.dma_semaphore, #tpu.memory_space<semaphore_mem>>) src(%dma_wait3A_310 : memref<450000x64xi32, #tpu.memory_space<hbm>>) dst(%dma_wait3A_305 : memref<32x64xi32, #tpu.memory_space<vmem>>)
      %dma_wait3A_313 = arith.constant 0 : i32
      %dma_wait3A_314 = arith.constant 3 : i32
      %dma_wait3A_315 = arith.constant 0 : i32
      %dma_wait3A_316 = arith.constant 0 : i32
      %dma_wait3A_317 = arith.constant 0 : i32
      %dma_wait3A_318 = tpu.memref_slice %arg6[%dma_wait3A_313, %dma_wait3A_314, %dma_wait3A_316, %dma_wait3A_317] : memref<2x9x32x64xi32, #tpu.memory_space<vmem>> -> memref<1x1x32x64xi32, #tpu.memory_space<vmem>>
      %dma_wait3A_319 = tpu.memref_squeeze %dma_wait3A_318 : memref<1x1x32x64xi32, #tpu.memory_space<vmem>> -> memref<32x64xi32, #tpu.memory_space<vmem>>
      %dma_wait3A_320 = arith.constant 96 : i32
      %dma_wait3A_321 = tpu.memref_slice %arg5[%dma_wait3A_320] : memref<576xi32, #tpu.memory_space<vmem>> -> memref<32xi32, #tpu.memory_space<vmem>>
      %dma_wait3A_322 = arith.constant 0 : i32
      %dma_wait3A_323 = arith.constant 0 : i32
      %dma_wait3A_324 = tpu.memref_slice %arg2[%dma_wait3A_322, %dma_wait3A_323] : memref<450000x64xi32, #tpu.memory_space<hbm>> -> memref<450000x64xi32, #tpu.memory_space<hbm>>
      %dma_wait3A_325 = tpu.memref_slice %arg9[%dma_wait3A_315] : memref<2x!tpu.dma_semaphore, #tpu.memory_space<semaphore_mem>> -> memref<1x!tpu.dma_semaphore, #tpu.memory_space<semaphore_mem>>
      %dma_wait3A_326 = tpu.memref_squeeze %dma_wait3A_325 : memref<1x!tpu.dma_semaphore, #tpu.memory_space<semaphore_mem>> -> memref<!tpu.dma_semaphore, #tpu.memory_space<semaphore_mem>>
      tpu.wait_indirect_dma semaphore(%dma_wait3A_326 : memref<!tpu.dma_semaphore, #tpu.memory_space<semaphore_mem>>) src(%dma_wait3A_324 : memref<450000x64xi32, #tpu.memory_space<hbm>>) dst(%dma_wait3A_319 : memref<32x64xi32, #tpu.memory_space<vmem>>)
      %dma_wait3A_327 = arith.constant 0 : i32
      %dma_wait3A_328 = arith.constant 4 : i32
      %dma_wait3A_329 = arith.constant 0 : i32
      %dma_wait3A_330 = arith.constant 0 : i32
      %dma_wait3A_331 = arith.constant 0 : i32
      %dma_wait3A_332 = tpu.memref_slice %arg6[%dma_wait3A_327, %dma_wait3A_328, %dma_wait3A_330, %dma_wait3A_331] : memref<2x9x32x64xi32, #tpu.memory_space<vmem>> -> memref<1x1x32x64xi32, #tpu.memory_space<vmem>>
      %dma_wait3A_333 = tpu.memref_squeeze %dma_wait3A_332 : memref<1x1x32x64xi32, #tpu.memory_space<vmem>> -> memref<32x64xi32, #tpu.memory_space<vmem>>
      %dma_wait3A_334 = arith.constant 128 : i32
      %dma_wait3A_335 = tpu.memref_slice %arg5[%dma_wait3A_334] : memref<576xi32, #tpu.memory_space<vmem>> -> memref<32xi32, #tpu.memory_space<vmem>>
      %dma_wait3A_336 = arith.constant 0 : i32
      %dma_wait3A_337 = arith.constant 0 : i32
      %dma_wait3A_338 = tpu.memref_slice %arg2[%dma_wait3A_336, %dma_wait3A_337] : memref<450000x64xi32, #tpu.memory_space<hbm>> -> memref<450000x64xi32, #tpu.memory_space<hbm>>
      %dma_wait3A_339 = tpu.memref_slice %arg9[%dma_wait3A_329] : memref<2x!tpu.dma_semaphore, #tpu.memory_space<semaphore_mem>> -> memref<1x!tpu.dma_semaphore, #tpu.memory_space<semaphore_mem>>
      %dma_wait3A_340 = tpu.memref_squeeze %dma_wait3A_339 : memref<1x!tpu.dma_semaphore, #tpu.memory_space<semaphore_mem>> -> memref<!tpu.dma_semaphore, #tpu.memory_space<semaphore_mem>>
      tpu.wait_indirect_dma semaphore(%dma_wait3A_340 : memref<!tpu.dma_semaphore, #tpu.memory_space<semaphore_mem>>) src(%dma_wait3A_338 : memref<450000x64xi32, #tpu.memory_space<hbm>>) dst(%dma_wait3A_333 : memref<32x64xi32, #tpu.memory_space<vmem>>)
      %dma_wait3A_341 = arith.constant 0 : i32
      %dma_wait3A_342 = arith.constant 5 : i32
      %dma_wait3A_343 = arith.constant 0 : i32
      %dma_wait3A_344 = arith.constant 0 : i32
      %dma_wait3A_345 = arith.constant 0 : i32
      %dma_wait3A_346 = tpu.memref_slice %arg6[%dma_wait3A_341, %dma_wait3A_342, %dma_wait3A_344, %dma_wait3A_345] : memref<2x9x32x64xi32, #tpu.memory_space<vmem>> -> memref<1x1x32x64xi32, #tpu.memory_space<vmem>>
      %dma_wait3A_347 = tpu.memref_squeeze %dma_wait3A_346 : memref<1x1x32x64xi32, #tpu.memory_space<vmem>> -> memref<32x64xi32, #tpu.memory_space<vmem>>
      %dma_wait3A_348 = arith.constant 160 : i32
      %dma_wait3A_349 = tpu.memref_slice %arg5[%dma_wait3A_348] : memref<576xi32, #tpu.memory_space<vmem>> -> memref<32xi32, #tpu.memory_space<vmem>>
      %dma_wait3A_350 = arith.constant 0 : i32
      %dma_wait3A_351 = arith.constant 0 : i32
      %dma_wait3A_352 = tpu.memref_slice %arg2[%dma_wait3A_350, %dma_wait3A_351] : memref<450000x64xi32, #tpu.memory_space<hbm>> -> memref<450000x64xi32, #tpu.memory_space<hbm>>
      %dma_wait3A_353 = tpu.memref_slice %arg9[%dma_wait3A_343] : memref<2x!tpu.dma_semaphore, #tpu.memory_space<semaphore_mem>> -> memref<1x!tpu.dma_semaphore, #tpu.memory_space<semaphore_mem>>
      %dma_wait3A_354 = tpu.memref_squeeze %dma_wait3A_353 : memref<1x!tpu.dma_semaphore, #tpu.memory_space<semaphore_mem>> -> memref<!tpu.dma_semaphore, #tpu.memory_space<semaphore_mem>>
      tpu.wait_indirect_dma semaphore(%dma_wait3A_354 : memref<!tpu.dma_semaphore, #tpu.memory_space<semaphore_mem>>) src(%dma_wait3A_352 : memref<450000x64xi32, #tpu.memory_space<hbm>>) dst(%dma_wait3A_347 : memref<32x64xi32, #tpu.memory_space<vmem>>)
      %dma_wait3A_355 = arith.constant 0 : i32
      %dma_wait3A_356 = arith.constant 6 : i32
      %dma_wait3A_357 = arith.constant 0 : i32
      %dma_wait3A_358 = arith.constant 0 : i32
      %dma_wait3A_359 = arith.constant 0 : i32
      %dma_wait3A_360 = tpu.memref_slice %arg6[%dma_wait3A_355, %dma_wait3A_356, %dma_wait3A_358, %dma_wait3A_359] : memref<2x9x32x64xi32, #tpu.memory_space<vmem>> -> memref<1x1x32x64xi32, #tpu.memory_space<vmem>>
      %dma_wait3A_361 = tpu.memref_squeeze %dma_wait3A_360 : memref<1x1x32x64xi32, #tpu.memory_space<vmem>> -> memref<32x64xi32, #tpu.memory_space<vmem>>
      %dma_wait3A_362 = arith.constant 192 : i32
      %dma_wait3A_363 = tpu.memref_slice %arg5[%dma_wait3A_362] : memref<576xi32, #tpu.memory_space<vmem>> -> memref<32xi32, #tpu.memory_space<vmem>>
      %dma_wait3A_364 = arith.constant 0 : i32
      %dma_wait3A_365 = arith.constant 0 : i32
      %dma_wait3A_366 = tpu.memref_slice %arg2[%dma_wait3A_364, %dma_wait3A_365] : memref<450000x64xi32, #tpu.memory_space<hbm>> -> memref<450000x64xi32, #tpu.memory_space<hbm>>
      %dma_wait3A_367 = tpu.memref_slice %arg9[%dma_wait3A_357] : memref<2x!tpu.dma_semaphore, #tpu.memory_space<semaphore_mem>> -> memref<1x!tpu.dma_semaphore, #tpu.memory_space<semaphore_mem>>
      %dma_wait3A_368 = tpu.memref_squeeze %dma_wait3A_367 : memref<1x!tpu.dma_semaphore, #tpu.memory_space<semaphore_mem>> -> memref<!tpu.dma_semaphore, #tpu.memory_space<semaphore_mem>>
      tpu.wait_indirect_dma semaphore(%dma_wait3A_368 : memref<!tpu.dma_semaphore, #tpu.memory_space<semaphore_mem>>) src(%dma_wait3A_366 : memref<450000x64xi32, #tpu.memory_space<hbm>>) dst(%dma_wait3A_361 : memref<32x64xi32, #tpu.memory_space<vmem>>)
      %dma_wait3A_369 = arith.constant 0 : i32
      %dma_wait3A_370 = arith.constant 7 : i32
      %dma_wait3A_371 = arith.constant 0 : i32
      %dma_wait3A_372 = arith.constant 0 : i32
      %dma_wait3A_373 = arith.constant 0 : i32
      %dma_wait3A_374 = tpu.memref_slice %arg6[%dma_wait3A_369, %dma_wait3A_370, %dma_wait3A_372, %dma_wait3A_373] : memref<2x9x32x64xi32, #tpu.memory_space<vmem>> -> memref<1x1x32x64xi32, #tpu.memory_space<vmem>>
      %dma_wait3A_375 = tpu.memref_squeeze %dma_wait3A_374 : memref<1x1x32x64xi32, #tpu.memory_space<vmem>> -> memref<32x64xi32, #tpu.memory_space<vmem>>
      %dma_wait3A_376 = arith.constant 224 : i32
      %dma_wait3A_377 = tpu.memref_slice %arg5[%dma_wait3A_376] : memref<576xi32, #tpu.memory_space<vmem>> -> memref<32xi32, #tpu.memory_space<vmem>>
      %dma_wait3A_378 = arith.constant 0 : i32
      %dma_wait3A_379 = arith.constant 0 : i32
      %dma_wait3A_380 = tpu.memref_slice %arg2[%dma_wait3A_378, %dma_wait3A_379] : memref<450000x64xi32, #tpu.memory_space<hbm>> -> memref<450000x64xi32, #tpu.memory_space<hbm>>
      %dma_wait3A_381 = tpu.memref_slice %arg9[%dma_wait3A_371] : memref<2x!tpu.dma_semaphore, #tpu.memory_space<semaphore_mem>> -> memref<1x!tpu.dma_semaphore, #tpu.memory_space<semaphore_mem>>
      %dma_wait3A_382 = tpu.memref_squeeze %dma_wait3A_381 : memref<1x!tpu.dma_semaphore, #tpu.memory_space<semaphore_mem>> -> memref<!tpu.dma_semaphore, #tpu.memory_space<semaphore_mem>>
      tpu.wait_indirect_dma semaphore(%dma_wait3A_382 : memref<!tpu.dma_semaphore, #tpu.memory_space<semaphore_mem>>) src(%dma_wait3A_380 : memref<450000x64xi32, #tpu.memory_space<hbm>>) dst(%dma_wait3A_375 : memref<32x64xi32, #tpu.memory_space<vmem>>)
      %dma_wait3A_383 = arith.constant 0 : i32
      %dma_wait3A_384 = arith.constant 8 : i32
      %dma_wait3A_385 = arith.constant 0 : i32
      %dma_wait3A_386 = arith.constant 0 : i32
      %dma_wait3A_387 = arith.constant 0 : i32
      %dma_wait3A_388 = tpu.memref_slice %arg6[%dma_wait3A_383, %dma_wait3A_384, %dma_wait3A_386, %dma_wait3A_387] : memref<2x9x32x64xi32, #tpu.memory_space<vmem>> -> memref<1x1x32x64xi32, #tpu.memory_space<vmem>>
      %dma_wait3A_389 = tpu.memref_squeeze %dma_wait3A_388 : memref<1x1x32x64xi32, #tpu.memory_space<vmem>> -> memref<32x64xi32, #tpu.memory_space<vmem>>
      %dma_wait3A_390 = arith.constant 256 : i32
      %dma_wait3A_391 = tpu.memref_slice %arg5[%dma_wait3A_390] : memref<576xi32, #tpu.memory_space<vmem>> -> memref<32xi32, #tpu.memory_space<vmem>>
      %dma_wait3A_392 = arith.constant 0 : i32
      %dma_wait3A_393 = arith.constant 0 : i32
      %dma_wait3A_394 = tpu.memref_slice %arg2[%dma_wait3A_392, %dma_wait3A_393] : memref<450000x64xi32, #tpu.memory_space<hbm>> -> memref<450000x64xi32, #tpu.memory_space<hbm>>
      %dma_wait3A_395 = tpu.memref_slice %arg9[%dma_wait3A_385] : memref<2x!tpu.dma_semaphore, #tpu.memory_space<semaphore_mem>> -> memref<1x!tpu.dma_semaphore, #tpu.memory_space<semaphore_mem>>
      %dma_wait3A_396 = tpu.memref_squeeze %dma_wait3A_395 : memref<1x!tpu.dma_semaphore, #tpu.memory_space<semaphore_mem>> -> memref<!tpu.dma_semaphore, #tpu.memory_space<semaphore_mem>>
      tpu.wait_indirect_dma semaphore(%dma_wait3A_396 : memref<!tpu.dma_semaphore, #tpu.memory_space<semaphore_mem>>) src(%dma_wait3A_394 : memref<450000x64xi32, #tpu.memory_space<hbm>>) dst(%dma_wait3A_389 : memref<32x64xi32, #tpu.memory_space<vmem>>)
      %convert_element_type3A_397 = arith.extui %lt3A : i1 to i32
      %cond3A_398 = arith.constant 0 : i32
      %cond3A_399 = arith.cmpi ne, %convert_element_type3A_397, %cond3A_398 : i32
      scf.if %cond3A_399 {
        %add3A_719 = arith.constant 2 : i32
        %add3A_720 = arith.addi %mul3A_240, %add3A_719 : i32
        %add3A_721 = arith.addi %select_n3A, %add3A_720 : i32
        %mul3A_722 = arith.constant 288 : i32
        %mul3A_723 = arith.muli %add3A_721, %mul3A_722 : i32
        %dma_start3A_724 = arith.constant 0 : i32
        %dma_start3A_725 = arith.constant 0 : i32
        %dma_start3A_726 = tpu.memref_slice %arg5[%dma_start3A_725] : memref<576xi32, #tpu.memory_space<vmem>> -> memref<288xi32, #tpu.memory_space<vmem>>
        %dma_start3A_727 = tpu.memref_slice %arg3[%mul3A_723] : memref<460800xi32, #tpu.memory_space<hbm>> -> memref<288xi32, #tpu.memory_space<hbm>>
        %dma_start3A_728 = tpu.memref_slice %arg8[%dma_start3A_724] : memref<2x!tpu.dma_semaphore, #tpu.memory_space<semaphore_mem>> -> memref<1x!tpu.dma_semaphore, #tpu.memory_space<semaphore_mem>>
        %dma_start3A_729 = tpu.memref_squeeze %dma_start3A_728 : memref<1x!tpu.dma_semaphore, #tpu.memory_space<semaphore_mem>> -> memref<!tpu.dma_semaphore, #tpu.memory_space<semaphore_mem>>
        %dma_start3A_730 = arith.constant 0 : i32
        %dma_start3A_731 = tpu.memref_slice %arg5[%dma_start3A_730] : memref<576xi32, #tpu.memory_space<vmem>> -> memref<288xi32, #tpu.memory_space<vmem>>
        %dma_start3A_732 = tpu.memref_slice %arg3[%mul3A_723] : memref<460800xi32, #tpu.memory_space<hbm>> -> memref<288xi32, #tpu.memory_space<hbm>>
        tpu.enqueue_dma source(%dma_start3A_732 : memref<288xi32, #tpu.memory_space<hbm>>) target(%dma_start3A_731 : memref<288xi32, #tpu.memory_space<vmem>>) target_semaphore(%dma_start3A_729 : memref<!tpu.dma_semaphore, #tpu.memory_space<semaphore_mem>>)
      } else {
      }
      %add3A_400 = arith.addi %select_n3A, %add3A_242 : i32
      %mul3A_401 = arith.constant 288 : i32
      %mul3A_402 = arith.muli %add3A_400, %mul3A_401 : i32
      %dma_wait3A_403 = arith.constant 1 : i32
      %dma_wait3A_404 = arith.constant 288 : i32
      %dma_wait3A_405 = tpu.memref_slice %arg5[%dma_wait3A_404] : memref<576xi32, #tpu.memory_space<vmem>> -> memref<288xi32, #tpu.memory_space<vmem>>
      %dma_wait3A_406 = tpu.memref_slice %arg3[%mul3A_402] : memref<460800xi32, #tpu.memory_space<hbm>> -> memref<288xi32, #tpu.memory_space<hbm>>
      %dma_wait3A_407 = tpu.memref_slice %arg8[%dma_wait3A_403] : memref<2x!tpu.dma_semaphore, #tpu.memory_space<semaphore_mem>> -> memref<1x!tpu.dma_semaphore, #tpu.memory_space<semaphore_mem>>
      %dma_wait3A_408 = tpu.memref_squeeze %dma_wait3A_407 : memref<1x!tpu.dma_semaphore, #tpu.memory_space<semaphore_mem>> -> memref<!tpu.dma_semaphore, #tpu.memory_space<semaphore_mem>>
      %dma_wait3A_409 = arith.constant 288 : i32
      %dma_wait3A_410 = tpu.memref_slice %arg5[%dma_wait3A_409] : memref<576xi32, #tpu.memory_space<vmem>> -> memref<288xi32, #tpu.memory_space<vmem>>
      %dma_wait3A_411 = tpu.memref_slice %arg3[%mul3A_402] : memref<460800xi32, #tpu.memory_space<hbm>> -> memref<288xi32, #tpu.memory_space<hbm>>
      tpu.wait_dma2 semaphore(%dma_wait3A_408 : memref<!tpu.dma_semaphore, #tpu.memory_space<semaphore_mem>>) src(%dma_wait3A_411 : memref<288xi32, #tpu.memory_space<hbm>>) dst(%dma_wait3A_410 : memref<288xi32, #tpu.memory_space<vmem>>)
      %dma_start3A_412 = arith.constant 1 : i32
      %dma_start3A_413 = arith.constant 0 : i32
      %dma_start3A_414 = arith.constant 1 : i32
      %dma_start3A_415 = arith.constant 0 : i32
      %dma_start3A_416 = arith.constant 0 : i32
      %dma_start3A_417 = tpu.memref_slice %arg6[%dma_start3A_412, %dma_start3A_413, %dma_start3A_415, %dma_start3A_416] : memref<2x9x32x64xi32, #tpu.memory_space<vmem>> -> memref<1x1x32x64xi32, #tpu.memory_space<vmem>>
      %dma_start3A_418 = tpu.memref_squeeze %dma_start3A_417 : memref<1x1x32x64xi32, #tpu.memory_space<vmem>> -> memref<32x64xi32, #tpu.memory_space<vmem>>
      %dma_start3A_419 = arith.constant 288 : i32
      %dma_start3A_420 = tpu.memref_slice %arg5[%dma_start3A_419] : memref<576xi32, #tpu.memory_space<vmem>> -> memref<32xi32, #tpu.memory_space<vmem>>
      %dma_start3A_421 = arith.constant 0 : i32
      %dma_start3A_422 = arith.constant 0 : i32
      %dma_start3A_423 = tpu.memref_slice %arg2[%dma_start3A_421, %dma_start3A_422] : memref<450000x64xi32, #tpu.memory_space<hbm>> -> memref<450000x64xi32, #tpu.memory_space<hbm>>
      %dma_start3A_424 = tpu.memref_slice %arg9[%dma_start3A_414] : memref<2x!tpu.dma_semaphore, #tpu.memory_space<semaphore_mem>> -> memref<1x!tpu.dma_semaphore, #tpu.memory_space<semaphore_mem>>
      %dma_start3A_425 = tpu.memref_squeeze %dma_start3A_424 : memref<1x!tpu.dma_semaphore, #tpu.memory_space<semaphore_mem>> -> memref<!tpu.dma_semaphore, #tpu.memory_space<semaphore_mem>>
      tpu.enqueue_indirect_dma source(%dma_start3A_423 : memref<450000x64xi32, #tpu.memory_space<hbm>>) target(%dma_start3A_418 : memref<32x64xi32, #tpu.memory_space<vmem>>) offsets(%dma_start3A_420 : memref<32xi32, #tpu.memory_space<vmem>>) semaphore(%dma_start3A_425 : memref<!tpu.dma_semaphore, #tpu.memory_space<semaphore_mem>>)
      %dma_start3A_426 = arith.constant 1 : i32
      %dma_start3A_427 = arith.constant 1 : i32
      %dma_start3A_428 = arith.constant 1 : i32
      %dma_start3A_429 = arith.constant 0 : i32
      %dma_start3A_430 = arith.constant 0 : i32
      %dma_start3A_431 = tpu.memref_slice %arg6[%dma_start3A_426, %dma_start3A_427, %dma_start3A_429, %dma_start3A_430] : memref<2x9x32x64xi32, #tpu.memory_space<vmem>> -> memref<1x1x32x64xi32, #tpu.memory_space<vmem>>
      %dma_start3A_432 = tpu.memref_squeeze %dma_start3A_431 : memref<1x1x32x64xi32, #tpu.memory_space<vmem>> -> memref<32x64xi32, #tpu.memory_space<vmem>>
      %dma_start3A_433 = arith.constant 320 : i32
      %dma_start3A_434 = tpu.memref_slice %arg5[%dma_start3A_433] : memref<576xi32, #tpu.memory_space<vmem>> -> memref<32xi32, #tpu.memory_space<vmem>>
      %dma_start3A_435 = arith.constant 0 : i32
      %dma_start3A_436 = arith.constant 0 : i32
      %dma_start3A_437 = tpu.memref_slice %arg2[%dma_start3A_435, %dma_start3A_436] : memref<450000x64xi32, #tpu.memory_space<hbm>> -> memref<450000x64xi32, #tpu.memory_space<hbm>>
      %dma_start3A_438 = tpu.memref_slice %arg9[%dma_start3A_428] : memref<2x!tpu.dma_semaphore, #tpu.memory_space<semaphore_mem>> -> memref<1x!tpu.dma_semaphore, #tpu.memory_space<semaphore_mem>>
      %dma_start3A_439 = tpu.memref_squeeze %dma_start3A_438 : memref<1x!tpu.dma_semaphore, #tpu.memory_space<semaphore_mem>> -> memref<!tpu.dma_semaphore, #tpu.memory_space<semaphore_mem>>
      tpu.enqueue_indirect_dma source(%dma_start3A_437 : memref<450000x64xi32, #tpu.memory_space<hbm>>) target(%dma_start3A_432 : memref<32x64xi32, #tpu.memory_space<vmem>>) offsets(%dma_start3A_434 : memref<32xi32, #tpu.memory_space<vmem>>) semaphore(%dma_start3A_439 : memref<!tpu.dma_semaphore, #tpu.memory_space<semaphore_mem>>)
      %dma_start3A_440 = arith.constant 1 : i32
      %dma_start3A_441 = arith.constant 2 : i32
      %dma_start3A_442 = arith.constant 1 : i32
      %dma_start3A_443 = arith.constant 0 : i32
      %dma_start3A_444 = arith.constant 0 : i32
      %dma_start3A_445 = tpu.memref_slice %arg6[%dma_start3A_440, %dma_start3A_441, %dma_start3A_443, %dma_start3A_444] : memref<2x9x32x64xi32, #tpu.memory_space<vmem>> -> memref<1x1x32x64xi32, #tpu.memory_space<vmem>>
      %dma_start3A_446 = tpu.memref_squeeze %dma_start3A_445 : memref<1x1x32x64xi32, #tpu.memory_space<vmem>> -> memref<32x64xi32, #tpu.memory_space<vmem>>
      %dma_start3A_447 = arith.constant 352 : i32
      %dma_start3A_448 = tpu.memref_slice %arg5[%dma_start3A_447] : memref<576xi32, #tpu.memory_space<vmem>> -> memref<32xi32, #tpu.memory_space<vmem>>
      %dma_start3A_449 = arith.constant 0 : i32
      %dma_start3A_450 = arith.constant 0 : i32
      %dma_start3A_451 = tpu.memref_slice %arg2[%dma_start3A_449, %dma_start3A_450] : memref<450000x64xi32, #tpu.memory_space<hbm>> -> memref<450000x64xi32, #tpu.memory_space<hbm>>
      %dma_start3A_452 = tpu.memref_slice %arg9[%dma_start3A_442] : memref<2x!tpu.dma_semaphore, #tpu.memory_space<semaphore_mem>> -> memref<1x!tpu.dma_semaphore, #tpu.memory_space<semaphore_mem>>
      %dma_start3A_453 = tpu.memref_squeeze %dma_start3A_452 : memref<1x!tpu.dma_semaphore, #tpu.memory_space<semaphore_mem>> -> memref<!tpu.dma_semaphore, #tpu.memory_space<semaphore_mem>>
      tpu.enqueue_indirect_dma source(%dma_start3A_451 : memref<450000x64xi32, #tpu.memory_space<hbm>>) target(%dma_start3A_446 : memref<32x64xi32, #tpu.memory_space<vmem>>) offsets(%dma_start3A_448 : memref<32xi32, #tpu.memory_space<vmem>>) semaphore(%dma_start3A_453 : memref<!tpu.dma_semaphore, #tpu.memory_space<semaphore_mem>>)
      %dma_start3A_454 = arith.constant 1 : i32
      %dma_start3A_455 = arith.constant 3 : i32
      %dma_start3A_456 = arith.constant 1 : i32
      %dma_start3A_457 = arith.constant 0 : i32
      %dma_start3A_458 = arith.constant 0 : i32
      %dma_start3A_459 = tpu.memref_slice %arg6[%dma_start3A_454, %dma_start3A_455, %dma_start3A_457, %dma_start3A_458] : memref<2x9x32x64xi32, #tpu.memory_space<vmem>> -> memref<1x1x32x64xi32, #tpu.memory_space<vmem>>
      %dma_start3A_460 = tpu.memref_squeeze %dma_start3A_459 : memref<1x1x32x64xi32, #tpu.memory_space<vmem>> -> memref<32x64xi32, #tpu.memory_space<vmem>>
      %dma_start3A_461 = arith.constant 384 : i32
      %dma_start3A_462 = tpu.memref_slice %arg5[%dma_start3A_461] : memref<576xi32, #tpu.memory_space<vmem>> -> memref<32xi32, #tpu.memory_space<vmem>>
      %dma_start3A_463 = arith.constant 0 : i32
      %dma_start3A_464 = arith.constant 0 : i32
      %dma_start3A_465 = tpu.memref_slice %arg2[%dma_start3A_463, %dma_start3A_464] : memref<450000x64xi32, #tpu.memory_space<hbm>> -> memref<450000x64xi32, #tpu.memory_space<hbm>>
      %dma_start3A_466 = tpu.memref_slice %arg9[%dma_start3A_456] : memref<2x!tpu.dma_semaphore, #tpu.memory_space<semaphore_mem>> -> memref<1x!tpu.dma_semaphore, #tpu.memory_space<semaphore_mem>>
      %dma_start3A_467 = tpu.memref_squeeze %dma_start3A_466 : memref<1x!tpu.dma_semaphore, #tpu.memory_space<semaphore_mem>> -> memref<!tpu.dma_semaphore, #tpu.memory_space<semaphore_mem>>
      tpu.enqueue_indirect_dma source(%dma_start3A_465 : memref<450000x64xi32, #tpu.memory_space<hbm>>) target(%dma_start3A_460 : memref<32x64xi32, #tpu.memory_space<vmem>>) offsets(%dma_start3A_462 : memref<32xi32, #tpu.memory_space<vmem>>) semaphore(%dma_start3A_467 : memref<!tpu.dma_semaphore, #tpu.memory_space<semaphore_mem>>)
      %dma_start3A_468 = arith.constant 1 : i32
      %dma_start3A_469 = arith.constant 4 : i32
      %dma_start3A_470 = arith.constant 1 : i32
      %dma_start3A_471 = arith.constant 0 : i32
      %dma_start3A_472 = arith.constant 0 : i32
      %dma_start3A_473 = tpu.memref_slice %arg6[%dma_start3A_468, %dma_start3A_469, %dma_start3A_471, %dma_start3A_472] : memref<2x9x32x64xi32, #tpu.memory_space<vmem>> -> memref<1x1x32x64xi32, #tpu.memory_space<vmem>>
      %dma_start3A_474 = tpu.memref_squeeze %dma_start3A_473 : memref<1x1x32x64xi32, #tpu.memory_space<vmem>> -> memref<32x64xi32, #tpu.memory_space<vmem>>
      %dma_start3A_475 = arith.constant 416 : i32
      %dma_start3A_476 = tpu.memref_slice %arg5[%dma_start3A_475] : memref<576xi32, #tpu.memory_space<vmem>> -> memref<32xi32, #tpu.memory_space<vmem>>
      %dma_start3A_477 = arith.constant 0 : i32
      %dma_start3A_478 = arith.constant 0 : i32
      %dma_start3A_479 = tpu.memref_slice %arg2[%dma_start3A_477, %dma_start3A_478] : memref<450000x64xi32, #tpu.memory_space<hbm>> -> memref<450000x64xi32, #tpu.memory_space<hbm>>
      %dma_start3A_480 = tpu.memref_slice %arg9[%dma_start3A_470] : memref<2x!tpu.dma_semaphore, #tpu.memory_space<semaphore_mem>> -> memref<1x!tpu.dma_semaphore, #tpu.memory_space<semaphore_mem>>
      %dma_start3A_481 = tpu.memref_squeeze %dma_start3A_480 : memref<1x!tpu.dma_semaphore, #tpu.memory_space<semaphore_mem>> -> memref<!tpu.dma_semaphore, #tpu.memory_space<semaphore_mem>>
      tpu.enqueue_indirect_dma source(%dma_start3A_479 : memref<450000x64xi32, #tpu.memory_space<hbm>>) target(%dma_start3A_474 : memref<32x64xi32, #tpu.memory_space<vmem>>) offsets(%dma_start3A_476 : memref<32xi32, #tpu.memory_space<vmem>>) semaphore(%dma_start3A_481 : memref<!tpu.dma_semaphore, #tpu.memory_space<semaphore_mem>>)
      %dma_start3A_482 = arith.constant 1 : i32
      %dma_start3A_483 = arith.constant 5 : i32
      %dma_start3A_484 = arith.constant 1 : i32
      %dma_start3A_485 = arith.constant 0 : i32
      %dma_start3A_486 = arith.constant 0 : i32
      %dma_start3A_487 = tpu.memref_slice %arg6[%dma_start3A_482, %dma_start3A_483, %dma_start3A_485, %dma_start3A_486] : memref<2x9x32x64xi32, #tpu.memory_space<vmem>> -> memref<1x1x32x64xi32, #tpu.memory_space<vmem>>
      %dma_start3A_488 = tpu.memref_squeeze %dma_start3A_487 : memref<1x1x32x64xi32, #tpu.memory_space<vmem>> -> memref<32x64xi32, #tpu.memory_space<vmem>>
      %dma_start3A_489 = arith.constant 448 : i32
      %dma_start3A_490 = tpu.memref_slice %arg5[%dma_start3A_489] : memref<576xi32, #tpu.memory_space<vmem>> -> memref<32xi32, #tpu.memory_space<vmem>>
      %dma_start3A_491 = arith.constant 0 : i32
      %dma_start3A_492 = arith.constant 0 : i32
      %dma_start3A_493 = tpu.memref_slice %arg2[%dma_start3A_491, %dma_start3A_492] : memref<450000x64xi32, #tpu.memory_space<hbm>> -> memref<450000x64xi32, #tpu.memory_space<hbm>>
      %dma_start3A_494 = tpu.memref_slice %arg9[%dma_start3A_484] : memref<2x!tpu.dma_semaphore, #tpu.memory_space<semaphore_mem>> -> memref<1x!tpu.dma_semaphore, #tpu.memory_space<semaphore_mem>>
      %dma_start3A_495 = tpu.memref_squeeze %dma_start3A_494 : memref<1x!tpu.dma_semaphore, #tpu.memory_space<semaphore_mem>> -> memref<!tpu.dma_semaphore, #tpu.memory_space<semaphore_mem>>
      tpu.enqueue_indirect_dma source(%dma_start3A_493 : memref<450000x64xi32, #tpu.memory_space<hbm>>) target(%dma_start3A_488 : memref<32x64xi32, #tpu.memory_space<vmem>>) offsets(%dma_start3A_490 : memref<32xi32, #tpu.memory_space<vmem>>) semaphore(%dma_start3A_495 : memref<!tpu.dma_semaphore, #tpu.memory_space<semaphore_mem>>)
      %dma_start3A_496 = arith.constant 1 : i32
      %dma_start3A_497 = arith.constant 6 : i32
      %dma_start3A_498 = arith.constant 1 : i32
      %dma_start3A_499 = arith.constant 0 : i32
      %dma_start3A_500 = arith.constant 0 : i32
      %dma_start3A_501 = tpu.memref_slice %arg6[%dma_start3A_496, %dma_start3A_497, %dma_start3A_499, %dma_start3A_500] : memref<2x9x32x64xi32, #tpu.memory_space<vmem>> -> memref<1x1x32x64xi32, #tpu.memory_space<vmem>>
      %dma_start3A_502 = tpu.memref_squeeze %dma_start3A_501 : memref<1x1x32x64xi32, #tpu.memory_space<vmem>> -> memref<32x64xi32, #tpu.memory_space<vmem>>
      %dma_start3A_503 = arith.constant 480 : i32
      %dma_start3A_504 = tpu.memref_slice %arg5[%dma_start3A_503] : memref<576xi32, #tpu.memory_space<vmem>> -> memref<32xi32, #tpu.memory_space<vmem>>
      %dma_start3A_505 = arith.constant 0 : i32
      %dma_start3A_506 = arith.constant 0 : i32
      %dma_start3A_507 = tpu.memref_slice %arg2[%dma_start3A_505, %dma_start3A_506] : memref<450000x64xi32, #tpu.memory_space<hbm>> -> memref<450000x64xi32, #tpu.memory_space<hbm>>
      %dma_start3A_508 = tpu.memref_slice %arg9[%dma_start3A_498] : memref<2x!tpu.dma_semaphore, #tpu.memory_space<semaphore_mem>> -> memref<1x!tpu.dma_semaphore, #tpu.memory_space<semaphore_mem>>
      %dma_start3A_509 = tpu.memref_squeeze %dma_start3A_508 : memref<1x!tpu.dma_semaphore, #tpu.memory_space<semaphore_mem>> -> memref<!tpu.dma_semaphore, #tpu.memory_space<semaphore_mem>>
      tpu.enqueue_indirect_dma source(%dma_start3A_507 : memref<450000x64xi32, #tpu.memory_space<hbm>>) target(%dma_start3A_502 : memref<32x64xi32, #tpu.memory_space<vmem>>) offsets(%dma_start3A_504 : memref<32xi32, #tpu.memory_space<vmem>>) semaphore(%dma_start3A_509 : memref<!tpu.dma_semaphore, #tpu.memory_space<semaphore_mem>>)
      %dma_start3A_510 = arith.constant 1 : i32
      %dma_start3A_511 = arith.constant 7 : i32
      %dma_start3A_512 = arith.constant 1 : i32
      %dma_start3A_513 = arith.constant 0 : i32
      %dma_start3A_514 = arith.constant 0 : i32
      %dma_start3A_515 = tpu.memref_slice %arg6[%dma_start3A_510, %dma_start3A_511, %dma_start3A_513, %dma_start3A_514] : memref<2x9x32x64xi32, #tpu.memory_space<vmem>> -> memref<1x1x32x64xi32, #tpu.memory_space<vmem>>
      %dma_start3A_516 = tpu.memref_squeeze %dma_start3A_515 : memref<1x1x32x64xi32, #tpu.memory_space<vmem>> -> memref<32x64xi32, #tpu.memory_space<vmem>>
      %dma_start3A_517 = arith.constant 512 : i32
      %dma_start3A_518 = tpu.memref_slice %arg5[%dma_start3A_517] : memref<576xi32, #tpu.memory_space<vmem>> -> memref<32xi32, #tpu.memory_space<vmem>>
      %dma_start3A_519 = arith.constant 0 : i32
      %dma_start3A_520 = arith.constant 0 : i32
      %dma_start3A_521 = tpu.memref_slice %arg2[%dma_start3A_519, %dma_start3A_520] : memref<450000x64xi32, #tpu.memory_space<hbm>> -> memref<450000x64xi32, #tpu.memory_space<hbm>>
      %dma_start3A_522 = tpu.memref_slice %arg9[%dma_start3A_512] : memref<2x!tpu.dma_semaphore, #tpu.memory_space<semaphore_mem>> -> memref<1x!tpu.dma_semaphore, #tpu.memory_space<semaphore_mem>>
      %dma_start3A_523 = tpu.memref_squeeze %dma_start3A_522 : memref<1x!tpu.dma_semaphore, #tpu.memory_space<semaphore_mem>> -> memref<!tpu.dma_semaphore, #tpu.memory_space<semaphore_mem>>
      tpu.enqueue_indirect_dma source(%dma_start3A_521 : memref<450000x64xi32, #tpu.memory_space<hbm>>) target(%dma_start3A_516 : memref<32x64xi32, #tpu.memory_space<vmem>>) offsets(%dma_start3A_518 : memref<32xi32, #tpu.memory_space<vmem>>) semaphore(%dma_start3A_523 : memref<!tpu.dma_semaphore, #tpu.memory_space<semaphore_mem>>)
      %dma_start3A_524 = arith.constant 1 : i32
      %dma_start3A_525 = arith.constant 8 : i32
      %dma_start3A_526 = arith.constant 1 : i32
      %dma_start3A_527 = arith.constant 0 : i32
      %dma_start3A_528 = arith.constant 0 : i32
      %dma_start3A_529 = tpu.memref_slice %arg6[%dma_start3A_524, %dma_start3A_525, %dma_start3A_527, %dma_start3A_528] : memref<2x9x32x64xi32, #tpu.memory_space<vmem>> -> memref<1x1x32x64xi32, #tpu.memory_space<vmem>>
      %dma_start3A_530 = tpu.memref_squeeze %dma_start3A_529 : memref<1x1x32x64xi32, #tpu.memory_space<vmem>> -> memref<32x64xi32, #tpu.memory_space<vmem>>
      %dma_start3A_531 = arith.constant 544 : i32
      %dma_start3A_532 = tpu.memref_slice %arg5[%dma_start3A_531] : memref<576xi32, #tpu.memory_space<vmem>> -> memref<32xi32, #tpu.memory_space<vmem>>
      %dma_start3A_533 = arith.constant 0 : i32
      %dma_start3A_534 = arith.constant 0 : i32
      %dma_start3A_535 = tpu.memref_slice %arg2[%dma_start3A_533, %dma_start3A_534] : memref<450000x64xi32, #tpu.memory_space<hbm>> -> memref<450000x64xi32, #tpu.memory_space<hbm>>
      %dma_start3A_536 = tpu.memref_slice %arg9[%dma_start3A_526] : memref<2x!tpu.dma_semaphore, #tpu.memory_space<semaphore_mem>> -> memref<1x!tpu.dma_semaphore, #tpu.memory_space<semaphore_mem>>
      %dma_start3A_537 = tpu.memref_squeeze %dma_start3A_536 : memref<1x!tpu.dma_semaphore, #tpu.memory_space<semaphore_mem>> -> memref<!tpu.dma_semaphore, #tpu.memory_space<semaphore_mem>>
      tpu.enqueue_indirect_dma source(%dma_start3A_535 : memref<450000x64xi32, #tpu.memory_space<hbm>>) target(%dma_start3A_530 : memref<32x64xi32, #tpu.memory_space<vmem>>) offsets(%dma_start3A_532 : memref<32xi32, #tpu.memory_space<vmem>>) semaphore(%dma_start3A_537 : memref<!tpu.dma_semaphore, #tpu.memory_space<semaphore_mem>>)
      %scan3A = arith.constant 0 : i32
      %scan3A_538 = arith.constant 0 : i32
      %scan3A_539 = arith.constant 32 : i32
      %scan3A_540 = arith.addi %scan3A_538, %scan3A_539 : i32
      %scan3A_541 = arith.constant 1 : i32
      scf.for %scan3A_719 = %scan3A_538 to %scan3A_540 step %scan3A_541  : i32 {
        %get3A = arith.constant 0 : i32
        %get3A_720 = arith.constant 0 : i32
        %get3A_721 = arith.index_cast %get3A : i32 to index
        %get3A_722 = arith.index_cast %get3A_720 : i32 to index
        %get3A_723 = arith.index_cast %scan3A_719 : i32 to index
        %get3A_724 = arith.constant 0 : index
        %get3A_725 = tpu.vector_load %arg6[%get3A_721, %get3A_722, %get3A_723, %get3A_724] {strides = array<i32>} : memref<2x9x32x64xi32, #tpu.memory_space<vmem>>, vector<1x1x1x16xi32>,
        %get3A_726 = vector.shape_cast %get3A_725 : vector<1x1x1x16xi32> to vector<16xi32>
        %shift_left3A = arith.constant 16 : i32
        %shift_left3A_727 = vector.broadcast %shift_left3A : i32 to vector<16xi32>
        %shift_left3A_728 = arith.shli %get3A_726, %shift_left3A_727 : vector<16xi32>
        %bitcast_convert_type3A = tpu.bitcast %shift_left3A_728 : vector<16xi32> -> vector<16xf32>
        %and3A_729 = vector.broadcast %while3A_192 : i32 to vector<16xi32>
        %and3A_730 = arith.andi %get3A_726, %and3A_729 : vector<16xi32>
        %bitcast_convert_type3A_731 = tpu.bitcast %and3A_730 : vector<16xi32> -> vector<16xf32>
        %get3A_732 = arith.constant 0 : i32
        %get3A_733 = arith.constant 1 : i32
        %get3A_734 = arith.index_cast %get3A_732 : i32 to index
        %get3A_735 = arith.index_cast %get3A_733 : i32 to index
        %get3A_736 = arith.index_cast %scan3A_719 : i32 to index
        %get3A_737 = arith.constant 0 : index
        %get3A_738 = tpu.vector_load %arg6[%get3A_734, %get3A_735, %get3A_736, %get3A_737] {strides = array<i32>} : memref<2x9x32x64xi32, #tpu.memory_space<vmem>>, vector<1x1x1x16xi32>,
        %get3A_739 = vector.shape_cast %get3A_738 : vector<1x1x1x16xi32> to vector<16xi32>
        %shift_left3A_740 = arith.constant 16 : i32
        %shift_left3A_741 = vector.broadcast %shift_left3A_740 : i32 to vector<16xi32>
        %shift_left3A_742 = arith.shli %get3A_739, %shift_left3A_741 : vector<16xi32>
        %bitcast_convert_type3A_743 = tpu.bitcast %shift_left3A_742 : vector<16xi32> -> vector<16xf32>
        %add3A_744 = arith.addf %bitcast_convert_type3A, %bitcast_convert_type3A_743 : vector<16xf32>
        %and3A_745 = vector.broadcast %while3A_192 : i32 to vector<16xi32>
        %and3A_746 = arith.andi %get3A_739, %and3A_745 : vector<16xi32>
        %bitcast_convert_type3A_747 = tpu.bitcast %and3A_746 : vector<16xi32> -> vector<16xf32>
        %add3A_748 = arith.addf %bitcast_convert_type3A_731, %bitcast_convert_type3A_747 : vector<16xf32>
        %get3A_749 = arith.constant 0 : i32
        %get3A_750 = arith.constant 2 : i32
        %get3A_751 = arith.index_cast %get3A_749 : i32 to index
        %get3A_752 = arith.index_cast %get3A_750 : i32 to index
        %get3A_753 = arith.index_cast %scan3A_719 : i32 to index
        %get3A_754 = arith.constant 0 : index
        %get3A_755 = tpu.vector_load %arg6[%get3A_751, %get3A_752, %get3A_753, %get3A_754] {strides = array<i32>} : memref<2x9x32x64xi32, #tpu.memory_space<vmem>>, vector<1x1x1x16xi32>,
        %get3A_756 = vector.shape_cast %get3A_755 : vector<1x1x1x16xi32> to vector<16xi32>
        %shift_left3A_757 = arith.constant 16 : i32
        %shift_left3A_758 = vector.broadcast %shift_left3A_757 : i32 to vector<16xi32>
        %shift_left3A_759 = arith.shli %get3A_756, %shift_left3A_758 : vector<16xi32>
        %bitcast_convert_type3A_760 = tpu.bitcast %shift_left3A_759 : vector<16xi32> -> vector<16xf32>
        %add3A_761 = arith.addf %add3A_744, %bitcast_convert_type3A_760 : vector<16xf32>
        %and3A_762 = vector.broadcast %while3A_192 : i32 to vector<16xi32>
        %and3A_763 = arith.andi %get3A_756, %and3A_762 : vector<16xi32>
        %bitcast_convert_type3A_764 = tpu.bitcast %and3A_763 : vector<16xi32> -> vector<16xf32>
        %add3A_765 = arith.addf %add3A_748, %bitcast_convert_type3A_764 : vector<16xf32>
        %get3A_766 = arith.constant 0 : i32
        %get3A_767 = arith.constant 3 : i32
        %get3A_768 = arith.index_cast %get3A_766 : i32 to index
        %get3A_769 = arith.index_cast %get3A_767 : i32 to index
        %get3A_770 = arith.index_cast %scan3A_719 : i32 to index
        %get3A_771 = arith.constant 0 : index
        %get3A_772 = tpu.vector_load %arg6[%get3A_768, %get3A_769, %get3A_770, %get3A_771] {strides = array<i32>} : memref<2x9x32x64xi32, #tpu.memory_space<vmem>>, vector<1x1x1x16xi32>,
        %get3A_773 = vector.shape_cast %get3A_772 : vector<1x1x1x16xi32> to vector<16xi32>
        %shift_left3A_774 = arith.constant 16 : i32
        %shift_left3A_775 = vector.broadcast %shift_left3A_774 : i32 to vector<16xi32>
        %shift_left3A_776 = arith.shli %get3A_773, %shift_left3A_775 : vector<16xi32>
        %bitcast_convert_type3A_777 = tpu.bitcast %shift_left3A_776 : vector<16xi32> -> vector<16xf32>
        %add3A_778 = arith.addf %add3A_761, %bitcast_convert_type3A_777 : vector<16xf32>
        %and3A_779 = vector.broadcast %while3A_192 : i32 to vector<16xi32>
        %and3A_780 = arith.andi %get3A_773, %and3A_779 : vector<16xi32>
        %bitcast_convert_type3A_781 = tpu.bitcast %and3A_780 : vector<16xi32> -> vector<16xf32>
        %add3A_782 = arith.addf %add3A_765, %bitcast_convert_type3A_781 : vector<16xf32>
        %get3A_783 = arith.constant 0 : i32
        %get3A_784 = arith.constant 4 : i32
        %get3A_785 = arith.index_cast %get3A_783 : i32 to index
        %get3A_786 = arith.index_cast %get3A_784 : i32 to index
        %get3A_787 = arith.index_cast %scan3A_719 : i32 to index
        %get3A_788 = arith.constant 0 : index
        %get3A_789 = tpu.vector_load %arg6[%get3A_785, %get3A_786, %get3A_787, %get3A_788] {strides = array<i32>} : memref<2x9x32x64xi32, #tpu.memory_space<vmem>>, vector<1x1x1x16xi32>,
        %get3A_790 = vector.shape_cast %get3A_789 : vector<1x1x1x16xi32> to vector<16xi32>
        %shift_left3A_791 = arith.constant 16 : i32
        %shift_left3A_792 = vector.broadcast %shift_left3A_791 : i32 to vector<16xi32>
        %shift_left3A_793 = arith.shli %get3A_790, %shift_left3A_792 : vector<16xi32>
        %bitcast_convert_type3A_794 = tpu.bitcast %shift_left3A_793 : vector<16xi32> -> vector<16xf32>
        %add3A_795 = arith.addf %add3A_778, %bitcast_convert_type3A_794 : vector<16xf32>
        %and3A_796 = vector.broadcast %while3A_192 : i32 to vector<16xi32>
        %and3A_797 = arith.andi %get3A_790, %and3A_796 : vector<16xi32>
        %bitcast_convert_type3A_798 = tpu.bitcast %and3A_797 : vector<16xi32> -> vector<16xf32>
        %add3A_799 = arith.addf %add3A_782, %bitcast_convert_type3A_798 : vector<16xf32>
        %get3A_800 = arith.constant 0 : i32
        %get3A_801 = arith.constant 5 : i32
        %get3A_802 = arith.index_cast %get3A_800 : i32 to index
        %get3A_803 = arith.index_cast %get3A_801 : i32 to index
        %get3A_804 = arith.index_cast %scan3A_719 : i32 to index
        %get3A_805 = arith.constant 0 : index
        %get3A_806 = tpu.vector_load %arg6[%get3A_802, %get3A_803, %get3A_804, %get3A_805] {strides = array<i32>} : memref<2x9x32x64xi32, #tpu.memory_space<vmem>>, vector<1x1x1x16xi32>,
        %get3A_807 = vector.shape_cast %get3A_806 : vector<1x1x1x16xi32> to vector<16xi32>
        %shift_left3A_808 = arith.constant 16 : i32
        %shift_left3A_809 = vector.broadcast %shift_left3A_808 : i32 to vector<16xi32>
        %shift_left3A_810 = arith.shli %get3A_807, %shift_left3A_809 : vector<16xi32>
        %bitcast_convert_type3A_811 = tpu.bitcast %shift_left3A_810 : vector<16xi32> -> vector<16xf32>
        %add3A_812 = arith.addf %add3A_795, %bitcast_convert_type3A_811 : vector<16xf32>
        %and3A_813 = vector.broadcast %while3A_192 : i32 to vector<16xi32>
        %and3A_814 = arith.andi %get3A_807, %and3A_813 : vector<16xi32>
        %bitcast_convert_type3A_815 = tpu.bitcast %and3A_814 : vector<16xi32> -> vector<16xf32>
        %add3A_816 = arith.addf %add3A_799, %bitcast_convert_type3A_815 : vector<16xf32>
        %get3A_817 = arith.constant 0 : i32
        %get3A_818 = arith.constant 6 : i32
        %get3A_819 = arith.index_cast %get3A_817 : i32 to index
        %get3A_820 = arith.index_cast %get3A_818 : i32 to index
        %get3A_821 = arith.index_cast %scan3A_719 : i32 to index
        %get3A_822 = arith.constant 0 : index
        %get3A_823 = tpu.vector_load %arg6[%get3A_819, %get3A_820, %get3A_821, %get3A_822] {strides = array<i32>} : memref<2x9x32x64xi32, #tpu.memory_space<vmem>>, vector<1x1x1x16xi32>,
        %get3A_824 = vector.shape_cast %get3A_823 : vector<1x1x1x16xi32> to vector<16xi32>
        %shift_left3A_825 = arith.constant 16 : i32
        %shift_left3A_826 = vector.broadcast %shift_left3A_825 : i32 to vector<16xi32>
        %shift_left3A_827 = arith.shli %get3A_824, %shift_left3A_826 : vector<16xi32>
        %bitcast_convert_type3A_828 = tpu.bitcast %shift_left3A_827 : vector<16xi32> -> vector<16xf32>
        %add3A_829 = arith.addf %add3A_812, %bitcast_convert_type3A_828 : vector<16xf32>
        %and3A_830 = vector.broadcast %while3A_192 : i32 to vector<16xi32>
        %and3A_831 = arith.andi %get3A_824, %and3A_830 : vector<16xi32>
        %bitcast_convert_type3A_832 = tpu.bitcast %and3A_831 : vector<16xi32> -> vector<16xf32>
        %add3A_833 = arith.addf %add3A_816, %bitcast_convert_type3A_832 : vector<16xf32>
        %get3A_834 = arith.constant 0 : i32
        %get3A_835 = arith.constant 7 : i32
        %get3A_836 = arith.index_cast %get3A_834 : i32 to index
        %get3A_837 = arith.index_cast %get3A_835 : i32 to index
        %get3A_838 = arith.index_cast %scan3A_719 : i32 to index
        %get3A_839 = arith.constant 0 : index
        %get3A_840 = tpu.vector_load %arg6[%get3A_836, %get3A_837, %get3A_838, %get3A_839] {strides = array<i32>} : memref<2x9x32x64xi32, #tpu.memory_space<vmem>>, vector<1x1x1x16xi32>,
        %get3A_841 = vector.shape_cast %get3A_840 : vector<1x1x1x16xi32> to vector<16xi32>
        %shift_left3A_842 = arith.constant 16 : i32
        %shift_left3A_843 = vector.broadcast %shift_left3A_842 : i32 to vector<16xi32>
        %shift_left3A_844 = arith.shli %get3A_841, %shift_left3A_843 : vector<16xi32>
        %bitcast_convert_type3A_845 = tpu.bitcast %shift_left3A_844 : vector<16xi32> -> vector<16xf32>
        %add3A_846 = arith.addf %add3A_829, %bitcast_convert_type3A_845 : vector<16xf32>
        %and3A_847 = vector.broadcast %while3A_192 : i32 to vector<16xi32>
        %and3A_848 = arith.andi %get3A_841, %and3A_847 : vector<16xi32>
        %bitcast_convert_type3A_849 = tpu.bitcast %and3A_848 : vector<16xi32> -> vector<16xf32>
        %add3A_850 = arith.addf %add3A_833, %bitcast_convert_type3A_849 : vector<16xf32>
        %get3A_851 = arith.constant 0 : i32
        %get3A_852 = arith.constant 8 : i32
        %get3A_853 = arith.index_cast %get3A_851 : i32 to index
        %get3A_854 = arith.index_cast %get3A_852 : i32 to index
        %get3A_855 = arith.index_cast %scan3A_719 : i32 to index
        %get3A_856 = arith.constant 0 : index
        %get3A_857 = tpu.vector_load %arg6[%get3A_853, %get3A_854, %get3A_855, %get3A_856] {strides = array<i32>} : memref<2x9x32x64xi32, #tpu.memory_space<vmem>>, vector<1x1x1x16xi32>,
        %get3A_858 = vector.shape_cast %get3A_857 : vector<1x1x1x16xi32> to vector<16xi32>
        %shift_left3A_859 = arith.constant 16 : i32
        %shift_left3A_860 = vector.broadcast %shift_left3A_859 : i32 to vector<16xi32>
        %shift_left3A_861 = arith.shli %get3A_858, %shift_left3A_860 : vector<16xi32>
        %bitcast_convert_type3A_862 = tpu.bitcast %shift_left3A_861 : vector<16xi32> -> vector<16xf32>
        %add3A_863 = arith.addf %add3A_846, %bitcast_convert_type3A_862 : vector<16xf32>
        %and3A_864 = vector.broadcast %while3A_192 : i32 to vector<16xi32>
        %and3A_865 = arith.andi %get3A_858, %and3A_864 : vector<16xi32>
        %bitcast_convert_type3A_866 = tpu.bitcast %and3A_865 : vector<16xi32> -> vector<16xf32>
        %add3A_867 = arith.addf %add3A_850, %bitcast_convert_type3A_866 : vector<16xf32>
        %swap3A = arith.constant 0 : i32
        %swap3A_868 = arith.index_cast %swap3A : i32 to index
        %swap3A_869 = arith.index_cast %scan3A_719 : i32 to index
        %swap3A_870 = arith.constant 0 : index
        %swap3A_871 = tpu.vector_load %arg7[%swap3A_868, %swap3A_869, %swap3A_870] {strides = array<i32>} : memref<2x32x128xf32, #tpu.memory_space<vmem>>, vector<1x1x16xf32>,
        %swap3A_872 = vector.shape_cast %swap3A_871 : vector<1x1x16xf32> to vector<16xf32>
        %swap3A_873 = vector.shape_cast %add3A_863 : vector<16xf32> to vector<1x1x16xf32>
        tpu.vector_store %arg7[%swap3A_868, %swap3A_869, %swap3A_870], %swap3A_873 {strides = array<i32>} : memref<2x32x128xf32, #tpu.memory_space<vmem>>, vector<1x1x16xf32>,
        %swap3A_874 = arith.constant 0 : i32
        %swap3A_875 = arith.index_cast %swap3A_874 : i32 to index
        %swap3A_876 = arith.index_cast %scan3A_719 : i32 to index
        %swap3A_877 = arith.constant 64 : index
        %swap3A_878 = tpu.vector_load %arg7[%swap3A_875, %swap3A_876, %swap3A_877] {strides = array<i32>} : memref<2x32x128xf32, #tpu.memory_space<vmem>>, vector<1x1x16xf32>,
        %swap3A_879 = vector.shape_cast %swap3A_878 : vector<1x1x16xf32> to vector<16xf32>
        %swap3A_880 = vector.shape_cast %add3A_867 : vector<16xf32> to vector<1x1x16xf32>
        tpu.vector_store %arg7[%swap3A_875, %swap3A_876, %swap3A_877], %swap3A_880 {strides = array<i32>} : memref<2x32x128xf32, #tpu.memory_space<vmem>>, vector<1x1x16xf32>,
        %get3A_881 = arith.constant 0 : i32
        %get3A_882 = arith.constant 0 : i32
        %get3A_883 = arith.index_cast %get3A_881 : i32 to index
        %get3A_884 = arith.index_cast %get3A_882 : i32 to index
        %get3A_885 = arith.index_cast %scan3A_719 : i32 to index
        %get3A_886 = arith.constant 16 : index
        %get3A_887 = tpu.vector_load %arg6[%get3A_883, %get3A_884, %get3A_885, %get3A_886] {strides = array<i32>} : memref<2x9x32x64xi32, #tpu.memory_space<vmem>>, vector<1x1x1x16xi32>,
        %get3A_888 = vector.shape_cast %get3A_887 : vector<1x1x1x16xi32> to vector<16xi32>
        %shift_left3A_889 = arith.constant 16 : i32
        %shift_left3A_890 = vector.broadcast %shift_left3A_889 : i32 to vector<16xi32>
        %shift_left3A_891 = arith.shli %get3A_888, %shift_left3A_890 : vector<16xi32>
        %bitcast_convert_type3A_892 = tpu.bitcast %shift_left3A_891 : vector<16xi32> -> vector<16xf32>
        %and3A_893 = vector.broadcast %while3A_192 : i32 to vector<16xi32>
        %and3A_894 = arith.andi %get3A_888, %and3A_893 : vector<16xi32>
        %bitcast_convert_type3A_895 = tpu.bitcast %and3A_894 : vector<16xi32> -> vector<16xf32>
        %get3A_896 = arith.constant 0 : i32
        %get3A_897 = arith.constant 1 : i32
        %get3A_898 = arith.index_cast %get3A_896 : i32 to index
        %get3A_899 = arith.index_cast %get3A_897 : i32 to index
        %get3A_900 = arith.index_cast %scan3A_719 : i32 to index
        %get3A_901 = arith.constant 16 : index
        %get3A_902 = tpu.vector_load %arg6[%get3A_898, %get3A_899, %get3A_900, %get3A_901] {strides = array<i32>} : memref<2x9x32x64xi32, #tpu.memory_space<vmem>>, vector<1x1x1x16xi32>,
        %get3A_903 = vector.shape_cast %get3A_902 : vector<1x1x1x16xi32> to vector<16xi32>
        %shift_left3A_904 = arith.constant 16 : i32
        %shift_left3A_905 = vector.broadcast %shift_left3A_904 : i32 to vector<16xi32>
        %shift_left3A_906 = arith.shli %get3A_903, %shift_left3A_905 : vector<16xi32>
        %bitcast_convert_type3A_907 = tpu.bitcast %shift_left3A_906 : vector<16xi32> -> vector<16xf32>
        %add3A_908 = arith.addf %bitcast_convert_type3A_892, %bitcast_convert_type3A_907 : vector<16xf32>
        %and3A_909 = vector.broadcast %while3A_192 : i32 to vector<16xi32>
        %and3A_910 = arith.andi %get3A_903, %and3A_909 : vector<16xi32>
        %bitcast_convert_type3A_911 = tpu.bitcast %and3A_910 : vector<16xi32> -> vector<16xf32>
        %add3A_912 = arith.addf %bitcast_convert_type3A_895, %bitcast_convert_type3A_911 : vector<16xf32>
        %get3A_913 = arith.constant 0 : i32
        %get3A_914 = arith.constant 2 : i32
        %get3A_915 = arith.index_cast %get3A_913 : i32 to index
        %get3A_916 = arith.index_cast %get3A_914 : i32 to index
        %get3A_917 = arith.index_cast %scan3A_719 : i32 to index
        %get3A_918 = arith.constant 16 : index
        %get3A_919 = tpu.vector_load %arg6[%get3A_915, %get3A_916, %get3A_917, %get3A_918] {strides = array<i32>} : memref<2x9x32x64xi32, #tpu.memory_space<vmem>>, vector<1x1x1x16xi32>,
        %get3A_920 = vector.shape_cast %get3A_919 : vector<1x1x1x16xi32> to vector<16xi32>
        %shift_left3A_921 = arith.constant 16 : i32
        %shift_left3A_922 = vector.broadcast %shift_left3A_921 : i32 to vector<16xi32>
        %shift_left3A_923 = arith.shli %get3A_920, %shift_left3A_922 : vector<16xi32>
        %bitcast_convert_type3A_924 = tpu.bitcast %shift_left3A_923 : vector<16xi32> -> vector<16xf32>
        %add3A_925 = arith.addf %add3A_908, %bitcast_convert_type3A_924 : vector<16xf32>
        %and3A_926 = vector.broadcast %while3A_192 : i32 to vector<16xi32>
        %and3A_927 = arith.andi %get3A_920, %and3A_926 : vector<16xi32>
        %bitcast_convert_type3A_928 = tpu.bitcast %and3A_927 : vector<16xi32> -> vector<16xf32>
        %add3A_929 = arith.addf %add3A_912, %bitcast_convert_type3A_928 : vector<16xf32>
        %get3A_930 = arith.constant 0 : i32
        %get3A_931 = arith.constant 3 : i32
        %get3A_932 = arith.index_cast %get3A_930 : i32 to index
        %get3A_933 = arith.index_cast %get3A_931 : i32 to index
        %get3A_934 = arith.index_cast %scan3A_719 : i32 to index
        %get3A_935 = arith.constant 16 : index
        %get3A_936 = tpu.vector_load %arg6[%get3A_932, %get3A_933, %get3A_934, %get3A_935] {strides = array<i32>} : memref<2x9x32x64xi32, #tpu.memory_space<vmem>>, vector<1x1x1x16xi32>,
        %get3A_937 = vector.shape_cast %get3A_936 : vector<1x1x1x16xi32> to vector<16xi32>
        %shift_left3A_938 = arith.constant 16 : i32
        %shift_left3A_939 = vector.broadcast %shift_left3A_938 : i32 to vector<16xi32>
        %shift_left3A_940 = arith.shli %get3A_937, %shift_left3A_939 : vector<16xi32>
        %bitcast_convert_type3A_941 = tpu.bitcast %shift_left3A_940 : vector<16xi32> -> vector<16xf32>
        %add3A_942 = arith.addf %add3A_925, %bitcast_convert_type3A_941 : vector<16xf32>
        %and3A_943 = vector.broadcast %while3A_192 : i32 to vector<16xi32>
        %and3A_944 = arith.andi %get3A_937, %and3A_943 : vector<16xi32>
        %bitcast_convert_type3A_945 = tpu.bitcast %and3A_944 : vector<16xi32> -> vector<16xf32>
        %add3A_946 = arith.addf %add3A_929, %bitcast_convert_type3A_945 : vector<16xf32>
        %get3A_947 = arith.constant 0 : i32
        %get3A_948 = arith.constant 4 : i32
        %get3A_949 = arith.index_cast %get3A_947 : i32 to index
        %get3A_950 = arith.index_cast %get3A_948 : i32 to index
        %get3A_951 = arith.index_cast %scan3A_719 : i32 to index
        %get3A_952 = arith.constant 16 : index
        %get3A_953 = tpu.vector_load %arg6[%get3A_949, %get3A_950, %get3A_951, %get3A_952] {strides = array<i32>} : memref<2x9x32x64xi32, #tpu.memory_space<vmem>>, vector<1x1x1x16xi32>,
        %get3A_954 = vector.shape_cast %get3A_953 : vector<1x1x1x16xi32> to vector<16xi32>
        %shift_left3A_955 = arith.constant 16 : i32
        %shift_left3A_956 = vector.broadcast %shift_left3A_955 : i32 to vector<16xi32>
        %shift_left3A_957 = arith.shli %get3A_954, %shift_left3A_956 : vector<16xi32>
        %bitcast_convert_type3A_958 = tpu.bitcast %shift_left3A_957 : vector<16xi32> -> vector<16xf32>
        %add3A_959 = arith.addf %add3A_942, %bitcast_convert_type3A_958 : vector<16xf32>
        %and3A_960 = vector.broadcast %while3A_192 : i32 to vector<16xi32>
        %and3A_961 = arith.andi %get3A_954, %and3A_960 : vector<16xi32>
        %bitcast_convert_type3A_962 = tpu.bitcast %and3A_961 : vector<16xi32> -> vector<16xf32>
        %add3A_963 = arith.addf %add3A_946, %bitcast_convert_type3A_962 : vector<16xf32>
        %get3A_964 = arith.constant 0 : i32
        %get3A_965 = arith.constant 5 : i32
        %get3A_966 = arith.index_cast %get3A_964 : i32 to index
        %get3A_967 = arith.index_cast %get3A_965 : i32 to index
        %get3A_968 = arith.index_cast %scan3A_719 : i32 to index
        %get3A_969 = arith.constant 16 : index
        %get3A_970 = tpu.vector_load %arg6[%get3A_966, %get3A_967, %get3A_968, %get3A_969] {strides = array<i32>} : memref<2x9x32x64xi32, #tpu.memory_space<vmem>>, vector<1x1x1x16xi32>,
        %get3A_971 = vector.shape_cast %get3A_970 : vector<1x1x1x16xi32> to vector<16xi32>
        %shift_left3A_972 = arith.constant 16 : i32
        %shift_left3A_973 = vector.broadcast %shift_left3A_972 : i32 to vector<16xi32>
        %shift_left3A_974 = arith.shli %get3A_971, %shift_left3A_973 : vector<16xi32>
        %bitcast_convert_type3A_975 = tpu.bitcast %shift_left3A_974 : vector<16xi32> -> vector<16xf32>
        %add3A_976 = arith.addf %add3A_959, %bitcast_convert_type3A_975 : vector<16xf32>
        %and3A_977 = vector.broadcast %while3A_192 : i32 to vector<16xi32>
        %and3A_978 = arith.andi %get3A_971, %and3A_977 : vector<16xi32>
        %bitcast_convert_type3A_979 = tpu.bitcast %and3A_978 : vector<16xi32> -> vector<16xf32>
        %add3A_980 = arith.addf %add3A_963, %bitcast_convert_type3A_979 : vector<16xf32>
        %get3A_981 = arith.constant 0 : i32
        %get3A_982 = arith.constant 6 : i32
        %get3A_983 = arith.index_cast %get3A_981 : i32 to index
        %get3A_984 = arith.index_cast %get3A_982 : i32 to index
        %get3A_985 = arith.index_cast %scan3A_719 : i32 to index
        %get3A_986 = arith.constant 16 : index
        %get3A_987 = tpu.vector_load %arg6[%get3A_983, %get3A_984, %get3A_985, %get3A_986] {strides = array<i32>} : memref<2x9x32x64xi32, #tpu.memory_space<vmem>>, vector<1x1x1x16xi32>,
        %get3A_988 = vector.shape_cast %get3A_987 : vector<1x1x1x16xi32> to vector<16xi32>
        %shift_left3A_989 = arith.constant 16 : i32
        %shift_left3A_990 = vector.broadcast %shift_left3A_989 : i32 to vector<16xi32>
        %shift_left3A_991 = arith.shli %get3A_988, %shift_left3A_990 : vector<16xi32>
        %bitcast_convert_type3A_992 = tpu.bitcast %shift_left3A_991 : vector<16xi32> -> vector<16xf32>
        %add3A_993 = arith.addf %add3A_976, %bitcast_convert_type3A_992 : vector<16xf32>
        %and3A_994 = vector.broadcast %while3A_192 : i32 to vector<16xi32>
        %and3A_995 = arith.andi %get3A_988, %and3A_994 : vector<16xi32>
        %bitcast_convert_type3A_996 = tpu.bitcast %and3A_995 : vector<16xi32> -> vector<16xf32>
        %add3A_997 = arith.addf %add3A_980, %bitcast_convert_type3A_996 : vector<16xf32>
        %get3A_998 = arith.constant 0 : i32
        %get3A_999 = arith.constant 7 : i32
        %get3A_1000 = arith.index_cast %get3A_998 : i32 to index
        %get3A_1001 = arith.index_cast %get3A_999 : i32 to index
        %get3A_1002 = arith.index_cast %scan3A_719 : i32 to index
        %get3A_1003 = arith.constant 16 : index
        %get3A_1004 = tpu.vector_load %arg6[%get3A_1000, %get3A_1001, %get3A_1002, %get3A_1003] {strides = array<i32>} : memref<2x9x32x64xi32, #tpu.memory_space<vmem>>, vector<1x1x1x16xi32>,
        %get3A_1005 = vector.shape_cast %get3A_1004 : vector<1x1x1x16xi32> to vector<16xi32>
        %shift_left3A_1006 = arith.constant 16 : i32
        %shift_left3A_1007 = vector.broadcast %shift_left3A_1006 : i32 to vector<16xi32>
        %shift_left3A_1008 = arith.shli %get3A_1005, %shift_left3A_1007 : vector<16xi32>
        %bitcast_convert_type3A_1009 = tpu.bitcast %shift_left3A_1008 : vector<16xi32> -> vector<16xf32>
        %add3A_1010 = arith.addf %add3A_993, %bitcast_convert_type3A_1009 : vector<16xf32>
        %and3A_1011 = vector.broadcast %while3A_192 : i32 to vector<16xi32>
        %and3A_1012 = arith.andi %get3A_1005, %and3A_1011 : vector<16xi32>
        %bitcast_convert_type3A_1013 = tpu.bitcast %and3A_1012 : vector<16xi32> -> vector<16xf32>
        %add3A_1014 = arith.addf %add3A_997, %bitcast_convert_type3A_1013 : vector<16xf32>
        %get3A_1015 = arith.constant 0 : i32
        %get3A_1016 = arith.constant 8 : i32
        %get3A_1017 = arith.index_cast %get3A_1015 : i32 to index
        %get3A_1018 = arith.index_cast %get3A_1016 : i32 to index
        %get3A_1019 = arith.index_cast %scan3A_719 : i32 to index
        %get3A_1020 = arith.constant 16 : index
        %get3A_1021 = tpu.vector_load %arg6[%get3A_1017, %get3A_1018, %get3A_1019, %get3A_1020] {strides = array<i32>} : memref<2x9x32x64xi32, #tpu.memory_space<vmem>>, vector<1x1x1x16xi32>,
        %get3A_1022 = vector.shape_cast %get3A_1021 : vector<1x1x1x16xi32> to vector<16xi32>
        %shift_left3A_1023 = arith.constant 16 : i32
        %shift_left3A_1024 = vector.broadcast %shift_left3A_1023 : i32 to vector<16xi32>
        %shift_left3A_1025 = arith.shli %get3A_1022, %shift_left3A_1024 : vector<16xi32>
        %bitcast_convert_type3A_1026 = tpu.bitcast %shift_left3A_1025 : vector<16xi32> -> vector<16xf32>
        %add3A_1027 = arith.addf %add3A_1010, %bitcast_convert_type3A_1026 : vector<16xf32>
        %and3A_1028 = vector.broadcast %while3A_192 : i32 to vector<16xi32>
        %and3A_1029 = arith.andi %get3A_1022, %and3A_1028 : vector<16xi32>
        %bitcast_convert_type3A_1030 = tpu.bitcast %and3A_1029 : vector<16xi32> -> vector<16xf32>
        %add3A_1031 = arith.addf %add3A_1014, %bitcast_convert_type3A_1030 : vector<16xf32>
        %swap3A_1032 = arith.constant 0 : i32
        %swap3A_1033 = arith.index_cast %swap3A_1032 : i32 to index
        %swap3A_1034 = arith.index_cast %scan3A_719 : i32 to index
        %swap3A_1035 = arith.constant 16 : index
        %swap3A_1036 = tpu.vector_load %arg7[%swap3A_1033, %swap3A_1034, %swap3A_1035] {strides = array<i32>} : memref<2x32x128xf32, #tpu.memory_space<vmem>>, vector<1x1x16xf32>,
        %swap3A_1037 = vector.shape_cast %swap3A_1036 : vector<1x1x16xf32> to vector<16xf32>
        %swap3A_1038 = vector.shape_cast %add3A_1027 : vector<16xf32> to vector<1x1x16xf32>
        tpu.vector_store %arg7[%swap3A_1033, %swap3A_1034, %swap3A_1035], %swap3A_1038 {strides = array<i32>} : memref<2x32x128xf32, #tpu.memory_space<vmem>>, vector<1x1x16xf32>,
        %swap3A_1039 = arith.constant 0 : i32
        %swap3A_1040 = arith.index_cast %swap3A_1039 : i32 to index
        %swap3A_1041 = arith.index_cast %scan3A_719 : i32 to index
        %swap3A_1042 = arith.constant 80 : index
        %swap3A_1043 = tpu.vector_load %arg7[%swap3A_1040, %swap3A_1041, %swap3A_1042] {strides = array<i32>} : memref<2x32x128xf32, #tpu.memory_space<vmem>>, vector<1x1x16xf32>,
        %swap3A_1044 = vector.shape_cast %swap3A_1043 : vector<1x1x16xf32> to vector<16xf32>
        %swap3A_1045 = vector.shape_cast %add3A_1031 : vector<16xf32> to vector<1x1x16xf32>
        tpu.vector_store %arg7[%swap3A_1040, %swap3A_1041, %swap3A_1042], %swap3A_1045 {strides = array<i32>} : memref<2x32x128xf32, #tpu.memory_space<vmem>>, vector<1x1x16xf32>,
        %get3A_1046 = arith.constant 0 : i32
        %get3A_1047 = arith.constant 0 : i32
        %get3A_1048 = arith.index_cast %get3A_1046 : i32 to index
        %get3A_1049 = arith.index_cast %get3A_1047 : i32 to index
        %get3A_1050 = arith.index_cast %scan3A_719 : i32 to index
        %get3A_1051 = arith.constant 32 : index
        %get3A_1052 = tpu.vector_load %arg6[%get3A_1048, %get3A_1049, %get3A_1050, %get3A_1051] {strides = array<i32>} : memref<2x9x32x64xi32, #tpu.memory_space<vmem>>, vector<1x1x1x16xi32>,
        %get3A_1053 = vector.shape_cast %get3A_1052 : vector<1x1x1x16xi32> to vector<16xi32>
        %shift_left3A_1054 = arith.constant 16 : i32
        %shift_left3A_1055 = vector.broadcast %shift_left3A_1054 : i32 to vector<16xi32>
        %shift_left3A_1056 = arith.shli %get3A_1053, %shift_left3A_1055 : vector<16xi32>
        %bitcast_convert_type3A_1057 = tpu.bitcast %shift_left3A_1056 : vector<16xi32> -> vector<16xf32>
        %and3A_1058 = vector.broadcast %while3A_192 : i32 to vector<16xi32>
        %and3A_1059 = arith.andi %get3A_1053, %and3A_1058 : vector<16xi32>
        %bitcast_convert_type3A_1060 = tpu.bitcast %and3A_1059 : vector<16xi32> -> vector<16xf32>
        %get3A_1061 = arith.constant 0 : i32
        %get3A_1062 = arith.constant 1 : i32
        %get3A_1063 = arith.index_cast %get3A_1061 : i32 to index
        %get3A_1064 = arith.index_cast %get3A_1062 : i32 to index
        %get3A_1065 = arith.index_cast %scan3A_719 : i32 to index
        %get3A_1066 = arith.constant 32 : index
        %get3A_1067 = tpu.vector_load %arg6[%get3A_1063, %get3A_1064, %get3A_1065, %get3A_1066] {strides = array<i32>} : memref<2x9x32x64xi32, #tpu.memory_space<vmem>>, vector<1x1x1x16xi32>,
        %get3A_1068 = vector.shape_cast %get3A_1067 : vector<1x1x1x16xi32> to vector<16xi32>
        %shift_left3A_1069 = arith.constant 16 : i32
        %shift_left3A_1070 = vector.broadcast %shift_left3A_1069 : i32 to vector<16xi32>
        %shift_left3A_1071 = arith.shli %get3A_1068, %shift_left3A_1070 : vector<16xi32>
        %bitcast_convert_type3A_1072 = tpu.bitcast %shift_left3A_1071 : vector<16xi32> -> vector<16xf32>
        %add3A_1073 = arith.addf %bitcast_convert_type3A_1057, %bitcast_convert_type3A_1072 : vector<16xf32>
        %and3A_1074 = vector.broadcast %while3A_192 : i32 to vector<16xi32>
        %and3A_1075 = arith.andi %get3A_1068, %and3A_1074 : vector<16xi32>
        %bitcast_convert_type3A_1076 = tpu.bitcast %and3A_1075 : vector<16xi32> -> vector<16xf32>
        %add3A_1077 = arith.addf %bitcast_convert_type3A_1060, %bitcast_convert_type3A_1076 : vector<16xf32>
        %get3A_1078 = arith.constant 0 : i32
        %get3A_1079 = arith.constant 2 : i32
        %get3A_1080 = arith.index_cast %get3A_1078 : i32 to index
        %get3A_1081 = arith.index_cast %get3A_1079 : i32 to index
        %get3A_1082 = arith.index_cast %scan3A_719 : i32 to index
        %get3A_1083 = arith.constant 32 : index
        %get3A_1084 = tpu.vector_load %arg6[%get3A_1080, %get3A_1081, %get3A_1082, %get3A_1083] {strides = array<i32>} : memref<2x9x32x64xi32, #tpu.memory_space<vmem>>, vector<1x1x1x16xi32>,
        %get3A_1085 = vector.shape_cast %get3A_1084 : vector<1x1x1x16xi32> to vector<16xi32>
        %shift_left3A_1086 = arith.constant 16 : i32
        %shift_left3A_1087 = vector.broadcast %shift_left3A_1086 : i32 to vector<16xi32>
        %shift_left3A_1088 = arith.shli %get3A_1085, %shift_left3A_1087 : vector<16xi32>
        %bitcast_convert_type3A_1089 = tpu.bitcast %shift_left3A_1088 : vector<16xi32> -> vector<16xf32>
        %add3A_1090 = arith.addf %add3A_1073, %bitcast_convert_type3A_1089 : vector<16xf32>
        %and3A_1091 = vector.broadcast %while3A_192 : i32 to vector<16xi32>
        %and3A_1092 = arith.andi %get3A_1085, %and3A_1091 : vector<16xi32>
        %bitcast_convert_type3A_1093 = tpu.bitcast %and3A_1092 : vector<16xi32> -> vector<16xf32>
        %add3A_1094 = arith.addf %add3A_1077, %bitcast_convert_type3A_1093 : vector<16xf32>
        %get3A_1095 = arith.constant 0 : i32
        %get3A_1096 = arith.constant 3 : i32
        %get3A_1097 = arith.index_cast %get3A_1095 : i32 to index
        %get3A_1098 = arith.index_cast %get3A_1096 : i32 to index
        %get3A_1099 = arith.index_cast %scan3A_719 : i32 to index
        %get3A_1100 = arith.constant 32 : index
        %get3A_1101 = tpu.vector_load %arg6[%get3A_1097, %get3A_1098, %get3A_1099, %get3A_1100] {strides = array<i32>} : memref<2x9x32x64xi32, #tpu.memory_space<vmem>>, vector<1x1x1x16xi32>,
        %get3A_1102 = vector.shape_cast %get3A_1101 : vector<1x1x1x16xi32> to vector<16xi32>
        %shift_left3A_1103 = arith.constant 16 : i32
        %shift_left3A_1104 = vector.broadcast %shift_left3A_1103 : i32 to vector<16xi32>
        %shift_left3A_1105 = arith.shli %get3A_1102, %shift_left3A_1104 : vector<16xi32>
        %bitcast_convert_type3A_1106 = tpu.bitcast %shift_left3A_1105 : vector<16xi32> -> vector<16xf32>
        %add3A_1107 = arith.addf %add3A_1090, %bitcast_convert_type3A_1106 : vector<16xf32>
        %and3A_1108 = vector.broadcast %while3A_192 : i32 to vector<16xi32>
        %and3A_1109 = arith.andi %get3A_1102, %and3A_1108 : vector<16xi32>
        %bitcast_convert_type3A_1110 = tpu.bitcast %and3A_1109 : vector<16xi32> -> vector<16xf32>
        %add3A_1111 = arith.addf %add3A_1094, %bitcast_convert_type3A_1110 : vector<16xf32>
        %get3A_1112 = arith.constant 0 : i32
        %get3A_1113 = arith.constant 4 : i32
        %get3A_1114 = arith.index_cast %get3A_1112 : i32 to index
        %get3A_1115 = arith.index_cast %get3A_1113 : i32 to index
        %get3A_1116 = arith.index_cast %scan3A_719 : i32 to index
        %get3A_1117 = arith.constant 32 : index
        %get3A_1118 = tpu.vector_load %arg6[%get3A_1114, %get3A_1115, %get3A_1116, %get3A_1117] {strides = array<i32>} : memref<2x9x32x64xi32, #tpu.memory_space<vmem>>, vector<1x1x1x16xi32>,
        %get3A_1119 = vector.shape_cast %get3A_1118 : vector<1x1x1x16xi32> to vector<16xi32>
        %shift_left3A_1120 = arith.constant 16 : i32
        %shift_left3A_1121 = vector.broadcast %shift_left3A_1120 : i32 to vector<16xi32>
        %shift_left3A_1122 = arith.shli %get3A_1119, %shift_left3A_1121 : vector<16xi32>
        %bitcast_convert_type3A_1123 = tpu.bitcast %shift_left3A_1122 : vector<16xi32> -> vector<16xf32>
        %add3A_1124 = arith.addf %add3A_1107, %bitcast_convert_type3A_1123 : vector<16xf32>
        %and3A_1125 = vector.broadcast %while3A_192 : i32 to vector<16xi32>
        %and3A_1126 = arith.andi %get3A_1119, %and3A_1125 : vector<16xi32>
        %bitcast_convert_type3A_1127 = tpu.bitcast %and3A_1126 : vector<16xi32> -> vector<16xf32>
        %add3A_1128 = arith.addf %add3A_1111, %bitcast_convert_type3A_1127 : vector<16xf32>
        %get3A_1129 = arith.constant 0 : i32
        %get3A_1130 = arith.constant 5 : i32
        %get3A_1131 = arith.index_cast %get3A_1129 : i32 to index
        %get3A_1132 = arith.index_cast %get3A_1130 : i32 to index
        %get3A_1133 = arith.index_cast %scan3A_719 : i32 to index
        %get3A_1134 = arith.constant 32 : index
        %get3A_1135 = tpu.vector_load %arg6[%get3A_1131, %get3A_1132, %get3A_1133, %get3A_1134] {strides = array<i32>} : memref<2x9x32x64xi32, #tpu.memory_space<vmem>>, vector<1x1x1x16xi32>,
        %get3A_1136 = vector.shape_cast %get3A_1135 : vector<1x1x1x16xi32> to vector<16xi32>
        %shift_left3A_1137 = arith.constant 16 : i32
        %shift_left3A_1138 = vector.broadcast %shift_left3A_1137 : i32 to vector<16xi32>
        %shift_left3A_1139 = arith.shli %get3A_1136, %shift_left3A_1138 : vector<16xi32>
        %bitcast_convert_type3A_1140 = tpu.bitcast %shift_left3A_1139 : vector<16xi32> -> vector<16xf32>
        %add3A_1141 = arith.addf %add3A_1124, %bitcast_convert_type3A_1140 : vector<16xf32>
        %and3A_1142 = vector.broadcast %while3A_192 : i32 to vector<16xi32>
        %and3A_1143 = arith.andi %get3A_1136, %and3A_1142 : vector<16xi32>
        %bitcast_convert_type3A_1144 = tpu.bitcast %and3A_1143 : vector<16xi32> -> vector<16xf32>
        %add3A_1145 = arith.addf %add3A_1128, %bitcast_convert_type3A_1144 : vector<16xf32>
        %get3A_1146 = arith.constant 0 : i32
        %get3A_1147 = arith.constant 6 : i32
        %get3A_1148 = arith.index_cast %get3A_1146 : i32 to index
        %get3A_1149 = arith.index_cast %get3A_1147 : i32 to index
        %get3A_1150 = arith.index_cast %scan3A_719 : i32 to index
        %get3A_1151 = arith.constant 32 : index
        %get3A_1152 = tpu.vector_load %arg6[%get3A_1148, %get3A_1149, %get3A_1150, %get3A_1151] {strides = array<i32>} : memref<2x9x32x64xi32, #tpu.memory_space<vmem>>, vector<1x1x1x16xi32>,
        %get3A_1153 = vector.shape_cast %get3A_1152 : vector<1x1x1x16xi32> to vector<16xi32>
        %shift_left3A_1154 = arith.constant 16 : i32
        %shift_left3A_1155 = vector.broadcast %shift_left3A_1154 : i32 to vector<16xi32>
        %shift_left3A_1156 = arith.shli %get3A_1153, %shift_left3A_1155 : vector<16xi32>
        %bitcast_convert_type3A_1157 = tpu.bitcast %shift_left3A_1156 : vector<16xi32> -> vector<16xf32>
        %add3A_1158 = arith.addf %add3A_1141, %bitcast_convert_type3A_1157 : vector<16xf32>
        %and3A_1159 = vector.broadcast %while3A_192 : i32 to vector<16xi32>
        %and3A_1160 = arith.andi %get3A_1153, %and3A_1159 : vector<16xi32>
        %bitcast_convert_type3A_1161 = tpu.bitcast %and3A_1160 : vector<16xi32> -> vector<16xf32>
        %add3A_1162 = arith.addf %add3A_1145, %bitcast_convert_type3A_1161 : vector<16xf32>
        %get3A_1163 = arith.constant 0 : i32
        %get3A_1164 = arith.constant 7 : i32
        %get3A_1165 = arith.index_cast %get3A_1163 : i32 to index
        %get3A_1166 = arith.index_cast %get3A_1164 : i32 to index
        %get3A_1167 = arith.index_cast %scan3A_719 : i32 to index
        %get3A_1168 = arith.constant 32 : index
        %get3A_1169 = tpu.vector_load %arg6[%get3A_1165, %get3A_1166, %get3A_1167, %get3A_1168] {strides = array<i32>} : memref<2x9x32x64xi32, #tpu.memory_space<vmem>>, vector<1x1x1x16xi32>,
        %get3A_1170 = vector.shape_cast %get3A_1169 : vector<1x1x1x16xi32> to vector<16xi32>
        %shift_left3A_1171 = arith.constant 16 : i32
        %shift_left3A_1172 = vector.broadcast %shift_left3A_1171 : i32 to vector<16xi32>
        %shift_left3A_1173 = arith.shli %get3A_1170, %shift_left3A_1172 : vector<16xi32>
        %bitcast_convert_type3A_1174 = tpu.bitcast %shift_left3A_1173 : vector<16xi32> -> vector<16xf32>
        %add3A_1175 = arith.addf %add3A_1158, %bitcast_convert_type3A_1174 : vector<16xf32>
        %and3A_1176 = vector.broadcast %while3A_192 : i32 to vector<16xi32>
        %and3A_1177 = arith.andi %get3A_1170, %and3A_1176 : vector<16xi32>
        %bitcast_convert_type3A_1178 = tpu.bitcast %and3A_1177 : vector<16xi32> -> vector<16xf32>
        %add3A_1179 = arith.addf %add3A_1162, %bitcast_convert_type3A_1178 : vector<16xf32>
        %get3A_1180 = arith.constant 0 : i32
        %get3A_1181 = arith.constant 8 : i32
        %get3A_1182 = arith.index_cast %get3A_1180 : i32 to index
        %get3A_1183 = arith.index_cast %get3A_1181 : i32 to index
        %get3A_1184 = arith.index_cast %scan3A_719 : i32 to index
        %get3A_1185 = arith.constant 32 : index
        %get3A_1186 = tpu.vector_load %arg6[%get3A_1182, %get3A_1183, %get3A_1184, %get3A_1185] {strides = array<i32>} : memref<2x9x32x64xi32, #tpu.memory_space<vmem>>, vector<1x1x1x16xi32>,
        %get3A_1187 = vector.shape_cast %get3A_1186 : vector<1x1x1x16xi32> to vector<16xi32>
        %shift_left3A_1188 = arith.constant 16 : i32
        %shift_left3A_1189 = vector.broadcast %shift_left3A_1188 : i32 to vector<16xi32>
        %shift_left3A_1190 = arith.shli %get3A_1187, %shift_left3A_1189 : vector<16xi32>
        %bitcast_convert_type3A_1191 = tpu.bitcast %shift_left3A_1190 : vector<16xi32> -> vector<16xf32>
        %add3A_1192 = arith.addf %add3A_1175, %bitcast_convert_type3A_1191 : vector<16xf32>
        %and3A_1193 = vector.broadcast %while3A_192 : i32 to vector<16xi32>
        %and3A_1194 = arith.andi %get3A_1187, %and3A_1193 : vector<16xi32>
        %bitcast_convert_type3A_1195 = tpu.bitcast %and3A_1194 : vector<16xi32> -> vector<16xf32>
        %add3A_1196 = arith.addf %add3A_1179, %bitcast_convert_type3A_1195 : vector<16xf32>
        %swap3A_1197 = arith.constant 0 : i32
        %swap3A_1198 = arith.index_cast %swap3A_1197 : i32 to index
        %swap3A_1199 = arith.index_cast %scan3A_719 : i32 to index
        %swap3A_1200 = arith.constant 32 : index
        %swap3A_1201 = tpu.vector_load %arg7[%swap3A_1198, %swap3A_1199, %swap3A_1200] {strides = array<i32>} : memref<2x32x128xf32, #tpu.memory_space<vmem>>, vector<1x1x16xf32>,
        %swap3A_1202 = vector.shape_cast %swap3A_1201 : vector<1x1x16xf32> to vector<16xf32>
        %swap3A_1203 = vector.shape_cast %add3A_1192 : vector<16xf32> to vector<1x1x16xf32>
        tpu.vector_store %arg7[%swap3A_1198, %swap3A_1199, %swap3A_1200], %swap3A_1203 {strides = array<i32>} : memref<2x32x128xf32, #tpu.memory_space<vmem>>, vector<1x1x16xf32>,
        %swap3A_1204 = arith.constant 0 : i32
        %swap3A_1205 = arith.index_cast %swap3A_1204 : i32 to index
        %swap3A_1206 = arith.index_cast %scan3A_719 : i32 to index
        %swap3A_1207 = arith.constant 96 : index
        %swap3A_1208 = tpu.vector_load %arg7[%swap3A_1205, %swap3A_1206, %swap3A_1207] {strides = array<i32>} : memref<2x32x128xf32, #tpu.memory_space<vmem>>, vector<1x1x16xf32>,
        %swap3A_1209 = vector.shape_cast %swap3A_1208 : vector<1x1x16xf32> to vector<16xf32>
        %swap3A_1210 = vector.shape_cast %add3A_1196 : vector<16xf32> to vector<1x1x16xf32>
        tpu.vector_store %arg7[%swap3A_1205, %swap3A_1206, %swap3A_1207], %swap3A_1210 {strides = array<i32>} : memref<2x32x128xf32, #tpu.memory_space<vmem>>, vector<1x1x16xf32>,
        %get3A_1211 = arith.constant 0 : i32
        %get3A_1212 = arith.constant 0 : i32
        %get3A_1213 = arith.index_cast %get3A_1211 : i32 to index
        %get3A_1214 = arith.index_cast %get3A_1212 : i32 to index
        %get3A_1215 = arith.index_cast %scan3A_719 : i32 to index
        %get3A_1216 = arith.constant 48 : index
        %get3A_1217 = tpu.vector_load %arg6[%get3A_1213, %get3A_1214, %get3A_1215, %get3A_1216] {strides = array<i32>} : memref<2x9x32x64xi32, #tpu.memory_space<vmem>>, vector<1x1x1x16xi32>,
        %get3A_1218 = vector.shape_cast %get3A_1217 : vector<1x1x1x16xi32> to vector<16xi32>
        %shift_left3A_1219 = arith.constant 16 : i32
        %shift_left3A_1220 = vector.broadcast %shift_left3A_1219 : i32 to vector<16xi32>
        %shift_left3A_1221 = arith.shli %get3A_1218, %shift_left3A_1220 : vector<16xi32>
        %bitcast_convert_type3A_1222 = tpu.bitcast %shift_left3A_1221 : vector<16xi32> -> vector<16xf32>
        %and3A_1223 = vector.broadcast %while3A_192 : i32 to vector<16xi32>
        %and3A_1224 = arith.andi %get3A_1218, %and3A_1223 : vector<16xi32>
        %bitcast_convert_type3A_1225 = tpu.bitcast %and3A_1224 : vector<16xi32> -> vector<16xf32>
        %get3A_1226 = arith.constant 0 : i32
        %get3A_1227 = arith.constant 1 : i32
        %get3A_1228 = arith.index_cast %get3A_1226 : i32 to index
        %get3A_1229 = arith.index_cast %get3A_1227 : i32 to index
        %get3A_1230 = arith.index_cast %scan3A_719 : i32 to index
        %get3A_1231 = arith.constant 48 : index
        %get3A_1232 = tpu.vector_load %arg6[%get3A_1228, %get3A_1229, %get3A_1230, %get3A_1231] {strides = array<i32>} : memref<2x9x32x64xi32, #tpu.memory_space<vmem>>, vector<1x1x1x16xi32>,
        %get3A_1233 = vector.shape_cast %get3A_1232 : vector<1x1x1x16xi32> to vector<16xi32>
        %shift_left3A_1234 = arith.constant 16 : i32
        %shift_left3A_1235 = vector.broadcast %shift_left3A_1234 : i32 to vector<16xi32>
        %shift_left3A_1236 = arith.shli %get3A_1233, %shift_left3A_1235 : vector<16xi32>
        %bitcast_convert_type3A_1237 = tpu.bitcast %shift_left3A_1236 : vector<16xi32> -> vector<16xf32>
        %add3A_1238 = arith.addf %bitcast_convert_type3A_1222, %bitcast_convert_type3A_1237 : vector<16xf32>
        %and3A_1239 = vector.broadcast %while3A_192 : i32 to vector<16xi32>
        %and3A_1240 = arith.andi %get3A_1233, %and3A_1239 : vector<16xi32>
        %bitcast_convert_type3A_1241 = tpu.bitcast %and3A_1240 : vector<16xi32> -> vector<16xf32>
        %add3A_1242 = arith.addf %bitcast_convert_type3A_1225, %bitcast_convert_type3A_1241 : vector<16xf32>
        %get3A_1243 = arith.constant 0 : i32
        %get3A_1244 = arith.constant 2 : i32
        %get3A_1245 = arith.index_cast %get3A_1243 : i32 to index
        %get3A_1246 = arith.index_cast %get3A_1244 : i32 to index
        %get3A_1247 = arith.index_cast %scan3A_719 : i32 to index
        %get3A_1248 = arith.constant 48 : index
        %get3A_1249 = tpu.vector_load %arg6[%get3A_1245, %get3A_1246, %get3A_1247, %get3A_1248] {strides = array<i32>} : memref<2x9x32x64xi32, #tpu.memory_space<vmem>>, vector<1x1x1x16xi32>,
        %get3A_1250 = vector.shape_cast %get3A_1249 : vector<1x1x1x16xi32> to vector<16xi32>
        %shift_left3A_1251 = arith.constant 16 : i32
        %shift_left3A_1252 = vector.broadcast %shift_left3A_1251 : i32 to vector<16xi32>
        %shift_left3A_1253 = arith.shli %get3A_1250, %shift_left3A_1252 : vector<16xi32>
        %bitcast_convert_type3A_1254 = tpu.bitcast %shift_left3A_1253 : vector<16xi32> -> vector<16xf32>
        %add3A_1255 = arith.addf %add3A_1238, %bitcast_convert_type3A_1254 : vector<16xf32>
        %and3A_1256 = vector.broadcast %while3A_192 : i32 to vector<16xi32>
        %and3A_1257 = arith.andi %get3A_1250, %and3A_1256 : vector<16xi32>
        %bitcast_convert_type3A_1258 = tpu.bitcast %and3A_1257 : vector<16xi32> -> vector<16xf32>
        %add3A_1259 = arith.addf %add3A_1242, %bitcast_convert_type3A_1258 : vector<16xf32>
        %get3A_1260 = arith.constant 0 : i32
        %get3A_1261 = arith.constant 3 : i32
        %get3A_1262 = arith.index_cast %get3A_1260 : i32 to index
        %get3A_1263 = arith.index_cast %get3A_1261 : i32 to index
        %get3A_1264 = arith.index_cast %scan3A_719 : i32 to index
        %get3A_1265 = arith.constant 48 : index
        %get3A_1266 = tpu.vector_load %arg6[%get3A_1262, %get3A_1263, %get3A_1264, %get3A_1265] {strides = array<i32>} : memref<2x9x32x64xi32, #tpu.memory_space<vmem>>, vector<1x1x1x16xi32>,
        %get3A_1267 = vector.shape_cast %get3A_1266 : vector<1x1x1x16xi32> to vector<16xi32>
        %shift_left3A_1268 = arith.constant 16 : i32
        %shift_left3A_1269 = vector.broadcast %shift_left3A_1268 : i32 to vector<16xi32>
        %shift_left3A_1270 = arith.shli %get3A_1267, %shift_left3A_1269 : vector<16xi32>
        %bitcast_convert_type3A_1271 = tpu.bitcast %shift_left3A_1270 : vector<16xi32> -> vector<16xf32>
        %add3A_1272 = arith.addf %add3A_1255, %bitcast_convert_type3A_1271 : vector<16xf32>
        %and3A_1273 = vector.broadcast %while3A_192 : i32 to vector<16xi32>
        %and3A_1274 = arith.andi %get3A_1267, %and3A_1273 : vector<16xi32>
        %bitcast_convert_type3A_1275 = tpu.bitcast %and3A_1274 : vector<16xi32> -> vector<16xf32>
        %add3A_1276 = arith.addf %add3A_1259, %bitcast_convert_type3A_1275 : vector<16xf32>
        %get3A_1277 = arith.constant 0 : i32
        %get3A_1278 = arith.constant 4 : i32
        %get3A_1279 = arith.index_cast %get3A_1277 : i32 to index
        %get3A_1280 = arith.index_cast %get3A_1278 : i32 to index
        %get3A_1281 = arith.index_cast %scan3A_719 : i32 to index
        %get3A_1282 = arith.constant 48 : index
        %get3A_1283 = tpu.vector_load %arg6[%get3A_1279, %get3A_1280, %get3A_1281, %get3A_1282] {strides = array<i32>} : memref<2x9x32x64xi32, #tpu.memory_space<vmem>>, vector<1x1x1x16xi32>,
        %get3A_1284 = vector.shape_cast %get3A_1283 : vector<1x1x1x16xi32> to vector<16xi32>
        %shift_left3A_1285 = arith.constant 16 : i32
        %shift_left3A_1286 = vector.broadcast %shift_left3A_1285 : i32 to vector<16xi32>
        %shift_left3A_1287 = arith.shli %get3A_1284, %shift_left3A_1286 : vector<16xi32>
        %bitcast_convert_type3A_1288 = tpu.bitcast %shift_left3A_1287 : vector<16xi32> -> vector<16xf32>
        %add3A_1289 = arith.addf %add3A_1272, %bitcast_convert_type3A_1288 : vector<16xf32>
        %and3A_1290 = vector.broadcast %while3A_192 : i32 to vector<16xi32>
        %and3A_1291 = arith.andi %get3A_1284, %and3A_1290 : vector<16xi32>
        %bitcast_convert_type3A_1292 = tpu.bitcast %and3A_1291 : vector<16xi32> -> vector<16xf32>
        %add3A_1293 = arith.addf %add3A_1276, %bitcast_convert_type3A_1292 : vector<16xf32>
        %get3A_1294 = arith.constant 0 : i32
        %get3A_1295 = arith.constant 5 : i32
        %get3A_1296 = arith.index_cast %get3A_1294 : i32 to index
        %get3A_1297 = arith.index_cast %get3A_1295 : i32 to index
        %get3A_1298 = arith.index_cast %scan3A_719 : i32 to index
        %get3A_1299 = arith.constant 48 : index
        %get3A_1300 = tpu.vector_load %arg6[%get3A_1296, %get3A_1297, %get3A_1298, %get3A_1299] {strides = array<i32>} : memref<2x9x32x64xi32, #tpu.memory_space<vmem>>, vector<1x1x1x16xi32>,
        %get3A_1301 = vector.shape_cast %get3A_1300 : vector<1x1x1x16xi32> to vector<16xi32>
        %shift_left3A_1302 = arith.constant 16 : i32
        %shift_left3A_1303 = vector.broadcast %shift_left3A_1302 : i32 to vector<16xi32>
        %shift_left3A_1304 = arith.shli %get3A_1301, %shift_left3A_1303 : vector<16xi32>
        %bitcast_convert_type3A_1305 = tpu.bitcast %shift_left3A_1304 : vector<16xi32> -> vector<16xf32>
        %add3A_1306 = arith.addf %add3A_1289, %bitcast_convert_type3A_1305 : vector<16xf32>
        %and3A_1307 = vector.broadcast %while3A_192 : i32 to vector<16xi32>
        %and3A_1308 = arith.andi %get3A_1301, %and3A_1307 : vector<16xi32>
        %bitcast_convert_type3A_1309 = tpu.bitcast %and3A_1308 : vector<16xi32> -> vector<16xf32>
        %add3A_1310 = arith.addf %add3A_1293, %bitcast_convert_type3A_1309 : vector<16xf32>
        %get3A_1311 = arith.constant 0 : i32
        %get3A_1312 = arith.constant 6 : i32
        %get3A_1313 = arith.index_cast %get3A_1311 : i32 to index
        %get3A_1314 = arith.index_cast %get3A_1312 : i32 to index
        %get3A_1315 = arith.index_cast %scan3A_719 : i32 to index
        %get3A_1316 = arith.constant 48 : index
        %get3A_1317 = tpu.vector_load %arg6[%get3A_1313, %get3A_1314, %get3A_1315, %get3A_1316] {strides = array<i32>} : memref<2x9x32x64xi32, #tpu.memory_space<vmem>>, vector<1x1x1x16xi32>,
        %get3A_1318 = vector.shape_cast %get3A_1317 : vector<1x1x1x16xi32> to vector<16xi32>
        %shift_left3A_1319 = arith.constant 16 : i32
        %shift_left3A_1320 = vector.broadcast %shift_left3A_1319 : i32 to vector<16xi32>
        %shift_left3A_1321 = arith.shli %get3A_1318, %shift_left3A_1320 : vector<16xi32>
        %bitcast_convert_type3A_1322 = tpu.bitcast %shift_left3A_1321 : vector<16xi32> -> vector<16xf32>
        %add3A_1323 = arith.addf %add3A_1306, %bitcast_convert_type3A_1322 : vector<16xf32>
        %and3A_1324 = vector.broadcast %while3A_192 : i32 to vector<16xi32>
        %and3A_1325 = arith.andi %get3A_1318, %and3A_1324 : vector<16xi32>
        %bitcast_convert_type3A_1326 = tpu.bitcast %and3A_1325 : vector<16xi32> -> vector<16xf32>
        %add3A_1327 = arith.addf %add3A_1310, %bitcast_convert_type3A_1326 : vector<16xf32>
        %get3A_1328 = arith.constant 0 : i32
        %get3A_1329 = arith.constant 7 : i32
        %get3A_1330 = arith.index_cast %get3A_1328 : i32 to index
        %get3A_1331 = arith.index_cast %get3A_1329 : i32 to index
        %get3A_1332 = arith.index_cast %scan3A_719 : i32 to index
        %get3A_1333 = arith.constant 48 : index
        %get3A_1334 = tpu.vector_load %arg6[%get3A_1330, %get3A_1331, %get3A_1332, %get3A_1333] {strides = array<i32>} : memref<2x9x32x64xi32, #tpu.memory_space<vmem>>, vector<1x1x1x16xi32>,
        %get3A_1335 = vector.shape_cast %get3A_1334 : vector<1x1x1x16xi32> to vector<16xi32>
        %shift_left3A_1336 = arith.constant 16 : i32
        %shift_left3A_1337 = vector.broadcast %shift_left3A_1336 : i32 to vector<16xi32>
        %shift_left3A_1338 = arith.shli %get3A_1335, %shift_left3A_1337 : vector<16xi32>
        %bitcast_convert_type3A_1339 = tpu.bitcast %shift_left3A_1338 : vector<16xi32> -> vector<16xf32>
        %add3A_1340 = arith.addf %add3A_1323, %bitcast_convert_type3A_1339 : vector<16xf32>
        %and3A_1341 = vector.broadcast %while3A_192 : i32 to vector<16xi32>
        %and3A_1342 = arith.andi %get3A_1335, %and3A_1341 : vector<16xi32>
        %bitcast_convert_type3A_1343 = tpu.bitcast %and3A_1342 : vector<16xi32> -> vector<16xf32>
        %add3A_1344 = arith.addf %add3A_1327, %bitcast_convert_type3A_1343 : vector<16xf32>
        %get3A_1345 = arith.constant 0 : i32
        %get3A_1346 = arith.constant 8 : i32
        %get3A_1347 = arith.index_cast %get3A_1345 : i32 to index
        %get3A_1348 = arith.index_cast %get3A_1346 : i32 to index
        %get3A_1349 = arith.index_cast %scan3A_719 : i32 to index
        %get3A_1350 = arith.constant 48 : index
        %get3A_1351 = tpu.vector_load %arg6[%get3A_1347, %get3A_1348, %get3A_1349, %get3A_1350] {strides = array<i32>} : memref<2x9x32x64xi32, #tpu.memory_space<vmem>>, vector<1x1x1x16xi32>,
        %get3A_1352 = vector.shape_cast %get3A_1351 : vector<1x1x1x16xi32> to vector<16xi32>
        %shift_left3A_1353 = arith.constant 16 : i32
        %shift_left3A_1354 = vector.broadcast %shift_left3A_1353 : i32 to vector<16xi32>
        %shift_left3A_1355 = arith.shli %get3A_1352, %shift_left3A_1354 : vector<16xi32>
        %bitcast_convert_type3A_1356 = tpu.bitcast %shift_left3A_1355 : vector<16xi32> -> vector<16xf32>
        %add3A_1357 = arith.addf %add3A_1340, %bitcast_convert_type3A_1356 : vector<16xf32>
        %and3A_1358 = vector.broadcast %while3A_192 : i32 to vector<16xi32>
        %and3A_1359 = arith.andi %get3A_1352, %and3A_1358 : vector<16xi32>
        %bitcast_convert_type3A_1360 = tpu.bitcast %and3A_1359 : vector<16xi32> -> vector<16xf32>
        %add3A_1361 = arith.addf %add3A_1344, %bitcast_convert_type3A_1360 : vector<16xf32>
        %swap3A_1362 = arith.constant 0 : i32
        %swap3A_1363 = arith.index_cast %swap3A_1362 : i32 to index
        %swap3A_1364 = arith.index_cast %scan3A_719 : i32 to index
        %swap3A_1365 = arith.constant 48 : index
        %swap3A_1366 = tpu.vector_load %arg7[%swap3A_1363, %swap3A_1364, %swap3A_1365] {strides = array<i32>} : memref<2x32x128xf32, #tpu.memory_space<vmem>>, vector<1x1x16xf32>,
        %swap3A_1367 = vector.shape_cast %swap3A_1366 : vector<1x1x16xf32> to vector<16xf32>
        %swap3A_1368 = vector.shape_cast %add3A_1357 : vector<16xf32> to vector<1x1x16xf32>
        tpu.vector_store %arg7[%swap3A_1363, %swap3A_1364, %swap3A_1365], %swap3A_1368 {strides = array<i32>} : memref<2x32x128xf32, #tpu.memory_space<vmem>>, vector<1x1x16xf32>,
        %swap3A_1369 = arith.constant 0 : i32
        %swap3A_1370 = arith.index_cast %swap3A_1369 : i32 to index
        %swap3A_1371 = arith.index_cast %scan3A_719 : i32 to index
        %swap3A_1372 = arith.constant 112 : index
        %swap3A_1373 = tpu.vector_load %arg7[%swap3A_1370, %swap3A_1371, %swap3A_1372] {strides = array<i32>} : memref<2x32x128xf32, #tpu.memory_space<vmem>>, vector<1x1x16xf32>,
        %swap3A_1374 = vector.shape_cast %swap3A_1373 : vector<1x1x16xf32> to vector<16xf32>
        %swap3A_1375 = vector.shape_cast %add3A_1361 : vector<16xf32> to vector<1x1x16xf32>
        tpu.vector_store %arg7[%swap3A_1370, %swap3A_1371, %swap3A_1372], %swap3A_1375 {strides = array<i32>} : memref<2x32x128xf32, #tpu.memory_space<vmem>>, vector<1x1x16xf32>,
      }
      %scan3A_542 = arith.constant 32 : i32
      %mul3A_543 = arith.constant 32 : i32
      %mul3A_544 = arith.muli %mul3A_240, %mul3A_543 : i32
      %add3A_545 = arith.addi %mul3A_10, %mul3A_544 : i32
      %dma_start3A_546 = arith.constant 0 : i32
      %dma_start3A_547 = arith.constant 0 : i32
      %dma_start3A_548 = arith.constant 0 : i32
      %dma_start3A_549 = arith.constant 0 : i32
      %dma_start3A_550 = tpu.memref_slice %arg7[%dma_start3A_546, %dma_start3A_548, %dma_start3A_549] : memref<2x32x128xf32, #tpu.memory_space<vmem>> -> memref<1x32x128xf32, #tpu.memory_space<vmem>>
      %dma_start3A_551 = tpu.memref_squeeze %dma_start3A_550 : memref<1x32x128xf32, #tpu.memory_space<vmem>> -> memref<32x128xf32, #tpu.memory_space<vmem>>
      %dma_start3A_552 = arith.constant 0 : i32
      %dma_start3A_553 = tpu.memref_slice %arg4[%add3A_545, %dma_start3A_552] : memref<51200x128xf32, #tpu.memory_space<hbm>> -> memref<32x128xf32, #tpu.memory_space<hbm>>
      %dma_start3A_554 = tpu.memref_slice %arg10[%dma_start3A_547] : memref<2x!tpu.dma_semaphore, #tpu.memory_space<semaphore_mem>> -> memref<1x!tpu.dma_semaphore, #tpu.memory_space<semaphore_mem>>
      %dma_start3A_555 = tpu.memref_squeeze %dma_start3A_554 : memref<1x!tpu.dma_semaphore, #tpu.memory_space<semaphore_mem>> -> memref<!tpu.dma_semaphore, #tpu.memory_space<semaphore_mem>>
      %dma_start3A_556 = arith.constant 0 : i32
      %dma_start3A_557 = tpu.memref_slice %arg4[%add3A_545, %dma_start3A_556] : memref<51200x128xf32, #tpu.memory_space<hbm>> -> memref<32x128xf32, #tpu.memory_space<hbm>>
      %dma_start3A_558 = arith.constant 0 : i32
      %dma_start3A_559 = arith.constant 0 : i32
      %dma_start3A_560 = tpu.memref_slice %arg7[%dma_start3A_546, %dma_start3A_558, %dma_start3A_559] : memref<2x32x128xf32, #tpu.memory_space<vmem>> -> memref<1x32x128xf32, #tpu.memory_space<vmem>>
      %dma_start3A_561 = tpu.memref_squeeze %dma_start3A_560 : memref<1x32x128xf32, #tpu.memory_space<vmem>> -> memref<32x128xf32, #tpu.memory_space<vmem>>
      tpu.enqueue_dma source(%dma_start3A_561 : memref<32x128xf32, #tpu.memory_space<vmem>>) target(%dma_start3A_557 : memref<32x128xf32, #tpu.memory_space<hbm>>) target_semaphore(%dma_start3A_555 : memref<!tpu.dma_semaphore, #tpu.memory_space<semaphore_mem>>)
      %convert_element_type3A_562 = arith.extui %gt3A_243 : i1 to i32
      %cond3A_563 = arith.constant 0 : i32
      %cond3A_564 = arith.cmpi ne, %convert_element_type3A_562, %cond3A_563 : i32
      scf.if %cond3A_564 {
        %add3A_719 = arith.constant 0 : i32
        %add3A_720 = arith.addi %mul3A_10, %add3A_719 : i32
        %dma_wait3A_721 = arith.constant 1 : i32
        %dma_wait3A_722 = arith.constant 1 : i32
        %dma_wait3A_723 = arith.constant 0 : i32
        %dma_wait3A_724 = arith.constant 0 : i32
        %dma_wait3A_725 = tpu.memref_slice %arg7[%dma_wait3A_721, %dma_wait3A_723, %dma_wait3A_724] : memref<2x32x128xf32, #tpu.memory_space<vmem>> -> memref<1x32x128xf32, #tpu.memory_space<vmem>>
        %dma_wait3A_726 = tpu.memref_squeeze %dma_wait3A_725 : memref<1x32x128xf32, #tpu.memory_space<vmem>> -> memref<32x128xf32, #tpu.memory_space<vmem>>
        %dma_wait3A_727 = arith.constant 0 : i32
        %dma_wait3A_728 = tpu.memref_slice %arg4[%add3A_720, %dma_wait3A_727] : memref<51200x128xf32, #tpu.memory_space<hbm>> -> memref<32x128xf32, #tpu.memory_space<hbm>>
        %dma_wait3A_729 = tpu.memref_slice %arg10[%dma_wait3A_722] : memref<2x!tpu.dma_semaphore, #tpu.memory_space<semaphore_mem>> -> memref<1x!tpu.dma_semaphore, #tpu.memory_space<semaphore_mem>>
        %dma_wait3A_730 = tpu.memref_squeeze %dma_wait3A_729 : memref<1x!tpu.dma_semaphore, #tpu.memory_space<semaphore_mem>> -> memref<!tpu.dma_semaphore, #tpu.memory_space<semaphore_mem>>
        %dma_wait3A_731 = arith.constant 0 : i32
        %dma_wait3A_732 = tpu.memref_slice %arg4[%add3A_720, %dma_wait3A_731] : memref<51200x128xf32, #tpu.memory_space<hbm>> -> memref<32x128xf32, #tpu.memory_space<hbm>>
        %dma_wait3A_733 = arith.constant 0 : i32
        %dma_wait3A_734 = arith.constant 0 : i32
        %dma_wait3A_735 = tpu.memref_slice %arg7[%dma_wait3A_721, %dma_wait3A_733, %dma_wait3A_734] : memref<2x32x128xf32, #tpu.memory_space<vmem>> -> memref<1x32x128xf32, #tpu.memory_space<vmem>>
        %dma_wait3A_736 = tpu.memref_squeeze %dma_wait3A_735 : memref<1x32x128xf32, #tpu.memory_space<vmem>> -> memref<32x128xf32, #tpu.memory_space<vmem>>
        tpu.wait_dma2 semaphore(%dma_wait3A_730 : memref<!tpu.dma_semaphore, #tpu.memory_space<semaphore_mem>>) src(%dma_wait3A_736 : memref<32x128xf32, #tpu.memory_space<vmem>>) dst(%dma_wait3A_732 : memref<32x128xf32, #tpu.memory_space<hbm>>)
      } else {
      }
      %dma_wait3A_565 = arith.constant 1 : i32
      %dma_wait3A_566 = arith.constant 0 : i32
      %dma_wait3A_567 = arith.constant 1 : i32
      %dma_wait3A_568 = arith.constant 0 : i32
      %dma_wait3A_569 = arith.constant 0 : i32
      %dma_wait3A_570 = tpu.memref_slice %arg6[%dma_wait3A_565, %dma_wait3A_566, %dma_wait3A_568, %dma_wait3A_569] : memref<2x9x32x64xi32, #tpu.memory_space<vmem>> -> memref<1x1x32x64xi32, #tpu.memory_space<vmem>>
      %dma_wait3A_571 = tpu.memref_squeeze %dma_wait3A_570 : memref<1x1x32x64xi32, #tpu.memory_space<vmem>> -> memref<32x64xi32, #tpu.memory_space<vmem>>
      %dma_wait3A_572 = arith.constant 288 : i32
      %dma_wait3A_573 = tpu.memref_slice %arg5[%dma_wait3A_572] : memref<576xi32, #tpu.memory_space<vmem>> -> memref<32xi32, #tpu.memory_space<vmem>>
      %dma_wait3A_574 = arith.constant 0 : i32
      %dma_wait3A_575 = arith.constant 0 : i32
      %dma_wait3A_576 = tpu.memref_slice %arg2[%dma_wait3A_574, %dma_wait3A_575] : memref<450000x64xi32, #tpu.memory_space<hbm>> -> memref<450000x64xi32, #tpu.memory_space<hbm>>
      %dma_wait3A_577 = tpu.memref_slice %arg9[%dma_wait3A_567] : memref<2x!tpu.dma_semaphore, #tpu.memory_space<semaphore_mem>> -> memref<1x!tpu.dma_semaphore, #tpu.memory_space<semaphore_mem>>
      %dma_wait3A_578 = tpu.memref_squeeze %dma_wait3A_577 : memref<1x!tpu.dma_semaphore, #tpu.memory_space<semaphore_mem>> -> memref<!tpu.dma_semaphore, #tpu.memory_space<semaphore_mem>>
      tpu.wait_indirect_dma semaphore(%dma_wait3A_578 : memref<!tpu.dma_semaphore, #tpu.memory_space<semaphore_mem>>) src(%dma_wait3A_576 : memref<450000x64xi32, #tpu.memory_space<hbm>>) dst(%dma_wait3A_571 : memref<32x64xi32, #tpu.memory_space<vmem>>)
      %dma_wait3A_579 = arith.constant 1 : i32
      %dma_wait3A_580 = arith.constant 1 : i32
      %dma_wait3A_581 = arith.constant 1 : i32
      %dma_wait3A_582 = arith.constant 0 : i32
      %dma_wait3A_583 = arith.constant 0 : i32
      %dma_wait3A_584 = tpu.memref_slice %arg6[%dma_wait3A_579, %dma_wait3A_580, %dma_wait3A_582, %dma_wait3A_583] : memref<2x9x32x64xi32, #tpu.memory_space<vmem>> -> memref<1x1x32x64xi32, #tpu.memory_space<vmem>>
      %dma_wait3A_585 = tpu.memref_squeeze %dma_wait3A_584 : memref<1x1x32x64xi32, #tpu.memory_space<vmem>> -> memref<32x64xi32, #tpu.memory_space<vmem>>
      %dma_wait3A_586 = arith.constant 320 : i32
      %dma_wait3A_587 = tpu.memref_slice %arg5[%dma_wait3A_586] : memref<576xi32, #tpu.memory_space<vmem>> -> memref<32xi32, #tpu.memory_space<vmem>>
      %dma_wait3A_588 = arith.constant 0 : i32
      %dma_wait3A_589 = arith.constant 0 : i32
      %dma_wait3A_590 = tpu.memref_slice %arg2[%dma_wait3A_588, %dma_wait3A_589] : memref<450000x64xi32, #tpu.memory_space<hbm>> -> memref<450000x64xi32, #tpu.memory_space<hbm>>
      %dma_wait3A_591 = tpu.memref_slice %arg9[%dma_wait3A_581] : memref<2x!tpu.dma_semaphore, #tpu.memory_space<semaphore_mem>> -> memref<1x!tpu.dma_semaphore, #tpu.memory_space<semaphore_mem>>
      %dma_wait3A_592 = tpu.memref_squeeze %dma_wait3A_591 : memref<1x!tpu.dma_semaphore, #tpu.memory_space<semaphore_mem>> -> memref<!tpu.dma_semaphore, #tpu.memory_space<semaphore_mem>>
      tpu.wait_indirect_dma semaphore(%dma_wait3A_592 : memref<!tpu.dma_semaphore, #tpu.memory_space<semaphore_mem>>) src(%dma_wait3A_590 : memref<450000x64xi32, #tpu.memory_space<hbm>>) dst(%dma_wait3A_585 : memref<32x64xi32, #tpu.memory_space<vmem>>)
      %dma_wait3A_593 = arith.constant 1 : i32
      %dma_wait3A_594 = arith.constant 2 : i32
      %dma_wait3A_595 = arith.constant 1 : i32
      %dma_wait3A_596 = arith.constant 0 : i32
      %dma_wait3A_597 = arith.constant 0 : i32
      %dma_wait3A_598 = tpu.memref_slice %arg6[%dma_wait3A_593, %dma_wait3A_594, %dma_wait3A_596, %dma_wait3A_597] : memref<2x9x32x64xi32, #tpu.memory_space<vmem>> -> memref<1x1x32x64xi32, #tpu.memory_space<vmem>>
      %dma_wait3A_599 = tpu.memref_squeeze %dma_wait3A_598 : memref<1x1x32x64xi32, #tpu.memory_space<vmem>> -> memref<32x64xi32, #tpu.memory_space<vmem>>
      %dma_wait3A_600 = arith.constant 352 : i32
      %dma_wait3A_601 = tpu.memref_slice %arg5[%dma_wait3A_600] : memref<576xi32, #tpu.memory_space<vmem>> -> memref<32xi32, #tpu.memory_space<vmem>>
      %dma_wait3A_602 = arith.constant 0 : i32
      %dma_wait3A_603 = arith.constant 0 : i32
      %dma_wait3A_604 = tpu.memref_slice %arg2[%dma_wait3A_602, %dma_wait3A_603] : memref<450000x64xi32, #tpu.memory_space<hbm>> -> memref<450000x64xi32, #tpu.memory_space<hbm>>
      %dma_wait3A_605 = tpu.memref_slice %arg9[%dma_wait3A_595] : memref<2x!tpu.dma_semaphore, #tpu.memory_space<semaphore_mem>> -> memref<1x!tpu.dma_semaphore, #tpu.memory_space<semaphore_mem>>
      %dma_wait3A_606 = tpu.memref_squeeze %dma_wait3A_605 : memref<1x!tpu.dma_semaphore, #tpu.memory_space<semaphore_mem>> -> memref<!tpu.dma_semaphore, #tpu.memory_space<semaphore_mem>>
      tpu.wait_indirect_dma semaphore(%dma_wait3A_606 : memref<!tpu.dma_semaphore, #tpu.memory_space<semaphore_mem>>) src(%dma_wait3A_604 : memref<450000x64xi32, #tpu.memory_space<hbm>>) dst(%dma_wait3A_599 : memref<32x64xi32, #tpu.memory_space<vmem>>)
      %dma_wait3A_607 = arith.constant 1 : i32
      %dma_wait3A_608 = arith.constant 3 : i32
      %dma_wait3A_609 = arith.constant 1 : i32
      %dma_wait3A_610 = arith.constant 0 : i32
      %dma_wait3A_611 = arith.constant 0 : i32
      %dma_wait3A_612 = tpu.memref_slice %arg6[%dma_wait3A_607, %dma_wait3A_608, %dma_wait3A_610, %dma_wait3A_611] : memref<2x9x32x64xi32, #tpu.memory_space<vmem>> -> memref<1x1x32x64xi32, #tpu.memory_space<vmem>>
      %dma_wait3A_613 = tpu.memref_squeeze %dma_wait3A_612 : memref<1x1x32x64xi32, #tpu.memory_space<vmem>> -> memref<32x64xi32, #tpu.memory_space<vmem>>
      %dma_wait3A_614 = arith.constant 384 : i32
      %dma_wait3A_615 = tpu.memref_slice %arg5[%dma_wait3A_614] : memref<576xi32, #tpu.memory_space<vmem>> -> memref<32xi32, #tpu.memory_space<vmem>>
      %dma_wait3A_616 = arith.constant 0 : i32
      %dma_wait3A_617 = arith.constant 0 : i32
      %dma_wait3A_618 = tpu.memref_slice %arg2[%dma_wait3A_616, %dma_wait3A_617] : memref<450000x64xi32, #tpu.memory_space<hbm>> -> memref<450000x64xi32, #tpu.memory_space<hbm>>
      %dma_wait3A_619 = tpu.memref_slice %arg9[%dma_wait3A_609] : memref<2x!tpu.dma_semaphore, #tpu.memory_space<semaphore_mem>> -> memref<1x!tpu.dma_semaphore, #tpu.memory_space<semaphore_mem>>
      %dma_wait3A_620 = tpu.memref_squeeze %dma_wait3A_619 : memref<1x!tpu.dma_semaphore, #tpu.memory_space<semaphore_mem>> -> memref<!tpu.dma_semaphore, #tpu.memory_space<semaphore_mem>>
      tpu.wait_indirect_dma semaphore(%dma_wait3A_620 : memref<!tpu.dma_semaphore, #tpu.memory_space<semaphore_mem>>) src(%dma_wait3A_618 : memref<450000x64xi32, #tpu.memory_space<hbm>>) dst(%dma_wait3A_613 : memref<32x64xi32, #tpu.memory_space<vmem>>)
      %dma_wait3A_621 = arith.constant 1 : i32
      %dma_wait3A_622 = arith.constant 4 : i32
      %dma_wait3A_623 = arith.constant 1 : i32
      %dma_wait3A_624 = arith.constant 0 : i32
      %dma_wait3A_625 = arith.constant 0 : i32
      %dma_wait3A_626 = tpu.memref_slice %arg6[%dma_wait3A_621, %dma_wait3A_622, %dma_wait3A_624, %dma_wait3A_625] : memref<2x9x32x64xi32, #tpu.memory_space<vmem>> -> memref<1x1x32x64xi32, #tpu.memory_space<vmem>>
      %dma_wait3A_627 = tpu.memref_squeeze %dma_wait3A_626 : memref<1x1x32x64xi32, #tpu.memory_space<vmem>> -> memref<32x64xi32, #tpu.memory_space<vmem>>
      %dma_wait3A_628 = arith.constant 416 : i32
      %dma_wait3A_629 = tpu.memref_slice %arg5[%dma_wait3A_628] : memref<576xi32, #tpu.memory_space<vmem>> -> memref<32xi32, #tpu.memory_space<vmem>>
      %dma_wait3A_630 = arith.constant 0 : i32
      %dma_wait3A_631 = arith.constant 0 : i32
      %dma_wait3A_632 = tpu.memref_slice %arg2[%dma_wait3A_630, %dma_wait3A_631] : memref<450000x64xi32, #tpu.memory_space<hbm>> -> memref<450000x64xi32, #tpu.memory_space<hbm>>
      %dma_wait3A_633 = tpu.memref_slice %arg9[%dma_wait3A_623] : memref<2x!tpu.dma_semaphore, #tpu.memory_space<semaphore_mem>> -> memref<1x!tpu.dma_semaphore, #tpu.memory_space<semaphore_mem>>
      %dma_wait3A_634 = tpu.memref_squeeze %dma_wait3A_633 : memref<1x!tpu.dma_semaphore, #tpu.memory_space<semaphore_mem>> -> memref<!tpu.dma_semaphore, #tpu.memory_space<semaphore_mem>>
      tpu.wait_indirect_dma semaphore(%dma_wait3A_634 : memref<!tpu.dma_semaphore, #tpu.memory_space<semaphore_mem>>) src(%dma_wait3A_632 : memref<450000x64xi32, #tpu.memory_space<hbm>>) dst(%dma_wait3A_627 : memref<32x64xi32, #tpu.memory_space<vmem>>)
      %dma_wait3A_635 = arith.constant 1 : i32
      %dma_wait3A_636 = arith.constant 5 : i32
      %dma_wait3A_637 = arith.constant 1 : i32
      %dma_wait3A_638 = arith.constant 0 : i32
      %dma_wait3A_639 = arith.constant 0 : i32
      %dma_wait3A_640 = tpu.memref_slice %arg6[%dma_wait3A_635, %dma_wait3A_636, %dma_wait3A_638, %dma_wait3A_639] : memref<2x9x32x64xi32, #tpu.memory_space<vmem>> -> memref<1x1x32x64xi32, #tpu.memory_space<vmem>>
      %dma_wait3A_641 = tpu.memref_squeeze %dma_wait3A_640 : memref<1x1x32x64xi32, #tpu.memory_space<vmem>> -> memref<32x64xi32, #tpu.memory_space<vmem>>
      %dma_wait3A_642 = arith.constant 448 : i32
      %dma_wait3A_643 = tpu.memref_slice %arg5[%dma_wait3A_642] : memref<576xi32, #tpu.memory_space<vmem>> -> memref<32xi32, #tpu.memory_space<vmem>>
      %dma_wait3A_644 = arith.constant 0 : i32
      %dma_wait3A_645 = arith.constant 0 : i32
      %dma_wait3A_646 = tpu.memref_slice %arg2[%dma_wait3A_644, %dma_wait3A_645] : memref<450000x64xi32, #tpu.memory_space<hbm>> -> memref<450000x64xi32, #tpu.memory_space<hbm>>
      %dma_wait3A_647 = tpu.memref_slice %arg9[%dma_wait3A_637] : memref<2x!tpu.dma_semaphore, #tpu.memory_space<semaphore_mem>> -> memref<1x!tpu.dma_semaphore, #tpu.memory_space<semaphore_mem>>
      %dma_wait3A_648 = tpu.memref_squeeze %dma_wait3A_647 : memref<1x!tpu.dma_semaphore, #tpu.memory_space<semaphore_mem>> -> memref<!tpu.dma_semaphore, #tpu.memory_space<semaphore_mem>>
      tpu.wait_indirect_dma semaphore(%dma_wait3A_648 : memref<!tpu.dma_semaphore, #tpu.memory_space<semaphore_mem>>) src(%dma_wait3A_646 : memref<450000x64xi32, #tpu.memory_space<hbm>>) dst(%dma_wait3A_641 : memref<32x64xi32, #tpu.memory_space<vmem>>)
      %dma_wait3A_649 = arith.constant 1 : i32
      %dma_wait3A_650 = arith.constant 6 : i32
      %dma_wait3A_651 = arith.constant 1 : i32
      %dma_wait3A_652 = arith.constant 0 : i32
      %dma_wait3A_653 = arith.constant 0 : i32
      %dma_wait3A_654 = tpu.memref_slice %arg6[%dma_wait3A_649, %dma_wait3A_650, %dma_wait3A_652, %dma_wait3A_653] : memref<2x9x32x64xi32, #tpu.memory_space<vmem>> -> memref<1x1x32x64xi32, #tpu.memory_space<vmem>>
      %dma_wait3A_655 = tpu.memref_squeeze %dma_wait3A_654 : memref<1x1x32x64xi32, #tpu.memory_space<vmem>> -> memref<32x64xi32, #tpu.memory_space<vmem>>
      %dma_wait3A_656 = arith.constant 480 : i32
      %dma_wait3A_657 = tpu.memref_slice %arg5[%dma_wait3A_656] : memref<576xi32, #tpu.memory_space<vmem>> -> memref<32xi32, #tpu.memory_space<vmem>>
      %dma_wait3A_658 = arith.constant 0 : i32
      %dma_wait3A_659 = arith.constant 0 : i32
      %dma_wait3A_660 = tpu.memref_slice %arg2[%dma_wait3A_658, %dma_wait3A_659] : memref<450000x64xi32, #tpu.memory_space<hbm>> -> memref<450000x64xi32, #tpu.memory_space<hbm>>
      %dma_wait3A_661 = tpu.memref_slice %arg9[%dma_wait3A_651] : memref<2x!tpu.dma_semaphore, #tpu.memory_space<semaphore_mem>> -> memref<1x!tpu.dma_semaphore, #tpu.memory_space<semaphore_mem>>
      %dma_wait3A_662 = tpu.memref_squeeze %dma_wait3A_661 : memref<1x!tpu.dma_semaphore, #tpu.memory_space<semaphore_mem>> -> memref<!tpu.dma_semaphore, #tpu.memory_space<semaphore_mem>>
      tpu.wait_indirect_dma semaphore(%dma_wait3A_662 : memref<!tpu.dma_semaphore, #tpu.memory_space<semaphore_mem>>) src(%dma_wait3A_660 : memref<450000x64xi32, #tpu.memory_space<hbm>>) dst(%dma_wait3A_655 : memref<32x64xi32, #tpu.memory_space<vmem>>)
      %dma_wait3A_663 = arith.constant 1 : i32
      %dma_wait3A_664 = arith.constant 7 : i32
      %dma_wait3A_665 = arith.constant 1 : i32
      %dma_wait3A_666 = arith.constant 0 : i32
      %dma_wait3A_667 = arith.constant 0 : i32
      %dma_wait3A_668 = tpu.memref_slice %arg6[%dma_wait3A_663, %dma_wait3A_664, %dma_wait3A_666, %dma_wait3A_667] : memref<2x9x32x64xi32, #tpu.memory_space<vmem>> -> memref<1x1x32x64xi32, #tpu.memory_space<vmem>>
      %dma_wait3A_669 = tpu.memref_squeeze %dma_wait3A_668 : memref<1x1x32x64xi32, #tpu.memory_space<vmem>> -> memref<32x64xi32, #tpu.memory_space<vmem>>
      %dma_wait3A_670 = arith.constant 512 : i32
      %dma_wait3A_671 = tpu.memref_slice %arg5[%dma_wait3A_670] : memref<576xi32, #tpu.memory_space<vmem>> -> memref<32xi32, #tpu.memory_space<vmem>>
      %dma_wait3A_672 = arith.constant 0 : i32
      %dma_wait3A_673 = arith.constant 0 : i32
      %dma_wait3A_674 = tpu.memref_slice %arg2[%dma_wait3A_672, %dma_wait3A_673] : memref<450000x64xi32, #tpu.memory_space<hbm>> -> memref<450000x64xi32, #tpu.memory_space<hbm>>
      %dma_wait3A_675 = tpu.memref_slice %arg9[%dma_wait3A_665] : memref<2x!tpu.dma_semaphore, #tpu.memory_space<semaphore_mem>> -> memref<1x!tpu.dma_semaphore, #tpu.memory_space<semaphore_mem>>
      %dma_wait3A_676 = tpu.memref_squeeze %dma_wait3A_675 : memref<1x!tpu.dma_semaphore, #tpu.memory_space<semaphore_mem>> -> memref<!tpu.dma_semaphore, #tpu.memory_space<semaphore_mem>>
      tpu.wait_indirect_dma semaphore(%dma_wait3A_676 : memref<!tpu.dma_semaphore, #tpu.memory_space<semaphore_mem>>) src(%dma_wait3A_674 : memref<450000x64xi32, #tpu.memory_space<hbm>>) dst(%dma_wait3A_669 : memref<32x64xi32, #tpu.memory_space<vmem>>)
      %dma_wait3A_677 = arith.constant 1 : i32
      %dma_wait3A_678 = arith.constant 8 : i32
      %dma_wait3A_679 = arith.constant 1 : i32
      %dma_wait3A_680 = arith.constant 0 : i32
      %dma_wait3A_681 = arith.constant 0 : i32
      %dma_wait3A_682 = tpu.memref_slice %arg6[%dma_wait3A_677, %dma_wait3A_678, %dma_wait3A_680, %dma_wait3A_681] : memref<2x9x32x64xi32, #tpu.memory_space<vmem>> -> memref<1x1x32x64xi32, #tpu.memory_space<vmem>>
      %dma_wait3A_683 = tpu.memref_squeeze %dma_wait3A_682 : memref<1x1x32x64xi32, #tpu.memory_space<vmem>> -> memref<32x64xi32, #tpu.memory_space<vmem>>
      %dma_wait3A_684 = arith.constant 544 : i32
      %dma_wait3A_685 = tpu.memref_slice %arg5[%dma_wait3A_684] : memref<576xi32, #tpu.memory_space<vmem>> -> memref<32xi32, #tpu.memory_space<vmem>>
      %dma_wait3A_686 = arith.constant 0 : i32
      %dma_wait3A_687 = arith.constant 0 : i32
      %dma_wait3A_688 = tpu.memref_slice %arg2[%dma_wait3A_686, %dma_wait3A_687] : memref<450000x64xi32, #tpu.memory_space<hbm>> -> memref<450000x64xi32, #tpu.memory_space<hbm>>
      %dma_wait3A_689 = tpu.memref_slice %arg9[%dma_wait3A_679] : memref<2x!tpu.dma_semaphore, #tpu.memory_space<semaphore_mem>> -> memref<1x!tpu.dma_semaphore, #tpu.memory_space<semaphore_mem>>
      %dma_wait3A_690 = tpu.memref_squeeze %dma_wait3A_689 : memref<1x!tpu.dma_semaphore, #tpu.memory_space<semaphore_mem>> -> memref<!tpu.dma_semaphore, #tpu.memory_space<semaphore_mem>>
      tpu.wait_indirect_dma semaphore(%dma_wait3A_690 : memref<!tpu.dma_semaphore, #tpu.memory_space<semaphore_mem>>) src(%dma_wait3A_688 : memref<450000x64xi32, #tpu.memory_space<hbm>>) dst(%dma_wait3A_683 : memref<32x64xi32, #tpu.memory_space<vmem>>)
      %convert_element_type3A_691 = arith.extui %lt3A : i1 to i32
      %cond3A_692 = arith.constant 0 : i32
      %cond3A_693 = arith.cmpi ne, %convert_element_type3A_691, %cond3A_692 : i32
      scf.if %cond3A_693 {
        %add3A_719 = arith.constant 2 : i32
        %add3A_720 = arith.addi %add3A_242, %add3A_719 : i32
        %add3A_721 = arith.addi %select_n3A, %add3A_720 : i32
        %mul3A_722 = arith.constant 288 : i32
        %mul3A_723 = arith.muli %add3A_721, %mul3A_722 : i32
        %dma_start3A_724 = arith.constant 1 : i32
        %dma_start3A_725 = arith.constant 288 : i32
        %dma_start3A_726 = tpu.memref_slice %arg5[%dma_start3A_725] : memref<576xi32, #tpu.memory_space<vmem>> -> memref<288xi32, #tpu.memory_space<vmem>>
        %dma_start3A_727 = tpu.memref_slice %arg3[%mul3A_723] : memref<460800xi32, #tpu.memory_space<hbm>> -> memref<288xi32, #tpu.memory_space<hbm>>
        %dma_start3A_728 = tpu.memref_slice %arg8[%dma_start3A_724] : memref<2x!tpu.dma_semaphore, #tpu.memory_space<semaphore_mem>> -> memref<1x!tpu.dma_semaphore, #tpu.memory_space<semaphore_mem>>
        %dma_start3A_729 = tpu.memref_squeeze %dma_start3A_728 : memref<1x!tpu.dma_semaphore, #tpu.memory_space<semaphore_mem>> -> memref<!tpu.dma_semaphore, #tpu.memory_space<semaphore_mem>>
        %dma_start3A_730 = arith.constant 288 : i32
        %dma_start3A_731 = tpu.memref_slice %arg5[%dma_start3A_730] : memref<576xi32, #tpu.memory_space<vmem>> -> memref<288xi32, #tpu.memory_space<vmem>>
        %dma_start3A_732 = tpu.memref_slice %arg3[%mul3A_723] : memref<460800xi32, #tpu.memory_space<hbm>> -> memref<288xi32, #tpu.memory_space<hbm>>
        tpu.enqueue_dma source(%dma_start3A_732 : memref<288xi32, #tpu.memory_space<hbm>>) target(%dma_start3A_731 : memref<288xi32, #tpu.memory_space<vmem>>) target_semaphore(%dma_start3A_729 : memref<!tpu.dma_semaphore, #tpu.memory_space<semaphore_mem>>)
        %add3A_733 = arith.constant 2 : i32
        %add3A_734 = arith.addi %mul3A_240, %add3A_733 : i32
        %add3A_735 = arith.addi %select_n3A, %add3A_734 : i32
        %mul3A_736 = arith.constant 288 : i32
        %mul3A_737 = arith.muli %add3A_735, %mul3A_736 : i32
        %dma_wait3A_738 = arith.constant 0 : i32
        %dma_wait3A_739 = arith.constant 0 : i32
        %dma_wait3A_740 = tpu.memref_slice %arg5[%dma_wait3A_739] : memref<576xi32, #tpu.memory_space<vmem>> -> memref<288xi32, #tpu.memory_space<vmem>>
        %dma_wait3A_741 = tpu.memref_slice %arg3[%mul3A_737] : memref<460800xi32, #tpu.memory_space<hbm>> -> memref<288xi32, #tpu.memory_space<hbm>>
        %dma_wait3A_742 = tpu.memref_slice %arg8[%dma_wait3A_738] : memref<2x!tpu.dma_semaphore, #tpu.memory_space<semaphore_mem>> -> memref<1x!tpu.dma_semaphore, #tpu.memory_space<semaphore_mem>>
        %dma_wait3A_743 = tpu.memref_squeeze %dma_wait3A_742 : memref<1x!tpu.dma_semaphore, #tpu.memory_space<semaphore_mem>> -> memref<!tpu.dma_semaphore, #tpu.memory_space<semaphore_mem>>
        %dma_wait3A_744 = arith.constant 0 : i32
        %dma_wait3A_745 = tpu.memref_slice %arg5[%dma_wait3A_744] : memref<576xi32, #tpu.memory_space<vmem>> -> memref<288xi32, #tpu.memory_space<vmem>>
        %dma_wait3A_746 = tpu.memref_slice %arg3[%mul3A_737] : memref<460800xi32, #tpu.memory_space<hbm>> -> memref<288xi32, #tpu.memory_space<hbm>>
        tpu.wait_dma2 semaphore(%dma_wait3A_743 : memref<!tpu.dma_semaphore, #tpu.memory_space<semaphore_mem>>) src(%dma_wait3A_746 : memref<288xi32, #tpu.memory_space<hbm>>) dst(%dma_wait3A_745 : memref<288xi32, #tpu.memory_space<vmem>>)
        %dma_start3A_747 = arith.constant 0 : i32
        %dma_start3A_748 = arith.constant 0 : i32
        %dma_start3A_749 = arith.constant 0 : i32
        %dma_start3A_750 = arith.constant 0 : i32
        %dma_start3A_751 = arith.constant 0 : i32
        %dma_start3A_752 = tpu.memref_slice %arg6[%dma_start3A_747, %dma_start3A_748, %dma_start3A_750, %dma_start3A_751] : memref<2x9x32x64xi32, #tpu.memory_space<vmem>> -> memref<1x1x32x64xi32, #tpu.memory_space<vmem>>
        %dma_start3A_753 = tpu.memref_squeeze %dma_start3A_752 : memref<1x1x32x64xi32, #tpu.memory_space<vmem>> -> memref<32x64xi32, #tpu.memory_space<vmem>>
        %dma_start3A_754 = arith.constant 0 : i32
        %dma_start3A_755 = tpu.memref_slice %arg5[%dma_start3A_754] : memref<576xi32, #tpu.memory_space<vmem>> -> memref<32xi32, #tpu.memory_space<vmem>>
        %dma_start3A_756 = arith.constant 0 : i32
        %dma_start3A_757 = arith.constant 0 : i32
        %dma_start3A_758 = tpu.memref_slice %arg2[%dma_start3A_756, %dma_start3A_757] : memref<450000x64xi32, #tpu.memory_space<hbm>> -> memref<450000x64xi32, #tpu.memory_space<hbm>>
        %dma_start3A_759 = tpu.memref_slice %arg9[%dma_start3A_749] : memref<2x!tpu.dma_semaphore, #tpu.memory_space<semaphore_mem>> -> memref<1x!tpu.dma_semaphore, #tpu.memory_space<semaphore_mem>>
        %dma_start3A_760 = tpu.memref_squeeze %dma_start3A_759 : memref<1x!tpu.dma_semaphore, #tpu.memory_space<semaphore_mem>> -> memref<!tpu.dma_semaphore, #tpu.memory_space<semaphore_mem>>
        tpu.enqueue_indirect_dma source(%dma_start3A_758 : memref<450000x64xi32, #tpu.memory_space<hbm>>) target(%dma_start3A_753 : memref<32x64xi32, #tpu.memory_space<vmem>>) offsets(%dma_start3A_755 : memref<32xi32, #tpu.memory_space<vmem>>) semaphore(%dma_start3A_760 : memref<!tpu.dma_semaphore, #tpu.memory_space<semaphore_mem>>)
        %dma_start3A_761 = arith.constant 0 : i32
        %dma_start3A_762 = arith.constant 1 : i32
        %dma_start3A_763 = arith.constant 0 : i32
        %dma_start3A_764 = arith.constant 0 : i32
        %dma_start3A_765 = arith.constant 0 : i32
        %dma_start3A_766 = tpu.memref_slice %arg6[%dma_start3A_761, %dma_start3A_762, %dma_start3A_764, %dma_start3A_765] : memref<2x9x32x64xi32, #tpu.memory_space<vmem>> -> memref<1x1x32x64xi32, #tpu.memory_space<vmem>>
        %dma_start3A_767 = tpu.memref_squeeze %dma_start3A_766 : memref<1x1x32x64xi32, #tpu.memory_space<vmem>> -> memref<32x64xi32, #tpu.memory_space<vmem>>
        %dma_start3A_768 = arith.constant 32 : i32
        %dma_start3A_769 = tpu.memref_slice %arg5[%dma_start3A_768] : memref<576xi32, #tpu.memory_space<vmem>> -> memref<32xi32, #tpu.memory_space<vmem>>
        %dma_start3A_770 = arith.constant 0 : i32
        %dma_start3A_771 = arith.constant 0 : i32
        %dma_start3A_772 = tpu.memref_slice %arg2[%dma_start3A_770, %dma_start3A_771] : memref<450000x64xi32, #tpu.memory_space<hbm>> -> memref<450000x64xi32, #tpu.memory_space<hbm>>
        %dma_start3A_773 = tpu.memref_slice %arg9[%dma_start3A_763] : memref<2x!tpu.dma_semaphore, #tpu.memory_space<semaphore_mem>> -> memref<1x!tpu.dma_semaphore, #tpu.memory_space<semaphore_mem>>
        %dma_start3A_774 = tpu.memref_squeeze %dma_start3A_773 : memref<1x!tpu.dma_semaphore, #tpu.memory_space<semaphore_mem>> -> memref<!tpu.dma_semaphore, #tpu.memory_space<semaphore_mem>>
        tpu.enqueue_indirect_dma source(%dma_start3A_772 : memref<450000x64xi32, #tpu.memory_space<hbm>>) target(%dma_start3A_767 : memref<32x64xi32, #tpu.memory_space<vmem>>) offsets(%dma_start3A_769 : memref<32xi32, #tpu.memory_space<vmem>>) semaphore(%dma_start3A_774 : memref<!tpu.dma_semaphore, #tpu.memory_space<semaphore_mem>>)
        %dma_start3A_775 = arith.constant 0 : i32
        %dma_start3A_776 = arith.constant 2 : i32
        %dma_start3A_777 = arith.constant 0 : i32
        %dma_start3A_778 = arith.constant 0 : i32
        %dma_start3A_779 = arith.constant 0 : i32
        %dma_start3A_780 = tpu.memref_slice %arg6[%dma_start3A_775, %dma_start3A_776, %dma_start3A_778, %dma_start3A_779] : memref<2x9x32x64xi32, #tpu.memory_space<vmem>> -> memref<1x1x32x64xi32, #tpu.memory_space<vmem>>
        %dma_start3A_781 = tpu.memref_squeeze %dma_start3A_780 : memref<1x1x32x64xi32, #tpu.memory_space<vmem>> -> memref<32x64xi32, #tpu.memory_space<vmem>>
        %dma_start3A_782 = arith.constant 64 : i32
        %dma_start3A_783 = tpu.memref_slice %arg5[%dma_start3A_782] : memref<576xi32, #tpu.memory_space<vmem>> -> memref<32xi32, #tpu.memory_space<vmem>>
        %dma_start3A_784 = arith.constant 0 : i32
        %dma_start3A_785 = arith.constant 0 : i32
        %dma_start3A_786 = tpu.memref_slice %arg2[%dma_start3A_784, %dma_start3A_785] : memref<450000x64xi32, #tpu.memory_space<hbm>> -> memref<450000x64xi32, #tpu.memory_space<hbm>>
        %dma_start3A_787 = tpu.memref_slice %arg9[%dma_start3A_777] : memref<2x!tpu.dma_semaphore, #tpu.memory_space<semaphore_mem>> -> memref<1x!tpu.dma_semaphore, #tpu.memory_space<semaphore_mem>>
        %dma_start3A_788 = tpu.memref_squeeze %dma_start3A_787 : memref<1x!tpu.dma_semaphore, #tpu.memory_space<semaphore_mem>> -> memref<!tpu.dma_semaphore, #tpu.memory_space<semaphore_mem>>
        tpu.enqueue_indirect_dma source(%dma_start3A_786 : memref<450000x64xi32, #tpu.memory_space<hbm>>) target(%dma_start3A_781 : memref<32x64xi32, #tpu.memory_space<vmem>>) offsets(%dma_start3A_783 : memref<32xi32, #tpu.memory_space<vmem>>) semaphore(%dma_start3A_788 : memref<!tpu.dma_semaphore, #tpu.memory_space<semaphore_mem>>)
        %dma_start3A_789 = arith.constant 0 : i32
        %dma_start3A_790 = arith.constant 3 : i32
        %dma_start3A_791 = arith.constant 0 : i32
        %dma_start3A_792 = arith.constant 0 : i32
        %dma_start3A_793 = arith.constant 0 : i32
        %dma_start3A_794 = tpu.memref_slice %arg6[%dma_start3A_789, %dma_start3A_790, %dma_start3A_792, %dma_start3A_793] : memref<2x9x32x64xi32, #tpu.memory_space<vmem>> -> memref<1x1x32x64xi32, #tpu.memory_space<vmem>>
        %dma_start3A_795 = tpu.memref_squeeze %dma_start3A_794 : memref<1x1x32x64xi32, #tpu.memory_space<vmem>> -> memref<32x64xi32, #tpu.memory_space<vmem>>
        %dma_start3A_796 = arith.constant 96 : i32
        %dma_start3A_797 = tpu.memref_slice %arg5[%dma_start3A_796] : memref<576xi32, #tpu.memory_space<vmem>> -> memref<32xi32, #tpu.memory_space<vmem>>
        %dma_start3A_798 = arith.constant 0 : i32
        %dma_start3A_799 = arith.constant 0 : i32
        %dma_start3A_800 = tpu.memref_slice %arg2[%dma_start3A_798, %dma_start3A_799] : memref<450000x64xi32, #tpu.memory_space<hbm>> -> memref<450000x64xi32, #tpu.memory_space<hbm>>
        %dma_start3A_801 = tpu.memref_slice %arg9[%dma_start3A_791] : memref<2x!tpu.dma_semaphore, #tpu.memory_space<semaphore_mem>> -> memref<1x!tpu.dma_semaphore, #tpu.memory_space<semaphore_mem>>
        %dma_start3A_802 = tpu.memref_squeeze %dma_start3A_801 : memref<1x!tpu.dma_semaphore, #tpu.memory_space<semaphore_mem>> -> memref<!tpu.dma_semaphore, #tpu.memory_space<semaphore_mem>>
        tpu.enqueue_indirect_dma source(%dma_start3A_800 : memref<450000x64xi32, #tpu.memory_space<hbm>>) target(%dma_start3A_795 : memref<32x64xi32, #tpu.memory_space<vmem>>) offsets(%dma_start3A_797 : memref<32xi32, #tpu.memory_space<vmem>>) semaphore(%dma_start3A_802 : memref<!tpu.dma_semaphore, #tpu.memory_space<semaphore_mem>>)
        %dma_start3A_803 = arith.constant 0 : i32
        %dma_start3A_804 = arith.constant 4 : i32
        %dma_start3A_805 = arith.constant 0 : i32
        %dma_start3A_806 = arith.constant 0 : i32
        %dma_start3A_807 = arith.constant 0 : i32
        %dma_start3A_808 = tpu.memref_slice %arg6[%dma_start3A_803, %dma_start3A_804, %dma_start3A_806, %dma_start3A_807] : memref<2x9x32x64xi32, #tpu.memory_space<vmem>> -> memref<1x1x32x64xi32, #tpu.memory_space<vmem>>
        %dma_start3A_809 = tpu.memref_squeeze %dma_start3A_808 : memref<1x1x32x64xi32, #tpu.memory_space<vmem>> -> memref<32x64xi32, #tpu.memory_space<vmem>>
        %dma_start3A_810 = arith.constant 128 : i32
        %dma_start3A_811 = tpu.memref_slice %arg5[%dma_start3A_810] : memref<576xi32, #tpu.memory_space<vmem>> -> memref<32xi32, #tpu.memory_space<vmem>>
        %dma_start3A_812 = arith.constant 0 : i32
        %dma_start3A_813 = arith.constant 0 : i32
        %dma_start3A_814 = tpu.memref_slice %arg2[%dma_start3A_812, %dma_start3A_813] : memref<450000x64xi32, #tpu.memory_space<hbm>> -> memref<450000x64xi32, #tpu.memory_space<hbm>>
        %dma_start3A_815 = tpu.memref_slice %arg9[%dma_start3A_805] : memref<2x!tpu.dma_semaphore, #tpu.memory_space<semaphore_mem>> -> memref<1x!tpu.dma_semaphore, #tpu.memory_space<semaphore_mem>>
        %dma_start3A_816 = tpu.memref_squeeze %dma_start3A_815 : memref<1x!tpu.dma_semaphore, #tpu.memory_space<semaphore_mem>> -> memref<!tpu.dma_semaphore, #tpu.memory_space<semaphore_mem>>
        tpu.enqueue_indirect_dma source(%dma_start3A_814 : memref<450000x64xi32, #tpu.memory_space<hbm>>) target(%dma_start3A_809 : memref<32x64xi32, #tpu.memory_space<vmem>>) offsets(%dma_start3A_811 : memref<32xi32, #tpu.memory_space<vmem>>) semaphore(%dma_start3A_816 : memref<!tpu.dma_semaphore, #tpu.memory_space<semaphore_mem>>)
        %dma_start3A_817 = arith.constant 0 : i32
        %dma_start3A_818 = arith.constant 5 : i32
        %dma_start3A_819 = arith.constant 0 : i32
        %dma_start3A_820 = arith.constant 0 : i32
        %dma_start3A_821 = arith.constant 0 : i32
        %dma_start3A_822 = tpu.memref_slice %arg6[%dma_start3A_817, %dma_start3A_818, %dma_start3A_820, %dma_start3A_821] : memref<2x9x32x64xi32, #tpu.memory_space<vmem>> -> memref<1x1x32x64xi32, #tpu.memory_space<vmem>>
        %dma_start3A_823 = tpu.memref_squeeze %dma_start3A_822 : memref<1x1x32x64xi32, #tpu.memory_space<vmem>> -> memref<32x64xi32, #tpu.memory_space<vmem>>
        %dma_start3A_824 = arith.constant 160 : i32
        %dma_start3A_825 = tpu.memref_slice %arg5[%dma_start3A_824] : memref<576xi32, #tpu.memory_space<vmem>> -> memref<32xi32, #tpu.memory_space<vmem>>
        %dma_start3A_826 = arith.constant 0 : i32
        %dma_start3A_827 = arith.constant 0 : i32
        %dma_start3A_828 = tpu.memref_slice %arg2[%dma_start3A_826, %dma_start3A_827] : memref<450000x64xi32, #tpu.memory_space<hbm>> -> memref<450000x64xi32, #tpu.memory_space<hbm>>
        %dma_start3A_829 = tpu.memref_slice %arg9[%dma_start3A_819] : memref<2x!tpu.dma_semaphore, #tpu.memory_space<semaphore_mem>> -> memref<1x!tpu.dma_semaphore, #tpu.memory_space<semaphore_mem>>
        %dma_start3A_830 = tpu.memref_squeeze %dma_start3A_829 : memref<1x!tpu.dma_semaphore, #tpu.memory_space<semaphore_mem>> -> memref<!tpu.dma_semaphore, #tpu.memory_space<semaphore_mem>>
        tpu.enqueue_indirect_dma source(%dma_start3A_828 : memref<450000x64xi32, #tpu.memory_space<hbm>>) target(%dma_start3A_823 : memref<32x64xi32, #tpu.memory_space<vmem>>) offsets(%dma_start3A_825 : memref<32xi32, #tpu.memory_space<vmem>>) semaphore(%dma_start3A_830 : memref<!tpu.dma_semaphore, #tpu.memory_space<semaphore_mem>>)
        %dma_start3A_831 = arith.constant 0 : i32
        %dma_start3A_832 = arith.constant 6 : i32
        %dma_start3A_833 = arith.constant 0 : i32
        %dma_start3A_834 = arith.constant 0 : i32
        %dma_start3A_835 = arith.constant 0 : i32
        %dma_start3A_836 = tpu.memref_slice %arg6[%dma_start3A_831, %dma_start3A_832, %dma_start3A_834, %dma_start3A_835] : memref<2x9x32x64xi32, #tpu.memory_space<vmem>> -> memref<1x1x32x64xi32, #tpu.memory_space<vmem>>
        %dma_start3A_837 = tpu.memref_squeeze %dma_start3A_836 : memref<1x1x32x64xi32, #tpu.memory_space<vmem>> -> memref<32x64xi32, #tpu.memory_space<vmem>>
        %dma_start3A_838 = arith.constant 192 : i32
        %dma_start3A_839 = tpu.memref_slice %arg5[%dma_start3A_838] : memref<576xi32, #tpu.memory_space<vmem>> -> memref<32xi32, #tpu.memory_space<vmem>>
        %dma_start3A_840 = arith.constant 0 : i32
        %dma_start3A_841 = arith.constant 0 : i32
        %dma_start3A_842 = tpu.memref_slice %arg2[%dma_start3A_840, %dma_start3A_841] : memref<450000x64xi32, #tpu.memory_space<hbm>> -> memref<450000x64xi32, #tpu.memory_space<hbm>>
        %dma_start3A_843 = tpu.memref_slice %arg9[%dma_start3A_833] : memref<2x!tpu.dma_semaphore, #tpu.memory_space<semaphore_mem>> -> memref<1x!tpu.dma_semaphore, #tpu.memory_space<semaphore_mem>>
        %dma_start3A_844 = tpu.memref_squeeze %dma_start3A_843 : memref<1x!tpu.dma_semaphore, #tpu.memory_space<semaphore_mem>> -> memref<!tpu.dma_semaphore, #tpu.memory_space<semaphore_mem>>
        tpu.enqueue_indirect_dma source(%dma_start3A_842 : memref<450000x64xi32, #tpu.memory_space<hbm>>) target(%dma_start3A_837 : memref<32x64xi32, #tpu.memory_space<vmem>>) offsets(%dma_start3A_839 : memref<32xi32, #tpu.memory_space<vmem>>) semaphore(%dma_start3A_844 : memref<!tpu.dma_semaphore, #tpu.memory_space<semaphore_mem>>)
        %dma_start3A_845 = arith.constant 0 : i32
        %dma_start3A_846 = arith.constant 7 : i32
        %dma_start3A_847 = arith.constant 0 : i32
        %dma_start3A_848 = arith.constant 0 : i32
        %dma_start3A_849 = arith.constant 0 : i32
        %dma_start3A_850 = tpu.memref_slice %arg6[%dma_start3A_845, %dma_start3A_846, %dma_start3A_848, %dma_start3A_849] : memref<2x9x32x64xi32, #tpu.memory_space<vmem>> -> memref<1x1x32x64xi32, #tpu.memory_space<vmem>>
        %dma_start3A_851 = tpu.memref_squeeze %dma_start3A_850 : memref<1x1x32x64xi32, #tpu.memory_space<vmem>> -> memref<32x64xi32, #tpu.memory_space<vmem>>
        %dma_start3A_852 = arith.constant 224 : i32
        %dma_start3A_853 = tpu.memref_slice %arg5[%dma_start3A_852] : memref<576xi32, #tpu.memory_space<vmem>> -> memref<32xi32, #tpu.memory_space<vmem>>
        %dma_start3A_854 = arith.constant 0 : i32
        %dma_start3A_855 = arith.constant 0 : i32
        %dma_start3A_856 = tpu.memref_slice %arg2[%dma_start3A_854, %dma_start3A_855] : memref<450000x64xi32, #tpu.memory_space<hbm>> -> memref<450000x64xi32, #tpu.memory_space<hbm>>
        %dma_start3A_857 = tpu.memref_slice %arg9[%dma_start3A_847] : memref<2x!tpu.dma_semaphore, #tpu.memory_space<semaphore_mem>> -> memref<1x!tpu.dma_semaphore, #tpu.memory_space<semaphore_mem>>
        %dma_start3A_858 = tpu.memref_squeeze %dma_start3A_857 : memref<1x!tpu.dma_semaphore, #tpu.memory_space<semaphore_mem>> -> memref<!tpu.dma_semaphore, #tpu.memory_space<semaphore_mem>>
        tpu.enqueue_indirect_dma source(%dma_start3A_856 : memref<450000x64xi32, #tpu.memory_space<hbm>>) target(%dma_start3A_851 : memref<32x64xi32, #tpu.memory_space<vmem>>) offsets(%dma_start3A_853 : memref<32xi32, #tpu.memory_space<vmem>>) semaphore(%dma_start3A_858 : memref<!tpu.dma_semaphore, #tpu.memory_space<semaphore_mem>>)
        %dma_start3A_859 = arith.constant 0 : i32
        %dma_start3A_860 = arith.constant 8 : i32
        %dma_start3A_861 = arith.constant 0 : i32
        %dma_start3A_862 = arith.constant 0 : i32
        %dma_start3A_863 = arith.constant 0 : i32
        %dma_start3A_864 = tpu.memref_slice %arg6[%dma_start3A_859, %dma_start3A_860, %dma_start3A_862, %dma_start3A_863] : memref<2x9x32x64xi32, #tpu.memory_space<vmem>> -> memref<1x1x32x64xi32, #tpu.memory_space<vmem>>
        %dma_start3A_865 = tpu.memref_squeeze %dma_start3A_864 : memref<1x1x32x64xi32, #tpu.memory_space<vmem>> -> memref<32x64xi32, #tpu.memory_space<vmem>>
        %dma_start3A_866 = arith.constant 256 : i32
        %dma_start3A_867 = tpu.memref_slice %arg5[%dma_start3A_866] : memref<576xi32, #tpu.memory_space<vmem>> -> memref<32xi32, #tpu.memory_space<vmem>>
        %dma_start3A_868 = arith.constant 0 : i32
        %dma_start3A_869 = arith.constant 0 : i32
        %dma_start3A_870 = tpu.memref_slice %arg2[%dma_start3A_868, %dma_start3A_869] : memref<450000x64xi32, #tpu.memory_space<hbm>> -> memref<450000x64xi32, #tpu.memory_space<hbm>>
        %dma_start3A_871 = tpu.memref_slice %arg9[%dma_start3A_861] : memref<2x!tpu.dma_semaphore, #tpu.memory_space<semaphore_mem>> -> memref<1x!tpu.dma_semaphore, #tpu.memory_space<semaphore_mem>>
        %dma_start3A_872 = tpu.memref_squeeze %dma_start3A_871 : memref<1x!tpu.dma_semaphore, #tpu.memory_space<semaphore_mem>> -> memref<!tpu.dma_semaphore, #tpu.memory_space<semaphore_mem>>
        tpu.enqueue_indirect_dma source(%dma_start3A_870 : memref<450000x64xi32, #tpu.memory_space<hbm>>) target(%dma_start3A_865 : memref<32x64xi32, #tpu.memory_space<vmem>>) offsets(%dma_start3A_867 : memref<32xi32, #tpu.memory_space<vmem>>) semaphore(%dma_start3A_872 : memref<!tpu.dma_semaphore, #tpu.memory_space<semaphore_mem>>)
      } else {
      }
      %scan3A_694 = arith.constant 0 : i32
      %scan3A_695 = arith.constant 0 : i32
      %scan3A_696 = arith.constant 32 : i32
      %scan3A_697 = arith.addi %scan3A_695, %scan3A_696 : i32
      %scan3A_698 = arith.constant 1 : i32
      scf.for %scan3A_719 = %scan3A_695 to %scan3A_697 step %scan3A_698  : i32 {
        %get3A = arith.constant 1 : i32
        %get3A_720 = arith.constant 0 : i32
        %get3A_721 = arith.index_cast %get3A : i32 to index
        %get3A_722 = arith.index_cast %get3A_720 : i32 to index
        %get3A_723 = arith.index_cast %scan3A_719 : i32 to index
        %get3A_724 = arith.constant 0 : index
        %get3A_725 = tpu.vector_load %arg6[%get3A_721, %get3A_722, %get3A_723, %get3A_724] {strides = array<i32>} : memref<2x9x32x64xi32, #tpu.memory_space<vmem>>, vector<1x1x1x16xi32>,
        %get3A_726 = vector.shape_cast %get3A_725 : vector<1x1x1x16xi32> to vector<16xi32>
        %shift_left3A = arith.constant 16 : i32
        %shift_left3A_727 = vector.broadcast %shift_left3A : i32 to vector<16xi32>
        %shift_left3A_728 = arith.shli %get3A_726, %shift_left3A_727 : vector<16xi32>
        %bitcast_convert_type3A = tpu.bitcast %shift_left3A_728 : vector<16xi32> -> vector<16xf32>
        %and3A_729 = vector.broadcast %while3A_192 : i32 to vector<16xi32>
        %and3A_730 = arith.andi %get3A_726, %and3A_729 : vector<16xi32>
        %bitcast_convert_type3A_731 = tpu.bitcast %and3A_730 : vector<16xi32> -> vector<16xf32>
        %get3A_732 = arith.constant 1 : i32
        %get3A_733 = arith.constant 1 : i32
        %get3A_734 = arith.index_cast %get3A_732 : i32 to index
        %get3A_735 = arith.index_cast %get3A_733 : i32 to index
        %get3A_736 = arith.index_cast %scan3A_719 : i32 to index
        %get3A_737 = arith.constant 0 : index
        %get3A_738 = tpu.vector_load %arg6[%get3A_734, %get3A_735, %get3A_736, %get3A_737] {strides = array<i32>} : memref<2x9x32x64xi32, #tpu.memory_space<vmem>>, vector<1x1x1x16xi32>,
        %get3A_739 = vector.shape_cast %get3A_738 : vector<1x1x1x16xi32> to vector<16xi32>
        %shift_left3A_740 = arith.constant 16 : i32
        %shift_left3A_741 = vector.broadcast %shift_left3A_740 : i32 to vector<16xi32>
        %shift_left3A_742 = arith.shli %get3A_739, %shift_left3A_741 : vector<16xi32>
        %bitcast_convert_type3A_743 = tpu.bitcast %shift_left3A_742 : vector<16xi32> -> vector<16xf32>
        %add3A_744 = arith.addf %bitcast_convert_type3A, %bitcast_convert_type3A_743 : vector<16xf32>
        %and3A_745 = vector.broadcast %while3A_192 : i32 to vector<16xi32>
        %and3A_746 = arith.andi %get3A_739, %and3A_745 : vector<16xi32>
        %bitcast_convert_type3A_747 = tpu.bitcast %and3A_746 : vector<16xi32> -> vector<16xf32>
        %add3A_748 = arith.addf %bitcast_convert_type3A_731, %bitcast_convert_type3A_747 : vector<16xf32>
        %get3A_749 = arith.constant 1 : i32
        %get3A_750 = arith.constant 2 : i32
        %get3A_751 = arith.index_cast %get3A_749 : i32 to index
        %get3A_752 = arith.index_cast %get3A_750 : i32 to index
        %get3A_753 = arith.index_cast %scan3A_719 : i32 to index
        %get3A_754 = arith.constant 0 : index
        %get3A_755 = tpu.vector_load %arg6[%get3A_751, %get3A_752, %get3A_753, %get3A_754] {strides = array<i32>} : memref<2x9x32x64xi32, #tpu.memory_space<vmem>>, vector<1x1x1x16xi32>,
        %get3A_756 = vector.shape_cast %get3A_755 : vector<1x1x1x16xi32> to vector<16xi32>
        %shift_left3A_757 = arith.constant 16 : i32
        %shift_left3A_758 = vector.broadcast %shift_left3A_757 : i32 to vector<16xi32>
        %shift_left3A_759 = arith.shli %get3A_756, %shift_left3A_758 : vector<16xi32>
        %bitcast_convert_type3A_760 = tpu.bitcast %shift_left3A_759 : vector<16xi32> -> vector<16xf32>
        %add3A_761 = arith.addf %add3A_744, %bitcast_convert_type3A_760 : vector<16xf32>
        %and3A_762 = vector.broadcast %while3A_192 : i32 to vector<16xi32>
        %and3A_763 = arith.andi %get3A_756, %and3A_762 : vector<16xi32>
        %bitcast_convert_type3A_764 = tpu.bitcast %and3A_763 : vector<16xi32> -> vector<16xf32>
        %add3A_765 = arith.addf %add3A_748, %bitcast_convert_type3A_764 : vector<16xf32>
        %get3A_766 = arith.constant 1 : i32
        %get3A_767 = arith.constant 3 : i32
        %get3A_768 = arith.index_cast %get3A_766 : i32 to index
        %get3A_769 = arith.index_cast %get3A_767 : i32 to index
        %get3A_770 = arith.index_cast %scan3A_719 : i32 to index
        %get3A_771 = arith.constant 0 : index
        %get3A_772 = tpu.vector_load %arg6[%get3A_768, %get3A_769, %get3A_770, %get3A_771] {strides = array<i32>} : memref<2x9x32x64xi32, #tpu.memory_space<vmem>>, vector<1x1x1x16xi32>,
        %get3A_773 = vector.shape_cast %get3A_772 : vector<1x1x1x16xi32> to vector<16xi32>
        %shift_left3A_774 = arith.constant 16 : i32
        %shift_left3A_775 = vector.broadcast %shift_left3A_774 : i32 to vector<16xi32>
        %shift_left3A_776 = arith.shli %get3A_773, %shift_left3A_775 : vector<16xi32>
        %bitcast_convert_type3A_777 = tpu.bitcast %shift_left3A_776 : vector<16xi32> -> vector<16xf32>
        %add3A_778 = arith.addf %add3A_761, %bitcast_convert_type3A_777 : vector<16xf32>
        %and3A_779 = vector.broadcast %while3A_192 : i32 to vector<16xi32>
        %and3A_780 = arith.andi %get3A_773, %and3A_779 : vector<16xi32>
        %bitcast_convert_type3A_781 = tpu.bitcast %and3A_780 : vector<16xi32> -> vector<16xf32>
        %add3A_782 = arith.addf %add3A_765, %bitcast_convert_type3A_781 : vector<16xf32>
        %get3A_783 = arith.constant 1 : i32
        %get3A_784 = arith.constant 4 : i32
        %get3A_785 = arith.index_cast %get3A_783 : i32 to index
        %get3A_786 = arith.index_cast %get3A_784 : i32 to index
        %get3A_787 = arith.index_cast %scan3A_719 : i32 to index
        %get3A_788 = arith.constant 0 : index
        %get3A_789 = tpu.vector_load %arg6[%get3A_785, %get3A_786, %get3A_787, %get3A_788] {strides = array<i32>} : memref<2x9x32x64xi32, #tpu.memory_space<vmem>>, vector<1x1x1x16xi32>,
        %get3A_790 = vector.shape_cast %get3A_789 : vector<1x1x1x16xi32> to vector<16xi32>
        %shift_left3A_791 = arith.constant 16 : i32
        %shift_left3A_792 = vector.broadcast %shift_left3A_791 : i32 to vector<16xi32>
        %shift_left3A_793 = arith.shli %get3A_790, %shift_left3A_792 : vector<16xi32>
        %bitcast_convert_type3A_794 = tpu.bitcast %shift_left3A_793 : vector<16xi32> -> vector<16xf32>
        %add3A_795 = arith.addf %add3A_778, %bitcast_convert_type3A_794 : vector<16xf32>
        %and3A_796 = vector.broadcast %while3A_192 : i32 to vector<16xi32>
        %and3A_797 = arith.andi %get3A_790, %and3A_796 : vector<16xi32>
        %bitcast_convert_type3A_798 = tpu.bitcast %and3A_797 : vector<16xi32> -> vector<16xf32>
        %add3A_799 = arith.addf %add3A_782, %bitcast_convert_type3A_798 : vector<16xf32>
        %get3A_800 = arith.constant 1 : i32
        %get3A_801 = arith.constant 5 : i32
        %get3A_802 = arith.index_cast %get3A_800 : i32 to index
        %get3A_803 = arith.index_cast %get3A_801 : i32 to index
        %get3A_804 = arith.index_cast %scan3A_719 : i32 to index
        %get3A_805 = arith.constant 0 : index
        %get3A_806 = tpu.vector_load %arg6[%get3A_802, %get3A_803, %get3A_804, %get3A_805] {strides = array<i32>} : memref<2x9x32x64xi32, #tpu.memory_space<vmem>>, vector<1x1x1x16xi32>,
        %get3A_807 = vector.shape_cast %get3A_806 : vector<1x1x1x16xi32> to vector<16xi32>
        %shift_left3A_808 = arith.constant 16 : i32
        %shift_left3A_809 = vector.broadcast %shift_left3A_808 : i32 to vector<16xi32>
        %shift_left3A_810 = arith.shli %get3A_807, %shift_left3A_809 : vector<16xi32>
        %bitcast_convert_type3A_811 = tpu.bitcast %shift_left3A_810 : vector<16xi32> -> vector<16xf32>
        %add3A_812 = arith.addf %add3A_795, %bitcast_convert_type3A_811 : vector<16xf32>
        %and3A_813 = vector.broadcast %while3A_192 : i32 to vector<16xi32>
        %and3A_814 = arith.andi %get3A_807, %and3A_813 : vector<16xi32>
        %bitcast_convert_type3A_815 = tpu.bitcast %and3A_814 : vector<16xi32> -> vector<16xf32>
        %add3A_816 = arith.addf %add3A_799, %bitcast_convert_type3A_815 : vector<16xf32>
        %get3A_817 = arith.constant 1 : i32
        %get3A_818 = arith.constant 6 : i32
        %get3A_819 = arith.index_cast %get3A_817 : i32 to index
        %get3A_820 = arith.index_cast %get3A_818 : i32 to index
        %get3A_821 = arith.index_cast %scan3A_719 : i32 to index
        %get3A_822 = arith.constant 0 : index
        %get3A_823 = tpu.vector_load %arg6[%get3A_819, %get3A_820, %get3A_821, %get3A_822] {strides = array<i32>} : memref<2x9x32x64xi32, #tpu.memory_space<vmem>>, vector<1x1x1x16xi32>,
        %get3A_824 = vector.shape_cast %get3A_823 : vector<1x1x1x16xi32> to vector<16xi32>
        %shift_left3A_825 = arith.constant 16 : i32
        %shift_left3A_826 = vector.broadcast %shift_left3A_825 : i32 to vector<16xi32>
        %shift_left3A_827 = arith.shli %get3A_824, %shift_left3A_826 : vector<16xi32>
        %bitcast_convert_type3A_828 = tpu.bitcast %shift_left3A_827 : vector<16xi32> -> vector<16xf32>
        %add3A_829 = arith.addf %add3A_812, %bitcast_convert_type3A_828 : vector<16xf32>
        %and3A_830 = vector.broadcast %while3A_192 : i32 to vector<16xi32>
        %and3A_831 = arith.andi %get3A_824, %and3A_830 : vector<16xi32>
        %bitcast_convert_type3A_832 = tpu.bitcast %and3A_831 : vector<16xi32> -> vector<16xf32>
        %add3A_833 = arith.addf %add3A_816, %bitcast_convert_type3A_832 : vector<16xf32>
        %get3A_834 = arith.constant 1 : i32
        %get3A_835 = arith.constant 7 : i32
        %get3A_836 = arith.index_cast %get3A_834 : i32 to index
        %get3A_837 = arith.index_cast %get3A_835 : i32 to index
        %get3A_838 = arith.index_cast %scan3A_719 : i32 to index
        %get3A_839 = arith.constant 0 : index
        %get3A_840 = tpu.vector_load %arg6[%get3A_836, %get3A_837, %get3A_838, %get3A_839] {strides = array<i32>} : memref<2x9x32x64xi32, #tpu.memory_space<vmem>>, vector<1x1x1x16xi32>,
        %get3A_841 = vector.shape_cast %get3A_840 : vector<1x1x1x16xi32> to vector<16xi32>
        %shift_left3A_842 = arith.constant 16 : i32
        %shift_left3A_843 = vector.broadcast %shift_left3A_842 : i32 to vector<16xi32>
        %shift_left3A_844 = arith.shli %get3A_841, %shift_left3A_843 : vector<16xi32>
        %bitcast_convert_type3A_845 = tpu.bitcast %shift_left3A_844 : vector<16xi32> -> vector<16xf32>
        %add3A_846 = arith.addf %add3A_829, %bitcast_convert_type3A_845 : vector<16xf32>
        %and3A_847 = vector.broadcast %while3A_192 : i32 to vector<16xi32>
        %and3A_848 = arith.andi %get3A_841, %and3A_847 : vector<16xi32>
        %bitcast_convert_type3A_849 = tpu.bitcast %and3A_848 : vector<16xi32> -> vector<16xf32>
        %add3A_850 = arith.addf %add3A_833, %bitcast_convert_type3A_849 : vector<16xf32>
        %get3A_851 = arith.constant 1 : i32
        %get3A_852 = arith.constant 8 : i32
        %get3A_853 = arith.index_cast %get3A_851 : i32 to index
        %get3A_854 = arith.index_cast %get3A_852 : i32 to index
        %get3A_855 = arith.index_cast %scan3A_719 : i32 to index
        %get3A_856 = arith.constant 0 : index
        %get3A_857 = tpu.vector_load %arg6[%get3A_853, %get3A_854, %get3A_855, %get3A_856] {strides = array<i32>} : memref<2x9x32x64xi32, #tpu.memory_space<vmem>>, vector<1x1x1x16xi32>,
        %get3A_858 = vector.shape_cast %get3A_857 : vector<1x1x1x16xi32> to vector<16xi32>
        %shift_left3A_859 = arith.constant 16 : i32
        %shift_left3A_860 = vector.broadcast %shift_left3A_859 : i32 to vector<16xi32>
        %shift_left3A_861 = arith.shli %get3A_858, %shift_left3A_860 : vector<16xi32>
        %bitcast_convert_type3A_862 = tpu.bitcast %shift_left3A_861 : vector<16xi32> -> vector<16xf32>
        %add3A_863 = arith.addf %add3A_846, %bitcast_convert_type3A_862 : vector<16xf32>
        %and3A_864 = vector.broadcast %while3A_192 : i32 to vector<16xi32>
        %and3A_865 = arith.andi %get3A_858, %and3A_864 : vector<16xi32>
        %bitcast_convert_type3A_866 = tpu.bitcast %and3A_865 : vector<16xi32> -> vector<16xf32>
        %add3A_867 = arith.addf %add3A_850, %bitcast_convert_type3A_866 : vector<16xf32>
        %swap3A = arith.constant 1 : i32
        %swap3A_868 = arith.index_cast %swap3A : i32 to index
        %swap3A_869 = arith.index_cast %scan3A_719 : i32 to index
        %swap3A_870 = arith.constant 0 : index
        %swap3A_871 = tpu.vector_load %arg7[%swap3A_868, %swap3A_869, %swap3A_870] {strides = array<i32>} : memref<2x32x128xf32, #tpu.memory_space<vmem>>, vector<1x1x16xf32>,
        %swap3A_872 = vector.shape_cast %swap3A_871 : vector<1x1x16xf32> to vector<16xf32>
        %swap3A_873 = vector.shape_cast %add3A_863 : vector<16xf32> to vector<1x1x16xf32>
        tpu.vector_store %arg7[%swap3A_868, %swap3A_869, %swap3A_870], %swap3A_873 {strides = array<i32>} : memref<2x32x128xf32, #tpu.memory_space<vmem>>, vector<1x1x16xf32>,
        %swap3A_874 = arith.constant 1 : i32
        %swap3A_875 = arith.index_cast %swap3A_874 : i32 to index
        %swap3A_876 = arith.index_cast %scan3A_719 : i32 to index
        %swap3A_877 = arith.constant 64 : index
        %swap3A_878 = tpu.vector_load %arg7[%swap3A_875, %swap3A_876, %swap3A_877] {strides = array<i32>} : memref<2x32x128xf32, #tpu.memory_space<vmem>>, vector<1x1x16xf32>,
        %swap3A_879 = vector.shape_cast %swap3A_878 : vector<1x1x16xf32> to vector<16xf32>
        %swap3A_880 = vector.shape_cast %add3A_867 : vector<16xf32> to vector<1x1x16xf32>
        tpu.vector_store %arg7[%swap3A_875, %swap3A_876, %swap3A_877], %swap3A_880 {strides = array<i32>} : memref<2x32x128xf32, #tpu.memory_space<vmem>>, vector<1x1x16xf32>,
        %get3A_881 = arith.constant 1 : i32
        %get3A_882 = arith.constant 0 : i32
        %get3A_883 = arith.index_cast %get3A_881 : i32 to index
        %get3A_884 = arith.index_cast %get3A_882 : i32 to index
        %get3A_885 = arith.index_cast %scan3A_719 : i32 to index
        %get3A_886 = arith.constant 16 : index
        %get3A_887 = tpu.vector_load %arg6[%get3A_883, %get3A_884, %get3A_885, %get3A_886] {strides = array<i32>} : memref<2x9x32x64xi32, #tpu.memory_space<vmem>>, vector<1x1x1x16xi32>,
        %get3A_888 = vector.shape_cast %get3A_887 : vector<1x1x1x16xi32> to vector<16xi32>
        %shift_left3A_889 = arith.constant 16 : i32
        %shift_left3A_890 = vector.broadcast %shift_left3A_889 : i32 to vector<16xi32>
        %shift_left3A_891 = arith.shli %get3A_888, %shift_left3A_890 : vector<16xi32>
        %bitcast_convert_type3A_892 = tpu.bitcast %shift_left3A_891 : vector<16xi32> -> vector<16xf32>
        %and3A_893 = vector.broadcast %while3A_192 : i32 to vector<16xi32>
        %and3A_894 = arith.andi %get3A_888, %and3A_893 : vector<16xi32>
        %bitcast_convert_type3A_895 = tpu.bitcast %and3A_894 : vector<16xi32> -> vector<16xf32>
        %get3A_896 = arith.constant 1 : i32
        %get3A_897 = arith.constant 1 : i32
        %get3A_898 = arith.index_cast %get3A_896 : i32 to index
        %get3A_899 = arith.index_cast %get3A_897 : i32 to index
        %get3A_900 = arith.index_cast %scan3A_719 : i32 to index
        %get3A_901 = arith.constant 16 : index
        %get3A_902 = tpu.vector_load %arg6[%get3A_898, %get3A_899, %get3A_900, %get3A_901] {strides = array<i32>} : memref<2x9x32x64xi32, #tpu.memory_space<vmem>>, vector<1x1x1x16xi32>,
        %get3A_903 = vector.shape_cast %get3A_902 : vector<1x1x1x16xi32> to vector<16xi32>
        %shift_left3A_904 = arith.constant 16 : i32
        %shift_left3A_905 = vector.broadcast %shift_left3A_904 : i32 to vector<16xi32>
        %shift_left3A_906 = arith.shli %get3A_903, %shift_left3A_905 : vector<16xi32>
        %bitcast_convert_type3A_907 = tpu.bitcast %shift_left3A_906 : vector<16xi32> -> vector<16xf32>
        %add3A_908 = arith.addf %bitcast_convert_type3A_892, %bitcast_convert_type3A_907 : vector<16xf32>
        %and3A_909 = vector.broadcast %while3A_192 : i32 to vector<16xi32>
        %and3A_910 = arith.andi %get3A_903, %and3A_909 : vector<16xi32>
        %bitcast_convert_type3A_911 = tpu.bitcast %and3A_910 : vector<16xi32> -> vector<16xf32>
        %add3A_912 = arith.addf %bitcast_convert_type3A_895, %bitcast_convert_type3A_911 : vector<16xf32>
        %get3A_913 = arith.constant 1 : i32
        %get3A_914 = arith.constant 2 : i32
        %get3A_915 = arith.index_cast %get3A_913 : i32 to index
        %get3A_916 = arith.index_cast %get3A_914 : i32 to index
        %get3A_917 = arith.index_cast %scan3A_719 : i32 to index
        %get3A_918 = arith.constant 16 : index
        %get3A_919 = tpu.vector_load %arg6[%get3A_915, %get3A_916, %get3A_917, %get3A_918] {strides = array<i32>} : memref<2x9x32x64xi32, #tpu.memory_space<vmem>>, vector<1x1x1x16xi32>,
        %get3A_920 = vector.shape_cast %get3A_919 : vector<1x1x1x16xi32> to vector<16xi32>
        %shift_left3A_921 = arith.constant 16 : i32
        %shift_left3A_922 = vector.broadcast %shift_left3A_921 : i32 to vector<16xi32>
        %shift_left3A_923 = arith.shli %get3A_920, %shift_left3A_922 : vector<16xi32>
        %bitcast_convert_type3A_924 = tpu.bitcast %shift_left3A_923 : vector<16xi32> -> vector<16xf32>
        %add3A_925 = arith.addf %add3A_908, %bitcast_convert_type3A_924 : vector<16xf32>
        %and3A_926 = vector.broadcast %while3A_192 : i32 to vector<16xi32>
        %and3A_927 = arith.andi %get3A_920, %and3A_926 : vector<16xi32>
        %bitcast_convert_type3A_928 = tpu.bitcast %and3A_927 : vector<16xi32> -> vector<16xf32>
        %add3A_929 = arith.addf %add3A_912, %bitcast_convert_type3A_928 : vector<16xf32>
        %get3A_930 = arith.constant 1 : i32
        %get3A_931 = arith.constant 3 : i32
        %get3A_932 = arith.index_cast %get3A_930 : i32 to index
        %get3A_933 = arith.index_cast %get3A_931 : i32 to index
        %get3A_934 = arith.index_cast %scan3A_719 : i32 to index
        %get3A_935 = arith.constant 16 : index
        %get3A_936 = tpu.vector_load %arg6[%get3A_932, %get3A_933, %get3A_934, %get3A_935] {strides = array<i32>} : memref<2x9x32x64xi32, #tpu.memory_space<vmem>>, vector<1x1x1x16xi32>,
        %get3A_937 = vector.shape_cast %get3A_936 : vector<1x1x1x16xi32> to vector<16xi32>
        %shift_left3A_938 = arith.constant 16 : i32
        %shift_left3A_939 = vector.broadcast %shift_left3A_938 : i32 to vector<16xi32>
        %shift_left3A_940 = arith.shli %get3A_937, %shift_left3A_939 : vector<16xi32>
        %bitcast_convert_type3A_941 = tpu.bitcast %shift_left3A_940 : vector<16xi32> -> vector<16xf32>
        %add3A_942 = arith.addf %add3A_925, %bitcast_convert_type3A_941 : vector<16xf32>
        %and3A_943 = vector.broadcast %while3A_192 : i32 to vector<16xi32>
        %and3A_944 = arith.andi %get3A_937, %and3A_943 : vector<16xi32>
        %bitcast_convert_type3A_945 = tpu.bitcast %and3A_944 : vector<16xi32> -> vector<16xf32>
        %add3A_946 = arith.addf %add3A_929, %bitcast_convert_type3A_945 : vector<16xf32>
        %get3A_947 = arith.constant 1 : i32
        %get3A_948 = arith.constant 4 : i32
        %get3A_949 = arith.index_cast %get3A_947 : i32 to index
        %get3A_950 = arith.index_cast %get3A_948 : i32 to index
        %get3A_951 = arith.index_cast %scan3A_719 : i32 to index
        %get3A_952 = arith.constant 16 : index
        %get3A_953 = tpu.vector_load %arg6[%get3A_949, %get3A_950, %get3A_951, %get3A_952] {strides = array<i32>} : memref<2x9x32x64xi32, #tpu.memory_space<vmem>>, vector<1x1x1x16xi32>,
        %get3A_954 = vector.shape_cast %get3A_953 : vector<1x1x1x16xi32> to vector<16xi32>
        %shift_left3A_955 = arith.constant 16 : i32
        %shift_left3A_956 = vector.broadcast %shift_left3A_955 : i32 to vector<16xi32>
        %shift_left3A_957 = arith.shli %get3A_954, %shift_left3A_956 : vector<16xi32>
        %bitcast_convert_type3A_958 = tpu.bitcast %shift_left3A_957 : vector<16xi32> -> vector<16xf32>
        %add3A_959 = arith.addf %add3A_942, %bitcast_convert_type3A_958 : vector<16xf32>
        %and3A_960 = vector.broadcast %while3A_192 : i32 to vector<16xi32>
        %and3A_961 = arith.andi %get3A_954, %and3A_960 : vector<16xi32>
        %bitcast_convert_type3A_962 = tpu.bitcast %and3A_961 : vector<16xi32> -> vector<16xf32>
        %add3A_963 = arith.addf %add3A_946, %bitcast_convert_type3A_962 : vector<16xf32>
        %get3A_964 = arith.constant 1 : i32
        %get3A_965 = arith.constant 5 : i32
        %get3A_966 = arith.index_cast %get3A_964 : i32 to index
        %get3A_967 = arith.index_cast %get3A_965 : i32 to index
        %get3A_968 = arith.index_cast %scan3A_719 : i32 to index
        %get3A_969 = arith.constant 16 : index
        %get3A_970 = tpu.vector_load %arg6[%get3A_966, %get3A_967, %get3A_968, %get3A_969] {strides = array<i32>} : memref<2x9x32x64xi32, #tpu.memory_space<vmem>>, vector<1x1x1x16xi32>,
        %get3A_971 = vector.shape_cast %get3A_970 : vector<1x1x1x16xi32> to vector<16xi32>
        %shift_left3A_972 = arith.constant 16 : i32
        %shift_left3A_973 = vector.broadcast %shift_left3A_972 : i32 to vector<16xi32>
        %shift_left3A_974 = arith.shli %get3A_971, %shift_left3A_973 : vector<16xi32>
        %bitcast_convert_type3A_975 = tpu.bitcast %shift_left3A_974 : vector<16xi32> -> vector<16xf32>
        %add3A_976 = arith.addf %add3A_959, %bitcast_convert_type3A_975 : vector<16xf32>
        %and3A_977 = vector.broadcast %while3A_192 : i32 to vector<16xi32>
        %and3A_978 = arith.andi %get3A_971, %and3A_977 : vector<16xi32>
        %bitcast_convert_type3A_979 = tpu.bitcast %and3A_978 : vector<16xi32> -> vector<16xf32>
        %add3A_980 = arith.addf %add3A_963, %bitcast_convert_type3A_979 : vector<16xf32>
        %get3A_981 = arith.constant 1 : i32
        %get3A_982 = arith.constant 6 : i32
        %get3A_983 = arith.index_cast %get3A_981 : i32 to index
        %get3A_984 = arith.index_cast %get3A_982 : i32 to index
        %get3A_985 = arith.index_cast %scan3A_719 : i32 to index
        %get3A_986 = arith.constant 16 : index
        %get3A_987 = tpu.vector_load %arg6[%get3A_983, %get3A_984, %get3A_985, %get3A_986] {strides = array<i32>} : memref<2x9x32x64xi32, #tpu.memory_space<vmem>>, vector<1x1x1x16xi32>,
        %get3A_988 = vector.shape_cast %get3A_987 : vector<1x1x1x16xi32> to vector<16xi32>
        %shift_left3A_989 = arith.constant 16 : i32
        %shift_left3A_990 = vector.broadcast %shift_left3A_989 : i32 to vector<16xi32>
        %shift_left3A_991 = arith.shli %get3A_988, %shift_left3A_990 : vector<16xi32>
        %bitcast_convert_type3A_992 = tpu.bitcast %shift_left3A_991 : vector<16xi32> -> vector<16xf32>
        %add3A_993 = arith.addf %add3A_976, %bitcast_convert_type3A_992 : vector<16xf32>
        %and3A_994 = vector.broadcast %while3A_192 : i32 to vector<16xi32>
        %and3A_995 = arith.andi %get3A_988, %and3A_994 : vector<16xi32>
        %bitcast_convert_type3A_996 = tpu.bitcast %and3A_995 : vector<16xi32> -> vector<16xf32>
        %add3A_997 = arith.addf %add3A_980, %bitcast_convert_type3A_996 : vector<16xf32>
        %get3A_998 = arith.constant 1 : i32
        %get3A_999 = arith.constant 7 : i32
        %get3A_1000 = arith.index_cast %get3A_998 : i32 to index
        %get3A_1001 = arith.index_cast %get3A_999 : i32 to index
        %get3A_1002 = arith.index_cast %scan3A_719 : i32 to index
        %get3A_1003 = arith.constant 16 : index
        %get3A_1004 = tpu.vector_load %arg6[%get3A_1000, %get3A_1001, %get3A_1002, %get3A_1003] {strides = array<i32>} : memref<2x9x32x64xi32, #tpu.memory_space<vmem>>, vector<1x1x1x16xi32>,
        %get3A_1005 = vector.shape_cast %get3A_1004 : vector<1x1x1x16xi32> to vector<16xi32>
        %shift_left3A_1006 = arith.constant 16 : i32
        %shift_left3A_1007 = vector.broadcast %shift_left3A_1006 : i32 to vector<16xi32>
        %shift_left3A_1008 = arith.shli %get3A_1005, %shift_left3A_1007 : vector<16xi32>
        %bitcast_convert_type3A_1009 = tpu.bitcast %shift_left3A_1008 : vector<16xi32> -> vector<16xf32>
        %add3A_1010 = arith.addf %add3A_993, %bitcast_convert_type3A_1009 : vector<16xf32>
        %and3A_1011 = vector.broadcast %while3A_192 : i32 to vector<16xi32>
        %and3A_1012 = arith.andi %get3A_1005, %and3A_1011 : vector<16xi32>
        %bitcast_convert_type3A_1013 = tpu.bitcast %and3A_1012 : vector<16xi32> -> vector<16xf32>
        %add3A_1014 = arith.addf %add3A_997, %bitcast_convert_type3A_1013 : vector<16xf32>
        %get3A_1015 = arith.constant 1 : i32
        %get3A_1016 = arith.constant 8 : i32
        %get3A_1017 = arith.index_cast %get3A_1015 : i32 to index
        %get3A_1018 = arith.index_cast %get3A_1016 : i32 to index
        %get3A_1019 = arith.index_cast %scan3A_719 : i32 to index
        %get3A_1020 = arith.constant 16 : index
        %get3A_1021 = tpu.vector_load %arg6[%get3A_1017, %get3A_1018, %get3A_1019, %get3A_1020] {strides = array<i32>} : memref<2x9x32x64xi32, #tpu.memory_space<vmem>>, vector<1x1x1x16xi32>,
        %get3A_1022 = vector.shape_cast %get3A_1021 : vector<1x1x1x16xi32> to vector<16xi32>
        %shift_left3A_1023 = arith.constant 16 : i32
        %shift_left3A_1024 = vector.broadcast %shift_left3A_1023 : i32 to vector<16xi32>
        %shift_left3A_1025 = arith.shli %get3A_1022, %shift_left3A_1024 : vector<16xi32>
        %bitcast_convert_type3A_1026 = tpu.bitcast %shift_left3A_1025 : vector<16xi32> -> vector<16xf32>
        %add3A_1027 = arith.addf %add3A_1010, %bitcast_convert_type3A_1026 : vector<16xf32>
        %and3A_1028 = vector.broadcast %while3A_192 : i32 to vector<16xi32>
        %and3A_1029 = arith.andi %get3A_1022, %and3A_1028 : vector<16xi32>
        %bitcast_convert_type3A_1030 = tpu.bitcast %and3A_1029 : vector<16xi32> -> vector<16xf32>
        %add3A_1031 = arith.addf %add3A_1014, %bitcast_convert_type3A_1030 : vector<16xf32>
        %swap3A_1032 = arith.constant 1 : i32
        %swap3A_1033 = arith.index_cast %swap3A_1032 : i32 to index
        %swap3A_1034 = arith.index_cast %scan3A_719 : i32 to index
        %swap3A_1035 = arith.constant 16 : index
        %swap3A_1036 = tpu.vector_load %arg7[%swap3A_1033, %swap3A_1034, %swap3A_1035] {strides = array<i32>} : memref<2x32x128xf32, #tpu.memory_space<vmem>>, vector<1x1x16xf32>,
        %swap3A_1037 = vector.shape_cast %swap3A_1036 : vector<1x1x16xf32> to vector<16xf32>
        %swap3A_1038 = vector.shape_cast %add3A_1027 : vector<16xf32> to vector<1x1x16xf32>
        tpu.vector_store %arg7[%swap3A_1033, %swap3A_1034, %swap3A_1035], %swap3A_1038 {strides = array<i32>} : memref<2x32x128xf32, #tpu.memory_space<vmem>>, vector<1x1x16xf32>,
        %swap3A_1039 = arith.constant 1 : i32
        %swap3A_1040 = arith.index_cast %swap3A_1039 : i32 to index
        %swap3A_1041 = arith.index_cast %scan3A_719 : i32 to index
        %swap3A_1042 = arith.constant 80 : index
        %swap3A_1043 = tpu.vector_load %arg7[%swap3A_1040, %swap3A_1041, %swap3A_1042] {strides = array<i32>} : memref<2x32x128xf32, #tpu.memory_space<vmem>>, vector<1x1x16xf32>,
        %swap3A_1044 = vector.shape_cast %swap3A_1043 : vector<1x1x16xf32> to vector<16xf32>
        %swap3A_1045 = vector.shape_cast %add3A_1031 : vector<16xf32> to vector<1x1x16xf32>
        tpu.vector_store %arg7[%swap3A_1040, %swap3A_1041, %swap3A_1042], %swap3A_1045 {strides = array<i32>} : memref<2x32x128xf32, #tpu.memory_space<vmem>>, vector<1x1x16xf32>,
        %get3A_1046 = arith.constant 1 : i32
        %get3A_1047 = arith.constant 0 : i32
        %get3A_1048 = arith.index_cast %get3A_1046 : i32 to index
        %get3A_1049 = arith.index_cast %get3A_1047 : i32 to index
        %get3A_1050 = arith.index_cast %scan3A_719 : i32 to index
        %get3A_1051 = arith.constant 32 : index
        %get3A_1052 = tpu.vector_load %arg6[%get3A_1048, %get3A_1049, %get3A_1050, %get3A_1051] {strides = array<i32>} : memref<2x9x32x64xi32, #tpu.memory_space<vmem>>, vector<1x1x1x16xi32>,
        %get3A_1053 = vector.shape_cast %get3A_1052 : vector<1x1x1x16xi32> to vector<16xi32>
        %shift_left3A_1054 = arith.constant 16 : i32
        %shift_left3A_1055 = vector.broadcast %shift_left3A_1054 : i32 to vector<16xi32>
        %shift_left3A_1056 = arith.shli %get3A_1053, %shift_left3A_1055 : vector<16xi32>
        %bitcast_convert_type3A_1057 = tpu.bitcast %shift_left3A_1056 : vector<16xi32> -> vector<16xf32>
        %and3A_1058 = vector.broadcast %while3A_192 : i32 to vector<16xi32>
        %and3A_1059 = arith.andi %get3A_1053, %and3A_1058 : vector<16xi32>
        %bitcast_convert_type3A_1060 = tpu.bitcast %and3A_1059 : vector<16xi32> -> vector<16xf32>
        %get3A_1061 = arith.constant 1 : i32
        %get3A_1062 = arith.constant 1 : i32
        %get3A_1063 = arith.index_cast %get3A_1061 : i32 to index
        %get3A_1064 = arith.index_cast %get3A_1062 : i32 to index
        %get3A_1065 = arith.index_cast %scan3A_719 : i32 to index
        %get3A_1066 = arith.constant 32 : index
        %get3A_1067 = tpu.vector_load %arg6[%get3A_1063, %get3A_1064, %get3A_1065, %get3A_1066] {strides = array<i32>} : memref<2x9x32x64xi32, #tpu.memory_space<vmem>>, vector<1x1x1x16xi32>,
        %get3A_1068 = vector.shape_cast %get3A_1067 : vector<1x1x1x16xi32> to vector<16xi32>
        %shift_left3A_1069 = arith.constant 16 : i32
        %shift_left3A_1070 = vector.broadcast %shift_left3A_1069 : i32 to vector<16xi32>
        %shift_left3A_1071 = arith.shli %get3A_1068, %shift_left3A_1070 : vector<16xi32>
        %bitcast_convert_type3A_1072 = tpu.bitcast %shift_left3A_1071 : vector<16xi32> -> vector<16xf32>
        %add3A_1073 = arith.addf %bitcast_convert_type3A_1057, %bitcast_convert_type3A_1072 : vector<16xf32>
        %and3A_1074 = vector.broadcast %while3A_192 : i32 to vector<16xi32>
        %and3A_1075 = arith.andi %get3A_1068, %and3A_1074 : vector<16xi32>
        %bitcast_convert_type3A_1076 = tpu.bitcast %and3A_1075 : vector<16xi32> -> vector<16xf32>
        %add3A_1077 = arith.addf %bitcast_convert_type3A_1060, %bitcast_convert_type3A_1076 : vector<16xf32>
        %get3A_1078 = arith.constant 1 : i32
        %get3A_1079 = arith.constant 2 : i32
        %get3A_1080 = arith.index_cast %get3A_1078 : i32 to index
        %get3A_1081 = arith.index_cast %get3A_1079 : i32 to index
        %get3A_1082 = arith.index_cast %scan3A_719 : i32 to index
        %get3A_1083 = arith.constant 32 : index
        %get3A_1084 = tpu.vector_load %arg6[%get3A_1080, %get3A_1081, %get3A_1082, %get3A_1083] {strides = array<i32>} : memref<2x9x32x64xi32, #tpu.memory_space<vmem>>, vector<1x1x1x16xi32>,
        %get3A_1085 = vector.shape_cast %get3A_1084 : vector<1x1x1x16xi32> to vector<16xi32>
        %shift_left3A_1086 = arith.constant 16 : i32
        %shift_left3A_1087 = vector.broadcast %shift_left3A_1086 : i32 to vector<16xi32>
        %shift_left3A_1088 = arith.shli %get3A_1085, %shift_left3A_1087 : vector<16xi32>
        %bitcast_convert_type3A_1089 = tpu.bitcast %shift_left3A_1088 : vector<16xi32> -> vector<16xf32>
        %add3A_1090 = arith.addf %add3A_1073, %bitcast_convert_type3A_1089 : vector<16xf32>
        %and3A_1091 = vector.broadcast %while3A_192 : i32 to vector<16xi32>
        %and3A_1092 = arith.andi %get3A_1085, %and3A_1091 : vector<16xi32>
        %bitcast_convert_type3A_1093 = tpu.bitcast %and3A_1092 : vector<16xi32> -> vector<16xf32>
        %add3A_1094 = arith.addf %add3A_1077, %bitcast_convert_type3A_1093 : vector<16xf32>
        %get3A_1095 = arith.constant 1 : i32
        %get3A_1096 = arith.constant 3 : i32
        %get3A_1097 = arith.index_cast %get3A_1095 : i32 to index
        %get3A_1098 = arith.index_cast %get3A_1096 : i32 to index
        %get3A_1099 = arith.index_cast %scan3A_719 : i32 to index
        %get3A_1100 = arith.constant 32 : index
        %get3A_1101 = tpu.vector_load %arg6[%get3A_1097, %get3A_1098, %get3A_1099, %get3A_1100] {strides = array<i32>} : memref<2x9x32x64xi32, #tpu.memory_space<vmem>>, vector<1x1x1x16xi32>,
        %get3A_1102 = vector.shape_cast %get3A_1101 : vector<1x1x1x16xi32> to vector<16xi32>
        %shift_left3A_1103 = arith.constant 16 : i32
        %shift_left3A_1104 = vector.broadcast %shift_left3A_1103 : i32 to vector<16xi32>
        %shift_left3A_1105 = arith.shli %get3A_1102, %shift_left3A_1104 : vector<16xi32>
        %bitcast_convert_type3A_1106 = tpu.bitcast %shift_left3A_1105 : vector<16xi32> -> vector<16xf32>
        %add3A_1107 = arith.addf %add3A_1090, %bitcast_convert_type3A_1106 : vector<16xf32>
        %and3A_1108 = vector.broadcast %while3A_192 : i32 to vector<16xi32>
        %and3A_1109 = arith.andi %get3A_1102, %and3A_1108 : vector<16xi32>
        %bitcast_convert_type3A_1110 = tpu.bitcast %and3A_1109 : vector<16xi32> -> vector<16xf32>
        %add3A_1111 = arith.addf %add3A_1094, %bitcast_convert_type3A_1110 : vector<16xf32>
        %get3A_1112 = arith.constant 1 : i32
        %get3A_1113 = arith.constant 4 : i32
        %get3A_1114 = arith.index_cast %get3A_1112 : i32 to index
        %get3A_1115 = arith.index_cast %get3A_1113 : i32 to index
        %get3A_1116 = arith.index_cast %scan3A_719 : i32 to index
        %get3A_1117 = arith.constant 32 : index
        %get3A_1118 = tpu.vector_load %arg6[%get3A_1114, %get3A_1115, %get3A_1116, %get3A_1117] {strides = array<i32>} : memref<2x9x32x64xi32, #tpu.memory_space<vmem>>, vector<1x1x1x16xi32>,
        %get3A_1119 = vector.shape_cast %get3A_1118 : vector<1x1x1x16xi32> to vector<16xi32>
        %shift_left3A_1120 = arith.constant 16 : i32
        %shift_left3A_1121 = vector.broadcast %shift_left3A_1120 : i32 to vector<16xi32>
        %shift_left3A_1122 = arith.shli %get3A_1119, %shift_left3A_1121 : vector<16xi32>
        %bitcast_convert_type3A_1123 = tpu.bitcast %shift_left3A_1122 : vector<16xi32> -> vector<16xf32>
        %add3A_1124 = arith.addf %add3A_1107, %bitcast_convert_type3A_1123 : vector<16xf32>
        %and3A_1125 = vector.broadcast %while3A_192 : i32 to vector<16xi32>
        %and3A_1126 = arith.andi %get3A_1119, %and3A_1125 : vector<16xi32>
        %bitcast_convert_type3A_1127 = tpu.bitcast %and3A_1126 : vector<16xi32> -> vector<16xf32>
        %add3A_1128 = arith.addf %add3A_1111, %bitcast_convert_type3A_1127 : vector<16xf32>
        %get3A_1129 = arith.constant 1 : i32
        %get3A_1130 = arith.constant 5 : i32
        %get3A_1131 = arith.index_cast %get3A_1129 : i32 to index
        %get3A_1132 = arith.index_cast %get3A_1130 : i32 to index
        %get3A_1133 = arith.index_cast %scan3A_719 : i32 to index
        %get3A_1134 = arith.constant 32 : index
        %get3A_1135 = tpu.vector_load %arg6[%get3A_1131, %get3A_1132, %get3A_1133, %get3A_1134] {strides = array<i32>} : memref<2x9x32x64xi32, #tpu.memory_space<vmem>>, vector<1x1x1x16xi32>,
        %get3A_1136 = vector.shape_cast %get3A_1135 : vector<1x1x1x16xi32> to vector<16xi32>
        %shift_left3A_1137 = arith.constant 16 : i32
        %shift_left3A_1138 = vector.broadcast %shift_left3A_1137 : i32 to vector<16xi32>
        %shift_left3A_1139 = arith.shli %get3A_1136, %shift_left3A_1138 : vector<16xi32>
        %bitcast_convert_type3A_1140 = tpu.bitcast %shift_left3A_1139 : vector<16xi32> -> vector<16xf32>
        %add3A_1141 = arith.addf %add3A_1124, %bitcast_convert_type3A_1140 : vector<16xf32>
        %and3A_1142 = vector.broadcast %while3A_192 : i32 to vector<16xi32>
        %and3A_1143 = arith.andi %get3A_1136, %and3A_1142 : vector<16xi32>
        %bitcast_convert_type3A_1144 = tpu.bitcast %and3A_1143 : vector<16xi32> -> vector<16xf32>
        %add3A_1145 = arith.addf %add3A_1128, %bitcast_convert_type3A_1144 : vector<16xf32>
        %get3A_1146 = arith.constant 1 : i32
        %get3A_1147 = arith.constant 6 : i32
        %get3A_1148 = arith.index_cast %get3A_1146 : i32 to index
        %get3A_1149 = arith.index_cast %get3A_1147 : i32 to index
        %get3A_1150 = arith.index_cast %scan3A_719 : i32 to index
        %get3A_1151 = arith.constant 32 : index
        %get3A_1152 = tpu.vector_load %arg6[%get3A_1148, %get3A_1149, %get3A_1150, %get3A_1151] {strides = array<i32>} : memref<2x9x32x64xi32, #tpu.memory_space<vmem>>, vector<1x1x1x16xi32>,
        %get3A_1153 = vector.shape_cast %get3A_1152 : vector<1x1x1x16xi32> to vector<16xi32>
        %shift_left3A_1154 = arith.constant 16 : i32
        %shift_left3A_1155 = vector.broadcast %shift_left3A_1154 : i32 to vector<16xi32>
        %shift_left3A_1156 = arith.shli %get3A_1153, %shift_left3A_1155 : vector<16xi32>
        %bitcast_convert_type3A_1157 = tpu.bitcast %shift_left3A_1156 : vector<16xi32> -> vector<16xf32>
        %add3A_1158 = arith.addf %add3A_1141, %bitcast_convert_type3A_1157 : vector<16xf32>
        %and3A_1159 = vector.broadcast %while3A_192 : i32 to vector<16xi32>
        %and3A_1160 = arith.andi %get3A_1153, %and3A_1159 : vector<16xi32>
        %bitcast_convert_type3A_1161 = tpu.bitcast %and3A_1160 : vector<16xi32> -> vector<16xf32>
        %add3A_1162 = arith.addf %add3A_1145, %bitcast_convert_type3A_1161 : vector<16xf32>
        %get3A_1163 = arith.constant 1 : i32
        %get3A_1164 = arith.constant 7 : i32
        %get3A_1165 = arith.index_cast %get3A_1163 : i32 to index
        %get3A_1166 = arith.index_cast %get3A_1164 : i32 to index
        %get3A_1167 = arith.index_cast %scan3A_719 : i32 to index
        %get3A_1168 = arith.constant 32 : index
        %get3A_1169 = tpu.vector_load %arg6[%get3A_1165, %get3A_1166, %get3A_1167, %get3A_1168] {strides = array<i32>} : memref<2x9x32x64xi32, #tpu.memory_space<vmem>>, vector<1x1x1x16xi32>,
        %get3A_1170 = vector.shape_cast %get3A_1169 : vector<1x1x1x16xi32> to vector<16xi32>
        %shift_left3A_1171 = arith.constant 16 : i32
        %shift_left3A_1172 = vector.broadcast %shift_left3A_1171 : i32 to vector<16xi32>
        %shift_left3A_1173 = arith.shli %get3A_1170, %shift_left3A_1172 : vector<16xi32>
        %bitcast_convert_type3A_1174 = tpu.bitcast %shift_left3A_1173 : vector<16xi32> -> vector<16xf32>
        %add3A_1175 = arith.addf %add3A_1158, %bitcast_convert_type3A_1174 : vector<16xf32>
        %and3A_1176 = vector.broadcast %while3A_192 : i32 to vector<16xi32>
        %and3A_1177 = arith.andi %get3A_1170, %and3A_1176 : vector<16xi32>
        %bitcast_convert_type3A_1178 = tpu.bitcast %and3A_1177 : vector<16xi32> -> vector<16xf32>
        %add3A_1179 = arith.addf %add3A_1162, %bitcast_convert_type3A_1178 : vector<16xf32>
        %get3A_1180 = arith.constant 1 : i32
        %get3A_1181 = arith.constant 8 : i32
        %get3A_1182 = arith.index_cast %get3A_1180 : i32 to index
        %get3A_1183 = arith.index_cast %get3A_1181 : i32 to index
        %get3A_1184 = arith.index_cast %scan3A_719 : i32 to index
        %get3A_1185 = arith.constant 32 : index
        %get3A_1186 = tpu.vector_load %arg6[%get3A_1182, %get3A_1183, %get3A_1184, %get3A_1185] {strides = array<i32>} : memref<2x9x32x64xi32, #tpu.memory_space<vmem>>, vector<1x1x1x16xi32>,
        %get3A_1187 = vector.shape_cast %get3A_1186 : vector<1x1x1x16xi32> to vector<16xi32>
        %shift_left3A_1188 = arith.constant 16 : i32
        %shift_left3A_1189 = vector.broadcast %shift_left3A_1188 : i32 to vector<16xi32>
        %shift_left3A_1190 = arith.shli %get3A_1187, %shift_left3A_1189 : vector<16xi32>
        %bitcast_convert_type3A_1191 = tpu.bitcast %shift_left3A_1190 : vector<16xi32> -> vector<16xf32>
        %add3A_1192 = arith.addf %add3A_1175, %bitcast_convert_type3A_1191 : vector<16xf32>
        %and3A_1193 = vector.broadcast %while3A_192 : i32 to vector<16xi32>
        %and3A_1194 = arith.andi %get3A_1187, %and3A_1193 : vector<16xi32>
        %bitcast_convert_type3A_1195 = tpu.bitcast %and3A_1194 : vector<16xi32> -> vector<16xf32>
        %add3A_1196 = arith.addf %add3A_1179, %bitcast_convert_type3A_1195 : vector<16xf32>
        %swap3A_1197 = arith.constant 1 : i32
        %swap3A_1198 = arith.index_cast %swap3A_1197 : i32 to index
        %swap3A_1199 = arith.index_cast %scan3A_719 : i32 to index
        %swap3A_1200 = arith.constant 32 : index
        %swap3A_1201 = tpu.vector_load %arg7[%swap3A_1198, %swap3A_1199, %swap3A_1200] {strides = array<i32>} : memref<2x32x128xf32, #tpu.memory_space<vmem>>, vector<1x1x16xf32>,
        %swap3A_1202 = vector.shape_cast %swap3A_1201 : vector<1x1x16xf32> to vector<16xf32>
        %swap3A_1203 = vector.shape_cast %add3A_1192 : vector<16xf32> to vector<1x1x16xf32>
        tpu.vector_store %arg7[%swap3A_1198, %swap3A_1199, %swap3A_1200], %swap3A_1203 {strides = array<i32>} : memref<2x32x128xf32, #tpu.memory_space<vmem>>, vector<1x1x16xf32>,
        %swap3A_1204 = arith.constant 1 : i32
        %swap3A_1205 = arith.index_cast %swap3A_1204 : i32 to index
        %swap3A_1206 = arith.index_cast %scan3A_719 : i32 to index
        %swap3A_1207 = arith.constant 96 : index
        %swap3A_1208 = tpu.vector_load %arg7[%swap3A_1205, %swap3A_1206, %swap3A_1207] {strides = array<i32>} : memref<2x32x128xf32, #tpu.memory_space<vmem>>, vector<1x1x16xf32>,
        %swap3A_1209 = vector.shape_cast %swap3A_1208 : vector<1x1x16xf32> to vector<16xf32>
        %swap3A_1210 = vector.shape_cast %add3A_1196 : vector<16xf32> to vector<1x1x16xf32>
        tpu.vector_store %arg7[%swap3A_1205, %swap3A_1206, %swap3A_1207], %swap3A_1210 {strides = array<i32>} : memref<2x32x128xf32, #tpu.memory_space<vmem>>, vector<1x1x16xf32>,
        %get3A_1211 = arith.constant 1 : i32
        %get3A_1212 = arith.constant 0 : i32
        %get3A_1213 = arith.index_cast %get3A_1211 : i32 to index
        %get3A_1214 = arith.index_cast %get3A_1212 : i32 to index
        %get3A_1215 = arith.index_cast %scan3A_719 : i32 to index
        %get3A_1216 = arith.constant 48 : index
        %get3A_1217 = tpu.vector_load %arg6[%get3A_1213, %get3A_1214, %get3A_1215, %get3A_1216] {strides = array<i32>} : memref<2x9x32x64xi32, #tpu.memory_space<vmem>>, vector<1x1x1x16xi32>,
        %get3A_1218 = vector.shape_cast %get3A_1217 : vector<1x1x1x16xi32> to vector<16xi32>
        %shift_left3A_1219 = arith.constant 16 : i32
        %shift_left3A_1220 = vector.broadcast %shift_left3A_1219 : i32 to vector<16xi32>
        %shift_left3A_1221 = arith.shli %get3A_1218, %shift_left3A_1220 : vector<16xi32>
        %bitcast_convert_type3A_1222 = tpu.bitcast %shift_left3A_1221 : vector<16xi32> -> vector<16xf32>
        %and3A_1223 = vector.broadcast %while3A_192 : i32 to vector<16xi32>
        %and3A_1224 = arith.andi %get3A_1218, %and3A_1223 : vector<16xi32>
        %bitcast_convert_type3A_1225 = tpu.bitcast %and3A_1224 : vector<16xi32> -> vector<16xf32>
        %get3A_1226 = arith.constant 1 : i32
        %get3A_1227 = arith.constant 1 : i32
        %get3A_1228 = arith.index_cast %get3A_1226 : i32 to index
        %get3A_1229 = arith.index_cast %get3A_1227 : i32 to index
        %get3A_1230 = arith.index_cast %scan3A_719 : i32 to index
        %get3A_1231 = arith.constant 48 : index
        %get3A_1232 = tpu.vector_load %arg6[%get3A_1228, %get3A_1229, %get3A_1230, %get3A_1231] {strides = array<i32>} : memref<2x9x32x64xi32, #tpu.memory_space<vmem>>, vector<1x1x1x16xi32>,
        %get3A_1233 = vector.shape_cast %get3A_1232 : vector<1x1x1x16xi32> to vector<16xi32>
        %shift_left3A_1234 = arith.constant 16 : i32
        %shift_left3A_1235 = vector.broadcast %shift_left3A_1234 : i32 to vector<16xi32>
        %shift_left3A_1236 = arith.shli %get3A_1233, %shift_left3A_1235 : vector<16xi32>
        %bitcast_convert_type3A_1237 = tpu.bitcast %shift_left3A_1236 : vector<16xi32> -> vector<16xf32>
        %add3A_1238 = arith.addf %bitcast_convert_type3A_1222, %bitcast_convert_type3A_1237 : vector<16xf32>
        %and3A_1239 = vector.broadcast %while3A_192 : i32 to vector<16xi32>
        %and3A_1240 = arith.andi %get3A_1233, %and3A_1239 : vector<16xi32>
        %bitcast_convert_type3A_1241 = tpu.bitcast %and3A_1240 : vector<16xi32> -> vector<16xf32>
        %add3A_1242 = arith.addf %bitcast_convert_type3A_1225, %bitcast_convert_type3A_1241 : vector<16xf32>
        %get3A_1243 = arith.constant 1 : i32
        %get3A_1244 = arith.constant 2 : i32
        %get3A_1245 = arith.index_cast %get3A_1243 : i32 to index
        %get3A_1246 = arith.index_cast %get3A_1244 : i32 to index
        %get3A_1247 = arith.index_cast %scan3A_719 : i32 to index
        %get3A_1248 = arith.constant 48 : index
        %get3A_1249 = tpu.vector_load %arg6[%get3A_1245, %get3A_1246, %get3A_1247, %get3A_1248] {strides = array<i32>} : memref<2x9x32x64xi32, #tpu.memory_space<vmem>>, vector<1x1x1x16xi32>,
        %get3A_1250 = vector.shape_cast %get3A_1249 : vector<1x1x1x16xi32> to vector<16xi32>
        %shift_left3A_1251 = arith.constant 16 : i32
        %shift_left3A_1252 = vector.broadcast %shift_left3A_1251 : i32 to vector<16xi32>
        %shift_left3A_1253 = arith.shli %get3A_1250, %shift_left3A_1252 : vector<16xi32>
        %bitcast_convert_type3A_1254 = tpu.bitcast %shift_left3A_1253 : vector<16xi32> -> vector<16xf32>
        %add3A_1255 = arith.addf %add3A_1238, %bitcast_convert_type3A_1254 : vector<16xf32>
        %and3A_1256 = vector.broadcast %while3A_192 : i32 to vector<16xi32>
        %and3A_1257 = arith.andi %get3A_1250, %and3A_1256 : vector<16xi32>
        %bitcast_convert_type3A_1258 = tpu.bitcast %and3A_1257 : vector<16xi32> -> vector<16xf32>
        %add3A_1259 = arith.addf %add3A_1242, %bitcast_convert_type3A_1258 : vector<16xf32>
        %get3A_1260 = arith.constant 1 : i32
        %get3A_1261 = arith.constant 3 : i32
        %get3A_1262 = arith.index_cast %get3A_1260 : i32 to index
        %get3A_1263 = arith.index_cast %get3A_1261 : i32 to index
        %get3A_1264 = arith.index_cast %scan3A_719 : i32 to index
        %get3A_1265 = arith.constant 48 : index
        %get3A_1266 = tpu.vector_load %arg6[%get3A_1262, %get3A_1263, %get3A_1264, %get3A_1265] {strides = array<i32>} : memref<2x9x32x64xi32, #tpu.memory_space<vmem>>, vector<1x1x1x16xi32>,
        %get3A_1267 = vector.shape_cast %get3A_1266 : vector<1x1x1x16xi32> to vector<16xi32>
        %shift_left3A_1268 = arith.constant 16 : i32
        %shift_left3A_1269 = vector.broadcast %shift_left3A_1268 : i32 to vector<16xi32>
        %shift_left3A_1270 = arith.shli %get3A_1267, %shift_left3A_1269 : vector<16xi32>
        %bitcast_convert_type3A_1271 = tpu.bitcast %shift_left3A_1270 : vector<16xi32> -> vector<16xf32>
        %add3A_1272 = arith.addf %add3A_1255, %bitcast_convert_type3A_1271 : vector<16xf32>
        %and3A_1273 = vector.broadcast %while3A_192 : i32 to vector<16xi32>
        %and3A_1274 = arith.andi %get3A_1267, %and3A_1273 : vector<16xi32>
        %bitcast_convert_type3A_1275 = tpu.bitcast %and3A_1274 : vector<16xi32> -> vector<16xf32>
        %add3A_1276 = arith.addf %add3A_1259, %bitcast_convert_type3A_1275 : vector<16xf32>
        %get3A_1277 = arith.constant 1 : i32
        %get3A_1278 = arith.constant 4 : i32
        %get3A_1279 = arith.index_cast %get3A_1277 : i32 to index
        %get3A_1280 = arith.index_cast %get3A_1278 : i32 to index
        %get3A_1281 = arith.index_cast %scan3A_719 : i32 to index
        %get3A_1282 = arith.constant 48 : index
        %get3A_1283 = tpu.vector_load %arg6[%get3A_1279, %get3A_1280, %get3A_1281, %get3A_1282] {strides = array<i32>} : memref<2x9x32x64xi32, #tpu.memory_space<vmem>>, vector<1x1x1x16xi32>,
        %get3A_1284 = vector.shape_cast %get3A_1283 : vector<1x1x1x16xi32> to vector<16xi32>
        %shift_left3A_1285 = arith.constant 16 : i32
        %shift_left3A_1286 = vector.broadcast %shift_left3A_1285 : i32 to vector<16xi32>
        %shift_left3A_1287 = arith.shli %get3A_1284, %shift_left3A_1286 : vector<16xi32>
        %bitcast_convert_type3A_1288 = tpu.bitcast %shift_left3A_1287 : vector<16xi32> -> vector<16xf32>
        %add3A_1289 = arith.addf %add3A_1272, %bitcast_convert_type3A_1288 : vector<16xf32>
        %and3A_1290 = vector.broadcast %while3A_192 : i32 to vector<16xi32>
        %and3A_1291 = arith.andi %get3A_1284, %and3A_1290 : vector<16xi32>
        %bitcast_convert_type3A_1292 = tpu.bitcast %and3A_1291 : vector<16xi32> -> vector<16xf32>
        %add3A_1293 = arith.addf %add3A_1276, %bitcast_convert_type3A_1292 : vector<16xf32>
        %get3A_1294 = arith.constant 1 : i32
        %get3A_1295 = arith.constant 5 : i32
        %get3A_1296 = arith.index_cast %get3A_1294 : i32 to index
        %get3A_1297 = arith.index_cast %get3A_1295 : i32 to index
        %get3A_1298 = arith.index_cast %scan3A_719 : i32 to index
        %get3A_1299 = arith.constant 48 : index
        %get3A_1300 = tpu.vector_load %arg6[%get3A_1296, %get3A_1297, %get3A_1298, %get3A_1299] {strides = array<i32>} : memref<2x9x32x64xi32, #tpu.memory_space<vmem>>, vector<1x1x1x16xi32>,
        %get3A_1301 = vector.shape_cast %get3A_1300 : vector<1x1x1x16xi32> to vector<16xi32>
        %shift_left3A_1302 = arith.constant 16 : i32
        %shift_left3A_1303 = vector.broadcast %shift_left3A_1302 : i32 to vector<16xi32>
        %shift_left3A_1304 = arith.shli %get3A_1301, %shift_left3A_1303 : vector<16xi32>
        %bitcast_convert_type3A_1305 = tpu.bitcast %shift_left3A_1304 : vector<16xi32> -> vector<16xf32>
        %add3A_1306 = arith.addf %add3A_1289, %bitcast_convert_type3A_1305 : vector<16xf32>
        %and3A_1307 = vector.broadcast %while3A_192 : i32 to vector<16xi32>
        %and3A_1308 = arith.andi %get3A_1301, %and3A_1307 : vector<16xi32>
        %bitcast_convert_type3A_1309 = tpu.bitcast %and3A_1308 : vector<16xi32> -> vector<16xf32>
        %add3A_1310 = arith.addf %add3A_1293, %bitcast_convert_type3A_1309 : vector<16xf32>
        %get3A_1311 = arith.constant 1 : i32
        %get3A_1312 = arith.constant 6 : i32
        %get3A_1313 = arith.index_cast %get3A_1311 : i32 to index
        %get3A_1314 = arith.index_cast %get3A_1312 : i32 to index
        %get3A_1315 = arith.index_cast %scan3A_719 : i32 to index
        %get3A_1316 = arith.constant 48 : index
        %get3A_1317 = tpu.vector_load %arg6[%get3A_1313, %get3A_1314, %get3A_1315, %get3A_1316] {strides = array<i32>} : memref<2x9x32x64xi32, #tpu.memory_space<vmem>>, vector<1x1x1x16xi32>,
        %get3A_1318 = vector.shape_cast %get3A_1317 : vector<1x1x1x16xi32> to vector<16xi32>
        %shift_left3A_1319 = arith.constant 16 : i32
        %shift_left3A_1320 = vector.broadcast %shift_left3A_1319 : i32 to vector<16xi32>
        %shift_left3A_1321 = arith.shli %get3A_1318, %shift_left3A_1320 : vector<16xi32>
        %bitcast_convert_type3A_1322 = tpu.bitcast %shift_left3A_1321 : vector<16xi32> -> vector<16xf32>
        %add3A_1323 = arith.addf %add3A_1306, %bitcast_convert_type3A_1322 : vector<16xf32>
        %and3A_1324 = vector.broadcast %while3A_192 : i32 to vector<16xi32>
        %and3A_1325 = arith.andi %get3A_1318, %and3A_1324 : vector<16xi32>
        %bitcast_convert_type3A_1326 = tpu.bitcast %and3A_1325 : vector<16xi32> -> vector<16xf32>
        %add3A_1327 = arith.addf %add3A_1310, %bitcast_convert_type3A_1326 : vector<16xf32>
        %get3A_1328 = arith.constant 1 : i32
        %get3A_1329 = arith.constant 7 : i32
        %get3A_1330 = arith.index_cast %get3A_1328 : i32 to index
        %get3A_1331 = arith.index_cast %get3A_1329 : i32 to index
        %get3A_1332 = arith.index_cast %scan3A_719 : i32 to index
        %get3A_1333 = arith.constant 48 : index
        %get3A_1334 = tpu.vector_load %arg6[%get3A_1330, %get3A_1331, %get3A_1332, %get3A_1333] {strides = array<i32>} : memref<2x9x32x64xi32, #tpu.memory_space<vmem>>, vector<1x1x1x16xi32>,
        %get3A_1335 = vector.shape_cast %get3A_1334 : vector<1x1x1x16xi32> to vector<16xi32>
        %shift_left3A_1336 = arith.constant 16 : i32
        %shift_left3A_1337 = vector.broadcast %shift_left3A_1336 : i32 to vector<16xi32>
        %shift_left3A_1338 = arith.shli %get3A_1335, %shift_left3A_1337 : vector<16xi32>
        %bitcast_convert_type3A_1339 = tpu.bitcast %shift_left3A_1338 : vector<16xi32> -> vector<16xf32>
        %add3A_1340 = arith.addf %add3A_1323, %bitcast_convert_type3A_1339 : vector<16xf32>
        %and3A_1341 = vector.broadcast %while3A_192 : i32 to vector<16xi32>
        %and3A_1342 = arith.andi %get3A_1335, %and3A_1341 : vector<16xi32>
        %bitcast_convert_type3A_1343 = tpu.bitcast %and3A_1342 : vector<16xi32> -> vector<16xf32>
        %add3A_1344 = arith.addf %add3A_1327, %bitcast_convert_type3A_1343 : vector<16xf32>
        %get3A_1345 = arith.constant 1 : i32
        %get3A_1346 = arith.constant 8 : i32
        %get3A_1347 = arith.index_cast %get3A_1345 : i32 to index
        %get3A_1348 = arith.index_cast %get3A_1346 : i32 to index
        %get3A_1349 = arith.index_cast %scan3A_719 : i32 to index
        %get3A_1350 = arith.constant 48 : index
        %get3A_1351 = tpu.vector_load %arg6[%get3A_1347, %get3A_1348, %get3A_1349, %get3A_1350] {strides = array<i32>} : memref<2x9x32x64xi32, #tpu.memory_space<vmem>>, vector<1x1x1x16xi32>,
        %get3A_1352 = vector.shape_cast %get3A_1351 : vector<1x1x1x16xi32> to vector<16xi32>
        %shift_left3A_1353 = arith.constant 16 : i32
        %shift_left3A_1354 = vector.broadcast %shift_left3A_1353 : i32 to vector<16xi32>
        %shift_left3A_1355 = arith.shli %get3A_1352, %shift_left3A_1354 : vector<16xi32>
        %bitcast_convert_type3A_1356 = tpu.bitcast %shift_left3A_1355 : vector<16xi32> -> vector<16xf32>
        %add3A_1357 = arith.addf %add3A_1340, %bitcast_convert_type3A_1356 : vector<16xf32>
        %and3A_1358 = vector.broadcast %while3A_192 : i32 to vector<16xi32>
        %and3A_1359 = arith.andi %get3A_1352, %and3A_1358 : vector<16xi32>
        %bitcast_convert_type3A_1360 = tpu.bitcast %and3A_1359 : vector<16xi32> -> vector<16xf32>
        %add3A_1361 = arith.addf %add3A_1344, %bitcast_convert_type3A_1360 : vector<16xf32>
        %swap3A_1362 = arith.constant 1 : i32
        %swap3A_1363 = arith.index_cast %swap3A_1362 : i32 to index
        %swap3A_1364 = arith.index_cast %scan3A_719 : i32 to index
        %swap3A_1365 = arith.constant 48 : index
        %swap3A_1366 = tpu.vector_load %arg7[%swap3A_1363, %swap3A_1364, %swap3A_1365] {strides = array<i32>} : memref<2x32x128xf32, #tpu.memory_space<vmem>>, vector<1x1x16xf32>,
        %swap3A_1367 = vector.shape_cast %swap3A_1366 : vector<1x1x16xf32> to vector<16xf32>
        %swap3A_1368 = vector.shape_cast %add3A_1357 : vector<16xf32> to vector<1x1x16xf32>
        tpu.vector_store %arg7[%swap3A_1363, %swap3A_1364, %swap3A_1365], %swap3A_1368 {strides = array<i32>} : memref<2x32x128xf32, #tpu.memory_space<vmem>>, vector<1x1x16xf32>,
        %swap3A_1369 = arith.constant 1 : i32
        %swap3A_1370 = arith.index_cast %swap3A_1369 : i32 to index
        %swap3A_1371 = arith.index_cast %scan3A_719 : i32 to index
        %swap3A_1372 = arith.constant 112 : index
        %swap3A_1373 = tpu.vector_load %arg7[%swap3A_1370, %swap3A_1371, %swap3A_1372] {strides = array<i32>} : memref<2x32x128xf32, #tpu.memory_space<vmem>>, vector<1x1x16xf32>,
        %swap3A_1374 = vector.shape_cast %swap3A_1373 : vector<1x1x16xf32> to vector<16xf32>
        %swap3A_1375 = vector.shape_cast %add3A_1361 : vector<16xf32> to vector<1x1x16xf32>
        tpu.vector_store %arg7[%swap3A_1370, %swap3A_1371, %swap3A_1372], %swap3A_1375 {strides = array<i32>} : memref<2x32x128xf32, #tpu.memory_space<vmem>>, vector<1x1x16xf32>,
      }
      %scan3A_699 = arith.constant 32 : i32
      %mul3A_700 = arith.constant 32 : i32
      %mul3A_701 = arith.muli %add3A_242, %mul3A_700 : i32
      %add3A_702 = arith.addi %mul3A_10, %mul3A_701 : i32
      %dma_start3A_703 = arith.constant 1 : i32
      %dma_start3A_704 = arith.constant 1 : i32
      %dma_start3A_705 = arith.constant 0 : i32
      %dma_start3A_706 = arith.constant 0 : i32
      %dma_start3A_707 = tpu.memref_slice %arg7[%dma_start3A_703, %dma_start3A_705, %dma_start3A_706] : memref<2x32x128xf32, #tpu.memory_space<vmem>> -> memref<1x32x128xf32, #tpu.memory_space<vmem>>
      %dma_start3A_708 = tpu.memref_squeeze %dma_start3A_707 : memref<1x32x128xf32, #tpu.memory_space<vmem>> -> memref<32x128xf32, #tpu.memory_space<vmem>>
      %dma_start3A_709 = arith.constant 0 : i32
      %dma_start3A_710 = tpu.memref_slice %arg4[%add3A_702, %dma_start3A_709] : memref<51200x128xf32, #tpu.memory_space<hbm>> -> memref<32x128xf32, #tpu.memory_space<hbm>>
      %dma_start3A_711 = tpu.memref_slice %arg10[%dma_start3A_704] : memref<2x!tpu.dma_semaphore, #tpu.memory_space<semaphore_mem>> -> memref<1x!tpu.dma_semaphore, #tpu.memory_space<semaphore_mem>>
      %dma_start3A_712 = tpu.memref_squeeze %dma_start3A_711 : memref<1x!tpu.dma_semaphore, #tpu.memory_space<semaphore_mem>> -> memref<!tpu.dma_semaphore, #tpu.memory_space<semaphore_mem>>
      %dma_start3A_713 = arith.constant 0 : i32
      %dma_start3A_714 = tpu.memref_slice %arg4[%add3A_702, %dma_start3A_713] : memref<51200x128xf32, #tpu.memory_space<hbm>> -> memref<32x128xf32, #tpu.memory_space<hbm>>
      %dma_start3A_715 = arith.constant 0 : i32
      %dma_start3A_716 = arith.constant 0 : i32
      %dma_start3A_717 = tpu.memref_slice %arg7[%dma_start3A_703, %dma_start3A_715, %dma_start3A_716] : memref<2x32x128xf32, #tpu.memory_space<vmem>> -> memref<1x32x128xf32, #tpu.memory_space<vmem>>
      %dma_start3A_718 = tpu.memref_squeeze %dma_start3A_717 : memref<1x32x128xf32, #tpu.memory_space<vmem>> -> memref<32x128xf32, #tpu.memory_space<vmem>>
      tpu.enqueue_dma source(%dma_start3A_718 : memref<32x128xf32, #tpu.memory_space<vmem>>) target(%dma_start3A_714 : memref<32x128xf32, #tpu.memory_space<hbm>>) target_semaphore(%dma_start3A_712 : memref<!tpu.dma_semaphore, #tpu.memory_space<semaphore_mem>>)
    }
    %add3A_202 = arith.constant 0 : i32
    %add3A_203 = arith.addi %mul3A_10, %add3A_202 : i32
    %dma_wait3A_204 = arith.constant 0 : i32
    %dma_wait3A_205 = arith.constant 0 : i32
    %dma_wait3A_206 = arith.constant 0 : i32
    %dma_wait3A_207 = arith.constant 0 : i32
    %dma_wait3A_208 = tpu.memref_slice %arg7[%dma_wait3A_204, %dma_wait3A_206, %dma_wait3A_207] : memref<2x32x128xf32, #tpu.memory_space<vmem>> -> memref<1x32x128xf32, #tpu.memory_space<vmem>>
    %dma_wait3A_209 = tpu.memref_squeeze %dma_wait3A_208 : memref<1x32x128xf32, #tpu.memory_space<vmem>> -> memref<32x128xf32, #tpu.memory_space<vmem>>
    %dma_wait3A_210 = arith.constant 0 : i32
    %dma_wait3A_211 = tpu.memref_slice %arg4[%add3A_203, %dma_wait3A_210] : memref<51200x128xf32, #tpu.memory_space<hbm>> -> memref<32x128xf32, #tpu.memory_space<hbm>>
    %dma_wait3A_212 = tpu.memref_slice %arg10[%dma_wait3A_205] : memref<2x!tpu.dma_semaphore, #tpu.memory_space<semaphore_mem>> -> memref<1x!tpu.dma_semaphore, #tpu.memory_space<semaphore_mem>>
    %dma_wait3A_213 = tpu.memref_squeeze %dma_wait3A_212 : memref<1x!tpu.dma_semaphore, #tpu.memory_space<semaphore_mem>> -> memref<!tpu.dma_semaphore, #tpu.memory_space<semaphore_mem>>
    %dma_wait3A_214 = arith.constant 0 : i32
    %dma_wait3A_215 = tpu.memref_slice %arg4[%add3A_203, %dma_wait3A_214] : memref<51200x128xf32, #tpu.memory_space<hbm>> -> memref<32x128xf32, #tpu.memory_space<hbm>>
    %dma_wait3A_216 = arith.constant 0 : i32
    %dma_wait3A_217 = arith.constant 0 : i32
    %dma_wait3A_218 = tpu.memref_slice %arg7[%dma_wait3A_204, %dma_wait3A_216, %dma_wait3A_217] : memref<2x32x128xf32, #tpu.memory_space<vmem>> -> memref<1x32x128xf32, #tpu.memory_space<vmem>>
    %dma_wait3A_219 = tpu.memref_squeeze %dma_wait3A_218 : memref<1x32x128xf32, #tpu.memory_space<vmem>> -> memref<32x128xf32, #tpu.memory_space<vmem>>
    tpu.wait_dma2 semaphore(%dma_wait3A_213 : memref<!tpu.dma_semaphore, #tpu.memory_space<semaphore_mem>>) src(%dma_wait3A_219 : memref<32x128xf32, #tpu.memory_space<vmem>>) dst(%dma_wait3A_215 : memref<32x128xf32, #tpu.memory_space<hbm>>)
    %add3A_220 = arith.constant 0 : i32
    %add3A_221 = arith.addi %mul3A_10, %add3A_220 : i32
    %dma_wait3A_222 = arith.constant 1 : i32
    %dma_wait3A_223 = arith.constant 1 : i32
    %dma_wait3A_224 = arith.constant 0 : i32
    %dma_wait3A_225 = arith.constant 0 : i32
    %dma_wait3A_226 = tpu.memref_slice %arg7[%dma_wait3A_222, %dma_wait3A_224, %dma_wait3A_225] : memref<2x32x128xf32, #tpu.memory_space<vmem>> -> memref<1x32x128xf32, #tpu.memory_space<vmem>>
    %dma_wait3A_227 = tpu.memref_squeeze %dma_wait3A_226 : memref<1x32x128xf32, #tpu.memory_space<vmem>> -> memref<32x128xf32, #tpu.memory_space<vmem>>
    %dma_wait3A_228 = arith.constant 0 : i32
    %dma_wait3A_229 = tpu.memref_slice %arg4[%add3A_221, %dma_wait3A_228] : memref<51200x128xf32, #tpu.memory_space<hbm>> -> memref<32x128xf32, #tpu.memory_space<hbm>>
    %dma_wait3A_230 = tpu.memref_slice %arg10[%dma_wait3A_223] : memref<2x!tpu.dma_semaphore, #tpu.memory_space<semaphore_mem>> -> memref<1x!tpu.dma_semaphore, #tpu.memory_space<semaphore_mem>>
    %dma_wait3A_231 = tpu.memref_squeeze %dma_wait3A_230 : memref<1x!tpu.dma_semaphore, #tpu.memory_space<semaphore_mem>> -> memref<!tpu.dma_semaphore, #tpu.memory_space<semaphore_mem>>
    %dma_wait3A_232 = arith.constant 0 : i32
    %dma_wait3A_233 = tpu.memref_slice %arg4[%add3A_221, %dma_wait3A_232] : memref<51200x128xf32, #tpu.memory_space<hbm>> -> memref<32x128xf32, #tpu.memory_space<hbm>>
    %dma_wait3A_234 = arith.constant 0 : i32
    %dma_wait3A_235 = arith.constant 0 : i32
    %dma_wait3A_236 = tpu.memref_slice %arg7[%dma_wait3A_222, %dma_wait3A_234, %dma_wait3A_235] : memref<2x32x128xf32, #tpu.memory_space<vmem>> -> memref<1x32x128xf32, #tpu.memory_space<vmem>>
    %dma_wait3A_237 = tpu.memref_squeeze %dma_wait3A_236 : memref<1x32x128xf32, #tpu.memory_space<vmem>> -> memref<32x128xf32, #tpu.memory_space<vmem>>
    tpu.wait_dma2 semaphore(%dma_wait3A_231 : memref<!tpu.dma_semaphore, #tpu.memory_space<semaphore_mem>>) src(%dma_wait3A_237 : memref<32x128xf32, #tpu.memory_space<vmem>>) dst(%dma_wait3A_233 : memref<32x128xf32, #tpu.memory_space<hbm>>)
    return
  }
}

module attributes {stable_mosaic.version = 14 : i64} {
  func.func @body(%arg0: i32, %arg1: memref<512x128xf32, #tpu.memory_space<vmem>>, %arg2: memref<9x128x128xf32, #tpu.memory_space<vmem>>, %arg3: memref<1x128xf32, #tpu.memory_space<vmem>>, %arg4: memref<9x512x64xi32, #tpu.memory_space<vmem>>) attributes {dimension_semantics = [#tpu.dimension_semantics<arbitrary>], iteration_bounds = array<i64: 98>, scalar_prefetch = 0 : i64, scratch_operands = 0 : i64, tpu.core_type = #tpu.core_type<tc>, window_params = [{transform_indices = @transform_0, window_bounds = array<i64: 512, 128>}, {pipeline_mode = #tpu.pipeline_mode<synchronous>, transform_indices = @transform_1, window_bounds = array<i64: 9, 128, 128>}, {pipeline_mode = #tpu.pipeline_mode<synchronous>, transform_indices = @transform_2, window_bounds = array<i64: 1, 128>}, {transform_indices = @transform_3, window_bounds = array<i64: 9, 512, 64>}]} {
    %get3A = arith.constant 0 : index
    %get3A_0 = arith.constant 0 : index
    %get3A_1 = vector.load %arg1[%get3A, %get3A_0] : memref<512x128xf32, #tpu.memory_space<vmem>>, vector<512x128xf32>
    %get3A_2 = arith.constant 0 : index
    %get3A_3 = arith.constant 0 : index
    %get3A_4 = arith.constant 0 : index
    %get3A_5 = vector.load %arg2[%get3A_2, %get3A_3, %get3A_4] : memref<9x128x128xf32, #tpu.memory_space<vmem>>, vector<1x128x128xf32>
    %get3A_6 = vector.shape_cast %get3A_5 : vector<1x128x128xf32> to vector<128x128xf32>
    %dot_general3A = arith.constant dense<0.000000e+00> : vector<512x128xf32>
    %dot_general3A_7 = tpu.matmul %get3A_1, %get3A_6, %dot_general3A {dimension_numbers = #tpu.dot_dimension_numbers<[1], [0], [0], [1], [0, 0, 1, 1], [], []>, transpose_lhs_hint = false} : vector<512x128xf32>, vector<128x128xf32>, vector<512x128xf32> -> vector<512x128xf32>
    %get3A_8 = arith.constant 0 : index
    %get3A_9 = arith.constant 0 : index
    %get3A_10 = vector.load %arg3[%get3A_8, %get3A_9] : memref<1x128xf32, #tpu.memory_space<vmem>>, vector<1x128xf32>
    %add3A = vector.broadcast %get3A_10 : vector<1x128xf32> to vector<512x128xf32>
    %add3A_11 = arith.addf %dot_general3A_7, %add3A : vector<512x128xf32>
    %slice3A = vector.extract_strided_slice %add3A_11 {offsets = [0, 0], sizes = [512, 64], strides = [1, 1]} : vector<512x128xf32> to vector<512x64xf32>
    %convert_element_type3A = arith.truncf %slice3A : vector<512x64xf32> to vector<512x64xbf16>
    %bitcast_convert_type3A = tpu.bitcast %convert_element_type3A : vector<512x64xbf16> -> vector<512x64xi16>
    %slice3A_12 = vector.extract_strided_slice %add3A_11 {offsets = [0, 64], sizes = [512, 64], strides = [1, 1]} : vector<512x128xf32> to vector<512x64xf32>
    %convert_element_type3A_13 = arith.truncf %slice3A_12 : vector<512x64xf32> to vector<512x64xbf16>
    %bitcast_convert_type3A_14 = tpu.bitcast %convert_element_type3A_13 : vector<512x64xbf16> -> vector<512x64xi16>
    %convert_element_type3A_15 = arith.extui %bitcast_convert_type3A : vector<512x64xi16> to vector<512x64xi32>
    %convert_element_type3A_16 = arith.extui %bitcast_convert_type3A_14 : vector<512x64xi16> to vector<512x64xi32>
    %shift_left3A = arith.constant 16 : i32
    %shift_left3A_17 = vector.broadcast %shift_left3A : i32 to vector<512x64xi32>
    %shift_left3A_18 = arith.shli %convert_element_type3A_16, %shift_left3A_17 : vector<512x64xi32>
    %or3A = arith.ori %convert_element_type3A_15, %shift_left3A_18 : vector<512x64xi32>
    %bitcast_convert_type3A_19 = tpu.bitcast %or3A : vector<512x64xi32> -> vector<512x64xi32>
    %swap3A = arith.constant 0 : index
    %swap3A_20 = arith.constant 0 : index
    %swap3A_21 = arith.constant 0 : index
    %swap3A_22 = vector.load %arg4[%swap3A, %swap3A_20, %swap3A_21] : memref<9x512x64xi32, #tpu.memory_space<vmem>>, vector<1x512x64xi32>
    %swap3A_23 = vector.shape_cast %swap3A_22 : vector<1x512x64xi32> to vector<512x64xi32>
    %swap3A_24 = vector.shape_cast %bitcast_convert_type3A_19 : vector<512x64xi32> to vector<1x512x64xi32>
    tpu.vector_store %arg4[%swap3A, %swap3A_20, %swap3A_21], %swap3A_24 {strides = array<i32>} : memref<9x512x64xi32, #tpu.memory_space<vmem>>, vector<1x512x64xi32>,
    %get3A_25 = arith.constant 1 : index
    %get3A_26 = arith.constant 0 : index
    %get3A_27 = arith.constant 0 : index
    %get3A_28 = vector.load %arg2[%get3A_25, %get3A_26, %get3A_27] : memref<9x128x128xf32, #tpu.memory_space<vmem>>, vector<1x128x128xf32>
    %get3A_29 = vector.shape_cast %get3A_28 : vector<1x128x128xf32> to vector<128x128xf32>
    %dot_general3A_30 = arith.constant dense<0.000000e+00> : vector<512x128xf32>
    %dot_general3A_31 = tpu.matmul %get3A_1, %get3A_29, %dot_general3A_30 {dimension_numbers = #tpu.dot_dimension_numbers<[1], [0], [0], [1], [0, 0, 1, 1], [], []>, transpose_lhs_hint = false} : vector<512x128xf32>, vector<128x128xf32>, vector<512x128xf32> -> vector<512x128xf32>
    %slice3A_32 = vector.extract_strided_slice %dot_general3A_31 {offsets = [0, 0], sizes = [512, 64], strides = [1, 1]} : vector<512x128xf32> to vector<512x64xf32>
    %convert_element_type3A_33 = arith.truncf %slice3A_32 : vector<512x64xf32> to vector<512x64xbf16>
    %bitcast_convert_type3A_34 = tpu.bitcast %convert_element_type3A_33 : vector<512x64xbf16> -> vector<512x64xi16>
    %slice3A_35 = vector.extract_strided_slice %dot_general3A_31 {offsets = [0, 64], sizes = [512, 64], strides = [1, 1]} : vector<512x128xf32> to vector<512x64xf32>
    %convert_element_type3A_36 = arith.truncf %slice3A_35 : vector<512x64xf32> to vector<512x64xbf16>
    %bitcast_convert_type3A_37 = tpu.bitcast %convert_element_type3A_36 : vector<512x64xbf16> -> vector<512x64xi16>
    %convert_element_type3A_38 = arith.extui %bitcast_convert_type3A_34 : vector<512x64xi16> to vector<512x64xi32>
    %convert_element_type3A_39 = arith.extui %bitcast_convert_type3A_37 : vector<512x64xi16> to vector<512x64xi32>
    %shift_left3A_40 = arith.constant 16 : i32
    %shift_left3A_41 = vector.broadcast %shift_left3A_40 : i32 to vector<512x64xi32>
    %shift_left3A_42 = arith.shli %convert_element_type3A_39, %shift_left3A_41 : vector<512x64xi32>
    %or3A_43 = arith.ori %convert_element_type3A_38, %shift_left3A_42 : vector<512x64xi32>
    %bitcast_convert_type3A_44 = tpu.bitcast %or3A_43 : vector<512x64xi32> -> vector<512x64xi32>
    %swap3A_45 = arith.constant 1 : index
    %swap3A_46 = arith.constant 0 : index
    %swap3A_47 = arith.constant 0 : index
    %swap3A_48 = vector.load %arg4[%swap3A_45, %swap3A_46, %swap3A_47] : memref<9x512x64xi32, #tpu.memory_space<vmem>>, vector<1x512x64xi32>
    %swap3A_49 = vector.shape_cast %swap3A_48 : vector<1x512x64xi32> to vector<512x64xi32>
    %swap3A_50 = vector.shape_cast %bitcast_convert_type3A_44 : vector<512x64xi32> to vector<1x512x64xi32>
    tpu.vector_store %arg4[%swap3A_45, %swap3A_46, %swap3A_47], %swap3A_50 {strides = array<i32>} : memref<9x512x64xi32, #tpu.memory_space<vmem>>, vector<1x512x64xi32>,
    %get3A_51 = arith.constant 2 : index
    %get3A_52 = arith.constant 0 : index
    %get3A_53 = arith.constant 0 : index
    %get3A_54 = vector.load %arg2[%get3A_51, %get3A_52, %get3A_53] : memref<9x128x128xf32, #tpu.memory_space<vmem>>, vector<1x128x128xf32>
    %get3A_55 = vector.shape_cast %get3A_54 : vector<1x128x128xf32> to vector<128x128xf32>
    %dot_general3A_56 = arith.constant dense<0.000000e+00> : vector<512x128xf32>
    %dot_general3A_57 = tpu.matmul %get3A_1, %get3A_55, %dot_general3A_56 {dimension_numbers = #tpu.dot_dimension_numbers<[1], [0], [0], [1], [0, 0, 1, 1], [], []>, transpose_lhs_hint = false} : vector<512x128xf32>, vector<128x128xf32>, vector<512x128xf32> -> vector<512x128xf32>
    %slice3A_58 = vector.extract_strided_slice %dot_general3A_57 {offsets = [0, 0], sizes = [512, 64], strides = [1, 1]} : vector<512x128xf32> to vector<512x64xf32>
    %convert_element_type3A_59 = arith.truncf %slice3A_58 : vector<512x64xf32> to vector<512x64xbf16>
    %bitcast_convert_type3A_60 = tpu.bitcast %convert_element_type3A_59 : vector<512x64xbf16> -> vector<512x64xi16>
    %slice3A_61 = vector.extract_strided_slice %dot_general3A_57 {offsets = [0, 64], sizes = [512, 64], strides = [1, 1]} : vector<512x128xf32> to vector<512x64xf32>
    %convert_element_type3A_62 = arith.truncf %slice3A_61 : vector<512x64xf32> to vector<512x64xbf16>
    %bitcast_convert_type3A_63 = tpu.bitcast %convert_element_type3A_62 : vector<512x64xbf16> -> vector<512x64xi16>
    %convert_element_type3A_64 = arith.extui %bitcast_convert_type3A_60 : vector<512x64xi16> to vector<512x64xi32>
    %convert_element_type3A_65 = arith.extui %bitcast_convert_type3A_63 : vector<512x64xi16> to vector<512x64xi32>
    %shift_left3A_66 = arith.constant 16 : i32
    %shift_left3A_67 = vector.broadcast %shift_left3A_66 : i32 to vector<512x64xi32>
    %shift_left3A_68 = arith.shli %convert_element_type3A_65, %shift_left3A_67 : vector<512x64xi32>
    %or3A_69 = arith.ori %convert_element_type3A_64, %shift_left3A_68 : vector<512x64xi32>
    %bitcast_convert_type3A_70 = tpu.bitcast %or3A_69 : vector<512x64xi32> -> vector<512x64xi32>
    %swap3A_71 = arith.constant 2 : index
    %swap3A_72 = arith.constant 0 : index
    %swap3A_73 = arith.constant 0 : index
    %swap3A_74 = vector.load %arg4[%swap3A_71, %swap3A_72, %swap3A_73] : memref<9x512x64xi32, #tpu.memory_space<vmem>>, vector<1x512x64xi32>
    %swap3A_75 = vector.shape_cast %swap3A_74 : vector<1x512x64xi32> to vector<512x64xi32>
    %swap3A_76 = vector.shape_cast %bitcast_convert_type3A_70 : vector<512x64xi32> to vector<1x512x64xi32>
    tpu.vector_store %arg4[%swap3A_71, %swap3A_72, %swap3A_73], %swap3A_76 {strides = array<i32>} : memref<9x512x64xi32, #tpu.memory_space<vmem>>, vector<1x512x64xi32>,
    %get3A_77 = arith.constant 3 : index
    %get3A_78 = arith.constant 0 : index
    %get3A_79 = arith.constant 0 : index
    %get3A_80 = vector.load %arg2[%get3A_77, %get3A_78, %get3A_79] : memref<9x128x128xf32, #tpu.memory_space<vmem>>, vector<1x128x128xf32>
    %get3A_81 = vector.shape_cast %get3A_80 : vector<1x128x128xf32> to vector<128x128xf32>
    %dot_general3A_82 = arith.constant dense<0.000000e+00> : vector<512x128xf32>
    %dot_general3A_83 = tpu.matmul %get3A_1, %get3A_81, %dot_general3A_82 {dimension_numbers = #tpu.dot_dimension_numbers<[1], [0], [0], [1], [0, 0, 1, 1], [], []>, transpose_lhs_hint = false} : vector<512x128xf32>, vector<128x128xf32>, vector<512x128xf32> -> vector<512x128xf32>
    %slice3A_84 = vector.extract_strided_slice %dot_general3A_83 {offsets = [0, 0], sizes = [512, 64], strides = [1, 1]} : vector<512x128xf32> to vector<512x64xf32>
    %convert_element_type3A_85 = arith.truncf %slice3A_84 : vector<512x64xf32> to vector<512x64xbf16>
    %bitcast_convert_type3A_86 = tpu.bitcast %convert_element_type3A_85 : vector<512x64xbf16> -> vector<512x64xi16>
    %slice3A_87 = vector.extract_strided_slice %dot_general3A_83 {offsets = [0, 64], sizes = [512, 64], strides = [1, 1]} : vector<512x128xf32> to vector<512x64xf32>
    %convert_element_type3A_88 = arith.truncf %slice3A_87 : vector<512x64xf32> to vector<512x64xbf16>
    %bitcast_convert_type3A_89 = tpu.bitcast %convert_element_type3A_88 : vector<512x64xbf16> -> vector<512x64xi16>
    %convert_element_type3A_90 = arith.extui %bitcast_convert_type3A_86 : vector<512x64xi16> to vector<512x64xi32>
    %convert_element_type3A_91 = arith.extui %bitcast_convert_type3A_89 : vector<512x64xi16> to vector<512x64xi32>
    %shift_left3A_92 = arith.constant 16 : i32
    %shift_left3A_93 = vector.broadcast %shift_left3A_92 : i32 to vector<512x64xi32>
    %shift_left3A_94 = arith.shli %convert_element_type3A_91, %shift_left3A_93 : vector<512x64xi32>
    %or3A_95 = arith.ori %convert_element_type3A_90, %shift_left3A_94 : vector<512x64xi32>
    %bitcast_convert_type3A_96 = tpu.bitcast %or3A_95 : vector<512x64xi32> -> vector<512x64xi32>
    %swap3A_97 = arith.constant 3 : index
    %swap3A_98 = arith.constant 0 : index
    %swap3A_99 = arith.constant 0 : index
    %swap3A_100 = vector.load %arg4[%swap3A_97, %swap3A_98, %swap3A_99] : memref<9x512x64xi32, #tpu.memory_space<vmem>>, vector<1x512x64xi32>
    %swap3A_101 = vector.shape_cast %swap3A_100 : vector<1x512x64xi32> to vector<512x64xi32>
    %swap3A_102 = vector.shape_cast %bitcast_convert_type3A_96 : vector<512x64xi32> to vector<1x512x64xi32>
    tpu.vector_store %arg4[%swap3A_97, %swap3A_98, %swap3A_99], %swap3A_102 {strides = array<i32>} : memref<9x512x64xi32, #tpu.memory_space<vmem>>, vector<1x512x64xi32>,
    %get3A_103 = arith.constant 4 : index
    %get3A_104 = arith.constant 0 : index
    %get3A_105 = arith.constant 0 : index
    %get3A_106 = vector.load %arg2[%get3A_103, %get3A_104, %get3A_105] : memref<9x128x128xf32, #tpu.memory_space<vmem>>, vector<1x128x128xf32>
    %get3A_107 = vector.shape_cast %get3A_106 : vector<1x128x128xf32> to vector<128x128xf32>
    %dot_general3A_108 = arith.constant dense<0.000000e+00> : vector<512x128xf32>
    %dot_general3A_109 = tpu.matmul %get3A_1, %get3A_107, %dot_general3A_108 {dimension_numbers = #tpu.dot_dimension_numbers<[1], [0], [0], [1], [0, 0, 1, 1], [], []>, transpose_lhs_hint = false} : vector<512x128xf32>, vector<128x128xf32>, vector<512x128xf32> -> vector<512x128xf32>
    %slice3A_110 = vector.extract_strided_slice %dot_general3A_109 {offsets = [0, 0], sizes = [512, 64], strides = [1, 1]} : vector<512x128xf32> to vector<512x64xf32>
    %convert_element_type3A_111 = arith.truncf %slice3A_110 : vector<512x64xf32> to vector<512x64xbf16>
    %bitcast_convert_type3A_112 = tpu.bitcast %convert_element_type3A_111 : vector<512x64xbf16> -> vector<512x64xi16>
    %slice3A_113 = vector.extract_strided_slice %dot_general3A_109 {offsets = [0, 64], sizes = [512, 64], strides = [1, 1]} : vector<512x128xf32> to vector<512x64xf32>
    %convert_element_type3A_114 = arith.truncf %slice3A_113 : vector<512x64xf32> to vector<512x64xbf16>
    %bitcast_convert_type3A_115 = tpu.bitcast %convert_element_type3A_114 : vector<512x64xbf16> -> vector<512x64xi16>
    %convert_element_type3A_116 = arith.extui %bitcast_convert_type3A_112 : vector<512x64xi16> to vector<512x64xi32>
    %convert_element_type3A_117 = arith.extui %bitcast_convert_type3A_115 : vector<512x64xi16> to vector<512x64xi32>
    %shift_left3A_118 = arith.constant 16 : i32
    %shift_left3A_119 = vector.broadcast %shift_left3A_118 : i32 to vector<512x64xi32>
    %shift_left3A_120 = arith.shli %convert_element_type3A_117, %shift_left3A_119 : vector<512x64xi32>
    %or3A_121 = arith.ori %convert_element_type3A_116, %shift_left3A_120 : vector<512x64xi32>
    %bitcast_convert_type3A_122 = tpu.bitcast %or3A_121 : vector<512x64xi32> -> vector<512x64xi32>
    %swap3A_123 = arith.constant 4 : index
    %swap3A_124 = arith.constant 0 : index
    %swap3A_125 = arith.constant 0 : index
    %swap3A_126 = vector.load %arg4[%swap3A_123, %swap3A_124, %swap3A_125] : memref<9x512x64xi32, #tpu.memory_space<vmem>>, vector<1x512x64xi32>
    %swap3A_127 = vector.shape_cast %swap3A_126 : vector<1x512x64xi32> to vector<512x64xi32>
    %swap3A_128 = vector.shape_cast %bitcast_convert_type3A_122 : vector<512x64xi32> to vector<1x512x64xi32>
    tpu.vector_store %arg4[%swap3A_123, %swap3A_124, %swap3A_125], %swap3A_128 {strides = array<i32>} : memref<9x512x64xi32, #tpu.memory_space<vmem>>, vector<1x512x64xi32>,
    %get3A_129 = arith.constant 5 : index
    %get3A_130 = arith.constant 0 : index
    %get3A_131 = arith.constant 0 : index
    %get3A_132 = vector.load %arg2[%get3A_129, %get3A_130, %get3A_131] : memref<9x128x128xf32, #tpu.memory_space<vmem>>, vector<1x128x128xf32>
    %get3A_133 = vector.shape_cast %get3A_132 : vector<1x128x128xf32> to vector<128x128xf32>
    %dot_general3A_134 = arith.constant dense<0.000000e+00> : vector<512x128xf32>
    %dot_general3A_135 = tpu.matmul %get3A_1, %get3A_133, %dot_general3A_134 {dimension_numbers = #tpu.dot_dimension_numbers<[1], [0], [0], [1], [0, 0, 1, 1], [], []>, transpose_lhs_hint = false} : vector<512x128xf32>, vector<128x128xf32>, vector<512x128xf32> -> vector<512x128xf32>
    %slice3A_136 = vector.extract_strided_slice %dot_general3A_135 {offsets = [0, 0], sizes = [512, 64], strides = [1, 1]} : vector<512x128xf32> to vector<512x64xf32>
    %convert_element_type3A_137 = arith.truncf %slice3A_136 : vector<512x64xf32> to vector<512x64xbf16>
    %bitcast_convert_type3A_138 = tpu.bitcast %convert_element_type3A_137 : vector<512x64xbf16> -> vector<512x64xi16>
    %slice3A_139 = vector.extract_strided_slice %dot_general3A_135 {offsets = [0, 64], sizes = [512, 64], strides = [1, 1]} : vector<512x128xf32> to vector<512x64xf32>
    %convert_element_type3A_140 = arith.truncf %slice3A_139 : vector<512x64xf32> to vector<512x64xbf16>
    %bitcast_convert_type3A_141 = tpu.bitcast %convert_element_type3A_140 : vector<512x64xbf16> -> vector<512x64xi16>
    %convert_element_type3A_142 = arith.extui %bitcast_convert_type3A_138 : vector<512x64xi16> to vector<512x64xi32>
    %convert_element_type3A_143 = arith.extui %bitcast_convert_type3A_141 : vector<512x64xi16> to vector<512x64xi32>
    %shift_left3A_144 = arith.constant 16 : i32
    %shift_left3A_145 = vector.broadcast %shift_left3A_144 : i32 to vector<512x64xi32>
    %shift_left3A_146 = arith.shli %convert_element_type3A_143, %shift_left3A_145 : vector<512x64xi32>
    %or3A_147 = arith.ori %convert_element_type3A_142, %shift_left3A_146 : vector<512x64xi32>
    %bitcast_convert_type3A_148 = tpu.bitcast %or3A_147 : vector<512x64xi32> -> vector<512x64xi32>
    %swap3A_149 = arith.constant 5 : index
    %swap3A_150 = arith.constant 0 : index
    %swap3A_151 = arith.constant 0 : index
    %swap3A_152 = vector.load %arg4[%swap3A_149, %swap3A_150, %swap3A_151] : memref<9x512x64xi32, #tpu.memory_space<vmem>>, vector<1x512x64xi32>
    %swap3A_153 = vector.shape_cast %swap3A_152 : vector<1x512x64xi32> to vector<512x64xi32>
    %swap3A_154 = vector.shape_cast %bitcast_convert_type3A_148 : vector<512x64xi32> to vector<1x512x64xi32>
    tpu.vector_store %arg4[%swap3A_149, %swap3A_150, %swap3A_151], %swap3A_154 {strides = array<i32>} : memref<9x512x64xi32, #tpu.memory_space<vmem>>, vector<1x512x64xi32>,
    %get3A_155 = arith.constant 6 : index
    %get3A_156 = arith.constant 0 : index
    %get3A_157 = arith.constant 0 : index
    %get3A_158 = vector.load %arg2[%get3A_155, %get3A_156, %get3A_157] : memref<9x128x128xf32, #tpu.memory_space<vmem>>, vector<1x128x128xf32>
    %get3A_159 = vector.shape_cast %get3A_158 : vector<1x128x128xf32> to vector<128x128xf32>
    %dot_general3A_160 = arith.constant dense<0.000000e+00> : vector<512x128xf32>
    %dot_general3A_161 = tpu.matmul %get3A_1, %get3A_159, %dot_general3A_160 {dimension_numbers = #tpu.dot_dimension_numbers<[1], [0], [0], [1], [0, 0, 1, 1], [], []>, transpose_lhs_hint = false} : vector<512x128xf32>, vector<128x128xf32>, vector<512x128xf32> -> vector<512x128xf32>
    %slice3A_162 = vector.extract_strided_slice %dot_general3A_161 {offsets = [0, 0], sizes = [512, 64], strides = [1, 1]} : vector<512x128xf32> to vector<512x64xf32>
    %convert_element_type3A_163 = arith.truncf %slice3A_162 : vector<512x64xf32> to vector<512x64xbf16>
    %bitcast_convert_type3A_164 = tpu.bitcast %convert_element_type3A_163 : vector<512x64xbf16> -> vector<512x64xi16>
    %slice3A_165 = vector.extract_strided_slice %dot_general3A_161 {offsets = [0, 64], sizes = [512, 64], strides = [1, 1]} : vector<512x128xf32> to vector<512x64xf32>
    %convert_element_type3A_166 = arith.truncf %slice3A_165 : vector<512x64xf32> to vector<512x64xbf16>
    %bitcast_convert_type3A_167 = tpu.bitcast %convert_element_type3A_166 : vector<512x64xbf16> -> vector<512x64xi16>
    %convert_element_type3A_168 = arith.extui %bitcast_convert_type3A_164 : vector<512x64xi16> to vector<512x64xi32>
    %convert_element_type3A_169 = arith.extui %bitcast_convert_type3A_167 : vector<512x64xi16> to vector<512x64xi32>
    %shift_left3A_170 = arith.constant 16 : i32
    %shift_left3A_171 = vector.broadcast %shift_left3A_170 : i32 to vector<512x64xi32>
    %shift_left3A_172 = arith.shli %convert_element_type3A_169, %shift_left3A_171 : vector<512x64xi32>
    %or3A_173 = arith.ori %convert_element_type3A_168, %shift_left3A_172 : vector<512x64xi32>
    %bitcast_convert_type3A_174 = tpu.bitcast %or3A_173 : vector<512x64xi32> -> vector<512x64xi32>
    %swap3A_175 = arith.constant 6 : index
    %swap3A_176 = arith.constant 0 : index
    %swap3A_177 = arith.constant 0 : index
    %swap3A_178 = vector.load %arg4[%swap3A_175, %swap3A_176, %swap3A_177] : memref<9x512x64xi32, #tpu.memory_space<vmem>>, vector<1x512x64xi32>
    %swap3A_179 = vector.shape_cast %swap3A_178 : vector<1x512x64xi32> to vector<512x64xi32>
    %swap3A_180 = vector.shape_cast %bitcast_convert_type3A_174 : vector<512x64xi32> to vector<1x512x64xi32>
    tpu.vector_store %arg4[%swap3A_175, %swap3A_176, %swap3A_177], %swap3A_180 {strides = array<i32>} : memref<9x512x64xi32, #tpu.memory_space<vmem>>, vector<1x512x64xi32>,
    %get3A_181 = arith.constant 7 : index
    %get3A_182 = arith.constant 0 : index
    %get3A_183 = arith.constant 0 : index
    %get3A_184 = vector.load %arg2[%get3A_181, %get3A_182, %get3A_183] : memref<9x128x128xf32, #tpu.memory_space<vmem>>, vector<1x128x128xf32>
    %get3A_185 = vector.shape_cast %get3A_184 : vector<1x128x128xf32> to vector<128x128xf32>
    %dot_general3A_186 = arith.constant dense<0.000000e+00> : vector<512x128xf32>
    %dot_general3A_187 = tpu.matmul %get3A_1, %get3A_185, %dot_general3A_186 {dimension_numbers = #tpu.dot_dimension_numbers<[1], [0], [0], [1], [0, 0, 1, 1], [], []>, transpose_lhs_hint = false} : vector<512x128xf32>, vector<128x128xf32>, vector<512x128xf32> -> vector<512x128xf32>
    %slice3A_188 = vector.extract_strided_slice %dot_general3A_187 {offsets = [0, 0], sizes = [512, 64], strides = [1, 1]} : vector<512x128xf32> to vector<512x64xf32>
    %convert_element_type3A_189 = arith.truncf %slice3A_188 : vector<512x64xf32> to vector<512x64xbf16>
    %bitcast_convert_type3A_190 = tpu.bitcast %convert_element_type3A_189 : vector<512x64xbf16> -> vector<512x64xi16>
    %slice3A_191 = vector.extract_strided_slice %dot_general3A_187 {offsets = [0, 64], sizes = [512, 64], strides = [1, 1]} : vector<512x128xf32> to vector<512x64xf32>
    %convert_element_type3A_192 = arith.truncf %slice3A_191 : vector<512x64xf32> to vector<512x64xbf16>
    %bitcast_convert_type3A_193 = tpu.bitcast %convert_element_type3A_192 : vector<512x64xbf16> -> vector<512x64xi16>
    %convert_element_type3A_194 = arith.extui %bitcast_convert_type3A_190 : vector<512x64xi16> to vector<512x64xi32>
    %convert_element_type3A_195 = arith.extui %bitcast_convert_type3A_193 : vector<512x64xi16> to vector<512x64xi32>
    %shift_left3A_196 = arith.constant 16 : i32
    %shift_left3A_197 = vector.broadcast %shift_left3A_196 : i32 to vector<512x64xi32>
    %shift_left3A_198 = arith.shli %convert_element_type3A_195, %shift_left3A_197 : vector<512x64xi32>
    %or3A_199 = arith.ori %convert_element_type3A_194, %shift_left3A_198 : vector<512x64xi32>
    %bitcast_convert_type3A_200 = tpu.bitcast %or3A_199 : vector<512x64xi32> -> vector<512x64xi32>
    %swap3A_201 = arith.constant 7 : index
    %swap3A_202 = arith.constant 0 : index
    %swap3A_203 = arith.constant 0 : index
    %swap3A_204 = vector.load %arg4[%swap3A_201, %swap3A_202, %swap3A_203] : memref<9x512x64xi32, #tpu.memory_space<vmem>>, vector<1x512x64xi32>
    %swap3A_205 = vector.shape_cast %swap3A_204 : vector<1x512x64xi32> to vector<512x64xi32>
    %swap3A_206 = vector.shape_cast %bitcast_convert_type3A_200 : vector<512x64xi32> to vector<1x512x64xi32>
    tpu.vector_store %arg4[%swap3A_201, %swap3A_202, %swap3A_203], %swap3A_206 {strides = array<i32>} : memref<9x512x64xi32, #tpu.memory_space<vmem>>, vector<1x512x64xi32>,
    %get3A_207 = arith.constant 8 : index
    %get3A_208 = arith.constant 0 : index
    %get3A_209 = arith.constant 0 : index
    %get3A_210 = vector.load %arg2[%get3A_207, %get3A_208, %get3A_209] : memref<9x128x128xf32, #tpu.memory_space<vmem>>, vector<1x128x128xf32>
    %get3A_211 = vector.shape_cast %get3A_210 : vector<1x128x128xf32> to vector<128x128xf32>
    %dot_general3A_212 = arith.constant dense<0.000000e+00> : vector<512x128xf32>
    %dot_general3A_213 = tpu.matmul %get3A_1, %get3A_211, %dot_general3A_212 {dimension_numbers = #tpu.dot_dimension_numbers<[1], [0], [0], [1], [0, 0, 1, 1], [], []>, transpose_lhs_hint = false} : vector<512x128xf32>, vector<128x128xf32>, vector<512x128xf32> -> vector<512x128xf32>
    %slice3A_214 = vector.extract_strided_slice %dot_general3A_213 {offsets = [0, 0], sizes = [512, 64], strides = [1, 1]} : vector<512x128xf32> to vector<512x64xf32>
    %convert_element_type3A_215 = arith.truncf %slice3A_214 : vector<512x64xf32> to vector<512x64xbf16>
    %bitcast_convert_type3A_216 = tpu.bitcast %convert_element_type3A_215 : vector<512x64xbf16> -> vector<512x64xi16>
    %slice3A_217 = vector.extract_strided_slice %dot_general3A_213 {offsets = [0, 64], sizes = [512, 64], strides = [1, 1]} : vector<512x128xf32> to vector<512x64xf32>
    %convert_element_type3A_218 = arith.truncf %slice3A_217 : vector<512x64xf32> to vector<512x64xbf16>
    %bitcast_convert_type3A_219 = tpu.bitcast %convert_element_type3A_218 : vector<512x64xbf16> -> vector<512x64xi16>
    %convert_element_type3A_220 = arith.extui %bitcast_convert_type3A_216 : vector<512x64xi16> to vector<512x64xi32>
    %convert_element_type3A_221 = arith.extui %bitcast_convert_type3A_219 : vector<512x64xi16> to vector<512x64xi32>
    %shift_left3A_222 = arith.constant 16 : i32
    %shift_left3A_223 = vector.broadcast %shift_left3A_222 : i32 to vector<512x64xi32>
    %shift_left3A_224 = arith.shli %convert_element_type3A_221, %shift_left3A_223 : vector<512x64xi32>
    %or3A_225 = arith.ori %convert_element_type3A_220, %shift_left3A_224 : vector<512x64xi32>
    %bitcast_convert_type3A_226 = tpu.bitcast %or3A_225 : vector<512x64xi32> -> vector<512x64xi32>
    %swap3A_227 = arith.constant 8 : index
    %swap3A_228 = arith.constant 0 : index
    %swap3A_229 = arith.constant 0 : index
    %swap3A_230 = vector.load %arg4[%swap3A_227, %swap3A_228, %swap3A_229] : memref<9x512x64xi32, #tpu.memory_space<vmem>>, vector<1x512x64xi32>
    %swap3A_231 = vector.shape_cast %swap3A_230 : vector<1x512x64xi32> to vector<512x64xi32>
    %swap3A_232 = vector.shape_cast %bitcast_convert_type3A_226 : vector<512x64xi32> to vector<1x512x64xi32>
    tpu.vector_store %arg4[%swap3A_227, %swap3A_228, %swap3A_229], %swap3A_232 {strides = array<i32>} : memref<9x512x64xi32, #tpu.memory_space<vmem>>, vector<1x512x64xi32>,
    return
  }
  func.func @transform_0(%arg0: i32) -> (i32, i32) {
    %c0_i32 = arith.constant 0 : i32
    %c0_i32_0 = arith.constant 0 : i32
    return %arg0, %c0_i32 : i32, i32
  }
  func.func @transform_1(%arg0: i32) -> (i32, i32, i32) {
    %c0_i32 = arith.constant 0 : i32
    %c0_i32_0 = arith.constant 0 : i32
    %c0_i32_1 = arith.constant 0 : i32
    %c0_i32_2 = arith.constant 0 : i32
    return %c0_i32, %c0_i32_0, %c0_i32_1 : i32, i32, i32
  }
  func.func @transform_2(%arg0: i32) -> (i32, i32) {
    %c0_i32 = arith.constant 0 : i32
    %c0_i32_0 = arith.constant 0 : i32
    %c0_i32_1 = arith.constant 0 : i32
    return %c0_i32, %c0_i32_0 : i32, i32
  }
  func.func @transform_3(%arg0: i32) -> (i32, i32, i32) {
    %c0_i32 = arith.constant 0 : i32
    %c0_i32_0 = arith.constant 0 : i32
    %c0_i32_1 = arith.constant 0 : i32
    return %c0_i32, %arg0, %c0_i32_0 : i32, i32, i32
  }
}

</mosaic_0001>

<sc_bundles>
// kernel: kernel.4.cloned.1.call-start
scs
__scs_entry_jumppad:
0x0: {  	(pc) =	sbr.rel $0x88, $3  }
0x1: {  	(tag) =	ssettag $0x0;
	lr =	simm.s32 $0x1  }
0x2: {  	[smem:$0x3F9D] =	sst lr;
	_ =	strace $0xD0000000  }
0x3: {  	_ = 	snop  }
0x4: {  	_ = 	snop  }
0x5: {  	_ = 	snop  }
0x6: {  	_ = 	snop  }
0x7: {  	_ = 	snop  }
__scs_overlays_trampoline_lowered:
0x8: {  	[smem:$0x3FAC] =	sst s0  }
0x9: {  	[smem:$0x3FAD] =	sst s1  }
0xa: {  	[smem:$0x3FAE] =	sst s2  }
0xb: {  	[smem:$0x3FAF] =	sst s3  }
0xc: {  	[smem:$0x3FB0] =	sst s4  }
0xd: {  	[smem:$0x3FB1] =	sst s5  }
0xe: {  	[smem:$0x3FB2] =	sst s6  }
0xf: {  	[smem:$0x3FB3] =	sst s7  }
0x10: {  	[smem:$0x3FB4] =	sst s8  }
0x11: {  	[smem:$0x3FB5] =	sst s9;
	s0 =	simm.s32 @!p0 $0x0  }
0x12: {  	s1 =	sld [smem:$0x3F9B];
	s0 =	simm.s32 @p0 $0x1  }
0x13: {  	[smem:$0x3FB6] =	sst s0;
	s0 =	simm.s32 @!p1 $0x0  }
0x14: {  	s2 =	sld [smem:$0x3F9A];
	s0 =	simm.s32 @p1 $0x1  }
0x15: {  	[smem:$0x3FB7] =	sst s0;
	s0 =	simm.s32 @!p2 $0x0  }
0x16: {  	s3 =	sld [smem:$0x3FDB];
	s0 =	simm.s32 @p2 $0x1  }
0x17: {  	s4 =	simm.s32 $0x1BF5;
	[smem:$0x3FB9] =	sst s0  }
0x18: {  	s0 =	sld [smem:$0x3F9C];
	_ =	swait.ge [sflag:s4], $0x0  }
0x19: {  	s7 =	sld [smem:$0x3F9D]  }
0x1a: {  	s8 =	sadd.s32 $0xFFFFE003, lr  }
0x1b: {  	s9 =	sadd.s32 $0xFFFFFEF7, lr;
	s5 =	simm.s32 $0xFFFFFFFF;
	p2 =	slt.u32 s8, $0xFFFFF086  }
0x1c: {  	p1 =	slt.u32 s9, $0xF7A;
	s5 =	simm.s32 @!p2 $0x0  }
0x1d: {  	s5 =	simm.s32 @p1 $0x1;
	p0 =	seq.s32 s7, s2  }
0x1e: {  	s7 =	smul.u32 @!p0 $0xF7A, s2;
	p2 =	seq.s32 @!p0 s5, $0x0  }
0x1f: {  	s9 =	smul.u32 $0xF7A, s1;
	s8 =	simm.s32 @!p0 $0x1BF5;
	p2 =	por !p2, p0  }
0x20: {  	[sflag:s8] =	ssyncset.s32 @!p0 $0xFFFFF086;
	s6 =	sadd.s32 @!p0 s3, s7;
	s7 =	simm.s32 @!p0 $0x108  }
0x21: {  	s3 =	sadd.s32 s3, s9;
	s6 =	sadd.s32 @!p0 $0x88, s6;
	s7 =	simm.s32 @p2 $0x1082  }
0x22: {  	[simem:s7], [sflag:s8] =	dma.local @!p0 [hbm:s6], $0xF7A  }
0x23: {  	s9 =	sor.u32 $0xD0000000, s2;
	s6 =	simm.s32 $0x108;
	_ =	swait.ge @!p0 [sflag:s8], $0x0  }
0x24: {  	s3 =	sadd.s32 $0x88, s3;
	s6 =	simm.s32 @!p1 $0x1082;
	[sflag:s4] =	ssyncset.s32 $0xFFFFF086  }
0x25: {  	[simem:s6], [sflag:s4] =	dma.local [hbm:s3], $0xF7A  }
0x26: {  	[smem:$0x3F9D] =	sst s1;
	(tag) =	ssettag s2;
	_ =	strace s9  }
0x27: {  	s1 =	sld [smem:$0x3FAD]  }
0x28: {  	s2 =	sld [smem:$0x3FAE]  }
0x29: {  	s4 =	sld [smem:$0x3FB0]  }
0x2a: {  	p0 =	seq.s32 s5, $0x0;
	s5 =	sld [smem:$0x3FB1]  }
0x2b: {  	s6 =	sld [smem:$0x3FB2]  }
0x2c: {  	s7 =	sld [smem:$0x3FB3]  }
0x2d: {  	s3 =	simm.s32 $0x108;
	s8 =	sld [smem:$0x3FB4]  }
0x2e: {  	s3 =	simm.s32 @!p0 $0x1082;
	s9 =	sld [smem:$0x3FB5]  }
0x2f: {  	lr =	sadd.s32 s0, s3;
	s0 =	sld [smem:$0x3FAC]  }
0x30: {  	s3 =	sld [smem:$0x3FAF]  }
0x31: {  	[smem:$0x3FB8] =	sst s10  }
0x32: {  	s10 =	sld [smem:$0x3FB6];
	_ =	sdelay $0x3  }
0x33: {  	p0 =	seq.s32 s10, $0x1;
	s10 =	sld [smem:$0x3FB8];
	_ =	sdelay $0x3  }
0x34: {  	[smem:$0x3FB8] =	sst s10  }
0x35: {  	s10 =	sld [smem:$0x3FB7];
	_ =	sdelay $0x3  }
0x36: {  	p1 =	seq.s32 s10, $0x1;
	s10 =	sld [smem:$0x3FB8];
	_ =	sdelay $0x3  }
0x37: {  	[smem:$0x3FB8] =	sst s10  }
0x38: {  	s10 =	sld [smem:$0x3FB9]  }
0x39: {  	_ = 	snop;
	(pc) =	sbr.ind lr, $3  }
0x3a: {  	_ = 	snop  }
0x3b: {  	_ = 	snop  }
0x3c: {  	p2 =	seq.s32 s10, $0x1;
	s10 =	sld [smem:$0x3FB8]  }
0x3d: {  	_ =	shalt  }
0x3e: {  	_ =	shalt  }
0x3f: {  	_ =	shalt  }
0x40: {  	_ =	shalt  }
0x41: {  	_ =	shalt  }
0x42: {  	_ =	shalt  }
0x43: {  	_ =	shalt  }
0x44: {  	_ =	shalt  }
0x45: {  	_ =	shalt  }
0x46: {  	_ =	shalt  }
0x47: {  	_ =	shalt  }
0x48: {  	_ =	shalt  }
0x49: {  	_ =	shalt  }
0x4a: {  	_ =	shalt  }
0x4b: {  	_ =	shalt  }
0x4c: {  	_ =	shalt  }
0x4d: {  	_ =	shalt  }
0x4e: {  	_ =	shalt  }
0x4f: {  	_ =	shalt  }
0x50: {  	_ =	shalt  }
0x51: {  	_ =	shalt  }
0x52: {  	_ =	shalt  }
0x53: {  	_ =	shalt  }
0x54: {  	_ =	shalt  }
0x55: {  	_ =	shalt  }
0x56: {  	_ =	shalt  }
0x57: {  	_ =	shalt  }
0x58: {  	_ =	shalt  }
0x59: {  	_ =	shalt  }
0x5a: {  	_ =	shalt  }
0x5b: {  	_ =	shalt  }
0x5c: {  	_ =	shalt  }
0x5d: {  	_ =	shalt  }
0x5e: {  	_ =	shalt  }
0x5f: {  	_ =	shalt  }
0x60: {  	_ =	shalt  }
0x61: {  	_ =	shalt  }
0x62: {  	_ =	shalt  }
0x63: {  	_ =	shalt  }
0x64: {  	_ =	shalt  }
0x65: {  	_ =	shalt  }
0x66: {  	_ =	shalt  }
0x67: {  	_ =	shalt  }
0x68: {  	_ =	shalt  }
0x69: {  	_ =	shalt  }
0x6a: {  	_ =	shalt  }
0x6b: {  	_ =	shalt  }
0x6c: {  	_ =	shalt  }
0x6d: {  	_ =	shalt  }
0x6e: {  	_ =	shalt  }
0x6f: {  	_ =	shalt  }
0x70: {  	_ =	shalt  }
0x71: {  	_ =	shalt  }
0x72: {  	_ =	shalt  }
0x73: {  	_ =	shalt  }
0x74: {  	_ =	shalt  }
0x75: {  	_ =	shalt  }
0x76: {  	_ =	shalt  }
0x77: {  	_ =	shalt  }
0x78: {  	_ =	shalt  }
0x79: {  	_ =	shalt  }
0x7a: {  	_ =	shalt  }
0x7b: {  	_ =	shalt  }
0x7c: {  	_ =	shalt  }
0x7d: {  	_ =	shalt  }
0x7e: {  	_ =	shalt  }
0x7f: {  	_ =	shalt  }
0x80: {  	_ =	shalt  }
0x81: {  	_ =	shalt  }
0x82: {  	_ =	shalt  }
0x83: {  	_ =	shalt  }
0x84: {  	_ =	shalt  }
0x85: {  	_ =	shalt  }
0x86: {  	_ =	shalt  }
0x87: {  	_ =	shalt  }
.Lfunc_end0:
.L_simem_size_0:
called_computation_lowered:
.L_overlay_start_0:
0x88: {  	s2 =	sld [smem:$0x3FD9]  }
0x89: {  	s3 =	sld [smem:$0x3FFE];
	_ =	sdelay $0x1  }
0x8a: {  	s1 =	srdreg.scid  }
0x8b: {  	s0 =	sand.u32 $0x1, s1  }
0x8c: {  	s17 =	sshll.u32 s0, $0xA;
	s2 =	sadd.s32 s3, s2  }
0x8d: {  	s2 =	sadd.s32 s2, s17  }
0x8e: {  	[smem:$0x3FC4] =	sst s2  }
0x8f: {  	_ = 	snop  }
0x90: {  	s2 =	sld [smem:$0x3FD0];
	(tm) =	ssettm $0x1  }
0x91: {  	s18 =	sld [smem:$0x3FFB];
	_ =	sdelay $0x3  }
0x92: {  	_ =	strace s18  }
0x93: {  	s3 =	sld [smem:$0x3FFC];
	_ =	sdelay $0x3  }
0x94: {  	_ =	strace s3  }
0x95: {  	s3 =	sld [smem:$0x3FFD];
	_ =	sdelay $0x3  }
0x96: {  	_ =	strace s3  }
0x97: {  	_ =	strace $0x8FFFFFFF  }
0x98: {  	s19 =	sld [smem:$0x3FDB];
	_ =	sdelay $0x1  }
0x99: {  	s4 =	simm.s32 $_scs_section_size  }
0x9a: {  	s5 =	simm.s32 $_size__tile_overlayer_lowered;
	s6 =	simm.s32 $_tile_overlayer_lowered  }
0x9b: {  	s22 =	simm.s32 $0x1BFF;
	s21 =	sshll.u32 s6, $0x1;
	s3 =	sadd.s32 s4, s19  }
0x9c: {  	s7 =	simm.s32 $0x0;
	s20 =	sshll.u32 s5, $0x1;
	s5 =	sadd.s32 s21, s3  }
0x9d: {  	[timem:s7], [sflag:s22] =	dma.local [hbm:s5], s20  }
0x9e: {  	_ =	swait.ge [sflag:s22], s20  }
0x9f: {  	s4 =	ssub.s32 $0x0, s20;
	[sflag:s22] =	ssyncset.done $0x0  }
0xa0: {  	[sflag:s22] =	ssyncadd.s32 s4;
	_ =	sdelay $0x1  }
0xa1: {  	s23 =	simm.s32 $0x1B8B  }
0xa2: {  	_ =	swait.ge [sflag:s23], $0x1  }
0xa3: {  	[sflag:s23] =	ssyncset.done $0x0  }
0xa4: {  	s25 =	simm.s32 $0x1B8E;
	s24 =	sld [smem:$0x3FFE];
	[sflag:s23] =	ssyncadd.s32 $0xFFFFFFFF  }
0xa5: {  	s26 =	simm.s32 $execute0_lowered;
	[smem:$0x3FD2] =	sst s25  }
0xa6: {  	s5 =	sshll.u32 s26, $0x1;
	_ =	strace $0x80000046;
	[dreg:$0x1] =	wrdreg $0xFFFFFFFF  }
0xa7: {  	s28 =	simm.s32 $_size_execute0_lowered;
	s3 =	sadd.s32 s3, s5;
	[dreg:$0x0] =	wrdreg $0x0  }
0xa8: {  	s5 =	sshll.u32 s28, $0x1;
	[dreg:$0x2] =	wrdreg s3  }
0xa9: {  	[dreg:$0x3] =	wrdreg s5  }
0xaa: {  	[dreg:$0x4] =	wrdreg $0xC0  }
0xab: {  	_ =	task [dreg:s7], $0x5FFFF  }
0xac: {  	[dreg:$0x1] =	wrdreg $0xFFFFFFFF  }
0xad: {  	[dreg:$0x0] =	wrdreg $0x60  }
0xae: {  	[dreg:$0x2] =	wrdreg s24  }
0xaf: {  	[dreg:$0x3] =	wrdreg s2  }
0xb0: {  	[dreg:$0x4] =	wrdreg $0x9  }
0xb1: {  	_ =	task.clear_ibuf [dreg:s7], $0x5FFFF;
	_ =	strace $0x90000046  }
0xb2: {  	s29 =	simm.s32 $0x9;
	_ =	strace $0x80000048  }
0xb3: {  	_ =	swait.ge [sflag:s29], $0x1  }
0xb4: {  	[sflag:s29] =	ssyncadd.s32 $0xFFFFFFFF  }
0xb5: {  	_ =	strace $0x90000048  }
0xb6: {  	_ =	sfence  }
0xb7: {  	s30 =	sld [smem:$0x0];
	_ =	sdelay $0x2  }
0xb8: {  	s31 =	sshll.u32 s1, $0xD;
	s1 =	sshrl.u32 s1, $0x2  }
0xb9: {  	s3 =	sand.u32 $0x4000, s31;
	s1 =	sadd.s32 s1, s30  }
0xba: {  	s0 =	sor.u32 s3, s0;
	s1 =	sshll.u32 s1, $0x11  }
0xbb: {  	s0 =	sor.u32 s1, s0  }
0xbc: {  	s0 =	sadd.s32 $0x8F2B, s0  }
0xbd: {  	[sflag:s0] =	ssyncadd.remote.s32 $0x1  }
0xbe: {  	_ =	sfence.sel $0xFFFF  }
0xbf: {  	[dreg:$0x0] =	wrdreg $0xFFFFFFFF;
	(pc) =	sbr.abs _section_cstart, $3  }
0xc0: {  	[dreg:$0x1] =	wrdreg $0xFFFFFFFF  }
0xc1: {  	_ =	task.clear_ibuf [dreg:s7], $0x2FFFF;
	_ =	strace $0x9FFFFFFF  }
0xc2: {  	(tm) =	ssettm $0x7FFFFFFF  }
0xc3: {  	_ =	shalt  }
tec
execute0_lowered:
.L_overlay_start_1:
0x0: {  	(tag) =	ssettag $0x1  }
0x1: {  	s0 =	rddreg [dreg:$0x0]  }
0x2: {  	s2 =	rddreg [dreg:$0x1];
	s3 =	stileid.u32  }
0x3: {  	s1 =	srdreg.scid;
	s16 =	simm.s32 $0x20;
	s17 =	simm.s32 $0x120  }
0x4: {  	s18 =	simm.s32 $0x3;
	s19 =	simm.s32 $0x2;
	s30 =	simm.s32 $0x1C0  }
0x5: {  	s31 =	simm.s32 $0x7240;
	s14 =	simm.s32 $0x220;
	s15 =	simm.s32 $0x8A40  }
0x6: {  	s20 =	simm.s32 $0x9240;
	s21 =	simm.s32 $0x4;
	s22 =	simm.s32 $0xA240  }
0x7: {  	s25 =	simm.s32 $0x0;
	s4 =	smul.u32 $0xA, s3;
	s1 =	sand.u32 $0x1, s1  }
0x8: {  	s5 =	smul.u32 $0x5A, s3;
	s3 =	simm.s32 $0x0;
	p0 =	seq.s32 s1, $0x0  }
0x9: {  	[smem:$0x7FF] =	sst s3;
	s1 =	ssub.s32 $0x2, s1;
	s8 =	sadd.s32 $0x5A0, s4  }
0xa: {  	_ =	strace $0x80000047;
	s6 =	sshrl.u32 s1, $0x1;
	s8 =	smov.u32 @p0 s5  }
0xb: {  	s4 =	sadd.s32 $0x6DE800, s0;
	s5 =	sadd.s32 $0xA00, s0;
	s7 =	smul.u32 $0x120, s8  }
0xc: {  	s26 =	ssub.s32 s1, s6;
	s6 =	simm.s32 $0x2D;
	s28 =	smul.u32 $0x24, s8  }
0xd: {  	s6 =	simm.s32 @!p0 $0x5;
	s11 =	sadd.s32 $0x2, s8;
	s0 =	smax.u32 s26, $0x1  }
0xe: {  	s12 =	sadd.s32 $0x3, s8;
	s10 =	sadd.s32 $0xFFFFFFFF, s6;
	[dreg:$0x5] =	wrdreg s0  }
0xf: {  	s0 =	simm.s32 $0x7A40;
	s9 =	sshrl.u32 s7, $0x3;
	s7 =	sshll.u32 s8, $0xC  }
0x10: {  	s1 =	sadd.s32 s2, s28;
	s8 =	simm.s32 $0x200;
	s9 =	sadd.s32 s2, s9  }
0x11: {  	[dreg:$0x3] =	wrdreg s1;
	s13 =	sor.u32 $0x1000, s7;
	s29 =	sadd.s32 $0x24, s9  }
0x12: {  	s1 =	simm.s32 $0x1E0;
	s9 =	simm.s32 $0x8240;
	[dreg:$0x4] =	wrdreg s29  }
.LBB2_1:
0x13: {  	[dreg:$0x6] =	wrdreg s25  }
0x14: {  	s23 =	rddreg [dreg:$0x3];
	s25 =	simm.s32 $0x1  }
0x15: {  	[tilespmem:s3], [sflag:$0x1] =	stream.linear.gather [hbm4b:s23+s3], $0x120, $0x38;
	[tilespmem:$0xB240] =	vst v63  }
0x16: {  	_ =	swait.ge [sflag:s25], $0x120  }
0x17: {  	[sflag:s25] =	ssyncset.done $0x0  }
0x18: {  	s26 =	simm.s32 $0x240;
	[sflag:s25] =	ssyncadd.s32 $0xFFFFFEE0  }
0x19: {  	[tilespmem:s26], [sflag:$0x3] =	stream.indirect.gather [hbm4b:s4+s16], $0x40, s3, s16, $0xb8;
	[tilespmem:$0xB240] =	vst v63  }
0x1a: {  	s28 =	simm.s32 $0xA40  }
0x1b: {  	[tilespmem:s28], [sflag:$0x3] =	stream.indirect.gather [hbm4b:s4+s16], $0x40, s16, s16, $0xb8;
	[tilespmem:$0xB240] =	vst v63  }
0x1c: {  	s29 =	simm.s32 $0x40;
	s24 =	simm.s32 $0x1240  }
0x1d: {  	[tilespmem:s24], [sflag:$0x3] =	stream.indirect.gather [hbm4b:s4+s16], $0x40, s29, s16, $0xb8;
	[tilespmem:$0xB240] =	vst v63  }
0x1e: {  	s25 =	simm.s32 $0x60;
	s26 =	simm.s32 $0x1A40  }
0x1f: {  	[tilespmem:s26], [sflag:$0x3] =	stream.indirect.gather [hbm4b:s4+s16], $0x40, s25, s16, $0xb8;
	[tilespmem:$0xB240] =	vst v63  }
0x20: {  	s28 =	simm.s32 $0x80;
	s29 =	simm.s32 $0x2240  }
0x21: {  	[tilespmem:s29], [sflag:$0x3] =	stream.indirect.gather [hbm4b:s4+s16], $0x40, s28, s16, $0xb8;
	[tilespmem:$0xB240] =	vst v63  }
0x22: {  	s25 =	simm.s32 $0xA0;
	s26 =	simm.s32 $0x2A40  }
0x23: {  	[tilespmem:s26], [sflag:$0x3] =	stream.indirect.gather [hbm4b:s4+s16], $0x40, s25, s16, $0xb8;
	[tilespmem:$0xB240] =	vst v63  }
0x24: {  	s28 =	simm.s32 $0xC0;
	s29 =	simm.s32 $0x3240  }
0x25: {  	[tilespmem:s29], [sflag:$0x3] =	stream.indirect.gather [hbm4b:s4+s16], $0x40, s28, s16, $0xb8;
	[tilespmem:$0xB240] =	vst v63  }
0x26: {  	s24 =	simm.s32 $0xE0;
	s25 =	simm.s32 $0x3A40  }
0x27: {  	[tilespmem:s25], [sflag:$0x3] =	stream.indirect.gather [hbm4b:s4+s16], $0x40, s24, s16, $0xb8;
	[tilespmem:$0xB240] =	vst v63  }
0x28: {  	s26 =	simm.s32 $0x100;
	s28 =	simm.s32 $0x4240  }
0x29: {  	[tilespmem:s28], [sflag:$0x3] =	stream.indirect.gather [hbm4b:s4+s16], $0x40, s26, s16, $0xb8;
	[tilespmem:$0xB240] =	vst v63  }
0x2a: {  	s23 =	simm.s32 $0x0;
	s29 =	rddreg [dreg:$0x4]  }
0x2b: {  	[tilespmem:s17], [sflag:$0x2] =	stream.linear.gather [hbm4b:s29+s3], $0x120, $0x38;
	[tilespmem:$0xB240] =	vst v63  }
.LBB2_2:
0x2c: {  	p1 =	seq.s32 s23, $0x0  }
0x2d: {  	s24 =	simm.s32 @!p1 $0x5  }
0x2e: {  	_ =	swait.ge @!p1 [sflag:s24], $0x1000  }
0x2f: {  	[sflag:s24] =	ssyncset.done @!p1 $0x0  }
0x30: {  	[sflag:s24] =	ssyncadd.s32 @!p1 $0xFFFFF000  }
0x31: {  	_ =	swait.ge [sflag:s18], $0x800  }
0x32: {  	[sflag:s18] =	ssyncset.done $0x0  }
0x33: {  	[sflag:s18] =	ssyncadd.s32 $0xFFFFF800  }
0x34: {  	_ =	swait.ge [sflag:s18], $0x800  }
0x35: {  	[sflag:s18] =	ssyncset.done $0x0  }
0x36: {  	[sflag:s18] =	ssyncadd.s32 $0xFFFFF800  }
0x37: {  	_ =	swait.ge [sflag:s18], $0x800  }
0x38: {  	[sflag:s18] =	ssyncset.done $0x0  }
0x39: {  	[sflag:s18] =	ssyncadd.s32 $0xFFFFF800  }
0x3a: {  	_ =	swait.ge [sflag:s18], $0x800  }
0x3b: {  	[sflag:s18] =	ssyncset.done $0x0  }
0x3c: {  	[sflag:s18] =	ssyncadd.s32 $0xFFFFF800  }
0x3d: {  	_ =	swait.ge [sflag:s18], $0x800  }
0x3e: {  	[sflag:s18] =	ssyncset.done $0x0  }
0x3f: {  	[sflag:s18] =	ssyncadd.s32 $0xFFFFF800  }
0x40: {  	_ =	swait.ge [sflag:s18], $0x800  }
0x41: {  	[sflag:s18] =	ssyncset.done $0x0  }
0x42: {  	[sflag:s18] =	ssyncadd.s32 $0xFFFFF800  }
0x43: {  	_ =	swait.ge [sflag:s18], $0x800  }
0x44: {  	[sflag:s18] =	ssyncset.done $0x0  }
0x45: {  	[sflag:s18] =	ssyncadd.s32 $0xFFFFF800  }
0x46: {  	_ =	swait.ge [sflag:s18], $0x800  }
0x47: {  	s25 =	sshll.u32 s23, $0x1;
	p0 =	sge.u32 s23, s10;
	[sflag:s18] =	ssyncset.done $0x0  }
0x48: {  	s24 =	sadd.s32 @!p0 s25, s11;
	[sflag:s18] =	ssyncadd.s32 $0xFFFFF800  }
0x49: {  	s24 =	smul.u32 @!p0 $0x24, s24;
	_ =	swait.ge [sflag:s18], $0x800  }
0x4a: {  	[sflag:s18] =	ssyncset.done $0x0  }
0x4b: {  	s26 =	simm.s32 @!p0 $0x0;
	s24 =	sadd.s32 @!p0 s2, s24;
	[sflag:s18] =	ssyncadd.s32 $0xFFFFF800  }
0x4c: {  	[tilespmem:s26], [sflag:$0x1] =	stream.linear.gather @!p0 [hbm4b:s24+s26], $0x120, $0x38;
	[tilespmem:$0xB240] =	vst v63  }
0x4d: {  	_ =	swait.ge [sflag:s19], $0x120  }
0x4e: {  	[sflag:s19] =	ssyncset.done $0x0  }
0x4f: {  	s26 =	simm.s32 $0x4A40;
	[sflag:s19] =	ssyncadd.s32 $0xFFFFFEE0  }
0x50: {  	[tilespmem:s26], [sflag:$0x4] =	stream.indirect.gather [hbm4b:s4+s16], $0x40, s17, s16, $0xb8;
	[tilespmem:$0xB240] =	vst v63  }
0x51: {  	s24 =	simm.s32 $0x140;
	s26 =	simm.s32 $0x5240  }
0x52: {  	[tilespmem:s26], [sflag:$0x4] =	stream.indirect.gather [hbm4b:s4+s16], $0x40, s24, s16, $0xb8;
	[tilespmem:$0xB240] =	vst v63  }
0x53: {  	s24 =	simm.s32 $0x160;
	s26 =	simm.s32 $0x5A40  }
0x54: {  	[tilespmem:s26], [sflag:$0x4] =	stream.indirect.gather [hbm4b:s4+s16], $0x40, s24, s16, $0xb8;
	[tilespmem:$0xB240] =	vst v63  }
0x55: {  	s24 =	simm.s32 $0x180;
	s26 =	simm.s32 $0x6240  }
0x56: {  	[tilespmem:s26], [sflag:$0x4] =	stream.indirect.gather [hbm4b:s4+s16], $0x40, s24, s16, $0xb8;
	[tilespmem:$0xB240] =	vst v63  }
0x57: {  	s24 =	simm.s32 $0x1A0;
	s26 =	simm.s32 $0x6A40  }
0x58: {  	[tilespmem:s26], [sflag:$0x4] =	stream.indirect.gather [hbm4b:s4+s16], $0x40, s24, s16, $0xb8;
	[tilespmem:$0xB240] =	vst v63  }
0x59: {  	_ = 	snop  }
0x5a: {  	[tilespmem:s31], [sflag:$0x4] =	stream.indirect.gather [hbm4b:s4+s16], $0x40, s30, s16, $0xb8;
	[tilespmem:$0xB240] =	vst v63  }
0x5b: {  	_ = 	snop  }
0x5c: {  	[tilespmem:s0], [sflag:$0x4] =	stream.indirect.gather [hbm4b:s4+s16], $0x40, s1, s16, $0xb8;
	[tilespmem:$0xB240] =	vst v63  }
0x5d: {  	_ = 	snop  }
0x5e: {  	[tilespmem:s9], [sflag:$0x4] =	stream.indirect.gather [hbm4b:s4+s16], $0x40, s8, s16, $0xb8;
	[tilespmem:$0xB240] =	vst v63  }
0x5f: {  	s24 =	simm.s32 $0x0  }
0x60: {  	[tilespmem:s15], [sflag:$0x4] =	stream.indirect.gather [hbm4b:s4+s16], $0x40, s14, s16, $0xb8;
	[tilespmem:$0xB240] =	vst v63  }
0x61: {  	v0 =	vld [tilespmem:s24+$0xA40]  }
0x62: {  	v1 =	vld [tilespmem:s24+$0x240];
	_ =	sdelay $0x1  }
0x63: {  	v2 =	vld [tilespmem:s24+$0x1240];
	_ =	sdelay $0x1  }
0x64: {  	v3 =	vld [tilespmem:s24+$0x1A40]  }
0x65: {  	v4 =	vshll.u32 v0, $0x10;
	v5 =	vshll.u32 v1, $0x10  }
0x66: {  	v1 =	vand.u32 $0xFFFF0000, v1;
	v0 =	vand.u32 $0xFFFF0000, v0;
	v4 =	vadd.f32 v4, v5;
	v5 =	vld [tilespmem:s24+$0x2240]  }
0x67: {  	v0 =	vadd.f32 v0, v1;
	v1 =	vshll.u32 v2, $0x10  }
0x68: {  	v2 =	vand.u32 $0xFFFF0000, v2;
	v1 =	vadd.f32 v1, v4;
	v4 =	vld [tilespmem:s24+$0x2A40]  }
0x69: {  	v6 =	vshll.u32 v3, $0x10;
	v0 =	vadd.f32 v2, v0  }
0x6a: {  	v2 =	vand.u32 $0xFFFF0000, v3;
	v3 =	vld [tilespmem:s24+$0x3240];
	v1 =	vadd.f32 v6, v1  }
0x6b: {  	v0 =	vadd.f32 v2, v0;
	v2 =	vshll.u32 v5, $0x10  }
0x6c: {  	v1 =	vadd.f32 v2, v1;
	v2 =	vand.u32 $0xFFFF0000, v5;
	v5 =	vld [tilespmem:s24+$0x3A40]  }
0x6d: {  	v0 =	vadd.f32 v2, v0;
	v2 =	vshll.u32 v4, $0x10  }
0x6e: {  	v1 =	vadd.f32 v2, v1;
	v2 =	vand.u32 $0xFFFF0000, v4;
	v4 =	vld [tilespmem:s24+$0x4240]  }
0x6f: {  	v0 =	vadd.f32 v2, v0;
	v2 =	vshll.u32 v3, $0x10  }
0x70: {  	v1 =	vadd.f32 v2, v1;
	v2 =	vand.u32 $0xFFFF0000, v3  }
0x71: {  	v0 =	vadd.f32 v2, v0;
	v2 =	vshll.u32 v5, $0x10  }
0x72: {  	v1 =	vadd.f32 v2, v1;
	v2 =	vand.u32 $0xFFFF0000, v5  }
0x73: {  	v0 =	vadd.f32 v2, v0;
	v2 =	vshll.u32 v4, $0x10  }
0x74: {  	v1 =	vadd.f32 v2, v1;
	v2 =	vand.u32 $0xFFFF0000, v4  }
0x75: {  	s26 =	simm.s32 $0x9280;
	v0 =	vadd.f32 v2, v0  }
0x76: {  	[tilespmem:s26+$0xFFFFFFC0] =	vst v1  }
0x77: {  	[tilespmem:s26+$0x0] =	vst v0  }
0x78: {  	v0 =	vld [tilespmem:s24+$0x250]  }
0x79: {  	v1 =	vld [tilespmem:s24+$0xA50];
	_ =	sdelay $0x1  }
0x7a: {  	v2 =	vld [tilespmem:s24+$0x1250];
	_ =	sdelay $0x1  }
0x7b: {  	v3 =	vld [tilespmem:s24+$0x1A50]  }
0x7c: {  	v4 =	vshll.u32 v0, $0x10;
	v5 =	vshll.u32 v1, $0x10  }
0x7d: {  	v0 =	vand.u32 $0xFFFF0000, v0;
	v1 =	vand.u32 $0xFFFF0000, v1;
	v4 =	vadd.f32 v5, v4;
	v5 =	vld [tilespmem:s24+$0x2250]  }
0x7e: {  	v0 =	vadd.f32 v1, v0;
	v1 =	vshll.u32 v2, $0x10  }
0x7f: {  	v2 =	vand.u32 $0xFFFF0000, v2;
	v1 =	vadd.f32 v1, v4;
	v4 =	vld [tilespmem:s24+$0x2A50]  }
0x80: {  	v0 =	vadd.f32 v2, v0;
	v2 =	vshll.u32 v3, $0x10  }
0x81: {  	v3 =	vand.u32 $0xFFFF0000, v3;
	v1 =	vadd.f32 v2, v1;
	v2 =	vld [tilespmem:s24+$0x3250]  }
0x82: {  	v0 =	vadd.f32 v3, v0;
	v3 =	vshll.u32 v5, $0x10  }
0x83: {  	v5 =	vand.u32 $0xFFFF0000, v5;
	v1 =	vadd.f32 v3, v1;
	v3 =	vld [tilespmem:s24+$0x3A50]  }
0x84: {  	v0 =	vadd.f32 v5, v0;
	v5 =	vshll.u32 v4, $0x10  }
0x85: {  	v4 =	vand.u32 $0xFFFF0000, v4;
	v1 =	vadd.f32 v5, v1;
	v5 =	vld [tilespmem:s24+$0x4250]  }
0x86: {  	v0 =	vadd.f32 v4, v0;
	v4 =	vshll.u32 v2, $0x10  }
0x87: {  	v2 =	vand.u32 $0xFFFF0000, v2;
	v1 =	vadd.f32 v4, v1  }
0x88: {  	v0 =	vadd.f32 v2, v0;
	v2 =	vshll.u32 v3, $0x10  }
0x89: {  	v3 =	vand.u32 $0xFFFF0000, v3;
	v1 =	vadd.f32 v2, v1  }
0x8a: {  	v0 =	vadd.f32 v3, v0;
	v2 =	vshll.u32 v5, $0x10  }
0x8b: {  	v3 =	vand.u32 $0xFFFF0000, v5;
	v1 =	vadd.f32 v2, v1  }
0x8c: {  	v0 =	vadd.f32 v3, v0  }
0x8d: {  	[tilespmem:s26+$0xFFFFFFD0] =	vst v1  }
0x8e: {  	[tilespmem:s26+$0x10] =	vst v0  }
0x8f: {  	v0 =	vld [tilespmem:s24+$0x260]  }
0x90: {  	v1 =	vld [tilespmem:s24+$0xA60];
	_ =	sdelay $0x1  }
0x91: {  	v2 =	vld [tilespmem:s24+$0x1260];
	_ =	sdelay $0x1  }
0x92: {  	v3 =	vld [tilespmem:s24+$0x1A60]  }
0x93: {  	v4 =	vshll.u32 v0, $0x10;
	v5 =	vshll.u32 v1, $0x10  }
0x94: {  	v6 =	vld [tilespmem:s24+$0x2260];
	v0 =	vand.u32 $0xFFFF0000, v0;
	v1 =	vand.u32 $0xFFFF0000, v1;
	v4 =	vadd.f32 v5, v4  }
0x95: {  	v0 =	vadd.f32 v1, v0;
	v1 =	vshll.u32 v2, $0x10  }
0x96: {  	v2 =	vand.u32 $0xFFFF0000, v2;
	v1 =	vadd.f32 v1, v4;
	v4 =	vld [tilespmem:s24+$0x2A60]  }
0x97: {  	v0 =	vadd.f32 v2, v0;
	v2 =	vshll.u32 v3, $0x10  }
0x98: {  	v5 =	vld [tilespmem:s24+$0x3260];
	v3 =	vand.u32 $0xFFFF0000, v3;
	v1 =	vadd.f32 v2, v1  }
0x99: {  	v0 =	vadd.f32 v3, v0;
	v2 =	vshll.u32 v6, $0x10  }
0x9a: {  	v3 =	vld [tilespmem:s24+$0x3A60];
	v6 =	vand.u32 $0xFFFF0000, v6;
	v1 =	vadd.f32 v2, v1  }
0x9b: {  	v0 =	vadd.f32 v6, v0;
	v2 =	vshll.u32 v4, $0x10  }
0x9c: {  	v6 =	vld [tilespmem:s24+$0x4260];
	v4 =	vand.u32 $0xFFFF0000, v4;
	v1 =	vadd.f32 v2, v1  }
0x9d: {  	v0 =	vadd.f32 v4, v0;
	v2 =	vshll.u32 v5, $0x10  }
0x9e: {  	v4 =	vand.u32 $0xFFFF0000, v5;
	v1 =	vadd.f32 v2, v1  }
0x9f: {  	v0 =	vadd.f32 v4, v0;
	v2 =	vshll.u32 v3, $0x10  }
0xa0: {  	v3 =	vand.u32 $0xFFFF0000, v3;
	v1 =	vadd.f32 v2, v1  }
0xa1: {  	v0 =	vadd.f32 v3, v0;
	v2 =	vshll.u32 v6, $0x10  }
0xa2: {  	v3 =	vand.u32 $0xFFFF0000, v6;
	v1 =	vadd.f32 v2, v1  }
0xa3: {  	v0 =	vadd.f32 v3, v0  }
0xa4: {  	[tilespmem:s26+$0xFFFFFFE0] =	vst v1  }
0xa5: {  	[tilespmem:s26+$0x20] =	vst v0  }
0xa6: {  	v0 =	vld [tilespmem:s24+$0x270]  }
0xa7: {  	v1 =	vld [tilespmem:s24+$0xA70]  }
0xa8: {  	v5 =	vld [tilespmem:s24+$0x1270]  }
0xa9: {  	v4 =	vld [tilespmem:s24+$0x1A70]  }
0xaa: {  	v3 =	vld [tilespmem:s24+$0x2270]  }
0xab: {  	v2 =	vld [tilespmem:s24+$0x2A70];
	v6 =	vshll.u32 v0, $0x10  }
0xac: {  	v7 =	vand.u32 $0xFFFF0000, v0;
	v8 =	vshll.u32 v1, $0x10;
	v1 =	vand.u32 $0xFFFF0000, v1;
	v0 =	vld [tilespmem:s24+$0x3270]  }
0xad: {  	s29 =	simm.s32 $0x100;
	s28 =	simm.s32 $0x9280;
	v6 =	vadd.f32 v8, v6;
	v7 =	vadd.f32 v1, v7;
	v8 =	vshll.u32 v5, $0x10;
	v1 =	vld [tilespmem:s24+$0x3A70]  }
.LBB2_3:
0xae: {  	p2 =	sne.s32 s29, $0x1F00  }
0xaf: {  	v5 =	vand.u32 $0xFFFF0000, v5;
	v9 =	vld [tilespmem:s24+$0x4270];
	s26 =	sadd.s32 $0x80, s26;
	s24 =	smov.u32 s29;
	s29 =	sadd.s32 $0x100, s29  }
0xb0: {  	v6 =	vadd.f32 v8, v6;
	v5 =	vadd.f32 v5, v7  }
0xb1: {  	v7 =	vshll.u32 v4, $0x10;
	v4 =	vand.u32 $0xFFFF0000, v4  }
0xb2: {  	v6 =	vadd.f32 v7, v6;
	v4 =	vadd.f32 v4, v5  }
0xb3: {  	v5 =	vshll.u32 v3, $0x10;
	v3 =	vand.u32 $0xFFFF0000, v3  }
0xb4: {  	v5 =	vadd.f32 v5, v6;
	v3 =	vadd.f32 v3, v4  }
0xb5: {  	v4 =	vshll.u32 v2, $0x10;
	v2 =	vand.u32 $0xFFFF0000, v2  }
0xb6: {  	v4 =	vadd.f32 v4, v5;
	v2 =	vadd.f32 v2, v3  }
0xb7: {  	s24 =	sshra.s32 s24, $0x2;
	v3 =	vshll.u32 v0, $0x10;
	v0 =	vand.u32 $0xFFFF0000, v0  }
0xb8: {  	v3 =	vadd.f32 v3, v4;
	v0 =	vadd.f32 v0, v2  }
0xb9: {  	v2 =	vshll.u32 v1, $0x10;
	v1 =	vand.u32 $0xFFFF0000, v1  }
0xba: {  	v2 =	vadd.f32 v2, v3;
	v0 =	vadd.f32 v1, v0  }
0xbb: {  	v1 =	vshll.u32 v9, $0x10;
	v3 =	vand.u32 $0xFFFF0000, v9  }
0xbc: {  	v1 =	vadd.f32 v1, v2;
	v0 =	vadd.f32 v3, v0;
	_ =	sdelay $0x1  }
0xbd: {  	[tilespmem:s28+$0xFFFFFFF0] =	vst v1  }
0xbe: {  	[tilespmem:s28+$0x30] =	vst v0;
	s28 =	smov.u32 s26  }
0xbf: {  	v0 =	vld [tilespmem:s24+$0xA40]  }
0xc0: {  	v1 =	vld [tilespmem:s24+$0x240]  }
0xc1: {  	v2 =	vld [tilespmem:s24+$0x1240];
	_ =	sdelay $0x1  }
0xc2: {  	v3 =	vld [tilespmem:s24+$0x1A40]  }
0xc3: {  	v4 =	vshll.u32 v0, $0x10  }
0xc4: {  	v0 =	vand.u32 $0xFFFF0000, v0;
	v5 =	vshll.u32 v1, $0x10;
	v1 =	vand.u32 $0xFFFF0000, v1  }
0xc5: {  	v4 =	vadd.f32 v4, v5;
	v0 =	vadd.f32 v0, v1;
	v1 =	vshll.u32 v2, $0x10;
	v5 =	vld [tilespmem:s24+$0x2240]  }
0xc6: {  	v2 =	vand.u32 $0xFFFF0000, v2  }
0xc7: {  	v1 =	vadd.f32 v1, v4;
	v4 =	vshll.u32 v3, $0x10;
	v3 =	vand.u32 $0xFFFF0000, v3;
	v6 =	vld [tilespmem:s24+$0x2A40]  }
0xc8: {  	v0 =	vadd.f32 v2, v0  }
0xc9: {  	v1 =	vadd.f32 v4, v1;
	v2 =	vld [tilespmem:s24+$0x3240]  }
0xca: {  	v0 =	vadd.f32 v3, v0;
	v3 =	vshll.u32 v5, $0x10  }
0xcb: {  	v1 =	vadd.f32 v3, v1;
	v3 =	vand.u32 $0xFFFF0000, v5;
	v4 =	vld [tilespmem:s24+$0x3A40]  }
0xcc: {  	v0 =	vadd.f32 v3, v0;
	v3 =	vshll.u32 v6, $0x10  }
0xcd: {  	v1 =	vadd.f32 v3, v1;
	v3 =	vand.u32 $0xFFFF0000, v6;
	v5 =	vld [tilespmem:s24+$0x4240]  }
0xce: {  	v0 =	vadd.f32 v3, v0;
	v3 =	vshll.u32 v2, $0x10  }
0xcf: {  	v2 =	vand.u32 $0xFFFF0000, v2;
	v1 =	vadd.f32 v3, v1  }
0xd0: {  	v0 =	vadd.f32 v2, v0;
	v2 =	vshll.u32 v4, $0x10  }
0xd1: {  	v1 =	vadd.f32 v2, v1;
	v2 =	vand.u32 $0xFFFF0000, v4  }
0xd2: {  	v0 =	vadd.f32 v2, v0;
	v2 =	vshll.u32 v5, $0x10  }
0xd3: {  	v1 =	vadd.f32 v2, v1;
	v2 =	vand.u32 $0xFFFF0000, v5  }
0xd4: {  	v0 =	vadd.f32 v2, v0  }
0xd5: {  	[tilespmem:s26+$0xFFFFFFC0] =	vst v1  }
0xd6: {  	[tilespmem:s26+$0x0] =	vst v0  }
0xd7: {  	v0 =	vld [tilespmem:s24+$0x250]  }
0xd8: {  	v1 =	vld [tilespmem:s24+$0xA50]  }
0xd9: {  	v2 =	vld [tilespmem:s24+$0x1250];
	_ =	sdelay $0x2  }
0xda: {  	v3 =	vshll.u32 v0, $0x10;
	v0 =	vand.u32 $0xFFFF0000, v0;
	v4 =	vld [tilespmem:s24+$0x1A50]  }
0xdb: {  	v5 =	vshll.u32 v1, $0x10;
	v1 =	vand.u32 $0xFFFF0000, v1  }
0xdc: {  	v3 =	vadd.f32 v5, v3;
	v0 =	vadd.f32 v1, v0;
	v1 =	vld [tilespmem:s24+$0x2250]  }
0xdd: {  	v5 =	vshll.u32 v2, $0x10;
	v2 =	vand.u32 $0xFFFF0000, v2  }
0xde: {  	v3 =	vadd.f32 v5, v3;
	v0 =	vadd.f32 v2, v0;
	v2 =	vld [tilespmem:s24+$0x2A50]  }
0xdf: {  	v5 =	vshll.u32 v4, $0x10;
	v4 =	vand.u32 $0xFFFF0000, v4  }
0xe0: {  	v3 =	vadd.f32 v5, v3;
	v0 =	vadd.f32 v4, v0;
	v4 =	vld [tilespmem:s24+$0x3250]  }
0xe1: {  	v5 =	vshll.u32 v1, $0x10;
	v1 =	vand.u32 $0xFFFF0000, v1  }
0xe2: {  	v3 =	vadd.f32 v5, v3;
	v0 =	vadd.f32 v1, v0;
	v1 =	vld [tilespmem:s24+$0x3A50]  }
0xe3: {  	v5 =	vshll.u32 v2, $0x10;
	v2 =	vand.u32 $0xFFFF0000, v2  }
0xe4: {  	v3 =	vadd.f32 v5, v3;
	v0 =	vadd.f32 v2, v0;
	v2 =	vld [tilespmem:s24+$0x4250]  }
0xe5: {  	v5 =	vshll.u32 v4, $0x10;
	v4 =	vand.u32 $0xFFFF0000, v4  }
0xe6: {  	v3 =	vadd.f32 v5, v3;
	v0 =	vadd.f32 v4, v0  }
0xe7: {  	v4 =	vshll.u32 v1, $0x10;
	v1 =	vand.u32 $0xFFFF0000, v1  }
0xe8: {  	v3 =	vadd.f32 v4, v3;
	v0 =	vadd.f32 v1, v0  }
0xe9: {  	v1 =	vshll.u32 v2, $0x10;
	v2 =	vand.u32 $0xFFFF0000, v2  }
0xea: {  	v1 =	vadd.f32 v1, v3;
	v0 =	vadd.f32 v2, v0;
	_ =	sdelay $0x1  }
0xeb: {  	[tilespmem:s26+$0xFFFFFFD0] =	vst v1  }
0xec: {  	[tilespmem:s26+$0x10] =	vst v0  }
0xed: {  	v0 =	vld [tilespmem:s24+$0x260]  }
0xee: {  	v1 =	vld [tilespmem:s24+$0xA60]  }
0xef: {  	v2 =	vld [tilespmem:s24+$0x1260]  }
0xf0: {  	v3 =	vld [tilespmem:s24+$0x1A60]  }
0xf1: {  	v4 =	vld [tilespmem:s24+$0x2260]  }
0xf2: {  	v5 =	vshll.u32 v0, $0x10;
	v6 =	vld [tilespmem:s24+$0x3260]  }
0xf3: {  	v0 =	vand.u32 $0xFFFF0000, v0;
	v7 =	vshll.u32 v1, $0x10;
	v1 =	vand.u32 $0xFFFF0000, v1;
	v8 =	vld [tilespmem:s24+$0x3A60]  }
0xf4: {  	v5 =	vadd.f32 v7, v5;
	v0 =	vadd.f32 v1, v0;
	v1 =	vld [tilespmem:s24+$0x4260]  }
0xf5: {  	v7 =	vshll.u32 v2, $0x10;
	v2 =	vand.u32 $0xFFFF0000, v2  }
0xf6: {  	v5 =	vadd.f32 v7, v5;
	v0 =	vadd.f32 v2, v0;
	v2 =	vld [tilespmem:s24+$0x2A60]  }
0xf7: {  	v7 =	vshll.u32 v3, $0x10;
	v3 =	vand.u32 $0xFFFF0000, v3  }
0xf8: {  	v5 =	vadd.f32 v7, v5;
	v0 =	vadd.f32 v3, v0  }
0xf9: {  	v3 =	vshll.u32 v4, $0x10;
	v4 =	vand.u32 $0xFFFF0000, v4  }
0xfa: {  	v3 =	vadd.f32 v3, v5;
	v0 =	vadd.f32 v4, v0  }
0xfb: {  	v4 =	vshll.u32 v2, $0x10;
	v2 =	vand.u32 $0xFFFF0000, v2  }
0xfc: {  	v3 =	vadd.f32 v4, v3;
	v0 =	vadd.f32 v2, v0  }
0xfd: {  	v2 =	vshll.u32 v6, $0x10;
	v4 =	vand.u32 $0xFFFF0000, v6  }
0xfe: {  	v2 =	vadd.f32 v2, v3;
	v0 =	vadd.f32 v4, v0  }
0xff: {  	v3 =	vshll.u32 v8, $0x10;
	v4 =	vand.u32 $0xFFFF0000, v8  }
0x100: {  	v2 =	vadd.f32 v3, v2;
	v0 =	vadd.f32 v4, v0  }
0x101: {  	v3 =	vshll.u32 v1, $0x10;
	v1 =	vand.u32 $0xFFFF0000, v1  }
0x102: {  	v2 =	vadd.f32 v3, v2;
	v0 =	vadd.f32 v1, v0;
	_ =	sdelay $0x1  }
0x103: {  	[tilespmem:s26+$0xFFFFFFE0] =	vst v2  }
0x104: {  	[tilespmem:s26+$0x20] =	vst v0  }
0x105: {  	v0 =	vld [tilespmem:s24+$0x270]  }
0x106: {  	v1 =	vld [tilespmem:s24+$0xA70]  }
0x107: {  	v5 =	vld [tilespmem:s24+$0x1270]  }
.Ltmp0:
0x108: {  	v4 =	vld [tilespmem:s24+$0x1A70];
	(pc) =	sbr.rel @p2 .LBB2_3-.Ltmp0, $4  }
0x109: {  	v3 =	vld [tilespmem:s24+$0x2270]  }
0x10a: {  	v6 =	vshll.u32 v0, $0x10;
	v7 =	vand.u32 $0xFFFF0000, v0;
	v2 =	vld [tilespmem:s24+$0x2A70]  }
0x10b: {  	v8 =	vshll.u32 v1, $0x10;
	v1 =	vand.u32 $0xFFFF0000, v1;
	v0 =	vld [tilespmem:s24+$0x3270]  }
0x10c: {  	v6 =	vadd.f32 v8, v6;
	v7 =	vadd.f32 v1, v7;
	v8 =	vshll.u32 v5, $0x10;
	v1 =	vld [tilespmem:s24+$0x3A70]  }
0x10d: {  	_ = 	snop  }
0x10e: {  	v5 =	vand.u32 $0xFFFF0000, v5;
	v6 =	vadd.f32 v8, v6  }
0x10f: {  	v5 =	vadd.f32 v5, v7;
	v7 =	vshll.u32 v4, $0x10  }
0x110: {  	v4 =	vand.u32 $0xFFFF0000, v4;
	v6 =	vadd.f32 v7, v6  }
0x111: {  	v4 =	vadd.f32 v4, v5;
	v5 =	vshll.u32 v3, $0x10  }
0x112: {  	v3 =	vand.u32 $0xFFFF0000, v3;
	v5 =	vadd.f32 v5, v6  }
0x113: {  	v3 =	vadd.f32 v3, v4;
	v4 =	vshll.u32 v2, $0x10  }
0x114: {  	v6 =	vld [tilespmem:s24+$0x4270];
	v2 =	vand.u32 $0xFFFF0000, v2;
	v4 =	vadd.f32 v4, v5  }
0x115: {  	v2 =	vadd.f32 v2, v3;
	v3 =	vshll.u32 v0, $0x10  }
0x116: {  	v0 =	vand.u32 $0xFFFF0000, v0;
	v3 =	vadd.f32 v3, v4  }
0x117: {  	v0 =	vadd.f32 v0, v2;
	v2 =	vshll.u32 v1, $0x10  }
0x118: {  	v1 =	vand.u32 $0xFFFF0000, v1;
	v2 =	vadd.f32 v2, v3  }
0x119: {  	v0 =	vadd.f32 v1, v0;
	v1 =	vshll.u32 v6, $0x10  }
0x11a: {  	s24 =	sshll.u32 s23, $0xD;
	v3 =	vand.u32 $0xFFFF0000, v6;
	v1 =	vadd.f32 v1, v2  }
0x11b: {  	s26 =	sadd.s32 s7, s24;
	v0 =	vadd.f32 v3, v0  }
0x11c: {  	s26 =	sshrl.u32 s26, $0x3;
	[tilespmem:s28+$0xFFFFFFF0] =	vst v1  }
0x11d: {  	s26 =	sadd.s32 s5, s26;
	[tilespmem:s28+$0x30] =	vst v0  }
0x11e: {  	[hbm4b:s26+s3] =	stream.linear.scatter [tilespmem:s20], [sflag:$0x5], $0x1000, $0x38;
	[tilespmem:$0xB240] =	vst v63  }
0x11f: {  	s26 =	simm.s32 @!p1 $0x6  }
0x120: {  	_ =	swait.ge @!p1 [sflag:s26], $0x1000  }
0x121: {  	[sflag:s26] =	ssyncset.done @!p1 $0x0  }
0x122: {  	[sflag:s26] =	ssyncadd.s32 @!p1 $0xFFFFF000  }
0x123: {  	_ =	swait.ge [sflag:s21], $0x800  }
0x124: {  	[sflag:s21] =	ssyncset.done $0x0  }
0x125: {  	[sflag:s21] =	ssyncadd.s32 $0xFFFFF800  }
0x126: {  	_ =	swait.ge [sflag:s21], $0x800  }
0x127: {  	[sflag:s21] =	ssyncset.done $0x0  }
0x128: {  	[sflag:s21] =	ssyncadd.s32 $0xFFFFF800  }
0x129: {  	_ =	swait.ge [sflag:s21], $0x800  }
0x12a: {  	[sflag:s21] =	ssyncset.done $0x0  }
0x12b: {  	[sflag:s21] =	ssyncadd.s32 $0xFFFFF800  }
0x12c: {  	_ =	swait.ge [sflag:s21], $0x800  }
0x12d: {  	[sflag:s21] =	ssyncset.done $0x0  }
0x12e: {  	[sflag:s21] =	ssyncadd.s32 $0xFFFFF800  }
0x12f: {  	_ =	swait.ge [sflag:s21], $0x800  }
0x130: {  	[sflag:s21] =	ssyncset.done $0x0  }
0x131: {  	[sflag:s21] =	ssyncadd.s32 $0xFFFFF800  }
0x132: {  	_ =	swait.ge [sflag:s21], $0x800  }
0x133: {  	[sflag:s21] =	ssyncset.done $0x0  }
0x134: {  	[sflag:s21] =	ssyncadd.s32 $0xFFFFF800  }
0x135: {  	_ =	swait.ge [sflag:s21], $0x800  }
0x136: {  	[sflag:s21] =	ssyncset.done $0x0  }
0x137: {  	[sflag:s21] =	ssyncadd.s32 $0xFFFFF800  }
0x138: {  	_ =	swait.ge [sflag:s21], $0x800  }
0x139: {  	s25 =	sadd.s32 @!p0 s25, s12;
	[sflag:s21] =	ssyncset.done $0x0  }
0x13a: {  	s25 =	smul.u32 @!p0 $0x24, s25;
	[sflag:s21] =	ssyncadd.s32 $0xFFFFF800  }
0x13b: {  	_ =	swait.ge [sflag:s21], $0x800  }
0x13c: {  	s25 =	sadd.s32 @!p0 s2, s25;
	[sflag:s21] =	ssyncset.done $0x0  }
0x13d: {  	s28 =	simm.s32 @!p0 $0x120;
	s26 =	simm.s32 @!p0 $0x0;
	[sflag:s21] =	ssyncadd.s32 $0xFFFFF800  }
0x13e: {  	[tilespmem:s28], [sflag:$0x2] =	stream.linear.gather @!p0 [hbm4b:s25+s26], $0x120, $0x38;
	[tilespmem:$0xB240] =	vst v63  }
0x13f: {  	s25 =	simm.s32 @!p0 $0x1  }
0x140: {  	_ =	swait.ge @!p0 [sflag:s25], $0x120  }
0x141: {  	[sflag:s25] =	ssyncset.done @!p0 $0x0  }
0x142: {  	s28 =	simm.s32 @!p0 $0x240;
	[sflag:s25] =	ssyncadd.s32 @!p0 $0xFFFFFEE0;
	s25 =	simm.s32 @!p0 $0x20  }
0x143: {  	[tilespmem:s28], [sflag:$0x3] =	stream.indirect.gather @!p0 [hbm4b:s4+s25], $0x40, s26, s25, $0xb8;
	[tilespmem:$0xB240] =	vst v63  }
0x144: {  	s26 =	simm.s32 @!p0 $0xA40  }
0x145: {  	[tilespmem:s26], [sflag:$0x3] =	stream.indirect.gather @!p0 [hbm4b:s4+s25], $0x40, s25, s25, $0xb8;
	[tilespmem:$0xB240] =	vst v63  }
0x146: {  	s28 =	simm.s32 @!p0 $0x1240;
	s26 =	simm.s32 @!p0 $0x40  }
0x147: {  	[tilespmem:s28], [sflag:$0x3] =	stream.indirect.gather @!p0 [hbm4b:s4+s25], $0x40, s26, s25, $0xb8;
	[tilespmem:$0xB240] =	vst v63  }
0x148: {  	s26 =	simm.s32 @!p0 $0x60;
	s28 =	simm.s32 @!p0 $0x1A40  }
0x149: {  	[tilespmem:s28], [sflag:$0x3] =	stream.indirect.gather @!p0 [hbm4b:s4+s25], $0x40, s26, s25, $0xb8;
	[tilespmem:$0xB240] =	vst v63  }
0x14a: {  	s26 =	simm.s32 @!p0 $0x80;
	s28 =	simm.s32 @!p0 $0x2240  }
0x14b: {  	[tilespmem:s28], [sflag:$0x3] =	stream.indirect.gather @!p0 [hbm4b:s4+s25], $0x40, s26, s25, $0xb8;
	[tilespmem:$0xB240] =	vst v63  }
0x14c: {  	s26 =	simm.s32 @!p0 $0xA0;
	s28 =	simm.s32 @!p0 $0x2A40  }
0x14d: {  	[tilespmem:s28], [sflag:$0x3] =	stream.indirect.gather @!p0 [hbm4b:s4+s25], $0x40, s26, s25, $0xb8;
	[tilespmem:$0xB240] =	vst v63  }
0x14e: {  	s26 =	simm.s32 @!p0 $0xC0;
	s28 =	simm.s32 @!p0 $0x3240  }
0x14f: {  	[tilespmem:s28], [sflag:$0x3] =	stream.indirect.gather @!p0 [hbm4b:s4+s25], $0x40, s26, s25, $0xb8;
	[tilespmem:$0xB240] =	vst v63  }
0x150: {  	s26 =	simm.s32 @!p0 $0xE0;
	s28 =	simm.s32 @!p0 $0x3A40  }
0x151: {  	[tilespmem:s28], [sflag:$0x3] =	stream.indirect.gather @!p0 [hbm4b:s4+s25], $0x40, s26, s25, $0xb8;
	[tilespmem:$0xB240] =	vst v63  }
0x152: {  	s26 =	simm.s32 @!p0 $0x100;
	s28 =	simm.s32 @!p0 $0x4240  }
0x153: {  	[tilespmem:s28], [sflag:$0x3] =	stream.indirect.gather @!p0 [hbm4b:s4+s25], $0x40, s26, s25, $0xb8;
	[tilespmem:$0xB240] =	vst v63  }
0x154: {  	s25 =	simm.s32 $0x0  }
0x155: {  	v0 =	vld [tilespmem:s25+$0x5240]  }
0x156: {  	v1 =	vld [tilespmem:s25+$0x4A40];
	_ =	sdelay $0x1  }
0x157: {  	v2 =	vld [tilespmem:s25+$0x5A40];
	_ =	sdelay $0x1  }
0x158: {  	v3 =	vld [tilespmem:s25+$0x6240]  }
0x159: {  	v4 =	vshll.u32 v0, $0x10;
	v5 =	vshll.u32 v1, $0x10  }
0x15a: {  	v1 =	vand.u32 $0xFFFF0000, v1;
	v0 =	vand.u32 $0xFFFF0000, v0;
	v4 =	vadd.f32 v4, v5;
	v5 =	vld [tilespmem:s25+$0x6A40]  }
0x15b: {  	v0 =	vadd.f32 v0, v1;
	v1 =	vshll.u32 v2, $0x10  }
0x15c: {  	v2 =	vand.u32 $0xFFFF0000, v2;
	v1 =	vadd.f32 v1, v4;
	v4 =	vld [tilespmem:s25+$0x7240]  }
0x15d: {  	v6 =	vshll.u32 v3, $0x10;
	v0 =	vadd.f32 v2, v0  }
0x15e: {  	v2 =	vand.u32 $0xFFFF0000, v3;
	v3 =	vld [tilespmem:s25+$0x7A40];
	v1 =	vadd.f32 v6, v1  }
0x15f: {  	v0 =	vadd.f32 v2, v0;
	v2 =	vshll.u32 v5, $0x10  }
0x160: {  	v1 =	vadd.f32 v2, v1;
	v2 =	vand.u32 $0xFFFF0000, v5;
	v5 =	vld [tilespmem:s25+$0x8240]  }
0x161: {  	v0 =	vadd.f32 v2, v0;
	v2 =	vshll.u32 v4, $0x10  }
0x162: {  	v1 =	vadd.f32 v2, v1;
	v2 =	vand.u32 $0xFFFF0000, v4;
	v4 =	vld [tilespmem:s25+$0x8A40]  }
0x163: {  	v0 =	vadd.f32 v2, v0;
	v2 =	vshll.u32 v3, $0x10  }
0x164: {  	v1 =	vadd.f32 v2, v1;
	v2 =	vand.u32 $0xFFFF0000, v3  }
0x165: {  	v0 =	vadd.f32 v2, v0;
	v2 =	vshll.u32 v5, $0x10  }
0x166: {  	v1 =	vadd.f32 v2, v1;
	v2 =	vand.u32 $0xFFFF0000, v5  }
0x167: {  	v0 =	vadd.f32 v2, v0;
	v2 =	vshll.u32 v4, $0x10  }
0x168: {  	v1 =	vadd.f32 v2, v1;
	v2 =	vand.u32 $0xFFFF0000, v4  }
0x169: {  	s26 =	simm.s32 $0xA2B0;
	v0 =	vadd.f32 v2, v0  }
0x16a: {  	[tilespmem:s26+$0xFFFFFF90] =	vst v1  }
0x16b: {  	[tilespmem:s26+$0xFFFFFFD0] =	vst v0  }
0x16c: {  	v0 =	vld [tilespmem:s25+$0x4A50]  }
0x16d: {  	v1 =	vld [tilespmem:s25+$0x5250];
	_ =	sdelay $0x1  }
0x16e: {  	v2 =	vld [tilespmem:s25+$0x5A50];
	_ =	sdelay $0x1  }
0x16f: {  	v3 =	vld [tilespmem:s25+$0x6250]  }
0x170: {  	v4 =	vshll.u32 v0, $0x10;
	v5 =	vshll.u32 v1, $0x10  }
0x171: {  	v0 =	vand.u32 $0xFFFF0000, v0;
	v1 =	vand.u32 $0xFFFF0000, v1;
	v4 =	vadd.f32 v5, v4;
	v5 =	vld [tilespmem:s25+$0x6A50]  }
0x172: {  	v0 =	vadd.f32 v1, v0;
	v1 =	vshll.u32 v2, $0x10  }
0x173: {  	v2 =	vand.u32 $0xFFFF0000, v2;
	v1 =	vadd.f32 v1, v4;
	v4 =	vld [tilespmem:s25+$0x7250]  }
0x174: {  	v0 =	vadd.f32 v2, v0;
	v2 =	vshll.u32 v3, $0x10  }
0x175: {  	v3 =	vand.u32 $0xFFFF0000, v3;
	v1 =	vadd.f32 v2, v1;
	v2 =	vld [tilespmem:s25+$0x7A50]  }
0x176: {  	v0 =	vadd.f32 v3, v0;
	v3 =	vshll.u32 v5, $0x10  }
0x177: {  	v5 =	vand.u32 $0xFFFF0000, v5;
	v1 =	vadd.f32 v3, v1;
	v3 =	vld [tilespmem:s25+$0x8250]  }
0x178: {  	v0 =	vadd.f32 v5, v0;
	v5 =	vshll.u32 v4, $0x10  }
0x179: {  	v4 =	vand.u32 $0xFFFF0000, v4;
	v1 =	vadd.f32 v5, v1;
	v5 =	vld [tilespmem:s25+$0x8A50]  }
0x17a: {  	v0 =	vadd.f32 v4, v0;
	v4 =	vshll.u32 v2, $0x10  }
0x17b: {  	v2 =	vand.u32 $0xFFFF0000, v2;
	v1 =	vadd.f32 v4, v1  }
0x17c: {  	v0 =	vadd.f32 v2, v0;
	v2 =	vshll.u32 v3, $0x10  }
0x17d: {  	v3 =	vand.u32 $0xFFFF0000, v3;
	v1 =	vadd.f32 v2, v1  }
0x17e: {  	v0 =	vadd.f32 v3, v0;
	v2 =	vshll.u32 v5, $0x10  }
0x17f: {  	v3 =	vand.u32 $0xFFFF0000, v5;
	v1 =	vadd.f32 v2, v1  }
0x180: {  	v0 =	vadd.f32 v3, v0  }
0x181: {  	[tilespmem:s26+$0xFFFFFFA0] =	vst v1  }
0x182: {  	[tilespmem:s26+$0xFFFFFFE0] =	vst v0  }
0x183: {  	v0 =	vld [tilespmem:s25+$0x4A60]  }
0x184: {  	v1 =	vld [tilespmem:s25+$0x5260];
	_ =	sdelay $0x1  }
0x185: {  	v2 =	vld [tilespmem:s25+$0x5A60];
	_ =	sdelay $0x1  }
0x186: {  	v3 =	vld [tilespmem:s25+$0x6260]  }
0x187: {  	v4 =	vshll.u32 v0, $0x10;
	v5 =	vshll.u32 v1, $0x10  }
0x188: {  	v6 =	vld [tilespmem:s25+$0x6A60];
	v0 =	vand.u32 $0xFFFF0000, v0;
	v1 =	vand.u32 $0xFFFF0000, v1;
	v4 =	vadd.f32 v5, v4  }
0x189: {  	v0 =	vadd.f32 v1, v0;
	v1 =	vshll.u32 v2, $0x10  }
0x18a: {  	v2 =	vand.u32 $0xFFFF0000, v2;
	v1 =	vadd.f32 v1, v4;
	v4 =	vld [tilespmem:s25+$0x7260]  }
0x18b: {  	v0 =	vadd.f32 v2, v0;
	v2 =	vshll.u32 v3, $0x10  }
0x18c: {  	v5 =	vld [tilespmem:s25+$0x7A60];
	v3 =	vand.u32 $0xFFFF0000, v3;
	v1 =	vadd.f32 v2, v1  }
0x18d: {  	v0 =	vadd.f32 v3, v0;
	v2 =	vshll.u32 v6, $0x10  }
0x18e: {  	v3 =	vld [tilespmem:s25+$0x8260];
	v6 =	vand.u32 $0xFFFF0000, v6;
	v1 =	vadd.f32 v2, v1  }
0x18f: {  	v0 =	vadd.f32 v6, v0;
	v2 =	vshll.u32 v4, $0x10  }
0x190: {  	v6 =	vld [tilespmem:s25+$0x8A60];
	v4 =	vand.u32 $0xFFFF0000, v4;
	v1 =	vadd.f32 v2, v1  }
0x191: {  	v0 =	vadd.f32 v4, v0;
	v2 =	vshll.u32 v5, $0x10  }
0x192: {  	v4 =	vand.u32 $0xFFFF0000, v5;
	v1 =	vadd.f32 v2, v1  }
0x193: {  	v0 =	vadd.f32 v4, v0;
	v2 =	vshll.u32 v3, $0x10  }
0x194: {  	v3 =	vand.u32 $0xFFFF0000, v3;
	v1 =	vadd.f32 v2, v1  }
0x195: {  	v0 =	vadd.f32 v3, v0;
	v2 =	vshll.u32 v6, $0x10  }
0x196: {  	v3 =	vand.u32 $0xFFFF0000, v6;
	v1 =	vadd.f32 v2, v1  }
0x197: {  	v0 =	vadd.f32 v3, v0  }
0x198: {  	[tilespmem:s26+$0xFFFFFFB0] =	vst v1  }
0x199: {  	[tilespmem:s26+$0xFFFFFFF0] =	vst v0  }
0x19a: {  	v0 =	vld [tilespmem:s25+$0x4A70]  }
0x19b: {  	v1 =	vld [tilespmem:s25+$0x5270]  }
0x19c: {  	v5 =	vld [tilespmem:s25+$0x5A70]  }
0x19d: {  	v4 =	vld [tilespmem:s25+$0x6270]  }
0x19e: {  	v3 =	vld [tilespmem:s25+$0x6A70]  }
0x19f: {  	v2 =	vld [tilespmem:s25+$0x7270];
	v6 =	vshll.u32 v0, $0x10  }
0x1a0: {  	v7 =	vand.u32 $0xFFFF0000, v0;
	v8 =	vshll.u32 v1, $0x10;
	v1 =	vand.u32 $0xFFFF0000, v1;
	v0 =	vld [tilespmem:s25+$0x7A70]  }
0x1a1: {  	s29 =	simm.s32 $0x100;
	s28 =	simm.s32 $0xA2B0;
	v6 =	vadd.f32 v8, v6;
	v7 =	vadd.f32 v1, v7;
	v8 =	vshll.u32 v5, $0x10;
	v1 =	vld [tilespmem:s25+$0x8270]  }
.LBB2_5:
0x1a2: {  	p0 =	sne.s32 s29, $0x1F00  }
0x1a3: {  	v5 =	vand.u32 $0xFFFF0000, v5;
	v9 =	vld [tilespmem:s25+$0x8A70];
	s26 =	sadd.s32 $0x80, s26;
	s25 =	smov.u32 s29;
	s29 =	sadd.s32 $0x100, s29  }
0x1a4: {  	v6 =	vadd.f32 v8, v6;
	v5 =	vadd.f32 v5, v7  }
0x1a5: {  	v7 =	vshll.u32 v4, $0x10;
	v4 =	vand.u32 $0xFFFF0000, v4  }
0x1a6: {  	v6 =	vadd.f32 v7, v6;
	v4 =	vadd.f32 v4, v5  }
0x1a7: {  	v5 =	vshll.u32 v3, $0x10;
	v3 =	vand.u32 $0xFFFF0000, v3  }
0x1a8: {  	v5 =	vadd.f32 v5, v6;
	v3 =	vadd.f32 v3, v4  }
0x1a9: {  	v4 =	vshll.u32 v2, $0x10;
	v2 =	vand.u32 $0xFFFF0000, v2  }
0x1aa: {  	v4 =	vadd.f32 v4, v5;
	v2 =	vadd.f32 v2, v3  }
0x1ab: {  	s25 =	sshra.s32 s25, $0x2;
	v3 =	vshll.u32 v0, $0x10;
	v0 =	vand.u32 $0xFFFF0000, v0  }
0x1ac: {  	v3 =	vadd.f32 v3, v4;
	v0 =	vadd.f32 v0, v2  }
0x1ad: {  	v2 =	vshll.u32 v1, $0x10;
	v1 =	vand.u32 $0xFFFF0000, v1  }
0x1ae: {  	v2 =	vadd.f32 v2, v3;
	v0 =	vadd.f32 v1, v0  }
0x1af: {  	v1 =	vshll.u32 v9, $0x10;
	v3 =	vand.u32 $0xFFFF0000, v9  }
0x1b0: {  	v1 =	vadd.f32 v1, v2;
	v0 =	vadd.f32 v3, v0;
	_ =	sdelay $0x1  }
0x1b1: {  	[tilespmem:s28+$0xFFFFFFC0] =	vst v1  }
0x1b2: {  	[tilespmem:s28+$0x0] =	vst v0;
	s28 =	smov.u32 s26  }
0x1b3: {  	v0 =	vld [tilespmem:s25+$0x5240]  }
0x1b4: {  	v1 =	vld [tilespmem:s25+$0x4A40]  }
0x1b5: {  	v2 =	vld [tilespmem:s25+$0x5A40];
	_ =	sdelay $0x1  }
0x1b6: {  	v3 =	vld [tilespmem:s25+$0x6240]  }
0x1b7: {  	v4 =	vshll.u32 v0, $0x10  }
0x1b8: {  	v0 =	vand.u32 $0xFFFF0000, v0;
	v5 =	vshll.u32 v1, $0x10;
	v1 =	vand.u32 $0xFFFF0000, v1  }
0x1b9: {  	v4 =	vadd.f32 v4, v5;
	v0 =	vadd.f32 v0, v1;
	v1 =	vshll.u32 v2, $0x10;
	v5 =	vld [tilespmem:s25+$0x6A40]  }
0x1ba: {  	v2 =	vand.u32 $0xFFFF0000, v2  }
0x1bb: {  	v1 =	vadd.f32 v1, v4;
	v4 =	vshll.u32 v3, $0x10;
	v3 =	vand.u32 $0xFFFF0000, v3;
	v6 =	vld [tilespmem:s25+$0x7240]  }
0x1bc: {  	v0 =	vadd.f32 v2, v0  }
0x1bd: {  	v1 =	vadd.f32 v4, v1;
	v2 =	vld [tilespmem:s25+$0x7A40]  }
0x1be: {  	v0 =	vadd.f32 v3, v0;
	v3 =	vshll.u32 v5, $0x10  }
0x1bf: {  	v1 =	vadd.f32 v3, v1;
	v3 =	vand.u32 $0xFFFF0000, v5;
	v4 =	vld [tilespmem:s25+$0x8240]  }
0x1c0: {  	v0 =	vadd.f32 v3, v0;
	v3 =	vshll.u32 v6, $0x10  }
0x1c1: {  	v1 =	vadd.f32 v3, v1;
	v3 =	vand.u32 $0xFFFF0000, v6;
	v5 =	vld [tilespmem:s25+$0x8A40]  }
0x1c2: {  	v0 =	vadd.f32 v3, v0;
	v3 =	vshll.u32 v2, $0x10  }
0x1c3: {  	v2 =	vand.u32 $0xFFFF0000, v2;
	v1 =	vadd.f32 v3, v1  }
0x1c4: {  	v0 =	vadd.f32 v2, v0;
	v2 =	vshll.u32 v4, $0x10  }
0x1c5: {  	v1 =	vadd.f32 v2, v1;
	v2 =	vand.u32 $0xFFFF0000, v4  }
0x1c6: {  	v0 =	vadd.f32 v2, v0;
	v2 =	vshll.u32 v5, $0x10  }
0x1c7: {  	v1 =	vadd.f32 v2, v1;
	v2 =	vand.u32 $0xFFFF0000, v5  }
0x1c8: {  	v0 =	vadd.f32 v2, v0  }
0x1c9: {  	[tilespmem:s26+$0xFFFFFF90] =	vst v1  }
0x1ca: {  	[tilespmem:s26+$0xFFFFFFD0] =	vst v0  }
0x1cb: {  	v0 =	vld [tilespmem:s25+$0x4A50]  }
0x1cc: {  	v1 =	vld [tilespmem:s25+$0x5250]  }
0x1cd: {  	v2 =	vld [tilespmem:s25+$0x5A50];
	_ =	sdelay $0x2  }
0x1ce: {  	v3 =	vshll.u32 v0, $0x10;
	v0 =	vand.u32 $0xFFFF0000, v0;
	v4 =	vld [tilespmem:s25+$0x6250]  }
0x1cf: {  	v5 =	vshll.u32 v1, $0x10;
	v1 =	vand.u32 $0xFFFF0000, v1  }
0x1d0: {  	v3 =	vadd.f32 v5, v3;
	v0 =	vadd.f32 v1, v0;
	v1 =	vld [tilespmem:s25+$0x6A50]  }
0x1d1: {  	v5 =	vshll.u32 v2, $0x10;
	v2 =	vand.u32 $0xFFFF0000, v2  }
0x1d2: {  	v3 =	vadd.f32 v5, v3;
	v0 =	vadd.f32 v2, v0;
	v2 =	vld [tilespmem:s25+$0x7250]  }
0x1d3: {  	v5 =	vshll.u32 v4, $0x10;
	v4 =	vand.u32 $0xFFFF0000, v4  }
0x1d4: {  	v3 =	vadd.f32 v5, v3;
	v0 =	vadd.f32 v4, v0;
	v4 =	vld [tilespmem:s25+$0x7A50]  }
0x1d5: {  	v5 =	vshll.u32 v1, $0x10;
	v1 =	vand.u32 $0xFFFF0000, v1  }
0x1d6: {  	v3 =	vadd.f32 v5, v3;
	v0 =	vadd.f32 v1, v0;
	v1 =	vld [tilespmem:s25+$0x8250]  }
0x1d7: {  	v5 =	vshll.u32 v2, $0x10;
	v2 =	vand.u32 $0xFFFF0000, v2  }
0x1d8: {  	v3 =	vadd.f32 v5, v3;
	v0 =	vadd.f32 v2, v0;
	v2 =	vld [tilespmem:s25+$0x8A50]  }
0x1d9: {  	v5 =	vshll.u32 v4, $0x10;
	v4 =	vand.u32 $0xFFFF0000, v4  }
0x1da: {  	v3 =	vadd.f32 v5, v3;
	v0 =	vadd.f32 v4, v0  }
0x1db: {  	v4 =	vshll.u32 v1, $0x10;
	v1 =	vand.u32 $0xFFFF0000, v1  }
0x1dc: {  	v3 =	vadd.f32 v4, v3;
	v0 =	vadd.f32 v1, v0  }
0x1dd: {  	v1 =	vshll.u32 v2, $0x10;
	v2 =	vand.u32 $0xFFFF0000, v2  }
0x1de: {  	v1 =	vadd.f32 v1, v3;
	v0 =	vadd.f32 v2, v0;
	_ =	sdelay $0x1  }
0x1df: {  	[tilespmem:s26+$0xFFFFFFA0] =	vst v1  }
0x1e0: {  	[tilespmem:s26+$0xFFFFFFE0] =	vst v0  }
0x1e1: {  	v0 =	vld [tilespmem:s25+$0x4A60]  }
0x1e2: {  	v1 =	vld [tilespmem:s25+$0x5260]  }
0x1e3: {  	v2 =	vld [tilespmem:s25+$0x5A60]  }
0x1e4: {  	v3 =	vld [tilespmem:s25+$0x6260]  }
0x1e5: {  	v4 =	vld [tilespmem:s25+$0x6A60]  }
0x1e6: {  	v5 =	vshll.u32 v0, $0x10;
	v6 =	vld [tilespmem:s25+$0x7A60]  }
0x1e7: {  	v0 =	vand.u32 $0xFFFF0000, v0;
	v7 =	vshll.u32 v1, $0x10;
	v1 =	vand.u32 $0xFFFF0000, v1;
	v8 =	vld [tilespmem:s25+$0x8260]  }
0x1e8: {  	v5 =	vadd.f32 v7, v5;
	v0 =	vadd.f32 v1, v0;
	v1 =	vld [tilespmem:s25+$0x8A60]  }
0x1e9: {  	v7 =	vshll.u32 v2, $0x10;
	v2 =	vand.u32 $0xFFFF0000, v2  }
0x1ea: {  	v5 =	vadd.f32 v7, v5;
	v0 =	vadd.f32 v2, v0;
	v2 =	vld [tilespmem:s25+$0x7260]  }
0x1eb: {  	v7 =	vshll.u32 v3, $0x10;
	v3 =	vand.u32 $0xFFFF0000, v3  }
0x1ec: {  	v5 =	vadd.f32 v7, v5;
	v0 =	vadd.f32 v3, v0  }
0x1ed: {  	v3 =	vshll.u32 v4, $0x10;
	v4 =	vand.u32 $0xFFFF0000, v4  }
0x1ee: {  	v3 =	vadd.f32 v3, v5;
	v0 =	vadd.f32 v4, v0  }
0x1ef: {  	v4 =	vshll.u32 v2, $0x10;
	v2 =	vand.u32 $0xFFFF0000, v2  }
0x1f0: {  	v3 =	vadd.f32 v4, v3;
	v0 =	vadd.f32 v2, v0  }
0x1f1: {  	v2 =	vshll.u32 v6, $0x10;
	v4 =	vand.u32 $0xFFFF0000, v6  }
0x1f2: {  	v2 =	vadd.f32 v2, v3;
	v0 =	vadd.f32 v4, v0  }
0x1f3: {  	v3 =	vshll.u32 v8, $0x10;
	v4 =	vand.u32 $0xFFFF0000, v8  }
0x1f4: {  	v2 =	vadd.f32 v3, v2;
	v0 =	vadd.f32 v4, v0  }
0x1f5: {  	v3 =	vshll.u32 v1, $0x10;
	v1 =	vand.u32 $0xFFFF0000, v1  }
0x1f6: {  	v2 =	vadd.f32 v3, v2;
	v0 =	vadd.f32 v1, v0;
	_ =	sdelay $0x1  }
0x1f7: {  	[tilespmem:s26+$0xFFFFFFB0] =	vst v2  }
0x1f8: {  	[tilespmem:s26+$0xFFFFFFF0] =	vst v0  }
0x1f9: {  	v0 =	vld [tilespmem:s25+$0x4A70]  }
0x1fa: {  	v1 =	vld [tilespmem:s25+$0x5270]  }
0x1fb: {  	v5 =	vld [tilespmem:s25+$0x5A70]  }
.Ltmp1:
0x1fc: {  	v4 =	vld [tilespmem:s25+$0x6270];
	(pc) =	sbr.rel @p0 .LBB2_5-.Ltmp1, $4  }
0x1fd: {  	v3 =	vld [tilespmem:s25+$0x6A70]  }
0x1fe: {  	v6 =	vshll.u32 v0, $0x10;
	v7 =	vand.u32 $0xFFFF0000, v0;
	v2 =	vld [tilespmem:s25+$0x7270]  }
0x1ff: {  	v8 =	vshll.u32 v1, $0x10;
	v1 =	vand.u32 $0xFFFF0000, v1;
	v0 =	vld [tilespmem:s25+$0x7A70]  }
0x200: {  	v6 =	vadd.f32 v8, v6;
	v7 =	vadd.f32 v1, v7;
	v8 =	vshll.u32 v5, $0x10;
	v1 =	vld [tilespmem:s25+$0x8270]  }
0x201: {  	_ = 	snop  }
0x202: {  	v5 =	vand.u32 $0xFFFF0000, v5;
	v6 =	vadd.f32 v8, v6  }
0x203: {  	v51 =	vshll.u32 v4, $0x10;
	v5 =	vadd.f32 v5, v7  }
0x204: {  	v52 =	vand.u32 $0xFFFF0000, v4;
	v6 =	vadd.f32 v51, v6  }
0x205: {  	v53 =	vshll.u32 v3, $0x10;
	v4 =	vadd.f32 v52, v5  }
0x206: {  	v54 =	vand.u32 $0xFFFF0000, v3;
	v5 =	vadd.f32 v53, v6  }
0x207: {  	v55 =	vshll.u32 v2, $0x10;
	v3 =	vadd.f32 v54, v4  }
0x208: {  	v56 =	vld [tilespmem:s25+$0x8A70];
	v57 =	vand.u32 $0xFFFF0000, v2;
	v4 =	vadd.f32 v55, v5  }
0x209: {  	v58 =	vshll.u32 v0, $0x10;
	v2 =	vadd.f32 v57, v3  }
0x20a: {  	v59 =	vand.u32 $0xFFFF0000, v0;
	v3 =	vadd.f32 v58, v4  }
0x20b: {  	v60 =	vshll.u32 v1, $0x10;
	v0 =	vadd.f32 v59, v2  }
0x20c: {  	s23 =	sadd.s32 $0x1, s23;
	v61 =	vand.u32 $0xFFFF0000, v1;
	v2 =	vadd.f32 v60, v3  }
0x20d: {  	p0 =	sne.s32 s23, s6;
	v62 =	vshll.u32 v56, $0x10;
	v0 =	vadd.f32 v61, v0  }
.Ltmp2:
0x20e: {  	v63 =	vand.u32 $0xFFFF0000, v56;
	v1 =	vadd.f32 v62, v2;
	(pc) =	sbr.rel @p0 .LBB2_2-.Ltmp2, $4  }
0x20f: {  	s24 =	sadd.s32 s24, s13;
	v0 =	vadd.f32 v63, v0  }
0x210: {  	s24 =	sshrl.u32 s24, $0x3;
	[tilespmem:s28+$0xFFFFFFC0] =	vst v1  }
0x211: {  	s24 =	sadd.s32 s5, s24;
	[tilespmem:s28+$0x0] =	vst v0  }
0x212: {  	[hbm4b:s24+s3] =	stream.linear.scatter [tilespmem:s22], [sflag:$0x6], $0x1000, $0x38;
	[tilespmem:$0xB240] =	vst v63  }
0x213: {  	s23 =	simm.s32 $0x5  }
0x214: {  	_ =	swait.ge [sflag:s23], $0x1000  }
0x215: {  	[sflag:s23] =	ssyncset.done $0x0  }
0x216: {  	s24 =	simm.s32 $0x6;
	[sflag:s23] =	ssyncadd.s32 $0xFFFFF000  }
0x217: {  	_ =	swait.ge [sflag:s24], $0x1000  }
0x218: {  	s25 =	rddreg [dreg:$0x6]  }
0x219: {  	s29 =	rddreg [dreg:$0x5];
	s25 =	sadd.s32 $0x1, s25  }
0x21a: {  	p0 =	sne.s32 s25, s29  }
.Ltmp3:
0x21b: {  	_ = 	snop;
	(pc) =	sbr.rel @p0 .LBB2_1-.Ltmp3, $3  }
0x21c: {  	_ =	sdelay $0x1  }
0x21d: {  	[sflag:s24] =	ssyncset.done $0x0  }
0x21e: {  	[sflag:s24] =	ssyncadd.s32 $0xFFFFF000  }
0x21f: {  	_ =	sfence.sel $0x180000  }
0x220: {  	[bflag:$0x0] =	sbarrier.arrive $0xFFFF  }
0x221: {  	_ =	strace $0x90000047  }
0x222: {  	s0 =	stileid.u32;
	[bflag:$0x2] =	sbarrier.arrive $0xFFFF  }
0x223: {  	p0 =	sne.s32 s0, $0x0;
	s0 =	rddreg [dreg:$0x2]  }
0x224: {  	s0 =	sadd.s32 @!p0 $0x100000, s0  }
0x225: {  	[sflag:s0] =	ssyncadd.tile.s32 @!p0 $0x1;
	_ =	shalt  }
.Lfunc_end2:
_tile_overlayer_lowered:
.L_overlay_start_2:
0x226: {  	(tag) =	ssettag $0x2  }
0x227: {  	s0 =	rddreg [dreg:$0x0];
	s2 =	stileid.u32  }
0x228: {  	s1 =	rddreg [dreg:$0x1];
	p0 =	sne.s32 s2, $0x0  }
0x229: {  	s3 =	rddreg [dreg:$0x2];
	[bflag:$0x3] =	sbarrier.arrive $0xFFFF;
	s2 =	simm.s32 @!p0 $0x1C07  }
0x22a: {  	[timem:s3], [sflag:s2] =	dma.local @!p0 [hbm:s0], s1  }
0x22b: {  	s0 =	simm.s32 @!p0 $0x7  }
0x22c: {  	_ =	swait.ge @!p0 [sflag:s0], s1  }
0x22d: {  	s1 =	ssub.s32 @!p0 $0x0, s1;
	[sflag:s0] =	ssyncset.done @!p0 $0x0  }
0x22e: {  	[sflag:s0] =	ssyncadd.s32 @!p0 s1  }
0x22f: {  	[bflag:$0x3] =	sbarrier.arrive $0xFFFF  }
0x230: {  	_ =	shalt  }

</sc_bundles>
